<compile_context>
chip_gen: v7x
topology: tpu7x:2x2x1
jax: 0.10.2.dev20260603
libtpu: 0.0.44.dev20260713+nightly
codegen_flags: <defaults>
</compile_context>

<pallas_src>
import jax
import jax.numpy as jnp
from jax import lax
from jax.experimental import pallas as pl
from jax.experimental.pallas import tpu as pltpu
from jax.experimental.pallas import tpu_sc as plsc

NUM_ITEMS = 1000000
NUM_USERS = 100000
D = 32
B = 16384
LR = 0.01
WD = 0.0001
SCALE = 1.0 - WD

NS = 16
NW = 32
C = B // NS
SUB = 128
NSUB = C // SUB
IDX_ROWS = B // SUB

HALF_ITEMS = NUM_ITEMS // 2
TRASH = HALF_ITEMS
POS_SIZE = HALF_ITEMS + 8

ITEM_ROWS_W = NUM_ITEMS // NW
USER_ROWS_W = NUM_USERS // NW
ICHUNK = 1250
UCHUNK = 625

_SC_PARAMS = pltpu.CompilerParams(
    needs_layout_passes=False, use_tc_tiling_on_sc=False)


def _dense_body(item_in, user_in, item_out, user_out, buf):
    c = lax.axis_index("c")
    s = lax.axis_index("s")
    wid = s * 2 + c

    def _scale_chunk(tin, tout, row0, nrows):
        pltpu.sync_copy(tin.at[pl.ds(row0, nrows)], buf.at[pl.ds(0, nrows)])

        def _mul(i, _):
            r = i // 2
            h = (i % 2) * 16
            buf[r, pl.ds(h, 16)] = buf[r, pl.ds(h, 16)] * SCALE
            return 0
        lax.fori_loop(0, nrows * 2, _mul, 0, unroll=8)
        pltpu.sync_copy(buf.at[pl.ds(0, nrows)], tout.at[pl.ds(row0, nrows)])

    def _item(k, _):
        _scale_chunk(item_in, item_out, wid * ITEM_ROWS_W + k * ICHUNK, ICHUNK)
        return 0
    lax.fori_loop(0, ITEM_ROWS_W // ICHUNK, _item, 0, unroll=False)

    def _user(k, _):
        _scale_chunk(user_in, user_out, wid * USER_ROWS_W + k * UCHUNK, UCHUNK)
        return 0
    lax.fori_loop(0, USER_ROWS_W // UCHUNK, _user, 0, unroll=False)


def _sparse_body(item_t, user_t, item_e, user_e, ig, ug, ii2, ui2,
                 pos_sh, acc_sh, cnt_sh,
                 idx_v, sidx_v, widx_v, slot_v, pid_v, cg, inv_v,
                 gb, eb, sb, wb, zb32, zrow, ones_v):
    c = lax.axis_index("c")
    s = lax.axis_index("s")
    base = s * C
    iota16 = lax.iota(jnp.int32, 16)
    zeros16 = jnp.zeros((16,), jnp.float32)
    ones16 = jnp.full((16,), 1.0, jnp.float32)

    for k in range(SUB // 16):
        zrow[pl.ds(16 * k, 16)] = zeros16
        ones_v[pl.ds(16 * k, 16)] = ones16

    def _zb(i, _):
        zb32[i // 2, pl.ds((i % 2) * 16, 16)] = zeros16
        return 0
    lax.fori_loop(0, SUB * 2, _zb, 0, unroll=False)

    def run(tref, eref, gref, iref2, lo, hi, nrows):
        pltpu.sync_copy(iref2.at[pl.ds(s * NSUB, NSUB)], idx_v)

        def _prep(i, _):
            v = idx_v[i // 8, pl.ds((i % 8) * 16, 16)]
            act = (v >= lo) & (v < hi)
            sidx_v[i // 8, pl.ds((i % 8) * 16, 16)] = jnp.where(
                act, v - lo, jnp.full((16,), TRASH, jnp.int32))
            widx_v[i // 8, pl.ds((i % 8) * 16, 16)] = jnp.where(
                act, v, nrows + (iota16 & 7))
            pid_v[pl.ds(16 * i, 16)] = iota16 + (base + 16 * i)
            return 0
        lax.fori_loop(0, C // 16, _prep, 0, unroll=False)

        def _rep(j, _):
            pltpu.sync_copy(pid_v.at[pl.ds(j * SUB, SUB)],
                            pos_sh.at[sidx_v.at[j]])
            pltpu.sync_copy(zrow, cnt_sh.at[pl.ds(base + j * SUB, SUB)])
            return 0
        lax.fori_loop(0, NSUB, _rep, 0, unroll=False)
        plsc.subcore_barrier()

        def _slots(j, _):
            pltpu.sync_copy(pos_sh.at[sidx_v.at[j]], slot_v.at[j])
            pltpu.sync_copy(ones_v, cnt_sh.at[slot_v.at[j]], add=True)
            pltpu.sync_copy(zb32, acc_sh.at[pl.ds(base + j * SUB, SUB)])
            return 0
        lax.fori_loop(0, NSUB, _slots, 0, unroll=False)
        plsc.subcore_barrier()

        def _cgt(j, _):
            pltpu.sync_copy(cnt_sh.at[slot_v.at[j]], cg.at[pl.ds(j * SUB, SUB)])
            return 0
        lax.fori_loop(0, NSUB, _cgt, 0, unroll=False)

        def _inv(i, _):
            sl = pl.ds(16 * i, 16)
            v = idx_v[i // 8, pl.ds((i % 8) * 16, 16)]
            act = (v >= lo) & (v < hi)
            inv_v[sl] = jnp.where(act, LR / cg[sl], zeros16)
            return 0
        lax.fori_loop(0, C // 16, _inv, 0, unroll=False)

        def _sadd(j, _):
            pltpu.sync_copy(gref.at[pl.ds(base + j * SUB, SUB)], gb)
            pltpu.sync_copy(gb, acc_sh.at[slot_v.at[j]], add=True)
            return 0
        lax.fori_loop(0, NSUB, _sadd, 0, unroll=False)
        plsc.subcore_barrier()

        def _comb(j, _):
            pltpu.sync_copy(eref.at[idx_v.at[j]], eb)
            pltpu.sync_copy(acc_sh.at[slot_v.at[j]], sb)

            def _row(r, _):
                f = plsc.load_gather(
                    inv_v, [jnp.full((16,), 0, jnp.int32) + (j * SUB + r)])
                for k in range(2):
                    sl = pl.ds(16 * k, 16)
                    wb[r, sl] = eb[r, sl] * SCALE - f * sb[r, sl]
                return 0
            lax.fori_loop(0, SUB, _row, 0, unroll=False)
            pltpu.sync_copy(wb, tref.at[widx_v.at[j]])
            return 0
        lax.fori_loop(0, NSUB, _comb, 0, unroll=False)
        plsc.subcore_barrier()

    @pl.when(c == 0)
    def _():
        run(item_t, item_e, ig, ii2, 0, HALF_ITEMS, NUM_ITEMS)
        run(item_t, item_e, ig, ii2, HALF_ITEMS, NUM_ITEMS, NUM_ITEMS)

    @pl.when(c == 1)
    def _():
        run(user_t, user_e, ug, ui2, 0, NUM_USERS, NUM_USERS)


def kernel(item_emb, user_emb, item_grad, user_grad, item_idx, user_idx):
    iif = item_idx.astype(jnp.int32)
    uif = user_idx.astype(jnp.int32)
    ii2 = jnp.reshape(iif, (IDX_ROWS, SUB))
    ui2 = jnp.reshape(uif, (IDX_ROWS, SUB))

    mesh = plsc.VectorSubcoreMesh(core_axis_name="c", subcore_axis_name="s")
    dense = pl.kernel(
        _dense_body,
        out_type=(jax.ShapeDtypeStruct((NUM_ITEMS + 8, D), jnp.float32),
                  jax.ShapeDtypeStruct((NUM_USERS + 8, D), jnp.float32)),
        mesh=mesh,
        compiler_params=_SC_PARAMS,
        scratch_types=[pltpu.VMEM((ICHUNK, D), jnp.float32)],
    )
    scaled_i, scaled_u = dense(item_emb, user_emb)

    ri = jax.new_ref(scaled_i)
    ru = jax.new_ref(scaled_u)
    fix = pl.kernel(
        _sparse_body,
        out_type=(),
        mesh=mesh,
        compiler_params=_SC_PARAMS,
        scratch_types=[
            pltpu.VMEM_SHARED((POS_SIZE,), jnp.int32),
            pltpu.VMEM_SHARED((B, D), jnp.float32),
            pltpu.VMEM_SHARED((B,), jnp.float32),
            pltpu.VMEM((NSUB, SUB), jnp.int32),
            pltpu.VMEM((NSUB, SUB), jnp.int32),
            pltpu.VMEM((NSUB, SUB), jnp.int32),
            pltpu.VMEM((NSUB, SUB), jnp.int32),
            pltpu.VMEM((C,), jnp.int32),
            pltpu.VMEM((C,), jnp.float32),
            pltpu.VMEM((C,), jnp.float32),
            pltpu.VMEM((SUB, D), jnp.float32),
            pltpu.VMEM((SUB, D), jnp.float32),
            pltpu.VMEM((SUB, D), jnp.float32),
            pltpu.VMEM((SUB, D), jnp.float32),
            pltpu.VMEM((SUB, D), jnp.float32),
            pltpu.VMEM((SUB,), jnp.float32),
            pltpu.VMEM((SUB,), jnp.float32),
        ],
    )
    fix(ri, ru, item_emb, user_emb, item_grad, user_grad, ii2, ui2)
    return ri[...][:NUM_ITEMS], ru[...][:NUM_USERS]

# --- scband reference (transcript-rebuilt; emitter-appended) ---
"""Pipeline reference for scband-server-7885559955600 (READ-ONLY COPY).

The authoritative reference and input builder live on the scoring server;
editing this copy changes nothing except your own understanding.
"""

import jax, jax.numpy as jnp
import numpy as np

NUM_ITEMS = 1000000
NUM_USERS = 100000
D = 32
B = 16384
LR = 0.01
WD = 0.0001


def setup_inputs(seed: int = 0) -> dict:
    key = jax.random.key(seed)
    k1, k2, k3, k4, k5, k6 = jax.random.split(key, 6)
    item_emb = jax.random.normal(k1, (NUM_ITEMS, D), dtype=jnp.float32)
    user_emb = jax.random.normal(k2, (NUM_USERS, D), dtype=jnp.float32)
    item_grad = jax.random.normal(k3, (B, D), dtype=jnp.float32)
    user_grad = jax.random.normal(k4, (B, D), dtype=jnp.float32)
    item_idx = jax.random.randint(k5, (B,), 0, NUM_ITEMS, dtype=jnp.int64 if jax.config.jax_enable_x64 else jnp.int32)
    user_idx = jax.random.randint(k6, (B,), 0, NUM_USERS, dtype=jnp.int64 if jax.config.jax_enable_x64 else jnp.int32)
    return {
        "item_emb": item_emb,
        "user_emb": user_emb,
        "item_grad": item_grad,
        "user_grad": user_grad,
        "item_idx": item_idx,
        "user_idx": user_idx,
    }


def reference(item_emb, user_emb, item_grad, user_grad, item_idx, user_idx):
    # Faithful JAX translation of Server.aggregate for a single client
    # (weight = num_data_points / total_weight = 1.0):
    #   scatter-add weighted per-row gradients into full-table gradient buffers,
    #   scatter-add per-row counts, normalize by counts (avoiding div-by-zero),
    #   then apply SGD + weight-decay update to the embedding memories.
    weight = jnp.float32(1.0)

    gradient_item = jnp.zeros_like(item_emb).at[item_idx].add(weight * item_grad)
    item_count = jnp.zeros((item_emb.shape[0],), dtype=item_emb.dtype).at[item_idx].add(weight)
    item_count = jnp.where(item_count == 0, jnp.float32(1.0), item_count)
    gradient_item = gradient_item / item_count[:, None]

    gradient_user = jnp.zeros_like(user_emb).at[user_idx].add(weight * user_grad)
    user_count = jnp.zeros((user_emb.shape[0],), dtype=user_emb.dtype).at[user_idx].add(weight)
    user_count = jnp.where(user_count == 0, jnp.float32(1.0), user_count)
    gradient_user = gradient_user / user_count[:, None]

    new_item_emb = item_emb - LR * gradient_item - WD * item_emb
    new_user_emb = user_emb - LR * gradient_user - WD * user_emb
    return new_item_emb, new_user_emb

if __name__ == "__main__":
    import jax
    _d = setup_inputs()
    print(jax.jit(kernel)(*tuple(_d.values())))

</pallas_src>

<mosaic_0001>
#map = affine_map<(d0, d1) -> (0, 0)>
module attributes {stable_mosaic.version = 14 : i64} {
  func.func @_dense_body(%arg0: i32, %arg1: i32, %arg2: memref<1000000x32xf32, #tpu.memory_space<hbm>>, %arg3: memref<100000x32xf32, #tpu.memory_space<hbm>>, %arg4: memref<1000008x32xf32, #tpu.memory_space<hbm>>, %arg5: memref<100008x32xf32, #tpu.memory_space<hbm>>, %arg6: memref<1250x32xf32, #tpu.memory_space<vmem>>) attributes {dimension_semantics = [#tpu.dimension_semantics<core_parallel>, #tpu.dimension_semantics<subcore_parallel>], iteration_bounds = array<i64: 2, 16>, scalar_prefetch = 0 : i64, scratch_operands = 1 : i64, tpu.core_type = #tpu.core_type<sc_vector_subcore>, window_params = [{transform_indices = #map}, {transform_indices = #map}, {transform_indices = #map}, {transform_indices = #map}]} {
    %mul3A = arith.constant 2 : i32
    %mul3A_0 = arith.muli %arg1, %mul3A : i32
    %add3A = arith.addi %mul3A_0, %arg0 : i32
    %scan3A = arith.constant 0 : i32
    %scan3A_1 = arith.constant 0 : i32
    %scan3A_2 = arith.constant 25 : i32
    %scan3A_3 = arith.addi %scan3A_1, %scan3A_2 : i32
    %scan3A_4 = arith.constant 1 : i32
    %scan3A_5 = scf.for %scan3A_14 = %scan3A_1 to %scan3A_3 step %scan3A_4 iter_args(%scan3A_15 = %scan3A) -> (i32)  : i32 {
      %mul3A_16 = arith.constant 31250 : i32
      %mul3A_17 = arith.muli %add3A, %mul3A_16 : i32
      %mul3A_18 = arith.constant 1250 : i32
      %mul3A_19 = arith.muli %scan3A_14, %mul3A_18 : i32
      %add3A_20 = arith.addi %mul3A_17, %mul3A_19 : i32
      "tpu.region"() ({
        %run_scoped3A = tpu.sem_alloc : memref<!tpu.dma_semaphore, #tpu.memory_space<semaphore_mem>>
        %dma_start3A = arith.constant 0 : i32
        %dma_start3A_233 = arith.constant 0 : i32
        %dma_start3A_234 = tpu.memref_slice %arg6[%dma_start3A, %dma_start3A_233] : memref<1250x32xf32, #tpu.memory_space<vmem>> -> memref<1250x32xf32, #tpu.memory_space<vmem>>
        %dma_start3A_235 = arith.constant 0 : i32
        %dma_start3A_236 = tpu.memref_slice %arg2[%add3A_20, %dma_start3A_235] : memref<1000000x32xf32, #tpu.memory_space<hbm>> -> memref<1250x32xf32, #tpu.memory_space<hbm>>
        %dma_start3A_237 = arith.constant 0 : i32
        %dma_start3A_238 = arith.constant 0 : i32
        %dma_start3A_239 = tpu.memref_slice %arg6[%dma_start3A_237, %dma_start3A_238] : memref<1250x32xf32, #tpu.memory_space<vmem>> -> memref<1250x32xf32, #tpu.memory_space<vmem>>
        %dma_start3A_240 = arith.constant 0 : i32
        %dma_start3A_241 = tpu.memref_slice %arg2[%add3A_20, %dma_start3A_240] : memref<1000000x32xf32, #tpu.memory_space<hbm>> -> memref<1250x32xf32, #tpu.memory_space<hbm>>
        tpu.enqueue_dma source(%dma_start3A_241 : memref<1250x32xf32, #tpu.memory_space<hbm>>) target(%dma_start3A_239 : memref<1250x32xf32, #tpu.memory_space<vmem>>) target_semaphore(%run_scoped3A : memref<!tpu.dma_semaphore, #tpu.memory_space<semaphore_mem>>)
        %dma_wait3A = arith.constant 0 : i32
        %dma_wait3A_242 = arith.constant 0 : i32
        %dma_wait3A_243 = tpu.memref_slice %arg6[%dma_wait3A, %dma_wait3A_242] : memref<1250x32xf32, #tpu.memory_space<vmem>> -> memref<1250x32xf32, #tpu.memory_space<vmem>>
        %dma_wait3A_244 = arith.constant 0 : i32
        %dma_wait3A_245 = tpu.memref_slice %arg2[%add3A_20, %dma_wait3A_244] : memref<1000000x32xf32, #tpu.memory_space<hbm>> -> memref<1250x32xf32, #tpu.memory_space<hbm>>
        %dma_wait3A_246 = arith.constant 0 : i32
        %dma_wait3A_247 = arith.constant 0 : i32
        %dma_wait3A_248 = tpu.memref_slice %arg6[%dma_wait3A_246, %dma_wait3A_247] : memref<1250x32xf32, #tpu.memory_space<vmem>> -> memref<1250x32xf32, #tpu.memory_space<vmem>>
        %dma_wait3A_249 = arith.constant 0 : i32
        %dma_wait3A_250 = tpu.memref_slice %arg2[%add3A_20, %dma_wait3A_249] : memref<1000000x32xf32, #tpu.memory_space<hbm>> -> memref<1250x32xf32, #tpu.memory_space<hbm>>
        tpu.wait_dma2 semaphore(%run_scoped3A : memref<!tpu.dma_semaphore, #tpu.memory_space<semaphore_mem>>) src(%dma_wait3A_250 : memref<1250x32xf32, #tpu.memory_space<hbm>>) dst(%dma_wait3A_248 : memref<1250x32xf32, #tpu.memory_space<vmem>>)
        tpu.yield
      }) : () -> ()
      %scan3A_21 = arith.constant 0 : i32
      %scan3A_22 = arith.constant 0 : i32
      %scan3A_23 = arith.constant 2496 : i32
      %scan3A_24 = arith.addi %scan3A_22, %scan3A_23 : i32
      %scan3A_25 = arith.constant 8 : i32
      %scan3A_26 = scf.for %scan3A_233 = %scan3A_22 to %scan3A_24 step %scan3A_25 iter_args(%scan3A_234 = %scan3A_21) -> (i32)  : i32 {
        %jit3A_235 = arith.constant 2 : i32
        %div3A_236 = arith.divsi %scan3A_233, %jit3A_235 : i32
        %sign3A_237 = arith.constant 0 : i32
        %sign3A_238 = arith.cmpi sgt, %scan3A_233, %sign3A_237 : i32
        %sign3A_239 = arith.extui %sign3A_238 : i1 to i32
        %sign3A_240 = arith.constant 0 : i32
        %sign3A_241 = arith.cmpi slt, %scan3A_233, %sign3A_240 : i32
        %sign3A_242 = arith.extui %sign3A_241 : i1 to i32
        %sign3A_243 = arith.subi %sign3A_239, %sign3A_242 : i32
        %sign3A_244 = arith.constant 0 : i32
        %sign3A_245 = arith.cmpi sgt, %jit3A_235, %sign3A_244 : i32
        %sign3A_246 = arith.extui %sign3A_245 : i1 to i32
        %sign3A_247 = arith.constant 0 : i32
        %sign3A_248 = arith.cmpi slt, %jit3A_235, %sign3A_247 : i32
        %sign3A_249 = arith.extui %sign3A_248 : i1 to i32
        %sign3A_250 = arith.subi %sign3A_246, %sign3A_249 : i32
        %ne3A_251 = arith.cmpi ne, %sign3A_243, %sign3A_250 : i32
        %rem3A_252 = arith.remsi %scan3A_233, %jit3A_235 : i32
        %ne3A_253 = arith.constant 0 : i32
        %ne3A_254 = arith.cmpi ne, %rem3A_252, %ne3A_253 : i32
        %and3A_255 = arith.andi %ne3A_251, %ne3A_254 : i1
        %sub3A_256 = arith.constant 1 : i32
        %sub3A_257 = arith.subi %div3A_236, %sub3A_256 : i32
        %select_n3A_258 = arith.select %and3A_255, %sub3A_257, %div3A_236 : i32
        %jit3A_259 = arith.constant 2 : i32
        %eq3A_260 = arith.constant 0 : i32
        %eq3A_261 = arith.cmpi eq, %jit3A_259, %eq3A_260 : i32
        %jit3A_262 = arith.constant 1 : i32
        %select_n3A_263 = arith.select %eq3A_261, %jit3A_262, %jit3A_259 : i32
        %rem3A_264 = arith.remsi %scan3A_233, %select_n3A_263 : i32
        %ne3A_265 = arith.constant 0 : i32
        %ne3A_266 = arith.cmpi ne, %rem3A_264, %ne3A_265 : i32
        %lt3A_267 = arith.constant 0 : i32
        %lt3A_268 = arith.cmpi slt, %rem3A_264, %lt3A_267 : i32
        %lt3A_269 = arith.constant 0 : i32
        %lt3A_270 = arith.cmpi slt, %select_n3A_263, %lt3A_269 : i32
        %ne3A_271 = arith.xori %lt3A_268, %lt3A_270 : i1
        %and3A_272 = arith.andi %ne3A_271, %ne3A_266 : i1
        %add3A_273 = arith.addi %rem3A_264, %select_n3A_263 : i32
        %select_n3A_274 = arith.select %and3A_272, %add3A_273, %rem3A_264 : i32
        %mul3A_275 = arith.constant 16 : i32
        %mul3A_276 = arith.muli %select_n3A_274, %mul3A_275 : i32
        %get3A_277 = arith.index_cast %select_n3A_258 : i32 to index
        %get3A_278 = arith.index_cast %mul3A_276 : i32 to index
        %get3A_279 = tpu.vector_load %arg6[%get3A_277, %get3A_278] {strides = array<i32>} : memref<1250x32xf32, #tpu.memory_space<vmem>>, vector<16xf32>,
        %mul3A_280 = arith.constant 0.999899983 : f32
        %mul3A_281 = vector.broadcast %mul3A_280 : f32 to vector<16xf32>
        %mul3A_282 = arith.mulf %get3A_279, %mul3A_281 : vector<16xf32>
        %swap3A_283 = arith.index_cast %select_n3A_258 : i32 to index
        %swap3A_284 = arith.index_cast %mul3A_276 : i32 to index
        %swap3A_285 = tpu.vector_load %arg6[%swap3A_283, %swap3A_284] {strides = array<i32>} : memref<1250x32xf32, #tpu.memory_space<vmem>>, vector<16xf32>,
        tpu.vector_store %arg6[%swap3A_283, %swap3A_284], %mul3A_282 {strides = array<i32>} : memref<1250x32xf32, #tpu.memory_space<vmem>>, vector<16xf32>,
        %scan3A_286 = arith.constant 0 : i32
        %scan3A_287 = arith.constant 1 : i32
        %scan3A_288 = arith.addi %scan3A_233, %scan3A_287 : i32
        %jit3A_289 = arith.constant 2 : i32
        %div3A_290 = arith.divsi %scan3A_288, %jit3A_289 : i32
        %sign3A_291 = arith.constant 0 : i32
        %sign3A_292 = arith.cmpi sgt, %scan3A_288, %sign3A_291 : i32
        %sign3A_293 = arith.extui %sign3A_292 : i1 to i32
        %sign3A_294 = arith.constant 0 : i32
        %sign3A_295 = arith.cmpi slt, %scan3A_288, %sign3A_294 : i32
        %sign3A_296 = arith.extui %sign3A_295 : i1 to i32
        %sign3A_297 = arith.subi %sign3A_293, %sign3A_296 : i32
        %sign3A_298 = arith.constant 0 : i32
        %sign3A_299 = arith.cmpi sgt, %jit3A_289, %sign3A_298 : i32
        %sign3A_300 = arith.extui %sign3A_299 : i1 to i32
        %sign3A_301 = arith.constant 0 : i32
        %sign3A_302 = arith.cmpi slt, %jit3A_289, %sign3A_301 : i32
        %sign3A_303 = arith.extui %sign3A_302 : i1 to i32
        %sign3A_304 = arith.subi %sign3A_300, %sign3A_303 : i32
        %ne3A_305 = arith.cmpi ne, %sign3A_297, %sign3A_304 : i32
        %rem3A_306 = arith.remsi %scan3A_288, %jit3A_289 : i32
        %ne3A_307 = arith.constant 0 : i32
        %ne3A_308 = arith.cmpi ne, %rem3A_306, %ne3A_307 : i32
        %and3A_309 = arith.andi %ne3A_305, %ne3A_308 : i1
        %sub3A_310 = arith.constant 1 : i32
        %sub3A_311 = arith.subi %div3A_290, %sub3A_310 : i32
        %select_n3A_312 = arith.select %and3A_309, %sub3A_311, %div3A_290 : i32
        %jit3A_313 = arith.constant 2 : i32
        %eq3A_314 = arith.constant 0 : i32
        %eq3A_315 = arith.cmpi eq, %jit3A_313, %eq3A_314 : i32
        %jit3A_316 = arith.constant 1 : i32
        %select_n3A_317 = arith.select %eq3A_315, %jit3A_316, %jit3A_313 : i32
        %rem3A_318 = arith.remsi %scan3A_288, %select_n3A_317 : i32
        %ne3A_319 = arith.constant 0 : i32
        %ne3A_320 = arith.cmpi ne, %rem3A_318, %ne3A_319 : i32
        %lt3A_321 = arith.constant 0 : i32
        %lt3A_322 = arith.cmpi slt, %rem3A_318, %lt3A_321 : i32
        %lt3A_323 = arith.constant 0 : i32
        %lt3A_324 = arith.cmpi slt, %select_n3A_317, %lt3A_323 : i32
        %ne3A_325 = arith.xori %lt3A_322, %lt3A_324 : i1
        %and3A_326 = arith.andi %ne3A_325, %ne3A_320 : i1
        %add3A_327 = arith.addi %rem3A_318, %select_n3A_317 : i32
        %select_n3A_328 = arith.select %and3A_326, %add3A_327, %rem3A_318 : i32
        %mul3A_329 = arith.constant 16 : i32
        %mul3A_330 = arith.muli %select_n3A_328, %mul3A_329 : i32
        %get3A_331 = arith.index_cast %select_n3A_312 : i32 to index
        %get3A_332 = arith.index_cast %mul3A_330 : i32 to index
        %get3A_333 = tpu.vector_load %arg6[%get3A_331, %get3A_332] {strides = array<i32>} : memref<1250x32xf32, #tpu.memory_space<vmem>>, vector<16xf32>,
        %mul3A_334 = arith.constant 0.999899983 : f32
        %mul3A_335 = vector.broadcast %mul3A_334 : f32 to vector<16xf32>
        %mul3A_336 = arith.mulf %get3A_333, %mul3A_335 : vector<16xf32>
        %swap3A_337 = arith.index_cast %select_n3A_312 : i32 to index
        %swap3A_338 = arith.index_cast %mul3A_330 : i32 to index
        %swap3A_339 = tpu.vector_load %arg6[%swap3A_337, %swap3A_338] {strides = array<i32>} : memref<1250x32xf32, #tpu.memory_space<vmem>>, vector<16xf32>,
        tpu.vector_store %arg6[%swap3A_337, %swap3A_338], %mul3A_336 {strides = array<i32>} : memref<1250x32xf32, #tpu.memory_space<vmem>>, vector<16xf32>,
        %scan3A_340 = arith.constant 0 : i32
        %scan3A_341 = arith.constant 2 : i32
        %scan3A_342 = arith.addi %scan3A_233, %scan3A_341 : i32
        %jit3A_343 = arith.constant 2 : i32
        %div3A_344 = arith.divsi %scan3A_342, %jit3A_343 : i32
        %sign3A_345 = arith.constant 0 : i32
        %sign3A_346 = arith.cmpi sgt, %scan3A_342, %sign3A_345 : i32
        %sign3A_347 = arith.extui %sign3A_346 : i1 to i32
        %sign3A_348 = arith.constant 0 : i32
        %sign3A_349 = arith.cmpi slt, %scan3A_342, %sign3A_348 : i32
        %sign3A_350 = arith.extui %sign3A_349 : i1 to i32
        %sign3A_351 = arith.subi %sign3A_347, %sign3A_350 : i32
        %sign3A_352 = arith.constant 0 : i32
        %sign3A_353 = arith.cmpi sgt, %jit3A_343, %sign3A_352 : i32
        %sign3A_354 = arith.extui %sign3A_353 : i1 to i32
        %sign3A_355 = arith.constant 0 : i32
        %sign3A_356 = arith.cmpi slt, %jit3A_343, %sign3A_355 : i32
        %sign3A_357 = arith.extui %sign3A_356 : i1 to i32
        %sign3A_358 = arith.subi %sign3A_354, %sign3A_357 : i32
        %ne3A_359 = arith.cmpi ne, %sign3A_351, %sign3A_358 : i32
        %rem3A_360 = arith.remsi %scan3A_342, %jit3A_343 : i32
        %ne3A_361 = arith.constant 0 : i32
        %ne3A_362 = arith.cmpi ne, %rem3A_360, %ne3A_361 : i32
        %and3A_363 = arith.andi %ne3A_359, %ne3A_362 : i1
        %sub3A_364 = arith.constant 1 : i32
        %sub3A_365 = arith.subi %div3A_344, %sub3A_364 : i32
        %select_n3A_366 = arith.select %and3A_363, %sub3A_365, %div3A_344 : i32
        %jit3A_367 = arith.constant 2 : i32
        %eq3A_368 = arith.constant 0 : i32
        %eq3A_369 = arith.cmpi eq, %jit3A_367, %eq3A_368 : i32
        %jit3A_370 = arith.constant 1 : i32
        %select_n3A_371 = arith.select %eq3A_369, %jit3A_370, %jit3A_367 : i32
        %rem3A_372 = arith.remsi %scan3A_342, %select_n3A_371 : i32
        %ne3A_373 = arith.constant 0 : i32
        %ne3A_374 = arith.cmpi ne, %rem3A_372, %ne3A_373 : i32
        %lt3A_375 = arith.constant 0 : i32
        %lt3A_376 = arith.cmpi slt, %rem3A_372, %lt3A_375 : i32
        %lt3A_377 = arith.constant 0 : i32
        %lt3A_378 = arith.cmpi slt, %select_n3A_371, %lt3A_377 : i32
        %ne3A_379 = arith.xori %lt3A_376, %lt3A_378 : i1
        %and3A_380 = arith.andi %ne3A_379, %ne3A_374 : i1
        %add3A_381 = arith.addi %rem3A_372, %select_n3A_371 : i32
        %select_n3A_382 = arith.select %and3A_380, %add3A_381, %rem3A_372 : i32
        %mul3A_383 = arith.constant 16 : i32
        %mul3A_384 = arith.muli %select_n3A_382, %mul3A_383 : i32
        %get3A_385 = arith.index_cast %select_n3A_366 : i32 to index
        %get3A_386 = arith.index_cast %mul3A_384 : i32 to index
        %get3A_387 = tpu.vector_load %arg6[%get3A_385, %get3A_386] {strides = array<i32>} : memref<1250x32xf32, #tpu.memory_space<vmem>>, vector<16xf32>,
        %mul3A_388 = arith.constant 0.999899983 : f32
        %mul3A_389 = vector.broadcast %mul3A_388 : f32 to vector<16xf32>
        %mul3A_390 = arith.mulf %get3A_387, %mul3A_389 : vector<16xf32>
        %swap3A_391 = arith.index_cast %select_n3A_366 : i32 to index
        %swap3A_392 = arith.index_cast %mul3A_384 : i32 to index
        %swap3A_393 = tpu.vector_load %arg6[%swap3A_391, %swap3A_392] {strides = array<i32>} : memref<1250x32xf32, #tpu.memory_space<vmem>>, vector<16xf32>,
        tpu.vector_store %arg6[%swap3A_391, %swap3A_392], %mul3A_390 {strides = array<i32>} : memref<1250x32xf32, #tpu.memory_space<vmem>>, vector<16xf32>,
        %scan3A_394 = arith.constant 0 : i32
        %scan3A_395 = arith.constant 3 : i32
        %scan3A_396 = arith.addi %scan3A_233, %scan3A_395 : i32
        %jit3A_397 = arith.constant 2 : i32
        %div3A_398 = arith.divsi %scan3A_396, %jit3A_397 : i32
        %sign3A_399 = arith.constant 0 : i32
        %sign3A_400 = arith.cmpi sgt, %scan3A_396, %sign3A_399 : i32
        %sign3A_401 = arith.extui %sign3A_400 : i1 to i32
        %sign3A_402 = arith.constant 0 : i32
        %sign3A_403 = arith.cmpi slt, %scan3A_396, %sign3A_402 : i32
        %sign3A_404 = arith.extui %sign3A_403 : i1 to i32
        %sign3A_405 = arith.subi %sign3A_401, %sign3A_404 : i32
        %sign3A_406 = arith.constant 0 : i32
        %sign3A_407 = arith.cmpi sgt, %jit3A_397, %sign3A_406 : i32
        %sign3A_408 = arith.extui %sign3A_407 : i1 to i32
        %sign3A_409 = arith.constant 0 : i32
        %sign3A_410 = arith.cmpi slt, %jit3A_397, %sign3A_409 : i32
        %sign3A_411 = arith.extui %sign3A_410 : i1 to i32
        %sign3A_412 = arith.subi %sign3A_408, %sign3A_411 : i32
        %ne3A_413 = arith.cmpi ne, %sign3A_405, %sign3A_412 : i32
        %rem3A_414 = arith.remsi %scan3A_396, %jit3A_397 : i32
        %ne3A_415 = arith.constant 0 : i32
        %ne3A_416 = arith.cmpi ne, %rem3A_414, %ne3A_415 : i32
        %and3A_417 = arith.andi %ne3A_413, %ne3A_416 : i1
        %sub3A_418 = arith.constant 1 : i32
        %sub3A_419 = arith.subi %div3A_398, %sub3A_418 : i32
        %select_n3A_420 = arith.select %and3A_417, %sub3A_419, %div3A_398 : i32
        %jit3A_421 = arith.constant 2 : i32
        %eq3A_422 = arith.constant 0 : i32
        %eq3A_423 = arith.cmpi eq, %jit3A_421, %eq3A_422 : i32
        %jit3A_424 = arith.constant 1 : i32
        %select_n3A_425 = arith.select %eq3A_423, %jit3A_424, %jit3A_421 : i32
        %rem3A_426 = arith.remsi %scan3A_396, %select_n3A_425 : i32
        %ne3A_427 = arith.constant 0 : i32
        %ne3A_428 = arith.cmpi ne, %rem3A_426, %ne3A_427 : i32
        %lt3A_429 = arith.constant 0 : i32
        %lt3A_430 = arith.cmpi slt, %rem3A_426, %lt3A_429 : i32
        %lt3A_431 = arith.constant 0 : i32
        %lt3A_432 = arith.cmpi slt, %select_n3A_425, %lt3A_431 : i32
        %ne3A_433 = arith.xori %lt3A_430, %lt3A_432 : i1
        %and3A_434 = arith.andi %ne3A_433, %ne3A_428 : i1
        %add3A_435 = arith.addi %rem3A_426, %select_n3A_425 : i32
        %select_n3A_436 = arith.select %and3A_434, %add3A_435, %rem3A_426 : i32
        %mul3A_437 = arith.constant 16 : i32
        %mul3A_438 = arith.muli %select_n3A_436, %mul3A_437 : i32
        %get3A_439 = arith.index_cast %select_n3A_420 : i32 to index
        %get3A_440 = arith.index_cast %mul3A_438 : i32 to index
        %get3A_441 = tpu.vector_load %arg6[%get3A_439, %get3A_440] {strides = array<i32>} : memref<1250x32xf32, #tpu.memory_space<vmem>>, vector<16xf32>,
        %mul3A_442 = arith.constant 0.999899983 : f32
        %mul3A_443 = vector.broadcast %mul3A_442 : f32 to vector<16xf32>
        %mul3A_444 = arith.mulf %get3A_441, %mul3A_443 : vector<16xf32>
        %swap3A_445 = arith.index_cast %select_n3A_420 : i32 to index
        %swap3A_446 = arith.index_cast %mul3A_438 : i32 to index
        %swap3A_447 = tpu.vector_load %arg6[%swap3A_445, %swap3A_446] {strides = array<i32>} : memref<1250x32xf32, #tpu.memory_space<vmem>>, vector<16xf32>,
        tpu.vector_store %arg6[%swap3A_445, %swap3A_446], %mul3A_444 {strides = array<i32>} : memref<1250x32xf32, #tpu.memory_space<vmem>>, vector<16xf32>,
        %scan3A_448 = arith.constant 0 : i32
        %scan3A_449 = arith.constant 4 : i32
        %scan3A_450 = arith.addi %scan3A_233, %scan3A_449 : i32
        %jit3A_451 = arith.constant 2 : i32
        %div3A_452 = arith.divsi %scan3A_450, %jit3A_451 : i32
        %sign3A_453 = arith.constant 0 : i32
        %sign3A_454 = arith.cmpi sgt, %scan3A_450, %sign3A_453 : i32
        %sign3A_455 = arith.extui %sign3A_454 : i1 to i32
        %sign3A_456 = arith.constant 0 : i32
        %sign3A_457 = arith.cmpi slt, %scan3A_450, %sign3A_456 : i32
        %sign3A_458 = arith.extui %sign3A_457 : i1 to i32
        %sign3A_459 = arith.subi %sign3A_455, %sign3A_458 : i32
        %sign3A_460 = arith.constant 0 : i32
        %sign3A_461 = arith.cmpi sgt, %jit3A_451, %sign3A_460 : i32
        %sign3A_462 = arith.extui %sign3A_461 : i1 to i32
        %sign3A_463 = arith.constant 0 : i32
        %sign3A_464 = arith.cmpi slt, %jit3A_451, %sign3A_463 : i32
        %sign3A_465 = arith.extui %sign3A_464 : i1 to i32
        %sign3A_466 = arith.subi %sign3A_462, %sign3A_465 : i32
        %ne3A_467 = arith.cmpi ne, %sign3A_459, %sign3A_466 : i32
        %rem3A_468 = arith.remsi %scan3A_450, %jit3A_451 : i32
        %ne3A_469 = arith.constant 0 : i32
        %ne3A_470 = arith.cmpi ne, %rem3A_468, %ne3A_469 : i32
        %and3A_471 = arith.andi %ne3A_467, %ne3A_470 : i1
        %sub3A_472 = arith.constant 1 : i32
        %sub3A_473 = arith.subi %div3A_452, %sub3A_472 : i32
        %select_n3A_474 = arith.select %and3A_471, %sub3A_473, %div3A_452 : i32
        %jit3A_475 = arith.constant 2 : i32
        %eq3A_476 = arith.constant 0 : i32
        %eq3A_477 = arith.cmpi eq, %jit3A_475, %eq3A_476 : i32
        %jit3A_478 = arith.constant 1 : i32
        %select_n3A_479 = arith.select %eq3A_477, %jit3A_478, %jit3A_475 : i32
        %rem3A_480 = arith.remsi %scan3A_450, %select_n3A_479 : i32
        %ne3A_481 = arith.constant 0 : i32
        %ne3A_482 = arith.cmpi ne, %rem3A_480, %ne3A_481 : i32
        %lt3A_483 = arith.constant 0 : i32
        %lt3A_484 = arith.cmpi slt, %rem3A_480, %lt3A_483 : i32
        %lt3A_485 = arith.constant 0 : i32
        %lt3A_486 = arith.cmpi slt, %select_n3A_479, %lt3A_485 : i32
        %ne3A_487 = arith.xori %lt3A_484, %lt3A_486 : i1
        %and3A_488 = arith.andi %ne3A_487, %ne3A_482 : i1
        %add3A_489 = arith.addi %rem3A_480, %select_n3A_479 : i32
        %select_n3A_490 = arith.select %and3A_488, %add3A_489, %rem3A_480 : i32
        %mul3A_491 = arith.constant 16 : i32
        %mul3A_492 = arith.muli %select_n3A_490, %mul3A_491 : i32
        %get3A_493 = arith.index_cast %select_n3A_474 : i32 to index
        %get3A_494 = arith.index_cast %mul3A_492 : i32 to index
        %get3A_495 = tpu.vector_load %arg6[%get3A_493, %get3A_494] {strides = array<i32>} : memref<1250x32xf32, #tpu.memory_space<vmem>>, vector<16xf32>,
        %mul3A_496 = arith.constant 0.999899983 : f32
        %mul3A_497 = vector.broadcast %mul3A_496 : f32 to vector<16xf32>
        %mul3A_498 = arith.mulf %get3A_495, %mul3A_497 : vector<16xf32>
        %swap3A_499 = arith.index_cast %select_n3A_474 : i32 to index
        %swap3A_500 = arith.index_cast %mul3A_492 : i32 to index
        %swap3A_501 = tpu.vector_load %arg6[%swap3A_499, %swap3A_500] {strides = array<i32>} : memref<1250x32xf32, #tpu.memory_space<vmem>>, vector<16xf32>,
        tpu.vector_store %arg6[%swap3A_499, %swap3A_500], %mul3A_498 {strides = array<i32>} : memref<1250x32xf32, #tpu.memory_space<vmem>>, vector<16xf32>,
        %scan3A_502 = arith.constant 0 : i32
        %scan3A_503 = arith.constant 5 : i32
        %scan3A_504 = arith.addi %scan3A_233, %scan3A_503 : i32
        %jit3A_505 = arith.constant 2 : i32
        %div3A_506 = arith.divsi %scan3A_504, %jit3A_505 : i32
        %sign3A_507 = arith.constant 0 : i32
        %sign3A_508 = arith.cmpi sgt, %scan3A_504, %sign3A_507 : i32
        %sign3A_509 = arith.extui %sign3A_508 : i1 to i32
        %sign3A_510 = arith.constant 0 : i32
        %sign3A_511 = arith.cmpi slt, %scan3A_504, %sign3A_510 : i32
        %sign3A_512 = arith.extui %sign3A_511 : i1 to i32
        %sign3A_513 = arith.subi %sign3A_509, %sign3A_512 : i32
        %sign3A_514 = arith.constant 0 : i32
        %sign3A_515 = arith.cmpi sgt, %jit3A_505, %sign3A_514 : i32
        %sign3A_516 = arith.extui %sign3A_515 : i1 to i32
        %sign3A_517 = arith.constant 0 : i32
        %sign3A_518 = arith.cmpi slt, %jit3A_505, %sign3A_517 : i32
        %sign3A_519 = arith.extui %sign3A_518 : i1 to i32
        %sign3A_520 = arith.subi %sign3A_516, %sign3A_519 : i32
        %ne3A_521 = arith.cmpi ne, %sign3A_513, %sign3A_520 : i32
        %rem3A_522 = arith.remsi %scan3A_504, %jit3A_505 : i32
        %ne3A_523 = arith.constant 0 : i32
        %ne3A_524 = arith.cmpi ne, %rem3A_522, %ne3A_523 : i32
        %and3A_525 = arith.andi %ne3A_521, %ne3A_524 : i1
        %sub3A_526 = arith.constant 1 : i32
        %sub3A_527 = arith.subi %div3A_506, %sub3A_526 : i32
        %select_n3A_528 = arith.select %and3A_525, %sub3A_527, %div3A_506 : i32
        %jit3A_529 = arith.constant 2 : i32
        %eq3A_530 = arith.constant 0 : i32
        %eq3A_531 = arith.cmpi eq, %jit3A_529, %eq3A_530 : i32
        %jit3A_532 = arith.constant 1 : i32
        %select_n3A_533 = arith.select %eq3A_531, %jit3A_532, %jit3A_529 : i32
        %rem3A_534 = arith.remsi %scan3A_504, %select_n3A_533 : i32
        %ne3A_535 = arith.constant 0 : i32
        %ne3A_536 = arith.cmpi ne, %rem3A_534, %ne3A_535 : i32
        %lt3A_537 = arith.constant 0 : i32
        %lt3A_538 = arith.cmpi slt, %rem3A_534, %lt3A_537 : i32
        %lt3A_539 = arith.constant 0 : i32
        %lt3A_540 = arith.cmpi slt, %select_n3A_533, %lt3A_539 : i32
        %ne3A_541 = arith.xori %lt3A_538, %lt3A_540 : i1
        %and3A_542 = arith.andi %ne3A_541, %ne3A_536 : i1
        %add3A_543 = arith.addi %rem3A_534, %select_n3A_533 : i32
        %select_n3A_544 = arith.select %and3A_542, %add3A_543, %rem3A_534 : i32
        %mul3A_545 = arith.constant 16 : i32
        %mul3A_546 = arith.muli %select_n3A_544, %mul3A_545 : i32
        %get3A_547 = arith.index_cast %select_n3A_528 : i32 to index
        %get3A_548 = arith.index_cast %mul3A_546 : i32 to index
        %get3A_549 = tpu.vector_load %arg6[%get3A_547, %get3A_548] {strides = array<i32>} : memref<1250x32xf32, #tpu.memory_space<vmem>>, vector<16xf32>,
        %mul3A_550 = arith.constant 0.999899983 : f32
        %mul3A_551 = vector.broadcast %mul3A_550 : f32 to vector<16xf32>
        %mul3A_552 = arith.mulf %get3A_549, %mul3A_551 : vector<16xf32>
        %swap3A_553 = arith.index_cast %select_n3A_528 : i32 to index
        %swap3A_554 = arith.index_cast %mul3A_546 : i32 to index
        %swap3A_555 = tpu.vector_load %arg6[%swap3A_553, %swap3A_554] {strides = array<i32>} : memref<1250x32xf32, #tpu.memory_space<vmem>>, vector<16xf32>,
        tpu.vector_store %arg6[%swap3A_553, %swap3A_554], %mul3A_552 {strides = array<i32>} : memref<1250x32xf32, #tpu.memory_space<vmem>>, vector<16xf32>,
        %scan3A_556 = arith.constant 0 : i32
        %scan3A_557 = arith.constant 6 : i32
        %scan3A_558 = arith.addi %scan3A_233, %scan3A_557 : i32
        %jit3A_559 = arith.constant 2 : i32
        %div3A_560 = arith.divsi %scan3A_558, %jit3A_559 : i32
        %sign3A_561 = arith.constant 0 : i32
        %sign3A_562 = arith.cmpi sgt, %scan3A_558, %sign3A_561 : i32
        %sign3A_563 = arith.extui %sign3A_562 : i1 to i32
        %sign3A_564 = arith.constant 0 : i32
        %sign3A_565 = arith.cmpi slt, %scan3A_558, %sign3A_564 : i32
        %sign3A_566 = arith.extui %sign3A_565 : i1 to i32
        %sign3A_567 = arith.subi %sign3A_563, %sign3A_566 : i32
        %sign3A_568 = arith.constant 0 : i32
        %sign3A_569 = arith.cmpi sgt, %jit3A_559, %sign3A_568 : i32
        %sign3A_570 = arith.extui %sign3A_569 : i1 to i32
        %sign3A_571 = arith.constant 0 : i32
        %sign3A_572 = arith.cmpi slt, %jit3A_559, %sign3A_571 : i32
        %sign3A_573 = arith.extui %sign3A_572 : i1 to i32
        %sign3A_574 = arith.subi %sign3A_570, %sign3A_573 : i32
        %ne3A_575 = arith.cmpi ne, %sign3A_567, %sign3A_574 : i32
        %rem3A_576 = arith.remsi %scan3A_558, %jit3A_559 : i32
        %ne3A_577 = arith.constant 0 : i32
        %ne3A_578 = arith.cmpi ne, %rem3A_576, %ne3A_577 : i32
        %and3A_579 = arith.andi %ne3A_575, %ne3A_578 : i1
        %sub3A_580 = arith.constant 1 : i32
        %sub3A_581 = arith.subi %div3A_560, %sub3A_580 : i32
        %select_n3A_582 = arith.select %and3A_579, %sub3A_581, %div3A_560 : i32
        %jit3A_583 = arith.constant 2 : i32
        %eq3A_584 = arith.constant 0 : i32
        %eq3A_585 = arith.cmpi eq, %jit3A_583, %eq3A_584 : i32
        %jit3A_586 = arith.constant 1 : i32
        %select_n3A_587 = arith.select %eq3A_585, %jit3A_586, %jit3A_583 : i32
        %rem3A_588 = arith.remsi %scan3A_558, %select_n3A_587 : i32
        %ne3A_589 = arith.constant 0 : i32
        %ne3A_590 = arith.cmpi ne, %rem3A_588, %ne3A_589 : i32
        %lt3A_591 = arith.constant 0 : i32
        %lt3A_592 = arith.cmpi slt, %rem3A_588, %lt3A_591 : i32
        %lt3A_593 = arith.constant 0 : i32
        %lt3A_594 = arith.cmpi slt, %select_n3A_587, %lt3A_593 : i32
        %ne3A_595 = arith.xori %lt3A_592, %lt3A_594 : i1
        %and3A_596 = arith.andi %ne3A_595, %ne3A_590 : i1
        %add3A_597 = arith.addi %rem3A_588, %select_n3A_587 : i32
        %select_n3A_598 = arith.select %and3A_596, %add3A_597, %rem3A_588 : i32
        %mul3A_599 = arith.constant 16 : i32
        %mul3A_600 = arith.muli %select_n3A_598, %mul3A_599 : i32
        %get3A_601 = arith.index_cast %select_n3A_582 : i32 to index
        %get3A_602 = arith.index_cast %mul3A_600 : i32 to index
        %get3A_603 = tpu.vector_load %arg6[%get3A_601, %get3A_602] {strides = array<i32>} : memref<1250x32xf32, #tpu.memory_space<vmem>>, vector<16xf32>,
        %mul3A_604 = arith.constant 0.999899983 : f32
        %mul3A_605 = vector.broadcast %mul3A_604 : f32 to vector<16xf32>
        %mul3A_606 = arith.mulf %get3A_603, %mul3A_605 : vector<16xf32>
        %swap3A_607 = arith.index_cast %select_n3A_582 : i32 to index
        %swap3A_608 = arith.index_cast %mul3A_600 : i32 to index
        %swap3A_609 = tpu.vector_load %arg6[%swap3A_607, %swap3A_608] {strides = array<i32>} : memref<1250x32xf32, #tpu.memory_space<vmem>>, vector<16xf32>,
        tpu.vector_store %arg6[%swap3A_607, %swap3A_608], %mul3A_606 {strides = array<i32>} : memref<1250x32xf32, #tpu.memory_space<vmem>>, vector<16xf32>,
        %scan3A_610 = arith.constant 0 : i32
        %scan3A_611 = arith.constant 7 : i32
        %scan3A_612 = arith.addi %scan3A_233, %scan3A_611 : i32
        %jit3A_613 = arith.constant 2 : i32
        %div3A_614 = arith.divsi %scan3A_612, %jit3A_613 : i32
        %sign3A_615 = arith.constant 0 : i32
        %sign3A_616 = arith.cmpi sgt, %scan3A_612, %sign3A_615 : i32
        %sign3A_617 = arith.extui %sign3A_616 : i1 to i32
        %sign3A_618 = arith.constant 0 : i32
        %sign3A_619 = arith.cmpi slt, %scan3A_612, %sign3A_618 : i32
        %sign3A_620 = arith.extui %sign3A_619 : i1 to i32
        %sign3A_621 = arith.subi %sign3A_617, %sign3A_620 : i32
        %sign3A_622 = arith.constant 0 : i32
        %sign3A_623 = arith.cmpi sgt, %jit3A_613, %sign3A_622 : i32
        %sign3A_624 = arith.extui %sign3A_623 : i1 to i32
        %sign3A_625 = arith.constant 0 : i32
        %sign3A_626 = arith.cmpi slt, %jit3A_613, %sign3A_625 : i32
        %sign3A_627 = arith.extui %sign3A_626 : i1 to i32
        %sign3A_628 = arith.subi %sign3A_624, %sign3A_627 : i32
        %ne3A_629 = arith.cmpi ne, %sign3A_621, %sign3A_628 : i32
        %rem3A_630 = arith.remsi %scan3A_612, %jit3A_613 : i32
        %ne3A_631 = arith.constant 0 : i32
        %ne3A_632 = arith.cmpi ne, %rem3A_630, %ne3A_631 : i32
        %and3A_633 = arith.andi %ne3A_629, %ne3A_632 : i1
        %sub3A_634 = arith.constant 1 : i32
        %sub3A_635 = arith.subi %div3A_614, %sub3A_634 : i32
        %select_n3A_636 = arith.select %and3A_633, %sub3A_635, %div3A_614 : i32
        %jit3A_637 = arith.constant 2 : i32
        %eq3A_638 = arith.constant 0 : i32
        %eq3A_639 = arith.cmpi eq, %jit3A_637, %eq3A_638 : i32
        %jit3A_640 = arith.constant 1 : i32
        %select_n3A_641 = arith.select %eq3A_639, %jit3A_640, %jit3A_637 : i32
        %rem3A_642 = arith.remsi %scan3A_612, %select_n3A_641 : i32
        %ne3A_643 = arith.constant 0 : i32
        %ne3A_644 = arith.cmpi ne, %rem3A_642, %ne3A_643 : i32
        %lt3A_645 = arith.constant 0 : i32
        %lt3A_646 = arith.cmpi slt, %rem3A_642, %lt3A_645 : i32
        %lt3A_647 = arith.constant 0 : i32
        %lt3A_648 = arith.cmpi slt, %select_n3A_641, %lt3A_647 : i32
        %ne3A_649 = arith.xori %lt3A_646, %lt3A_648 : i1
        %and3A_650 = arith.andi %ne3A_649, %ne3A_644 : i1
        %add3A_651 = arith.addi %rem3A_642, %select_n3A_641 : i32
        %select_n3A_652 = arith.select %and3A_650, %add3A_651, %rem3A_642 : i32
        %mul3A_653 = arith.constant 16 : i32
        %mul3A_654 = arith.muli %select_n3A_652, %mul3A_653 : i32
        %get3A_655 = arith.index_cast %select_n3A_636 : i32 to index
        %get3A_656 = arith.index_cast %mul3A_654 : i32 to index
        %get3A_657 = tpu.vector_load %arg6[%get3A_655, %get3A_656] {strides = array<i32>} : memref<1250x32xf32, #tpu.memory_space<vmem>>, vector<16xf32>,
        %mul3A_658 = arith.constant 0.999899983 : f32
        %mul3A_659 = vector.broadcast %mul3A_658 : f32 to vector<16xf32>
        %mul3A_660 = arith.mulf %get3A_657, %mul3A_659 : vector<16xf32>
        %swap3A_661 = arith.index_cast %select_n3A_636 : i32 to index
        %swap3A_662 = arith.index_cast %mul3A_654 : i32 to index
        %swap3A_663 = tpu.vector_load %arg6[%swap3A_661, %swap3A_662] {strides = array<i32>} : memref<1250x32xf32, #tpu.memory_space<vmem>>, vector<16xf32>,
        tpu.vector_store %arg6[%swap3A_661, %swap3A_662], %mul3A_660 {strides = array<i32>} : memref<1250x32xf32, #tpu.memory_space<vmem>>, vector<16xf32>,
        %scan3A_664 = arith.constant 0 : i32
        scf.yield %scan3A_664 : i32
      }
      %scan3A_27 = arith.constant 2496 : i32
      %scan3A_28 = arith.addi %scan3A_22, %scan3A_27 : i32
      %jit3A = arith.constant 2 : i32
      %div3A = arith.divsi %scan3A_28, %jit3A : i32
      %sign3A = arith.constant 0 : i32
      %sign3A_29 = arith.cmpi sgt, %scan3A_28, %sign3A : i32
      %sign3A_30 = arith.extui %sign3A_29 : i1 to i32
      %sign3A_31 = arith.constant 0 : i32
      %sign3A_32 = arith.cmpi slt, %scan3A_28, %sign3A_31 : i32
      %sign3A_33 = arith.extui %sign3A_32 : i1 to i32
      %sign3A_34 = arith.subi %sign3A_30, %sign3A_33 : i32
      %sign3A_35 = arith.constant 0 : i32
      %sign3A_36 = arith.cmpi sgt, %jit3A, %sign3A_35 : i32
      %sign3A_37 = arith.extui %sign3A_36 : i1 to i32
      %sign3A_38 = arith.constant 0 : i32
      %sign3A_39 = arith.cmpi slt, %jit3A, %sign3A_38 : i32
      %sign3A_40 = arith.extui %sign3A_39 : i1 to i32
      %sign3A_41 = arith.subi %sign3A_37, %sign3A_40 : i32
      %ne3A = arith.cmpi ne, %sign3A_34, %sign3A_41 : i32
      %rem3A = arith.remsi %scan3A_28, %jit3A : i32
      %ne3A_42 = arith.constant 0 : i32
      %ne3A_43 = arith.cmpi ne, %rem3A, %ne3A_42 : i32
      %and3A = arith.andi %ne3A, %ne3A_43 : i1
      %sub3A = arith.constant 1 : i32
      %sub3A_44 = arith.subi %div3A, %sub3A : i32
      %select_n3A = arith.select %and3A, %sub3A_44, %div3A : i32
      %jit3A_45 = arith.constant 2 : i32
      %eq3A = arith.constant 0 : i32
      %eq3A_46 = arith.cmpi eq, %jit3A_45, %eq3A : i32
      %jit3A_47 = arith.constant 1 : i32
      %select_n3A_48 = arith.select %eq3A_46, %jit3A_47, %jit3A_45 : i32
      %rem3A_49 = arith.remsi %scan3A_28, %select_n3A_48 : i32
      %ne3A_50 = arith.constant 0 : i32
      %ne3A_51 = arith.cmpi ne, %rem3A_49, %ne3A_50 : i32
      %lt3A = arith.constant 0 : i32
      %lt3A_52 = arith.cmpi slt, %rem3A_49, %lt3A : i32
      %lt3A_53 = arith.constant 0 : i32
      %lt3A_54 = arith.cmpi slt, %select_n3A_48, %lt3A_53 : i32
      %ne3A_55 = arith.xori %lt3A_52, %lt3A_54 : i1
      %and3A_56 = arith.andi %ne3A_55, %ne3A_51 : i1
      %add3A_57 = arith.addi %rem3A_49, %select_n3A_48 : i32
      %select_n3A_58 = arith.select %and3A_56, %add3A_57, %rem3A_49 : i32
      %mul3A_59 = arith.constant 16 : i32
      %mul3A_60 = arith.muli %select_n3A_58, %mul3A_59 : i32
      %get3A = arith.index_cast %select_n3A : i32 to index
      %get3A_61 = arith.index_cast %mul3A_60 : i32 to index
      %get3A_62 = tpu.vector_load %arg6[%get3A, %get3A_61] {strides = array<i32>} : memref<1250x32xf32, #tpu.memory_space<vmem>>, vector<16xf32>,
      %mul3A_63 = arith.constant 0.999899983 : f32
      %mul3A_64 = vector.broadcast %mul3A_63 : f32 to vector<16xf32>
      %mul3A_65 = arith.mulf %get3A_62, %mul3A_64 : vector<16xf32>
      %swap3A = arith.index_cast %select_n3A : i32 to index
      %swap3A_66 = arith.index_cast %mul3A_60 : i32 to index
      %swap3A_67 = tpu.vector_load %arg6[%swap3A, %swap3A_66] {strides = array<i32>} : memref<1250x32xf32, #tpu.memory_space<vmem>>, vector<16xf32>,
      tpu.vector_store %arg6[%swap3A, %swap3A_66], %mul3A_65 {strides = array<i32>} : memref<1250x32xf32, #tpu.memory_space<vmem>>, vector<16xf32>,
      %scan3A_68 = arith.constant 0 : i32
      %scan3A_69 = arith.constant 2497 : i32
      %scan3A_70 = arith.addi %scan3A_22, %scan3A_69 : i32
      %jit3A_71 = arith.constant 2 : i32
      %div3A_72 = arith.divsi %scan3A_70, %jit3A_71 : i32
      %sign3A_73 = arith.constant 0 : i32
      %sign3A_74 = arith.cmpi sgt, %scan3A_70, %sign3A_73 : i32
      %sign3A_75 = arith.extui %sign3A_74 : i1 to i32
      %sign3A_76 = arith.constant 0 : i32
      %sign3A_77 = arith.cmpi slt, %scan3A_70, %sign3A_76 : i32
      %sign3A_78 = arith.extui %sign3A_77 : i1 to i32
      %sign3A_79 = arith.subi %sign3A_75, %sign3A_78 : i32
      %sign3A_80 = arith.constant 0 : i32
      %sign3A_81 = arith.cmpi sgt, %jit3A_71, %sign3A_80 : i32
      %sign3A_82 = arith.extui %sign3A_81 : i1 to i32
      %sign3A_83 = arith.constant 0 : i32
      %sign3A_84 = arith.cmpi slt, %jit3A_71, %sign3A_83 : i32
      %sign3A_85 = arith.extui %sign3A_84 : i1 to i32
      %sign3A_86 = arith.subi %sign3A_82, %sign3A_85 : i32
      %ne3A_87 = arith.cmpi ne, %sign3A_79, %sign3A_86 : i32
      %rem3A_88 = arith.remsi %scan3A_70, %jit3A_71 : i32
      %ne3A_89 = arith.constant 0 : i32
      %ne3A_90 = arith.cmpi ne, %rem3A_88, %ne3A_89 : i32
      %and3A_91 = arith.andi %ne3A_87, %ne3A_90 : i1
      %sub3A_92 = arith.constant 1 : i32
      %sub3A_93 = arith.subi %div3A_72, %sub3A_92 : i32
      %select_n3A_94 = arith.select %and3A_91, %sub3A_93, %div3A_72 : i32
      %jit3A_95 = arith.constant 2 : i32
      %eq3A_96 = arith.constant 0 : i32
      %eq3A_97 = arith.cmpi eq, %jit3A_95, %eq3A_96 : i32
      %jit3A_98 = arith.constant 1 : i32
      %select_n3A_99 = arith.select %eq3A_97, %jit3A_98, %jit3A_95 : i32
      %rem3A_100 = arith.remsi %scan3A_70, %select_n3A_99 : i32
      %ne3A_101 = arith.constant 0 : i32
      %ne3A_102 = arith.cmpi ne, %rem3A_100, %ne3A_101 : i32
      %lt3A_103 = arith.constant 0 : i32
      %lt3A_104 = arith.cmpi slt, %rem3A_100, %lt3A_103 : i32
      %lt3A_105 = arith.constant 0 : i32
      %lt3A_106 = arith.cmpi slt, %select_n3A_99, %lt3A_105 : i32
      %ne3A_107 = arith.xori %lt3A_104, %lt3A_106 : i1
      %and3A_108 = arith.andi %ne3A_107, %ne3A_102 : i1
      %add3A_109 = arith.addi %rem3A_100, %select_n3A_99 : i32
      %select_n3A_110 = arith.select %and3A_108, %add3A_109, %rem3A_100 : i32
      %mul3A_111 = arith.constant 16 : i32
      %mul3A_112 = arith.muli %select_n3A_110, %mul3A_111 : i32
      %get3A_113 = arith.index_cast %select_n3A_94 : i32 to index
      %get3A_114 = arith.index_cast %mul3A_112 : i32 to index
      %get3A_115 = tpu.vector_load %arg6[%get3A_113, %get3A_114] {strides = array<i32>} : memref<1250x32xf32, #tpu.memory_space<vmem>>, vector<16xf32>,
      %mul3A_116 = arith.constant 0.999899983 : f32
      %mul3A_117 = vector.broadcast %mul3A_116 : f32 to vector<16xf32>
      %mul3A_118 = arith.mulf %get3A_115, %mul3A_117 : vector<16xf32>
      %swap3A_119 = arith.index_cast %select_n3A_94 : i32 to index
      %swap3A_120 = arith.index_cast %mul3A_112 : i32 to index
      %swap3A_121 = tpu.vector_load %arg6[%swap3A_119, %swap3A_120] {strides = array<i32>} : memref<1250x32xf32, #tpu.memory_space<vmem>>, vector<16xf32>,
      tpu.vector_store %arg6[%swap3A_119, %swap3A_120], %mul3A_118 {strides = array<i32>} : memref<1250x32xf32, #tpu.memory_space<vmem>>, vector<16xf32>,
      %scan3A_122 = arith.constant 0 : i32
      %scan3A_123 = arith.constant 2498 : i32
      %scan3A_124 = arith.addi %scan3A_22, %scan3A_123 : i32
      %jit3A_125 = arith.constant 2 : i32
      %div3A_126 = arith.divsi %scan3A_124, %jit3A_125 : i32
      %sign3A_127 = arith.constant 0 : i32
      %sign3A_128 = arith.cmpi sgt, %scan3A_124, %sign3A_127 : i32
      %sign3A_129 = arith.extui %sign3A_128 : i1 to i32
      %sign3A_130 = arith.constant 0 : i32
      %sign3A_131 = arith.cmpi slt, %scan3A_124, %sign3A_130 : i32
      %sign3A_132 = arith.extui %sign3A_131 : i1 to i32
      %sign3A_133 = arith.subi %sign3A_129, %sign3A_132 : i32
      %sign3A_134 = arith.constant 0 : i32
      %sign3A_135 = arith.cmpi sgt, %jit3A_125, %sign3A_134 : i32
      %sign3A_136 = arith.extui %sign3A_135 : i1 to i32
      %sign3A_137 = arith.constant 0 : i32
      %sign3A_138 = arith.cmpi slt, %jit3A_125, %sign3A_137 : i32
      %sign3A_139 = arith.extui %sign3A_138 : i1 to i32
      %sign3A_140 = arith.subi %sign3A_136, %sign3A_139 : i32
      %ne3A_141 = arith.cmpi ne, %sign3A_133, %sign3A_140 : i32
      %rem3A_142 = arith.remsi %scan3A_124, %jit3A_125 : i32
      %ne3A_143 = arith.constant 0 : i32
      %ne3A_144 = arith.cmpi ne, %rem3A_142, %ne3A_143 : i32
      %and3A_145 = arith.andi %ne3A_141, %ne3A_144 : i1
      %sub3A_146 = arith.constant 1 : i32
      %sub3A_147 = arith.subi %div3A_126, %sub3A_146 : i32
      %select_n3A_148 = arith.select %and3A_145, %sub3A_147, %div3A_126 : i32
      %jit3A_149 = arith.constant 2 : i32
      %eq3A_150 = arith.constant 0 : i32
      %eq3A_151 = arith.cmpi eq, %jit3A_149, %eq3A_150 : i32
      %jit3A_152 = arith.constant 1 : i32
      %select_n3A_153 = arith.select %eq3A_151, %jit3A_152, %jit3A_149 : i32
      %rem3A_154 = arith.remsi %scan3A_124, %select_n3A_153 : i32
      %ne3A_155 = arith.constant 0 : i32
      %ne3A_156 = arith.cmpi ne, %rem3A_154, %ne3A_155 : i32
      %lt3A_157 = arith.constant 0 : i32
      %lt3A_158 = arith.cmpi slt, %rem3A_154, %lt3A_157 : i32
      %lt3A_159 = arith.constant 0 : i32
      %lt3A_160 = arith.cmpi slt, %select_n3A_153, %lt3A_159 : i32
      %ne3A_161 = arith.xori %lt3A_158, %lt3A_160 : i1
      %and3A_162 = arith.andi %ne3A_161, %ne3A_156 : i1
      %add3A_163 = arith.addi %rem3A_154, %select_n3A_153 : i32
      %select_n3A_164 = arith.select %and3A_162, %add3A_163, %rem3A_154 : i32
      %mul3A_165 = arith.constant 16 : i32
      %mul3A_166 = arith.muli %select_n3A_164, %mul3A_165 : i32
      %get3A_167 = arith.index_cast %select_n3A_148 : i32 to index
      %get3A_168 = arith.index_cast %mul3A_166 : i32 to index
      %get3A_169 = tpu.vector_load %arg6[%get3A_167, %get3A_168] {strides = array<i32>} : memref<1250x32xf32, #tpu.memory_space<vmem>>, vector<16xf32>,
      %mul3A_170 = arith.constant 0.999899983 : f32
      %mul3A_171 = vector.broadcast %mul3A_170 : f32 to vector<16xf32>
      %mul3A_172 = arith.mulf %get3A_169, %mul3A_171 : vector<16xf32>
      %swap3A_173 = arith.index_cast %select_n3A_148 : i32 to index
      %swap3A_174 = arith.index_cast %mul3A_166 : i32 to index
      %swap3A_175 = tpu.vector_load %arg6[%swap3A_173, %swap3A_174] {strides = array<i32>} : memref<1250x32xf32, #tpu.memory_space<vmem>>, vector<16xf32>,
      tpu.vector_store %arg6[%swap3A_173, %swap3A_174], %mul3A_172 {strides = array<i32>} : memref<1250x32xf32, #tpu.memory_space<vmem>>, vector<16xf32>,
      %scan3A_176 = arith.constant 0 : i32
      %scan3A_177 = arith.constant 2499 : i32
      %scan3A_178 = arith.addi %scan3A_22, %scan3A_177 : i32
      %jit3A_179 = arith.constant 2 : i32
      %div3A_180 = arith.divsi %scan3A_178, %jit3A_179 : i32
      %sign3A_181 = arith.constant 0 : i32
      %sign3A_182 = arith.cmpi sgt, %scan3A_178, %sign3A_181 : i32
      %sign3A_183 = arith.extui %sign3A_182 : i1 to i32
      %sign3A_184 = arith.constant 0 : i32
      %sign3A_185 = arith.cmpi slt, %scan3A_178, %sign3A_184 : i32
      %sign3A_186 = arith.extui %sign3A_185 : i1 to i32
      %sign3A_187 = arith.subi %sign3A_183, %sign3A_186 : i32
      %sign3A_188 = arith.constant 0 : i32
      %sign3A_189 = arith.cmpi sgt, %jit3A_179, %sign3A_188 : i32
      %sign3A_190 = arith.extui %sign3A_189 : i1 to i32
      %sign3A_191 = arith.constant 0 : i32
      %sign3A_192 = arith.cmpi slt, %jit3A_179, %sign3A_191 : i32
      %sign3A_193 = arith.extui %sign3A_192 : i1 to i32
      %sign3A_194 = arith.subi %sign3A_190, %sign3A_193 : i32
      %ne3A_195 = arith.cmpi ne, %sign3A_187, %sign3A_194 : i32
      %rem3A_196 = arith.remsi %scan3A_178, %jit3A_179 : i32
      %ne3A_197 = arith.constant 0 : i32
      %ne3A_198 = arith.cmpi ne, %rem3A_196, %ne3A_197 : i32
      %and3A_199 = arith.andi %ne3A_195, %ne3A_198 : i1
      %sub3A_200 = arith.constant 1 : i32
      %sub3A_201 = arith.subi %div3A_180, %sub3A_200 : i32
      %select_n3A_202 = arith.select %and3A_199, %sub3A_201, %div3A_180 : i32
      %jit3A_203 = arith.constant 2 : i32
      %eq3A_204 = arith.constant 0 : i32
      %eq3A_205 = arith.cmpi eq, %jit3A_203, %eq3A_204 : i32
      %jit3A_206 = arith.constant 1 : i32
      %select_n3A_207 = arith.select %eq3A_205, %jit3A_206, %jit3A_203 : i32
      %rem3A_208 = arith.remsi %scan3A_178, %select_n3A_207 : i32
      %ne3A_209 = arith.constant 0 : i32
      %ne3A_210 = arith.cmpi ne, %rem3A_208, %ne3A_209 : i32
      %lt3A_211 = arith.constant 0 : i32
      %lt3A_212 = arith.cmpi slt, %rem3A_208, %lt3A_211 : i32
      %lt3A_213 = arith.constant 0 : i32
      %lt3A_214 = arith.cmpi slt, %select_n3A_207, %lt3A_213 : i32
      %ne3A_215 = arith.xori %lt3A_212, %lt3A_214 : i1
      %and3A_216 = arith.andi %ne3A_215, %ne3A_210 : i1
      %add3A_217 = arith.addi %rem3A_208, %select_n3A_207 : i32
      %select_n3A_218 = arith.select %and3A_216, %add3A_217, %rem3A_208 : i32
      %mul3A_219 = arith.constant 16 : i32
      %mul3A_220 = arith.muli %select_n3A_218, %mul3A_219 : i32
      %get3A_221 = arith.index_cast %select_n3A_202 : i32 to index
      %get3A_222 = arith.index_cast %mul3A_220 : i32 to index
      %get3A_223 = tpu.vector_load %arg6[%get3A_221, %get3A_222] {strides = array<i32>} : memref<1250x32xf32, #tpu.memory_space<vmem>>, vector<16xf32>,
      %mul3A_224 = arith.constant 0.999899983 : f32
      %mul3A_225 = vector.broadcast %mul3A_224 : f32 to vector<16xf32>
      %mul3A_226 = arith.mulf %get3A_223, %mul3A_225 : vector<16xf32>
      %swap3A_227 = arith.index_cast %select_n3A_202 : i32 to index
      %swap3A_228 = arith.index_cast %mul3A_220 : i32 to index
      %swap3A_229 = tpu.vector_load %arg6[%swap3A_227, %swap3A_228] {strides = array<i32>} : memref<1250x32xf32, #tpu.memory_space<vmem>>, vector<16xf32>,
      tpu.vector_store %arg6[%swap3A_227, %swap3A_228], %mul3A_226 {strides = array<i32>} : memref<1250x32xf32, #tpu.memory_space<vmem>>, vector<16xf32>,
      %scan3A_230 = arith.constant 0 : i32
      %scan3A_231 = arith.constant 2500 : i32
      "tpu.region"() ({
        %run_scoped3A = tpu.sem_alloc : memref<!tpu.dma_semaphore, #tpu.memory_space<semaphore_mem>>
        %dma_start3A = arith.constant 0 : i32
        %dma_start3A_233 = arith.constant 0 : i32
        %dma_start3A_234 = tpu.memref_slice %arg6[%dma_start3A, %dma_start3A_233] : memref<1250x32xf32, #tpu.memory_space<vmem>> -> memref<1250x32xf32, #tpu.memory_space<vmem>>
        %dma_start3A_235 = arith.constant 0 : i32
        %dma_start3A_236 = tpu.memref_slice %arg4[%add3A_20, %dma_start3A_235] : memref<1000008x32xf32, #tpu.memory_space<hbm>> -> memref<1250x32xf32, #tpu.memory_space<hbm>>
        %dma_start3A_237 = arith.constant 0 : i32
        %dma_start3A_238 = tpu.memref_slice %arg4[%add3A_20, %dma_start3A_237] : memref<1000008x32xf32, #tpu.memory_space<hbm>> -> memref<1250x32xf32, #tpu.memory_space<hbm>>
        %dma_start3A_239 = arith.constant 0 : i32
        %dma_start3A_240 = arith.constant 0 : i32
        %dma_start3A_241 = tpu.memref_slice %arg6[%dma_start3A_239, %dma_start3A_240] : memref<1250x32xf32, #tpu.memory_space<vmem>> -> memref<1250x32xf32, #tpu.memory_space<vmem>>
        tpu.enqueue_dma source(%dma_start3A_241 : memref<1250x32xf32, #tpu.memory_space<vmem>>) target(%dma_start3A_238 : memref<1250x32xf32, #tpu.memory_space<hbm>>) target_semaphore(%run_scoped3A : memref<!tpu.dma_semaphore, #tpu.memory_space<semaphore_mem>>)
        %dma_wait3A = arith.constant 0 : i32
        %dma_wait3A_242 = arith.constant 0 : i32
        %dma_wait3A_243 = tpu.memref_slice %arg6[%dma_wait3A, %dma_wait3A_242] : memref<1250x32xf32, #tpu.memory_space<vmem>> -> memref<1250x32xf32, #tpu.memory_space<vmem>>
        %dma_wait3A_244 = arith.constant 0 : i32
        %dma_wait3A_245 = tpu.memref_slice %arg4[%add3A_20, %dma_wait3A_244] : memref<1000008x32xf32, #tpu.memory_space<hbm>> -> memref<1250x32xf32, #tpu.memory_space<hbm>>
        %dma_wait3A_246 = arith.constant 0 : i32
        %dma_wait3A_247 = tpu.memref_slice %arg4[%add3A_20, %dma_wait3A_246] : memref<1000008x32xf32, #tpu.memory_space<hbm>> -> memref<1250x32xf32, #tpu.memory_space<hbm>>
        %dma_wait3A_248 = arith.constant 0 : i32
        %dma_wait3A_249 = arith.constant 0 : i32
        %dma_wait3A_250 = tpu.memref_slice %arg6[%dma_wait3A_248, %dma_wait3A_249] : memref<1250x32xf32, #tpu.memory_space<vmem>> -> memref<1250x32xf32, #tpu.memory_space<vmem>>
        tpu.wait_dma2 semaphore(%run_scoped3A : memref<!tpu.dma_semaphore, #tpu.memory_space<semaphore_mem>>) src(%dma_wait3A_250 : memref<1250x32xf32, #tpu.memory_space<vmem>>) dst(%dma_wait3A_247 : memref<1250x32xf32, #tpu.memory_space<hbm>>)
        tpu.yield
      }) : () -> ()
      %scan3A_232 = arith.constant 0 : i32
      scf.yield %scan3A_232 : i32
    }
    %scan3A_6 = arith.constant 25 : i32
    %scan3A_7 = arith.constant 0 : i32
    %scan3A_8 = arith.constant 0 : i32
    %scan3A_9 = arith.constant 5 : i32
    %scan3A_10 = arith.addi %scan3A_8, %scan3A_9 : i32
    %scan3A_11 = arith.constant 1 : i32
    %scan3A_12 = scf.for %scan3A_14 = %scan3A_8 to %scan3A_10 step %scan3A_11 iter_args(%scan3A_15 = %scan3A_7) -> (i32)  : i32 {
      %mul3A_16 = arith.constant 3125 : i32
      %mul3A_17 = arith.muli %add3A, %mul3A_16 : i32
      %mul3A_18 = arith.constant 625 : i32
      %mul3A_19 = arith.muli %scan3A_14, %mul3A_18 : i32
      %add3A_20 = arith.addi %mul3A_17, %mul3A_19 : i32
      "tpu.region"() ({
        %run_scoped3A = tpu.sem_alloc : memref<!tpu.dma_semaphore, #tpu.memory_space<semaphore_mem>>
        %dma_start3A = arith.constant 0 : i32
        %dma_start3A_125 = arith.constant 0 : i32
        %dma_start3A_126 = tpu.memref_slice %arg6[%dma_start3A, %dma_start3A_125] : memref<1250x32xf32, #tpu.memory_space<vmem>> -> memref<625x32xf32, #tpu.memory_space<vmem>>
        %dma_start3A_127 = arith.constant 0 : i32
        %dma_start3A_128 = tpu.memref_slice %arg3[%add3A_20, %dma_start3A_127] : memref<100000x32xf32, #tpu.memory_space<hbm>> -> memref<625x32xf32, #tpu.memory_space<hbm>>
        %dma_start3A_129 = arith.constant 0 : i32
        %dma_start3A_130 = arith.constant 0 : i32
        %dma_start3A_131 = tpu.memref_slice %arg6[%dma_start3A_129, %dma_start3A_130] : memref<1250x32xf32, #tpu.memory_space<vmem>> -> memref<625x32xf32, #tpu.memory_space<vmem>>
        %dma_start3A_132 = arith.constant 0 : i32
        %dma_start3A_133 = tpu.memref_slice %arg3[%add3A_20, %dma_start3A_132] : memref<100000x32xf32, #tpu.memory_space<hbm>> -> memref<625x32xf32, #tpu.memory_space<hbm>>
        tpu.enqueue_dma source(%dma_start3A_133 : memref<625x32xf32, #tpu.memory_space<hbm>>) target(%dma_start3A_131 : memref<625x32xf32, #tpu.memory_space<vmem>>) target_semaphore(%run_scoped3A : memref<!tpu.dma_semaphore, #tpu.memory_space<semaphore_mem>>)
        %dma_wait3A = arith.constant 0 : i32
        %dma_wait3A_134 = arith.constant 0 : i32
        %dma_wait3A_135 = tpu.memref_slice %arg6[%dma_wait3A, %dma_wait3A_134] : memref<1250x32xf32, #tpu.memory_space<vmem>> -> memref<625x32xf32, #tpu.memory_space<vmem>>
        %dma_wait3A_136 = arith.constant 0 : i32
        %dma_wait3A_137 = tpu.memref_slice %arg3[%add3A_20, %dma_wait3A_136] : memref<100000x32xf32, #tpu.memory_space<hbm>> -> memref<625x32xf32, #tpu.memory_space<hbm>>
        %dma_wait3A_138 = arith.constant 0 : i32
        %dma_wait3A_139 = arith.constant 0 : i32
        %dma_wait3A_140 = tpu.memref_slice %arg6[%dma_wait3A_138, %dma_wait3A_139] : memref<1250x32xf32, #tpu.memory_space<vmem>> -> memref<625x32xf32, #tpu.memory_space<vmem>>
        %dma_wait3A_141 = arith.constant 0 : i32
        %dma_wait3A_142 = tpu.memref_slice %arg3[%add3A_20, %dma_wait3A_141] : memref<100000x32xf32, #tpu.memory_space<hbm>> -> memref<625x32xf32, #tpu.memory_space<hbm>>
        tpu.wait_dma2 semaphore(%run_scoped3A : memref<!tpu.dma_semaphore, #tpu.memory_space<semaphore_mem>>) src(%dma_wait3A_142 : memref<625x32xf32, #tpu.memory_space<hbm>>) dst(%dma_wait3A_140 : memref<625x32xf32, #tpu.memory_space<vmem>>)
        tpu.yield
      }) : () -> ()
      %scan3A_21 = arith.constant 0 : i32
      %scan3A_22 = arith.constant 0 : i32
      %scan3A_23 = arith.constant 1248 : i32
      %scan3A_24 = arith.addi %scan3A_22, %scan3A_23 : i32
      %scan3A_25 = arith.constant 8 : i32
      %scan3A_26 = scf.for %scan3A_125 = %scan3A_22 to %scan3A_24 step %scan3A_25 iter_args(%scan3A_126 = %scan3A_21) -> (i32)  : i32 {
        %jit3A_127 = arith.constant 2 : i32
        %div3A_128 = arith.divsi %scan3A_125, %jit3A_127 : i32
        %sign3A_129 = arith.constant 0 : i32
        %sign3A_130 = arith.cmpi sgt, %scan3A_125, %sign3A_129 : i32
        %sign3A_131 = arith.extui %sign3A_130 : i1 to i32
        %sign3A_132 = arith.constant 0 : i32
        %sign3A_133 = arith.cmpi slt, %scan3A_125, %sign3A_132 : i32
        %sign3A_134 = arith.extui %sign3A_133 : i1 to i32
        %sign3A_135 = arith.subi %sign3A_131, %sign3A_134 : i32
        %sign3A_136 = arith.constant 0 : i32
        %sign3A_137 = arith.cmpi sgt, %jit3A_127, %sign3A_136 : i32
        %sign3A_138 = arith.extui %sign3A_137 : i1 to i32
        %sign3A_139 = arith.constant 0 : i32
        %sign3A_140 = arith.cmpi slt, %jit3A_127, %sign3A_139 : i32
        %sign3A_141 = arith.extui %sign3A_140 : i1 to i32
        %sign3A_142 = arith.subi %sign3A_138, %sign3A_141 : i32
        %ne3A_143 = arith.cmpi ne, %sign3A_135, %sign3A_142 : i32
        %rem3A_144 = arith.remsi %scan3A_125, %jit3A_127 : i32
        %ne3A_145 = arith.constant 0 : i32
        %ne3A_146 = arith.cmpi ne, %rem3A_144, %ne3A_145 : i32
        %and3A_147 = arith.andi %ne3A_143, %ne3A_146 : i1
        %sub3A_148 = arith.constant 1 : i32
        %sub3A_149 = arith.subi %div3A_128, %sub3A_148 : i32
        %select_n3A_150 = arith.select %and3A_147, %sub3A_149, %div3A_128 : i32
        %jit3A_151 = arith.constant 2 : i32
        %eq3A_152 = arith.constant 0 : i32
        %eq3A_153 = arith.cmpi eq, %jit3A_151, %eq3A_152 : i32
        %jit3A_154 = arith.constant 1 : i32
        %select_n3A_155 = arith.select %eq3A_153, %jit3A_154, %jit3A_151 : i32
        %rem3A_156 = arith.remsi %scan3A_125, %select_n3A_155 : i32
        %ne3A_157 = arith.constant 0 : i32
        %ne3A_158 = arith.cmpi ne, %rem3A_156, %ne3A_157 : i32
        %lt3A_159 = arith.constant 0 : i32
        %lt3A_160 = arith.cmpi slt, %rem3A_156, %lt3A_159 : i32
        %lt3A_161 = arith.constant 0 : i32
        %lt3A_162 = arith.cmpi slt, %select_n3A_155, %lt3A_161 : i32
        %ne3A_163 = arith.xori %lt3A_160, %lt3A_162 : i1
        %and3A_164 = arith.andi %ne3A_163, %ne3A_158 : i1
        %add3A_165 = arith.addi %rem3A_156, %select_n3A_155 : i32
        %select_n3A_166 = arith.select %and3A_164, %add3A_165, %rem3A_156 : i32
        %mul3A_167 = arith.constant 16 : i32
        %mul3A_168 = arith.muli %select_n3A_166, %mul3A_167 : i32
        %get3A_169 = arith.index_cast %select_n3A_150 : i32 to index
        %get3A_170 = arith.index_cast %mul3A_168 : i32 to index
        %get3A_171 = tpu.vector_load %arg6[%get3A_169, %get3A_170] {strides = array<i32>} : memref<1250x32xf32, #tpu.memory_space<vmem>>, vector<16xf32>,
        %mul3A_172 = arith.constant 0.999899983 : f32
        %mul3A_173 = vector.broadcast %mul3A_172 : f32 to vector<16xf32>
        %mul3A_174 = arith.mulf %get3A_171, %mul3A_173 : vector<16xf32>
        %swap3A_175 = arith.index_cast %select_n3A_150 : i32 to index
        %swap3A_176 = arith.index_cast %mul3A_168 : i32 to index
        %swap3A_177 = tpu.vector_load %arg6[%swap3A_175, %swap3A_176] {strides = array<i32>} : memref<1250x32xf32, #tpu.memory_space<vmem>>, vector<16xf32>,
        tpu.vector_store %arg6[%swap3A_175, %swap3A_176], %mul3A_174 {strides = array<i32>} : memref<1250x32xf32, #tpu.memory_space<vmem>>, vector<16xf32>,
        %scan3A_178 = arith.constant 0 : i32
        %scan3A_179 = arith.constant 1 : i32
        %scan3A_180 = arith.addi %scan3A_125, %scan3A_179 : i32
        %jit3A_181 = arith.constant 2 : i32
        %div3A_182 = arith.divsi %scan3A_180, %jit3A_181 : i32
        %sign3A_183 = arith.constant 0 : i32
        %sign3A_184 = arith.cmpi sgt, %scan3A_180, %sign3A_183 : i32
        %sign3A_185 = arith.extui %sign3A_184 : i1 to i32
        %sign3A_186 = arith.constant 0 : i32
        %sign3A_187 = arith.cmpi slt, %scan3A_180, %sign3A_186 : i32
        %sign3A_188 = arith.extui %sign3A_187 : i1 to i32
        %sign3A_189 = arith.subi %sign3A_185, %sign3A_188 : i32
        %sign3A_190 = arith.constant 0 : i32
        %sign3A_191 = arith.cmpi sgt, %jit3A_181, %sign3A_190 : i32
        %sign3A_192 = arith.extui %sign3A_191 : i1 to i32
        %sign3A_193 = arith.constant 0 : i32
        %sign3A_194 = arith.cmpi slt, %jit3A_181, %sign3A_193 : i32
        %sign3A_195 = arith.extui %sign3A_194 : i1 to i32
        %sign3A_196 = arith.subi %sign3A_192, %sign3A_195 : i32
        %ne3A_197 = arith.cmpi ne, %sign3A_189, %sign3A_196 : i32
        %rem3A_198 = arith.remsi %scan3A_180, %jit3A_181 : i32
        %ne3A_199 = arith.constant 0 : i32
        %ne3A_200 = arith.cmpi ne, %rem3A_198, %ne3A_199 : i32
        %and3A_201 = arith.andi %ne3A_197, %ne3A_200 : i1
        %sub3A_202 = arith.constant 1 : i32
        %sub3A_203 = arith.subi %div3A_182, %sub3A_202 : i32
        %select_n3A_204 = arith.select %and3A_201, %sub3A_203, %div3A_182 : i32
        %jit3A_205 = arith.constant 2 : i32
        %eq3A_206 = arith.constant 0 : i32
        %eq3A_207 = arith.cmpi eq, %jit3A_205, %eq3A_206 : i32
        %jit3A_208 = arith.constant 1 : i32
        %select_n3A_209 = arith.select %eq3A_207, %jit3A_208, %jit3A_205 : i32
        %rem3A_210 = arith.remsi %scan3A_180, %select_n3A_209 : i32
        %ne3A_211 = arith.constant 0 : i32
        %ne3A_212 = arith.cmpi ne, %rem3A_210, %ne3A_211 : i32
        %lt3A_213 = arith.constant 0 : i32
        %lt3A_214 = arith.cmpi slt, %rem3A_210, %lt3A_213 : i32
        %lt3A_215 = arith.constant 0 : i32
        %lt3A_216 = arith.cmpi slt, %select_n3A_209, %lt3A_215 : i32
        %ne3A_217 = arith.xori %lt3A_214, %lt3A_216 : i1
        %and3A_218 = arith.andi %ne3A_217, %ne3A_212 : i1
        %add3A_219 = arith.addi %rem3A_210, %select_n3A_209 : i32
        %select_n3A_220 = arith.select %and3A_218, %add3A_219, %rem3A_210 : i32
        %mul3A_221 = arith.constant 16 : i32
        %mul3A_222 = arith.muli %select_n3A_220, %mul3A_221 : i32
        %get3A_223 = arith.index_cast %select_n3A_204 : i32 to index
        %get3A_224 = arith.index_cast %mul3A_222 : i32 to index
        %get3A_225 = tpu.vector_load %arg6[%get3A_223, %get3A_224] {strides = array<i32>} : memref<1250x32xf32, #tpu.memory_space<vmem>>, vector<16xf32>,
        %mul3A_226 = arith.constant 0.999899983 : f32
        %mul3A_227 = vector.broadcast %mul3A_226 : f32 to vector<16xf32>
        %mul3A_228 = arith.mulf %get3A_225, %mul3A_227 : vector<16xf32>
        %swap3A_229 = arith.index_cast %select_n3A_204 : i32 to index
        %swap3A_230 = arith.index_cast %mul3A_222 : i32 to index
        %swap3A_231 = tpu.vector_load %arg6[%swap3A_229, %swap3A_230] {strides = array<i32>} : memref<1250x32xf32, #tpu.memory_space<vmem>>, vector<16xf32>,
        tpu.vector_store %arg6[%swap3A_229, %swap3A_230], %mul3A_228 {strides = array<i32>} : memref<1250x32xf32, #tpu.memory_space<vmem>>, vector<16xf32>,
        %scan3A_232 = arith.constant 0 : i32
        %scan3A_233 = arith.constant 2 : i32
        %scan3A_234 = arith.addi %scan3A_125, %scan3A_233 : i32
        %jit3A_235 = arith.constant 2 : i32
        %div3A_236 = arith.divsi %scan3A_234, %jit3A_235 : i32
        %sign3A_237 = arith.constant 0 : i32
        %sign3A_238 = arith.cmpi sgt, %scan3A_234, %sign3A_237 : i32
        %sign3A_239 = arith.extui %sign3A_238 : i1 to i32
        %sign3A_240 = arith.constant 0 : i32
        %sign3A_241 = arith.cmpi slt, %scan3A_234, %sign3A_240 : i32
        %sign3A_242 = arith.extui %sign3A_241 : i1 to i32
        %sign3A_243 = arith.subi %sign3A_239, %sign3A_242 : i32
        %sign3A_244 = arith.constant 0 : i32
        %sign3A_245 = arith.cmpi sgt, %jit3A_235, %sign3A_244 : i32
        %sign3A_246 = arith.extui %sign3A_245 : i1 to i32
        %sign3A_247 = arith.constant 0 : i32
        %sign3A_248 = arith.cmpi slt, %jit3A_235, %sign3A_247 : i32
        %sign3A_249 = arith.extui %sign3A_248 : i1 to i32
        %sign3A_250 = arith.subi %sign3A_246, %sign3A_249 : i32
        %ne3A_251 = arith.cmpi ne, %sign3A_243, %sign3A_250 : i32
        %rem3A_252 = arith.remsi %scan3A_234, %jit3A_235 : i32
        %ne3A_253 = arith.constant 0 : i32
        %ne3A_254 = arith.cmpi ne, %rem3A_252, %ne3A_253 : i32
        %and3A_255 = arith.andi %ne3A_251, %ne3A_254 : i1
        %sub3A_256 = arith.constant 1 : i32
        %sub3A_257 = arith.subi %div3A_236, %sub3A_256 : i32
        %select_n3A_258 = arith.select %and3A_255, %sub3A_257, %div3A_236 : i32
        %jit3A_259 = arith.constant 2 : i32
        %eq3A_260 = arith.constant 0 : i32
        %eq3A_261 = arith.cmpi eq, %jit3A_259, %eq3A_260 : i32
        %jit3A_262 = arith.constant 1 : i32
        %select_n3A_263 = arith.select %eq3A_261, %jit3A_262, %jit3A_259 : i32
        %rem3A_264 = arith.remsi %scan3A_234, %select_n3A_263 : i32
        %ne3A_265 = arith.constant 0 : i32
        %ne3A_266 = arith.cmpi ne, %rem3A_264, %ne3A_265 : i32
        %lt3A_267 = arith.constant 0 : i32
        %lt3A_268 = arith.cmpi slt, %rem3A_264, %lt3A_267 : i32
        %lt3A_269 = arith.constant 0 : i32
        %lt3A_270 = arith.cmpi slt, %select_n3A_263, %lt3A_269 : i32
        %ne3A_271 = arith.xori %lt3A_268, %lt3A_270 : i1
        %and3A_272 = arith.andi %ne3A_271, %ne3A_266 : i1
        %add3A_273 = arith.addi %rem3A_264, %select_n3A_263 : i32
        %select_n3A_274 = arith.select %and3A_272, %add3A_273, %rem3A_264 : i32
        %mul3A_275 = arith.constant 16 : i32
        %mul3A_276 = arith.muli %select_n3A_274, %mul3A_275 : i32
        %get3A_277 = arith.index_cast %select_n3A_258 : i32 to index
        %get3A_278 = arith.index_cast %mul3A_276 : i32 to index
        %get3A_279 = tpu.vector_load %arg6[%get3A_277, %get3A_278] {strides = array<i32>} : memref<1250x32xf32, #tpu.memory_space<vmem>>, vector<16xf32>,
        %mul3A_280 = arith.constant 0.999899983 : f32
        %mul3A_281 = vector.broadcast %mul3A_280 : f32 to vector<16xf32>
        %mul3A_282 = arith.mulf %get3A_279, %mul3A_281 : vector<16xf32>
        %swap3A_283 = arith.index_cast %select_n3A_258 : i32 to index
        %swap3A_284 = arith.index_cast %mul3A_276 : i32 to index
        %swap3A_285 = tpu.vector_load %arg6[%swap3A_283, %swap3A_284] {strides = array<i32>} : memref<1250x32xf32, #tpu.memory_space<vmem>>, vector<16xf32>,
        tpu.vector_store %arg6[%swap3A_283, %swap3A_284], %mul3A_282 {strides = array<i32>} : memref<1250x32xf32, #tpu.memory_space<vmem>>, vector<16xf32>,
        %scan3A_286 = arith.constant 0 : i32
        %scan3A_287 = arith.constant 3 : i32
        %scan3A_288 = arith.addi %scan3A_125, %scan3A_287 : i32
        %jit3A_289 = arith.constant 2 : i32
        %div3A_290 = arith.divsi %scan3A_288, %jit3A_289 : i32
        %sign3A_291 = arith.constant 0 : i32
        %sign3A_292 = arith.cmpi sgt, %scan3A_288, %sign3A_291 : i32
        %sign3A_293 = arith.extui %sign3A_292 : i1 to i32
        %sign3A_294 = arith.constant 0 : i32
        %sign3A_295 = arith.cmpi slt, %scan3A_288, %sign3A_294 : i32
        %sign3A_296 = arith.extui %sign3A_295 : i1 to i32
        %sign3A_297 = arith.subi %sign3A_293, %sign3A_296 : i32
        %sign3A_298 = arith.constant 0 : i32
        %sign3A_299 = arith.cmpi sgt, %jit3A_289, %sign3A_298 : i32
        %sign3A_300 = arith.extui %sign3A_299 : i1 to i32
        %sign3A_301 = arith.constant 0 : i32
        %sign3A_302 = arith.cmpi slt, %jit3A_289, %sign3A_301 : i32
        %sign3A_303 = arith.extui %sign3A_302 : i1 to i32
        %sign3A_304 = arith.subi %sign3A_300, %sign3A_303 : i32
        %ne3A_305 = arith.cmpi ne, %sign3A_297, %sign3A_304 : i32
        %rem3A_306 = arith.remsi %scan3A_288, %jit3A_289 : i32
        %ne3A_307 = arith.constant 0 : i32
        %ne3A_308 = arith.cmpi ne, %rem3A_306, %ne3A_307 : i32
        %and3A_309 = arith.andi %ne3A_305, %ne3A_308 : i1
        %sub3A_310 = arith.constant 1 : i32
        %sub3A_311 = arith.subi %div3A_290, %sub3A_310 : i32
        %select_n3A_312 = arith.select %and3A_309, %sub3A_311, %div3A_290 : i32
        %jit3A_313 = arith.constant 2 : i32
        %eq3A_314 = arith.constant 0 : i32
        %eq3A_315 = arith.cmpi eq, %jit3A_313, %eq3A_314 : i32
        %jit3A_316 = arith.constant 1 : i32
        %select_n3A_317 = arith.select %eq3A_315, %jit3A_316, %jit3A_313 : i32
        %rem3A_318 = arith.remsi %scan3A_288, %select_n3A_317 : i32
        %ne3A_319 = arith.constant 0 : i32
        %ne3A_320 = arith.cmpi ne, %rem3A_318, %ne3A_319 : i32
        %lt3A_321 = arith.constant 0 : i32
        %lt3A_322 = arith.cmpi slt, %rem3A_318, %lt3A_321 : i32
        %lt3A_323 = arith.constant 0 : i32
        %lt3A_324 = arith.cmpi slt, %select_n3A_317, %lt3A_323 : i32
        %ne3A_325 = arith.xori %lt3A_322, %lt3A_324 : i1
        %and3A_326 = arith.andi %ne3A_325, %ne3A_320 : i1
        %add3A_327 = arith.addi %rem3A_318, %select_n3A_317 : i32
        %select_n3A_328 = arith.select %and3A_326, %add3A_327, %rem3A_318 : i32
        %mul3A_329 = arith.constant 16 : i32
        %mul3A_330 = arith.muli %select_n3A_328, %mul3A_329 : i32
        %get3A_331 = arith.index_cast %select_n3A_312 : i32 to index
        %get3A_332 = arith.index_cast %mul3A_330 : i32 to index
        %get3A_333 = tpu.vector_load %arg6[%get3A_331, %get3A_332] {strides = array<i32>} : memref<1250x32xf32, #tpu.memory_space<vmem>>, vector<16xf32>,
        %mul3A_334 = arith.constant 0.999899983 : f32
        %mul3A_335 = vector.broadcast %mul3A_334 : f32 to vector<16xf32>
        %mul3A_336 = arith.mulf %get3A_333, %mul3A_335 : vector<16xf32>
        %swap3A_337 = arith.index_cast %select_n3A_312 : i32 to index
        %swap3A_338 = arith.index_cast %mul3A_330 : i32 to index
        %swap3A_339 = tpu.vector_load %arg6[%swap3A_337, %swap3A_338] {strides = array<i32>} : memref<1250x32xf32, #tpu.memory_space<vmem>>, vector<16xf32>,
        tpu.vector_store %arg6[%swap3A_337, %swap3A_338], %mul3A_336 {strides = array<i32>} : memref<1250x32xf32, #tpu.memory_space<vmem>>, vector<16xf32>,
        %scan3A_340 = arith.constant 0 : i32
        %scan3A_341 = arith.constant 4 : i32
        %scan3A_342 = arith.addi %scan3A_125, %scan3A_341 : i32
        %jit3A_343 = arith.constant 2 : i32
        %div3A_344 = arith.divsi %scan3A_342, %jit3A_343 : i32
        %sign3A_345 = arith.constant 0 : i32
        %sign3A_346 = arith.cmpi sgt, %scan3A_342, %sign3A_345 : i32
        %sign3A_347 = arith.extui %sign3A_346 : i1 to i32
        %sign3A_348 = arith.constant 0 : i32
        %sign3A_349 = arith.cmpi slt, %scan3A_342, %sign3A_348 : i32
        %sign3A_350 = arith.extui %sign3A_349 : i1 to i32
        %sign3A_351 = arith.subi %sign3A_347, %sign3A_350 : i32
        %sign3A_352 = arith.constant 0 : i32
        %sign3A_353 = arith.cmpi sgt, %jit3A_343, %sign3A_352 : i32
        %sign3A_354 = arith.extui %sign3A_353 : i1 to i32
        %sign3A_355 = arith.constant 0 : i32
        %sign3A_356 = arith.cmpi slt, %jit3A_343, %sign3A_355 : i32
        %sign3A_357 = arith.extui %sign3A_356 : i1 to i32
        %sign3A_358 = arith.subi %sign3A_354, %sign3A_357 : i32
        %ne3A_359 = arith.cmpi ne, %sign3A_351, %sign3A_358 : i32
        %rem3A_360 = arith.remsi %scan3A_342, %jit3A_343 : i32
        %ne3A_361 = arith.constant 0 : i32
        %ne3A_362 = arith.cmpi ne, %rem3A_360, %ne3A_361 : i32
        %and3A_363 = arith.andi %ne3A_359, %ne3A_362 : i1
        %sub3A_364 = arith.constant 1 : i32
        %sub3A_365 = arith.subi %div3A_344, %sub3A_364 : i32
        %select_n3A_366 = arith.select %and3A_363, %sub3A_365, %div3A_344 : i32
        %jit3A_367 = arith.constant 2 : i32
        %eq3A_368 = arith.constant 0 : i32
        %eq3A_369 = arith.cmpi eq, %jit3A_367, %eq3A_368 : i32
        %jit3A_370 = arith.constant 1 : i32
        %select_n3A_371 = arith.select %eq3A_369, %jit3A_370, %jit3A_367 : i32
        %rem3A_372 = arith.remsi %scan3A_342, %select_n3A_371 : i32
        %ne3A_373 = arith.constant 0 : i32
        %ne3A_374 = arith.cmpi ne, %rem3A_372, %ne3A_373 : i32
        %lt3A_375 = arith.constant 0 : i32
        %lt3A_376 = arith.cmpi slt, %rem3A_372, %lt3A_375 : i32
        %lt3A_377 = arith.constant 0 : i32
        %lt3A_378 = arith.cmpi slt, %select_n3A_371, %lt3A_377 : i32
        %ne3A_379 = arith.xori %lt3A_376, %lt3A_378 : i1
        %and3A_380 = arith.andi %ne3A_379, %ne3A_374 : i1
        %add3A_381 = arith.addi %rem3A_372, %select_n3A_371 : i32
        %select_n3A_382 = arith.select %and3A_380, %add3A_381, %rem3A_372 : i32
        %mul3A_383 = arith.constant 16 : i32
        %mul3A_384 = arith.muli %select_n3A_382, %mul3A_383 : i32
        %get3A_385 = arith.index_cast %select_n3A_366 : i32 to index
        %get3A_386 = arith.index_cast %mul3A_384 : i32 to index
        %get3A_387 = tpu.vector_load %arg6[%get3A_385, %get3A_386] {strides = array<i32>} : memref<1250x32xf32, #tpu.memory_space<vmem>>, vector<16xf32>,
        %mul3A_388 = arith.constant 0.999899983 : f32
        %mul3A_389 = vector.broadcast %mul3A_388 : f32 to vector<16xf32>
        %mul3A_390 = arith.mulf %get3A_387, %mul3A_389 : vector<16xf32>
        %swap3A_391 = arith.index_cast %select_n3A_366 : i32 to index
        %swap3A_392 = arith.index_cast %mul3A_384 : i32 to index
        %swap3A_393 = tpu.vector_load %arg6[%swap3A_391, %swap3A_392] {strides = array<i32>} : memref<1250x32xf32, #tpu.memory_space<vmem>>, vector<16xf32>,
        tpu.vector_store %arg6[%swap3A_391, %swap3A_392], %mul3A_390 {strides = array<i32>} : memref<1250x32xf32, #tpu.memory_space<vmem>>, vector<16xf32>,
        %scan3A_394 = arith.constant 0 : i32
        %scan3A_395 = arith.constant 5 : i32
        %scan3A_396 = arith.addi %scan3A_125, %scan3A_395 : i32
        %jit3A_397 = arith.constant 2 : i32
        %div3A_398 = arith.divsi %scan3A_396, %jit3A_397 : i32
        %sign3A_399 = arith.constant 0 : i32
        %sign3A_400 = arith.cmpi sgt, %scan3A_396, %sign3A_399 : i32
        %sign3A_401 = arith.extui %sign3A_400 : i1 to i32
        %sign3A_402 = arith.constant 0 : i32
        %sign3A_403 = arith.cmpi slt, %scan3A_396, %sign3A_402 : i32
        %sign3A_404 = arith.extui %sign3A_403 : i1 to i32
        %sign3A_405 = arith.subi %sign3A_401, %sign3A_404 : i32
        %sign3A_406 = arith.constant 0 : i32
        %sign3A_407 = arith.cmpi sgt, %jit3A_397, %sign3A_406 : i32
        %sign3A_408 = arith.extui %sign3A_407 : i1 to i32
        %sign3A_409 = arith.constant 0 : i32
        %sign3A_410 = arith.cmpi slt, %jit3A_397, %sign3A_409 : i32
        %sign3A_411 = arith.extui %sign3A_410 : i1 to i32
        %sign3A_412 = arith.subi %sign3A_408, %sign3A_411 : i32
        %ne3A_413 = arith.cmpi ne, %sign3A_405, %sign3A_412 : i32
        %rem3A_414 = arith.remsi %scan3A_396, %jit3A_397 : i32
        %ne3A_415 = arith.constant 0 : i32
        %ne3A_416 = arith.cmpi ne, %rem3A_414, %ne3A_415 : i32
        %and3A_417 = arith.andi %ne3A_413, %ne3A_416 : i1
        %sub3A_418 = arith.constant 1 : i32
        %sub3A_419 = arith.subi %div3A_398, %sub3A_418 : i32
        %select_n3A_420 = arith.select %and3A_417, %sub3A_419, %div3A_398 : i32
        %jit3A_421 = arith.constant 2 : i32
        %eq3A_422 = arith.constant 0 : i32
        %eq3A_423 = arith.cmpi eq, %jit3A_421, %eq3A_422 : i32
        %jit3A_424 = arith.constant 1 : i32
        %select_n3A_425 = arith.select %eq3A_423, %jit3A_424, %jit3A_421 : i32
        %rem3A_426 = arith.remsi %scan3A_396, %select_n3A_425 : i32
        %ne3A_427 = arith.constant 0 : i32
        %ne3A_428 = arith.cmpi ne, %rem3A_426, %ne3A_427 : i32
        %lt3A_429 = arith.constant 0 : i32
        %lt3A_430 = arith.cmpi slt, %rem3A_426, %lt3A_429 : i32
        %lt3A_431 = arith.constant 0 : i32
        %lt3A_432 = arith.cmpi slt, %select_n3A_425, %lt3A_431 : i32
        %ne3A_433 = arith.xori %lt3A_430, %lt3A_432 : i1
        %and3A_434 = arith.andi %ne3A_433, %ne3A_428 : i1
        %add3A_435 = arith.addi %rem3A_426, %select_n3A_425 : i32
        %select_n3A_436 = arith.select %and3A_434, %add3A_435, %rem3A_426 : i32
        %mul3A_437 = arith.constant 16 : i32
        %mul3A_438 = arith.muli %select_n3A_436, %mul3A_437 : i32
        %get3A_439 = arith.index_cast %select_n3A_420 : i32 to index
        %get3A_440 = arith.index_cast %mul3A_438 : i32 to index
        %get3A_441 = tpu.vector_load %arg6[%get3A_439, %get3A_440] {strides = array<i32>} : memref<1250x32xf32, #tpu.memory_space<vmem>>, vector<16xf32>,
        %mul3A_442 = arith.constant 0.999899983 : f32
        %mul3A_443 = vector.broadcast %mul3A_442 : f32 to vector<16xf32>
        %mul3A_444 = arith.mulf %get3A_441, %mul3A_443 : vector<16xf32>
        %swap3A_445 = arith.index_cast %select_n3A_420 : i32 to index
        %swap3A_446 = arith.index_cast %mul3A_438 : i32 to index
        %swap3A_447 = tpu.vector_load %arg6[%swap3A_445, %swap3A_446] {strides = array<i32>} : memref<1250x32xf32, #tpu.memory_space<vmem>>, vector<16xf32>,
        tpu.vector_store %arg6[%swap3A_445, %swap3A_446], %mul3A_444 {strides = array<i32>} : memref<1250x32xf32, #tpu.memory_space<vmem>>, vector<16xf32>,
        %scan3A_448 = arith.constant 0 : i32
        %scan3A_449 = arith.constant 6 : i32
        %scan3A_450 = arith.addi %scan3A_125, %scan3A_449 : i32
        %jit3A_451 = arith.constant 2 : i32
        %div3A_452 = arith.divsi %scan3A_450, %jit3A_451 : i32
        %sign3A_453 = arith.constant 0 : i32
        %sign3A_454 = arith.cmpi sgt, %scan3A_450, %sign3A_453 : i32
        %sign3A_455 = arith.extui %sign3A_454 : i1 to i32
        %sign3A_456 = arith.constant 0 : i32
        %sign3A_457 = arith.cmpi slt, %scan3A_450, %sign3A_456 : i32
        %sign3A_458 = arith.extui %sign3A_457 : i1 to i32
        %sign3A_459 = arith.subi %sign3A_455, %sign3A_458 : i32
        %sign3A_460 = arith.constant 0 : i32
        %sign3A_461 = arith.cmpi sgt, %jit3A_451, %sign3A_460 : i32
        %sign3A_462 = arith.extui %sign3A_461 : i1 to i32
        %sign3A_463 = arith.constant 0 : i32
        %sign3A_464 = arith.cmpi slt, %jit3A_451, %sign3A_463 : i32
        %sign3A_465 = arith.extui %sign3A_464 : i1 to i32
        %sign3A_466 = arith.subi %sign3A_462, %sign3A_465 : i32
        %ne3A_467 = arith.cmpi ne, %sign3A_459, %sign3A_466 : i32
        %rem3A_468 = arith.remsi %scan3A_450, %jit3A_451 : i32
        %ne3A_469 = arith.constant 0 : i32
        %ne3A_470 = arith.cmpi ne, %rem3A_468, %ne3A_469 : i32
        %and3A_471 = arith.andi %ne3A_467, %ne3A_470 : i1
        %sub3A_472 = arith.constant 1 : i32
        %sub3A_473 = arith.subi %div3A_452, %sub3A_472 : i32
        %select_n3A_474 = arith.select %and3A_471, %sub3A_473, %div3A_452 : i32
        %jit3A_475 = arith.constant 2 : i32
        %eq3A_476 = arith.constant 0 : i32
        %eq3A_477 = arith.cmpi eq, %jit3A_475, %eq3A_476 : i32
        %jit3A_478 = arith.constant 1 : i32
        %select_n3A_479 = arith.select %eq3A_477, %jit3A_478, %jit3A_475 : i32
        %rem3A_480 = arith.remsi %scan3A_450, %select_n3A_479 : i32
        %ne3A_481 = arith.constant 0 : i32
        %ne3A_482 = arith.cmpi ne, %rem3A_480, %ne3A_481 : i32
        %lt3A_483 = arith.constant 0 : i32
        %lt3A_484 = arith.cmpi slt, %rem3A_480, %lt3A_483 : i32
        %lt3A_485 = arith.constant 0 : i32
        %lt3A_486 = arith.cmpi slt, %select_n3A_479, %lt3A_485 : i32
        %ne3A_487 = arith.xori %lt3A_484, %lt3A_486 : i1
        %and3A_488 = arith.andi %ne3A_487, %ne3A_482 : i1
        %add3A_489 = arith.addi %rem3A_480, %select_n3A_479 : i32
        %select_n3A_490 = arith.select %and3A_488, %add3A_489, %rem3A_480 : i32
        %mul3A_491 = arith.constant 16 : i32
        %mul3A_492 = arith.muli %select_n3A_490, %mul3A_491 : i32
        %get3A_493 = arith.index_cast %select_n3A_474 : i32 to index
        %get3A_494 = arith.index_cast %mul3A_492 : i32 to index
        %get3A_495 = tpu.vector_load %arg6[%get3A_493, %get3A_494] {strides = array<i32>} : memref<1250x32xf32, #tpu.memory_space<vmem>>, vector<16xf32>,
        %mul3A_496 = arith.constant 0.999899983 : f32
        %mul3A_497 = vector.broadcast %mul3A_496 : f32 to vector<16xf32>
        %mul3A_498 = arith.mulf %get3A_495, %mul3A_497 : vector<16xf32>
        %swap3A_499 = arith.index_cast %select_n3A_474 : i32 to index
        %swap3A_500 = arith.index_cast %mul3A_492 : i32 to index
        %swap3A_501 = tpu.vector_load %arg6[%swap3A_499, %swap3A_500] {strides = array<i32>} : memref<1250x32xf32, #tpu.memory_space<vmem>>, vector<16xf32>,
        tpu.vector_store %arg6[%swap3A_499, %swap3A_500], %mul3A_498 {strides = array<i32>} : memref<1250x32xf32, #tpu.memory_space<vmem>>, vector<16xf32>,
        %scan3A_502 = arith.constant 0 : i32
        %scan3A_503 = arith.constant 7 : i32
        %scan3A_504 = arith.addi %scan3A_125, %scan3A_503 : i32
        %jit3A_505 = arith.constant 2 : i32
        %div3A_506 = arith.divsi %scan3A_504, %jit3A_505 : i32
        %sign3A_507 = arith.constant 0 : i32
        %sign3A_508 = arith.cmpi sgt, %scan3A_504, %sign3A_507 : i32
        %sign3A_509 = arith.extui %sign3A_508 : i1 to i32
        %sign3A_510 = arith.constant 0 : i32
        %sign3A_511 = arith.cmpi slt, %scan3A_504, %sign3A_510 : i32
        %sign3A_512 = arith.extui %sign3A_511 : i1 to i32
        %sign3A_513 = arith.subi %sign3A_509, %sign3A_512 : i32
        %sign3A_514 = arith.constant 0 : i32
        %sign3A_515 = arith.cmpi sgt, %jit3A_505, %sign3A_514 : i32
        %sign3A_516 = arith.extui %sign3A_515 : i1 to i32
        %sign3A_517 = arith.constant 0 : i32
        %sign3A_518 = arith.cmpi slt, %jit3A_505, %sign3A_517 : i32
        %sign3A_519 = arith.extui %sign3A_518 : i1 to i32
        %sign3A_520 = arith.subi %sign3A_516, %sign3A_519 : i32
        %ne3A_521 = arith.cmpi ne, %sign3A_513, %sign3A_520 : i32
        %rem3A_522 = arith.remsi %scan3A_504, %jit3A_505 : i32
        %ne3A_523 = arith.constant 0 : i32
        %ne3A_524 = arith.cmpi ne, %rem3A_522, %ne3A_523 : i32
        %and3A_525 = arith.andi %ne3A_521, %ne3A_524 : i1
        %sub3A_526 = arith.constant 1 : i32
        %sub3A_527 = arith.subi %div3A_506, %sub3A_526 : i32
        %select_n3A_528 = arith.select %and3A_525, %sub3A_527, %div3A_506 : i32
        %jit3A_529 = arith.constant 2 : i32
        %eq3A_530 = arith.constant 0 : i32
        %eq3A_531 = arith.cmpi eq, %jit3A_529, %eq3A_530 : i32
        %jit3A_532 = arith.constant 1 : i32
        %select_n3A_533 = arith.select %eq3A_531, %jit3A_532, %jit3A_529 : i32
        %rem3A_534 = arith.remsi %scan3A_504, %select_n3A_533 : i32
        %ne3A_535 = arith.constant 0 : i32
        %ne3A_536 = arith.cmpi ne, %rem3A_534, %ne3A_535 : i32
        %lt3A_537 = arith.constant 0 : i32
        %lt3A_538 = arith.cmpi slt, %rem3A_534, %lt3A_537 : i32
        %lt3A_539 = arith.constant 0 : i32
        %lt3A_540 = arith.cmpi slt, %select_n3A_533, %lt3A_539 : i32
        %ne3A_541 = arith.xori %lt3A_538, %lt3A_540 : i1
        %and3A_542 = arith.andi %ne3A_541, %ne3A_536 : i1
        %add3A_543 = arith.addi %rem3A_534, %select_n3A_533 : i32
        %select_n3A_544 = arith.select %and3A_542, %add3A_543, %rem3A_534 : i32
        %mul3A_545 = arith.constant 16 : i32
        %mul3A_546 = arith.muli %select_n3A_544, %mul3A_545 : i32
        %get3A_547 = arith.index_cast %select_n3A_528 : i32 to index
        %get3A_548 = arith.index_cast %mul3A_546 : i32 to index
        %get3A_549 = tpu.vector_load %arg6[%get3A_547, %get3A_548] {strides = array<i32>} : memref<1250x32xf32, #tpu.memory_space<vmem>>, vector<16xf32>,
        %mul3A_550 = arith.constant 0.999899983 : f32
        %mul3A_551 = vector.broadcast %mul3A_550 : f32 to vector<16xf32>
        %mul3A_552 = arith.mulf %get3A_549, %mul3A_551 : vector<16xf32>
        %swap3A_553 = arith.index_cast %select_n3A_528 : i32 to index
        %swap3A_554 = arith.index_cast %mul3A_546 : i32 to index
        %swap3A_555 = tpu.vector_load %arg6[%swap3A_553, %swap3A_554] {strides = array<i32>} : memref<1250x32xf32, #tpu.memory_space<vmem>>, vector<16xf32>,
        tpu.vector_store %arg6[%swap3A_553, %swap3A_554], %mul3A_552 {strides = array<i32>} : memref<1250x32xf32, #tpu.memory_space<vmem>>, vector<16xf32>,
        %scan3A_556 = arith.constant 0 : i32
        scf.yield %scan3A_556 : i32
      }
      %scan3A_27 = arith.constant 1248 : i32
      %scan3A_28 = arith.addi %scan3A_22, %scan3A_27 : i32
      %jit3A = arith.constant 2 : i32
      %div3A = arith.divsi %scan3A_28, %jit3A : i32
      %sign3A = arith.constant 0 : i32
      %sign3A_29 = arith.cmpi sgt, %scan3A_28, %sign3A : i32
      %sign3A_30 = arith.extui %sign3A_29 : i1 to i32
      %sign3A_31 = arith.constant 0 : i32
      %sign3A_32 = arith.cmpi slt, %scan3A_28, %sign3A_31 : i32
      %sign3A_33 = arith.extui %sign3A_32 : i1 to i32
      %sign3A_34 = arith.subi %sign3A_30, %sign3A_33 : i32
      %sign3A_35 = arith.constant 0 : i32
      %sign3A_36 = arith.cmpi sgt, %jit3A, %sign3A_35 : i32
      %sign3A_37 = arith.extui %sign3A_36 : i1 to i32
      %sign3A_38 = arith.constant 0 : i32
      %sign3A_39 = arith.cmpi slt, %jit3A, %sign3A_38 : i32
      %sign3A_40 = arith.extui %sign3A_39 : i1 to i32
      %sign3A_41 = arith.subi %sign3A_37, %sign3A_40 : i32
      %ne3A = arith.cmpi ne, %sign3A_34, %sign3A_41 : i32
      %rem3A = arith.remsi %scan3A_28, %jit3A : i32
      %ne3A_42 = arith.constant 0 : i32
      %ne3A_43 = arith.cmpi ne, %rem3A, %ne3A_42 : i32
      %and3A = arith.andi %ne3A, %ne3A_43 : i1
      %sub3A = arith.constant 1 : i32
      %sub3A_44 = arith.subi %div3A, %sub3A : i32
      %select_n3A = arith.select %and3A, %sub3A_44, %div3A : i32
      %jit3A_45 = arith.constant 2 : i32
      %eq3A = arith.constant 0 : i32
      %eq3A_46 = arith.cmpi eq, %jit3A_45, %eq3A : i32
      %jit3A_47 = arith.constant 1 : i32
      %select_n3A_48 = arith.select %eq3A_46, %jit3A_47, %jit3A_45 : i32
      %rem3A_49 = arith.remsi %scan3A_28, %select_n3A_48 : i32
      %ne3A_50 = arith.constant 0 : i32
      %ne3A_51 = arith.cmpi ne, %rem3A_49, %ne3A_50 : i32
      %lt3A = arith.constant 0 : i32
      %lt3A_52 = arith.cmpi slt, %rem3A_49, %lt3A : i32
      %lt3A_53 = arith.constant 0 : i32
      %lt3A_54 = arith.cmpi slt, %select_n3A_48, %lt3A_53 : i32
      %ne3A_55 = arith.xori %lt3A_52, %lt3A_54 : i1
      %and3A_56 = arith.andi %ne3A_55, %ne3A_51 : i1
      %add3A_57 = arith.addi %rem3A_49, %select_n3A_48 : i32
      %select_n3A_58 = arith.select %and3A_56, %add3A_57, %rem3A_49 : i32
      %mul3A_59 = arith.constant 16 : i32
      %mul3A_60 = arith.muli %select_n3A_58, %mul3A_59 : i32
      %get3A = arith.index_cast %select_n3A : i32 to index
      %get3A_61 = arith.index_cast %mul3A_60 : i32 to index
      %get3A_62 = tpu.vector_load %arg6[%get3A, %get3A_61] {strides = array<i32>} : memref<1250x32xf32, #tpu.memory_space<vmem>>, vector<16xf32>,
      %mul3A_63 = arith.constant 0.999899983 : f32
      %mul3A_64 = vector.broadcast %mul3A_63 : f32 to vector<16xf32>
      %mul3A_65 = arith.mulf %get3A_62, %mul3A_64 : vector<16xf32>
      %swap3A = arith.index_cast %select_n3A : i32 to index
      %swap3A_66 = arith.index_cast %mul3A_60 : i32 to index
      %swap3A_67 = tpu.vector_load %arg6[%swap3A, %swap3A_66] {strides = array<i32>} : memref<1250x32xf32, #tpu.memory_space<vmem>>, vector<16xf32>,
      tpu.vector_store %arg6[%swap3A, %swap3A_66], %mul3A_65 {strides = array<i32>} : memref<1250x32xf32, #tpu.memory_space<vmem>>, vector<16xf32>,
      %scan3A_68 = arith.constant 0 : i32
      %scan3A_69 = arith.constant 1249 : i32
      %scan3A_70 = arith.addi %scan3A_22, %scan3A_69 : i32
      %jit3A_71 = arith.constant 2 : i32
      %div3A_72 = arith.divsi %scan3A_70, %jit3A_71 : i32
      %sign3A_73 = arith.constant 0 : i32
      %sign3A_74 = arith.cmpi sgt, %scan3A_70, %sign3A_73 : i32
      %sign3A_75 = arith.extui %sign3A_74 : i1 to i32
      %sign3A_76 = arith.constant 0 : i32
      %sign3A_77 = arith.cmpi slt, %scan3A_70, %sign3A_76 : i32
      %sign3A_78 = arith.extui %sign3A_77 : i1 to i32
      %sign3A_79 = arith.subi %sign3A_75, %sign3A_78 : i32
      %sign3A_80 = arith.constant 0 : i32
      %sign3A_81 = arith.cmpi sgt, %jit3A_71, %sign3A_80 : i32
      %sign3A_82 = arith.extui %sign3A_81 : i1 to i32
      %sign3A_83 = arith.constant 0 : i32
      %sign3A_84 = arith.cmpi slt, %jit3A_71, %sign3A_83 : i32
      %sign3A_85 = arith.extui %sign3A_84 : i1 to i32
      %sign3A_86 = arith.subi %sign3A_82, %sign3A_85 : i32
      %ne3A_87 = arith.cmpi ne, %sign3A_79, %sign3A_86 : i32
      %rem3A_88 = arith.remsi %scan3A_70, %jit3A_71 : i32
      %ne3A_89 = arith.constant 0 : i32
      %ne3A_90 = arith.cmpi ne, %rem3A_88, %ne3A_89 : i32
      %and3A_91 = arith.andi %ne3A_87, %ne3A_90 : i1
      %sub3A_92 = arith.constant 1 : i32
      %sub3A_93 = arith.subi %div3A_72, %sub3A_92 : i32
      %select_n3A_94 = arith.select %and3A_91, %sub3A_93, %div3A_72 : i32
      %jit3A_95 = arith.constant 2 : i32
      %eq3A_96 = arith.constant 0 : i32
      %eq3A_97 = arith.cmpi eq, %jit3A_95, %eq3A_96 : i32
      %jit3A_98 = arith.constant 1 : i32
      %select_n3A_99 = arith.select %eq3A_97, %jit3A_98, %jit3A_95 : i32
      %rem3A_100 = arith.remsi %scan3A_70, %select_n3A_99 : i32
      %ne3A_101 = arith.constant 0 : i32
      %ne3A_102 = arith.cmpi ne, %rem3A_100, %ne3A_101 : i32
      %lt3A_103 = arith.constant 0 : i32
      %lt3A_104 = arith.cmpi slt, %rem3A_100, %lt3A_103 : i32
      %lt3A_105 = arith.constant 0 : i32
      %lt3A_106 = arith.cmpi slt, %select_n3A_99, %lt3A_105 : i32
      %ne3A_107 = arith.xori %lt3A_104, %lt3A_106 : i1
      %and3A_108 = arith.andi %ne3A_107, %ne3A_102 : i1
      %add3A_109 = arith.addi %rem3A_100, %select_n3A_99 : i32
      %select_n3A_110 = arith.select %and3A_108, %add3A_109, %rem3A_100 : i32
      %mul3A_111 = arith.constant 16 : i32
      %mul3A_112 = arith.muli %select_n3A_110, %mul3A_111 : i32
      %get3A_113 = arith.index_cast %select_n3A_94 : i32 to index
      %get3A_114 = arith.index_cast %mul3A_112 : i32 to index
      %get3A_115 = tpu.vector_load %arg6[%get3A_113, %get3A_114] {strides = array<i32>} : memref<1250x32xf32, #tpu.memory_space<vmem>>, vector<16xf32>,
      %mul3A_116 = arith.constant 0.999899983 : f32
      %mul3A_117 = vector.broadcast %mul3A_116 : f32 to vector<16xf32>
      %mul3A_118 = arith.mulf %get3A_115, %mul3A_117 : vector<16xf32>
      %swap3A_119 = arith.index_cast %select_n3A_94 : i32 to index
      %swap3A_120 = arith.index_cast %mul3A_112 : i32 to index
      %swap3A_121 = tpu.vector_load %arg6[%swap3A_119, %swap3A_120] {strides = array<i32>} : memref<1250x32xf32, #tpu.memory_space<vmem>>, vector<16xf32>,
      tpu.vector_store %arg6[%swap3A_119, %swap3A_120], %mul3A_118 {strides = array<i32>} : memref<1250x32xf32, #tpu.memory_space<vmem>>, vector<16xf32>,
      %scan3A_122 = arith.constant 0 : i32
      %scan3A_123 = arith.constant 1250 : i32
      "tpu.region"() ({
        %run_scoped3A = tpu.sem_alloc : memref<!tpu.dma_semaphore, #tpu.memory_space<semaphore_mem>>
        %dma_start3A = arith.constant 0 : i32
        %dma_start3A_125 = arith.constant 0 : i32
        %dma_start3A_126 = tpu.memref_slice %arg6[%dma_start3A, %dma_start3A_125] : memref<1250x32xf32, #tpu.memory_space<vmem>> -> memref<625x32xf32, #tpu.memory_space<vmem>>
        %dma_start3A_127 = arith.constant 0 : i32
        %dma_start3A_128 = tpu.memref_slice %arg5[%add3A_20, %dma_start3A_127] : memref<100008x32xf32, #tpu.memory_space<hbm>> -> memref<625x32xf32, #tpu.memory_space<hbm>>
        %dma_start3A_129 = arith.constant 0 : i32
        %dma_start3A_130 = tpu.memref_slice %arg5[%add3A_20, %dma_start3A_129] : memref<100008x32xf32, #tpu.memory_space<hbm>> -> memref<625x32xf32, #tpu.memory_space<hbm>>
        %dma_start3A_131 = arith.constant 0 : i32
        %dma_start3A_132 = arith.constant 0 : i32
        %dma_start3A_133 = tpu.memref_slice %arg6[%dma_start3A_131, %dma_start3A_132] : memref<1250x32xf32, #tpu.memory_space<vmem>> -> memref<625x32xf32, #tpu.memory_space<vmem>>
        tpu.enqueue_dma source(%dma_start3A_133 : memref<625x32xf32, #tpu.memory_space<vmem>>) target(%dma_start3A_130 : memref<625x32xf32, #tpu.memory_space<hbm>>) target_semaphore(%run_scoped3A : memref<!tpu.dma_semaphore, #tpu.memory_space<semaphore_mem>>)
        %dma_wait3A = arith.constant 0 : i32
        %dma_wait3A_134 = arith.constant 0 : i32
        %dma_wait3A_135 = tpu.memref_slice %arg6[%dma_wait3A, %dma_wait3A_134] : memref<1250x32xf32, #tpu.memory_space<vmem>> -> memref<625x32xf32, #tpu.memory_space<vmem>>
        %dma_wait3A_136 = arith.constant 0 : i32
        %dma_wait3A_137 = tpu.memref_slice %arg5[%add3A_20, %dma_wait3A_136] : memref<100008x32xf32, #tpu.memory_space<hbm>> -> memref<625x32xf32, #tpu.memory_space<hbm>>
        %dma_wait3A_138 = arith.constant 0 : i32
        %dma_wait3A_139 = tpu.memref_slice %arg5[%add3A_20, %dma_wait3A_138] : memref<100008x32xf32, #tpu.memory_space<hbm>> -> memref<625x32xf32, #tpu.memory_space<hbm>>
        %dma_wait3A_140 = arith.constant 0 : i32
        %dma_wait3A_141 = arith.constant 0 : i32
        %dma_wait3A_142 = tpu.memref_slice %arg6[%dma_wait3A_140, %dma_wait3A_141] : memref<1250x32xf32, #tpu.memory_space<vmem>> -> memref<625x32xf32, #tpu.memory_space<vmem>>
        tpu.wait_dma2 semaphore(%run_scoped3A : memref<!tpu.dma_semaphore, #tpu.memory_space<semaphore_mem>>) src(%dma_wait3A_142 : memref<625x32xf32, #tpu.memory_space<vmem>>) dst(%dma_wait3A_139 : memref<625x32xf32, #tpu.memory_space<hbm>>)
        tpu.yield
      }) : () -> ()
      %scan3A_124 = arith.constant 0 : i32
      scf.yield %scan3A_124 : i32
    }
    %scan3A_13 = arith.constant 5 : i32
    return
  }
}

#map = affine_map<(d0, d1) -> (0, 0)>
module attributes {stable_mosaic.version = 14 : i64} {
  func.func @new_body(%arg0: i32, %arg1: i32, %arg2: memref<1000008x32xf32, #tpu.memory_space<hbm>>, %arg3: memref<100008x32xf32, #tpu.memory_space<hbm>>, %arg4: memref<1000000x32xf32, #tpu.memory_space<hbm>>, %arg5: memref<100000x32xf32, #tpu.memory_space<hbm>>, %arg6: memref<16384x32xf32, #tpu.memory_space<hbm>>, %arg7: memref<16384x32xf32, #tpu.memory_space<hbm>>, %arg8: memref<128x128xi32, #tpu.memory_space<hbm>>, %arg9: memref<128x128xi32, #tpu.memory_space<hbm>>, %arg10: memref<1000008x32xf32, #tpu.memory_space<hbm>>, %arg11: memref<100008x32xf32, #tpu.memory_space<hbm>>, %arg12: memref<500008xi32, #tpu.memory_space<vmem_shared>>, %arg13: memref<16384x32xf32, #tpu.memory_space<vmem_shared>>, %arg14: memref<16384xf32, #tpu.memory_space<vmem_shared>>, %arg15: memref<8x128xi32, #tpu.memory_space<vmem>>, %arg16: memref<8x128xi32, #tpu.memory_space<vmem>>, %arg17: memref<8x128xi32, #tpu.memory_space<vmem>>, %arg18: memref<8x128xi32, #tpu.memory_space<vmem>>, %arg19: memref<1024xi32, #tpu.memory_space<vmem>>, %arg20: memref<1024xf32, #tpu.memory_space<vmem>>, %arg21: memref<1024xf32, #tpu.memory_space<vmem>>, %arg22: memref<128x32xf32, #tpu.memory_space<vmem>>, %arg23: memref<128x32xf32, #tpu.memory_space<vmem>>, %arg24: memref<128x32xf32, #tpu.memory_space<vmem>>, %arg25: memref<128x32xf32, #tpu.memory_space<vmem>>, %arg26: memref<128x32xf32, #tpu.memory_space<vmem>>, %arg27: memref<128xf32, #tpu.memory_space<vmem>>, %arg28: memref<128xf32, #tpu.memory_space<vmem>>) attributes {dimension_semantics = [#tpu.dimension_semantics<core_parallel>, #tpu.dimension_semantics<subcore_parallel>], iteration_bounds = array<i64: 2, 16>, scalar_prefetch = 0 : i64, scratch_operands = 17 : i64, tpu.core_type = #tpu.core_type<sc_vector_subcore>, window_params = [{transform_indices = #map}, {transform_indices = #map}, {transform_indices = #map}, {transform_indices = #map}, {transform_indices = #map}, {transform_indices = #map}, {transform_indices = #map}, {transform_indices = #map}, {transform_indices = #map}, {transform_indices = #map}]} {
    %mul3A = arith.constant 1024 : i32
    %mul3A_0 = arith.muli %arg1, %mul3A : i32
    %iota3A = tpu.iota {dimensions = array<i32: 0>} : vector<16xi32>
    %broadcast_in_dim3A = arith.constant 0.000000e+00 : f32
    %broadcast_in_dim3A_1 = vector.broadcast %broadcast_in_dim3A : f32 to vector<16xf32>
    %broadcast_in_dim3A_2 = arith.constant 1.000000e+00 : f32
    %broadcast_in_dim3A_3 = vector.broadcast %broadcast_in_dim3A_2 : f32 to vector<16xf32>
    %swap3A = arith.constant 0 : index
    %swap3A_4 = tpu.vector_load %arg27[%swap3A] {strides = array<i32>} : memref<128xf32, #tpu.memory_space<vmem>>, vector<16xf32>,
    tpu.vector_store %arg27[%swap3A], %broadcast_in_dim3A_1 {strides = array<i32>} : memref<128xf32, #tpu.memory_space<vmem>>, vector<16xf32>,
    %swap3A_5 = arith.constant 0 : index
    %swap3A_6 = tpu.vector_load %arg28[%swap3A_5] {strides = array<i32>} : memref<128xf32, #tpu.memory_space<vmem>>, vector<16xf32>,
    tpu.vector_store %arg28[%swap3A_5], %broadcast_in_dim3A_3 {strides = array<i32>} : memref<128xf32, #tpu.memory_space<vmem>>, vector<16xf32>,
    %swap3A_7 = arith.constant 16 : index
    %swap3A_8 = tpu.vector_load %arg27[%swap3A_7] {strides = array<i32>} : memref<128xf32, #tpu.memory_space<vmem>>, vector<16xf32>,
    tpu.vector_store %arg27[%swap3A_7], %broadcast_in_dim3A_1 {strides = array<i32>} : memref<128xf32, #tpu.memory_space<vmem>>, vector<16xf32>,
    %swap3A_9 = arith.constant 16 : index
    %swap3A_10 = tpu.vector_load %arg28[%swap3A_9] {strides = array<i32>} : memref<128xf32, #tpu.memory_space<vmem>>, vector<16xf32>,
    tpu.vector_store %arg28[%swap3A_9], %broadcast_in_dim3A_3 {strides = array<i32>} : memref<128xf32, #tpu.memory_space<vmem>>, vector<16xf32>,
    %swap3A_11 = arith.constant 32 : index
    %swap3A_12 = tpu.vector_load %arg27[%swap3A_11] {strides = array<i32>} : memref<128xf32, #tpu.memory_space<vmem>>, vector<16xf32>,
    tpu.vector_store %arg27[%swap3A_11], %broadcast_in_dim3A_1 {strides = array<i32>} : memref<128xf32, #tpu.memory_space<vmem>>, vector<16xf32>,
    %swap3A_13 = arith.constant 32 : index
    %swap3A_14 = tpu.vector_load %arg28[%swap3A_13] {strides = array<i32>} : memref<128xf32, #tpu.memory_space<vmem>>, vector<16xf32>,
    tpu.vector_store %arg28[%swap3A_13], %broadcast_in_dim3A_3 {strides = array<i32>} : memref<128xf32, #tpu.memory_space<vmem>>, vector<16xf32>,
    %swap3A_15 = arith.constant 48 : index
    %swap3A_16 = tpu.vector_load %arg27[%swap3A_15] {strides = array<i32>} : memref<128xf32, #tpu.memory_space<vmem>>, vector<16xf32>,
    tpu.vector_store %arg27[%swap3A_15], %broadcast_in_dim3A_1 {strides = array<i32>} : memref<128xf32, #tpu.memory_space<vmem>>, vector<16xf32>,
    %swap3A_17 = arith.constant 48 : index
    %swap3A_18 = tpu.vector_load %arg28[%swap3A_17] {strides = array<i32>} : memref<128xf32, #tpu.memory_space<vmem>>, vector<16xf32>,
    tpu.vector_store %arg28[%swap3A_17], %broadcast_in_dim3A_3 {strides = array<i32>} : memref<128xf32, #tpu.memory_space<vmem>>, vector<16xf32>,
    %swap3A_19 = arith.constant 64 : index
    %swap3A_20 = tpu.vector_load %arg27[%swap3A_19] {strides = array<i32>} : memref<128xf32, #tpu.memory_space<vmem>>, vector<16xf32>,
    tpu.vector_store %arg27[%swap3A_19], %broadcast_in_dim3A_1 {strides = array<i32>} : memref<128xf32, #tpu.memory_space<vmem>>, vector<16xf32>,
    %swap3A_21 = arith.constant 64 : index
    %swap3A_22 = tpu.vector_load %arg28[%swap3A_21] {strides = array<i32>} : memref<128xf32, #tpu.memory_space<vmem>>, vector<16xf32>,
    tpu.vector_store %arg28[%swap3A_21], %broadcast_in_dim3A_3 {strides = array<i32>} : memref<128xf32, #tpu.memory_space<vmem>>, vector<16xf32>,
    %swap3A_23 = arith.constant 80 : index
    %swap3A_24 = tpu.vector_load %arg27[%swap3A_23] {strides = array<i32>} : memref<128xf32, #tpu.memory_space<vmem>>, vector<16xf32>,
    tpu.vector_store %arg27[%swap3A_23], %broadcast_in_dim3A_1 {strides = array<i32>} : memref<128xf32, #tpu.memory_space<vmem>>, vector<16xf32>,
    %swap3A_25 = arith.constant 80 : index
    %swap3A_26 = tpu.vector_load %arg28[%swap3A_25] {strides = array<i32>} : memref<128xf32, #tpu.memory_space<vmem>>, vector<16xf32>,
    tpu.vector_store %arg28[%swap3A_25], %broadcast_in_dim3A_3 {strides = array<i32>} : memref<128xf32, #tpu.memory_space<vmem>>, vector<16xf32>,
    %swap3A_27 = arith.constant 96 : index
    %swap3A_28 = tpu.vector_load %arg27[%swap3A_27] {strides = array<i32>} : memref<128xf32, #tpu.memory_space<vmem>>, vector<16xf32>,
    tpu.vector_store %arg27[%swap3A_27], %broadcast_in_dim3A_1 {strides = array<i32>} : memref<128xf32, #tpu.memory_space<vmem>>, vector<16xf32>,
    %swap3A_29 = arith.constant 96 : index
    %swap3A_30 = tpu.vector_load %arg28[%swap3A_29] {strides = array<i32>} : memref<128xf32, #tpu.memory_space<vmem>>, vector<16xf32>,
    tpu.vector_store %arg28[%swap3A_29], %broadcast_in_dim3A_3 {strides = array<i32>} : memref<128xf32, #tpu.memory_space<vmem>>, vector<16xf32>,
    %swap3A_31 = arith.constant 112 : index
    %swap3A_32 = tpu.vector_load %arg27[%swap3A_31] {strides = array<i32>} : memref<128xf32, #tpu.memory_space<vmem>>, vector<16xf32>,
    tpu.vector_store %arg27[%swap3A_31], %broadcast_in_dim3A_1 {strides = array<i32>} : memref<128xf32, #tpu.memory_space<vmem>>, vector<16xf32>,
    %swap3A_33 = arith.constant 112 : index
    %swap3A_34 = tpu.vector_load %arg28[%swap3A_33] {strides = array<i32>} : memref<128xf32, #tpu.memory_space<vmem>>, vector<16xf32>,
    tpu.vector_store %arg28[%swap3A_33], %broadcast_in_dim3A_3 {strides = array<i32>} : memref<128xf32, #tpu.memory_space<vmem>>, vector<16xf32>,
    %scan3A = arith.constant 0 : i32
    %scan3A_35 = arith.constant 0 : i32
    %scan3A_36 = arith.constant 256 : i32
    %scan3A_37 = arith.addi %scan3A_35, %scan3A_36 : i32
    %scan3A_38 = arith.constant 1 : i32
    %scan3A_39 = scf.for %scan3A_48 = %scan3A_35 to %scan3A_37 step %scan3A_38 iter_args(%scan3A_49 = %scan3A) -> (i32)  : i32 {
      %jit3A = arith.constant 2 : i32
      %div3A = arith.divsi %scan3A_48, %jit3A : i32
      %sign3A = arith.constant 0 : i32
      %sign3A_50 = arith.cmpi sgt, %scan3A_48, %sign3A : i32
      %sign3A_51 = arith.extui %sign3A_50 : i1 to i32
      %sign3A_52 = arith.constant 0 : i32
      %sign3A_53 = arith.cmpi slt, %scan3A_48, %sign3A_52 : i32
      %sign3A_54 = arith.extui %sign3A_53 : i1 to i32
      %sign3A_55 = arith.subi %sign3A_51, %sign3A_54 : i32
      %sign3A_56 = arith.constant 0 : i32
      %sign3A_57 = arith.cmpi sgt, %jit3A, %sign3A_56 : i32
      %sign3A_58 = arith.extui %sign3A_57 : i1 to i32
      %sign3A_59 = arith.constant 0 : i32
      %sign3A_60 = arith.cmpi slt, %jit3A, %sign3A_59 : i32
      %sign3A_61 = arith.extui %sign3A_60 : i1 to i32
      %sign3A_62 = arith.subi %sign3A_58, %sign3A_61 : i32
      %ne3A = arith.cmpi ne, %sign3A_55, %sign3A_62 : i32
      %rem3A = arith.remsi %scan3A_48, %jit3A : i32
      %ne3A_63 = arith.constant 0 : i32
      %ne3A_64 = arith.cmpi ne, %rem3A, %ne3A_63 : i32
      %and3A = arith.andi %ne3A, %ne3A_64 : i1
      %sub3A = arith.constant 1 : i32
      %sub3A_65 = arith.subi %div3A, %sub3A : i32
      %select_n3A = arith.select %and3A, %sub3A_65, %div3A : i32
      %jit3A_66 = arith.constant 2 : i32
      %eq3A_67 = arith.constant 0 : i32
      %eq3A_68 = arith.cmpi eq, %jit3A_66, %eq3A_67 : i32
      %jit3A_69 = arith.constant 1 : i32
      %select_n3A_70 = arith.select %eq3A_68, %jit3A_69, %jit3A_66 : i32
      %rem3A_71 = arith.remsi %scan3A_48, %select_n3A_70 : i32
      %ne3A_72 = arith.constant 0 : i32
      %ne3A_73 = arith.cmpi ne, %rem3A_71, %ne3A_72 : i32
      %lt3A = arith.constant 0 : i32
      %lt3A_74 = arith.cmpi slt, %rem3A_71, %lt3A : i32
      %lt3A_75 = arith.constant 0 : i32
      %lt3A_76 = arith.cmpi slt, %select_n3A_70, %lt3A_75 : i32
      %ne3A_77 = arith.xori %lt3A_74, %lt3A_76 : i1
      %and3A_78 = arith.andi %ne3A_77, %ne3A_73 : i1
      %add3A = arith.addi %rem3A_71, %select_n3A_70 : i32
      %select_n3A_79 = arith.select %and3A_78, %add3A, %rem3A_71 : i32
      %mul3A_80 = arith.constant 16 : i32
      %mul3A_81 = arith.muli %select_n3A_79, %mul3A_80 : i32
      %swap3A_82 = arith.index_cast %select_n3A : i32 to index
      %swap3A_83 = arith.index_cast %mul3A_81 : i32 to index
      %swap3A_84 = tpu.vector_load %arg26[%swap3A_82, %swap3A_83] {strides = array<i32>} : memref<128x32xf32, #tpu.memory_space<vmem>>, vector<16xf32>,
      tpu.vector_store %arg26[%swap3A_82, %swap3A_83], %broadcast_in_dim3A_1 {strides = array<i32>} : memref<128x32xf32, #tpu.memory_space<vmem>>, vector<16xf32>,
      %scan3A_85 = arith.constant 0 : i32
      scf.yield %scan3A_85 : i32
    }
    %scan3A_40 = arith.constant 256 : i32
    %eq3A = arith.constant 0 : i32
    %eq3A_41 = arith.cmpi eq, %arg0, %eq3A : i32
    %convert_element_type3A = arith.extui %eq3A_41 : i1 to i32
    %cond3A = arith.constant 0 : i32
    %cond3A_42 = arith.cmpi ne, %convert_element_type3A, %cond3A : i32
    scf.if %cond3A_42 {
      %mul3A_48 = arith.constant 8 : i32
      %mul3A_49 = arith.muli %arg1, %mul3A_48 : i32
      "tpu.region"() ({
        %run_scoped3A = tpu.sem_alloc : memref<!tpu.dma_semaphore, #tpu.memory_space<semaphore_mem>>
        %dma_start3A = arith.constant 0 : i32
        %dma_start3A_157 = tpu.memref_slice %arg8[%mul3A_49, %dma_start3A] : memref<128x128xi32, #tpu.memory_space<hbm>> -> memref<8x128xi32, #tpu.memory_space<hbm>>
        %dma_start3A_158 = arith.constant 0 : i32
        %dma_start3A_159 = tpu.memref_slice %arg8[%mul3A_49, %dma_start3A_158] : memref<128x128xi32, #tpu.memory_space<hbm>> -> memref<8x128xi32, #tpu.memory_space<hbm>>
        tpu.enqueue_dma source(%dma_start3A_159 : memref<8x128xi32, #tpu.memory_space<hbm>>) target(%arg15 : memref<8x128xi32, #tpu.memory_space<vmem>>) target_semaphore(%run_scoped3A : memref<!tpu.dma_semaphore, #tpu.memory_space<semaphore_mem>>)
        %dma_wait3A = arith.constant 0 : i32
        %dma_wait3A_160 = tpu.memref_slice %arg8[%mul3A_49, %dma_wait3A] : memref<128x128xi32, #tpu.memory_space<hbm>> -> memref<8x128xi32, #tpu.memory_space<hbm>>
        %dma_wait3A_161 = arith.constant 0 : i32
        %dma_wait3A_162 = tpu.memref_slice %arg8[%mul3A_49, %dma_wait3A_161] : memref<128x128xi32, #tpu.memory_space<hbm>> -> memref<8x128xi32, #tpu.memory_space<hbm>>
        tpu.wait_dma2 semaphore(%run_scoped3A : memref<!tpu.dma_semaphore, #tpu.memory_space<semaphore_mem>>) src(%dma_wait3A_162 : memref<8x128xi32, #tpu.memory_space<hbm>>) dst(%arg15 : memref<8x128xi32, #tpu.memory_space<vmem>>)
        tpu.yield
      }) : () -> ()
      %scan3A_50 = arith.constant 0 : i32
      %scan3A_51 = arith.constant 0 : i32
      %scan3A_52 = arith.constant 64 : i32
      %scan3A_53 = arith.addi %scan3A_51, %scan3A_52 : i32
      %scan3A_54 = arith.constant 1 : i32
      %scan3A_55 = scf.for %scan3A_157 = %scan3A_51 to %scan3A_53 step %scan3A_54 iter_args(%scan3A_158 = %scan3A_50) -> (i32)  : i32 {
        %jit3A = arith.constant 8 : i32
        %div3A = arith.divsi %scan3A_157, %jit3A : i32
        %sign3A = arith.constant 0 : i32
        %sign3A_159 = arith.cmpi sgt, %scan3A_157, %sign3A : i32
        %sign3A_160 = arith.extui %sign3A_159 : i1 to i32
        %sign3A_161 = arith.constant 0 : i32
        %sign3A_162 = arith.cmpi slt, %scan3A_157, %sign3A_161 : i32
        %sign3A_163 = arith.extui %sign3A_162 : i1 to i32
        %sign3A_164 = arith.subi %sign3A_160, %sign3A_163 : i32
        %sign3A_165 = arith.constant 0 : i32
        %sign3A_166 = arith.cmpi sgt, %jit3A, %sign3A_165 : i32
        %sign3A_167 = arith.extui %sign3A_166 : i1 to i32
        %sign3A_168 = arith.constant 0 : i32
        %sign3A_169 = arith.cmpi slt, %jit3A, %sign3A_168 : i32
        %sign3A_170 = arith.extui %sign3A_169 : i1 to i32
        %sign3A_171 = arith.subi %sign3A_167, %sign3A_170 : i32
        %ne3A = arith.cmpi ne, %sign3A_164, %sign3A_171 : i32
        %rem3A = arith.remsi %scan3A_157, %jit3A : i32
        %ne3A_172 = arith.constant 0 : i32
        %ne3A_173 = arith.cmpi ne, %rem3A, %ne3A_172 : i32
        %and3A = arith.andi %ne3A, %ne3A_173 : i1
        %sub3A = arith.constant 1 : i32
        %sub3A_174 = arith.subi %div3A, %sub3A : i32
        %select_n3A = arith.select %and3A, %sub3A_174, %div3A : i32
        %jit3A_175 = arith.constant 8 : i32
        %eq3A_176 = arith.constant 0 : i32
        %eq3A_177 = arith.cmpi eq, %jit3A_175, %eq3A_176 : i32
        %jit3A_178 = arith.constant 1 : i32
        %select_n3A_179 = arith.select %eq3A_177, %jit3A_178, %jit3A_175 : i32
        %rem3A_180 = arith.remsi %scan3A_157, %select_n3A_179 : i32
        %ne3A_181 = arith.constant 0 : i32
        %ne3A_182 = arith.cmpi ne, %rem3A_180, %ne3A_181 : i32
        %lt3A = arith.constant 0 : i32
        %lt3A_183 = arith.cmpi slt, %rem3A_180, %lt3A : i32
        %lt3A_184 = arith.constant 0 : i32
        %lt3A_185 = arith.cmpi slt, %select_n3A_179, %lt3A_184 : i32
        %ne3A_186 = arith.xori %lt3A_183, %lt3A_185 : i1
        %and3A_187 = arith.andi %ne3A_186, %ne3A_182 : i1
        %add3A = arith.addi %rem3A_180, %select_n3A_179 : i32
        %select_n3A_188 = arith.select %and3A_187, %add3A, %rem3A_180 : i32
        %mul3A_189 = arith.constant 16 : i32
        %mul3A_190 = arith.muli %select_n3A_188, %mul3A_189 : i32
        %get3A = arith.index_cast %select_n3A : i32 to index
        %get3A_191 = arith.index_cast %mul3A_190 : i32 to index
        %get3A_192 = tpu.vector_load %arg15[%get3A, %get3A_191] {strides = array<i32>} : memref<8x128xi32, #tpu.memory_space<vmem>>, vector<16xi32>,
        %ge3A = arith.constant 0 : i32
        %ge3A_193 = vector.broadcast %ge3A : i32 to vector<16xi32>
        %ge3A_194 = arith.cmpi sge, %get3A_192, %ge3A_193 : vector<16xi32>
        %lt3A_195 = arith.constant 500000 : i32
        %lt3A_196 = vector.broadcast %lt3A_195 : i32 to vector<16xi32>
        %lt3A_197 = arith.cmpi slt, %get3A_192, %lt3A_196 : vector<16xi32>
        %and3A_198 = arith.andi %ge3A_194, %lt3A_197 : vector<16xi1>
        %sub3A_199 = arith.constant 0 : i32
        %sub3A_200 = vector.broadcast %sub3A_199 : i32 to vector<16xi32>
        %sub3A_201 = arith.subi %get3A_192, %sub3A_200 : vector<16xi32>
        %broadcast_in_dim3A_202 = arith.constant 500000 : i32
        %broadcast_in_dim3A_203 = vector.broadcast %broadcast_in_dim3A_202 : i32 to vector<16xi32>
        %select_n3A_204 = arith.select %and3A_198, %sub3A_201, %broadcast_in_dim3A_203 : vector<16xi1>, vector<16xi32>
        %jit3A_205 = arith.constant 8 : i32
        %div3A_206 = arith.divsi %scan3A_157, %jit3A_205 : i32
        %sign3A_207 = arith.constant 0 : i32
        %sign3A_208 = arith.cmpi sgt, %scan3A_157, %sign3A_207 : i32
        %sign3A_209 = arith.extui %sign3A_208 : i1 to i32
        %sign3A_210 = arith.constant 0 : i32
        %sign3A_211 = arith.cmpi slt, %scan3A_157, %sign3A_210 : i32
        %sign3A_212 = arith.extui %sign3A_211 : i1 to i32
        %sign3A_213 = arith.subi %sign3A_209, %sign3A_212 : i32
        %sign3A_214 = arith.constant 0 : i32
        %sign3A_215 = arith.cmpi sgt, %jit3A_205, %sign3A_214 : i32
        %sign3A_216 = arith.extui %sign3A_215 : i1 to i32
        %sign3A_217 = arith.constant 0 : i32
        %sign3A_218 = arith.cmpi slt, %jit3A_205, %sign3A_217 : i32
        %sign3A_219 = arith.extui %sign3A_218 : i1 to i32
        %sign3A_220 = arith.subi %sign3A_216, %sign3A_219 : i32
        %ne3A_221 = arith.cmpi ne, %sign3A_213, %sign3A_220 : i32
        %rem3A_222 = arith.remsi %scan3A_157, %jit3A_205 : i32
        %ne3A_223 = arith.constant 0 : i32
        %ne3A_224 = arith.cmpi ne, %rem3A_222, %ne3A_223 : i32
        %and3A_225 = arith.andi %ne3A_221, %ne3A_224 : i1
        %sub3A_226 = arith.constant 1 : i32
        %sub3A_227 = arith.subi %div3A_206, %sub3A_226 : i32
        %select_n3A_228 = arith.select %and3A_225, %sub3A_227, %div3A_206 : i32
        %jit3A_229 = arith.constant 8 : i32
        %eq3A_230 = arith.constant 0 : i32
        %eq3A_231 = arith.cmpi eq, %jit3A_229, %eq3A_230 : i32
        %jit3A_232 = arith.constant 1 : i32
        %select_n3A_233 = arith.select %eq3A_231, %jit3A_232, %jit3A_229 : i32
        %rem3A_234 = arith.remsi %scan3A_157, %select_n3A_233 : i32
        %ne3A_235 = arith.constant 0 : i32
        %ne3A_236 = arith.cmpi ne, %rem3A_234, %ne3A_235 : i32
        %lt3A_237 = arith.constant 0 : i32
        %lt3A_238 = arith.cmpi slt, %rem3A_234, %lt3A_237 : i32
        %lt3A_239 = arith.constant 0 : i32
        %lt3A_240 = arith.cmpi slt, %select_n3A_233, %lt3A_239 : i32
        %ne3A_241 = arith.xori %lt3A_238, %lt3A_240 : i1
        %and3A_242 = arith.andi %ne3A_241, %ne3A_236 : i1
        %add3A_243 = arith.addi %rem3A_234, %select_n3A_233 : i32
        %select_n3A_244 = arith.select %and3A_242, %add3A_243, %rem3A_234 : i32
        %mul3A_245 = arith.constant 16 : i32
        %mul3A_246 = arith.muli %select_n3A_244, %mul3A_245 : i32
        %swap3A_247 = arith.index_cast %select_n3A_228 : i32 to index
        %swap3A_248 = arith.index_cast %mul3A_246 : i32 to index
        %swap3A_249 = tpu.vector_load %arg16[%swap3A_247, %swap3A_248] {strides = array<i32>} : memref<8x128xi32, #tpu.memory_space<vmem>>, vector<16xi32>,
        tpu.vector_store %arg16[%swap3A_247, %swap3A_248], %select_n3A_204 {strides = array<i32>} : memref<8x128xi32, #tpu.memory_space<vmem>>, vector<16xi32>,
        %and3A_250 = arith.constant 7 : i32
        %and3A_251 = vector.broadcast %and3A_250 : i32 to vector<16xi32>
        %and3A_252 = arith.andi %iota3A, %and3A_251 : vector<16xi32>
        %add3A_253 = arith.constant 1000000 : i32
        %add3A_254 = vector.broadcast %add3A_253 : i32 to vector<16xi32>
        %add3A_255 = arith.addi %add3A_254, %and3A_252 : vector<16xi32>
        %select_n3A_256 = arith.select %and3A_198, %get3A_192, %add3A_255 : vector<16xi1>, vector<16xi32>
        %jit3A_257 = arith.constant 8 : i32
        %div3A_258 = arith.divsi %scan3A_157, %jit3A_257 : i32
        %sign3A_259 = arith.constant 0 : i32
        %sign3A_260 = arith.cmpi sgt, %scan3A_157, %sign3A_259 : i32
        %sign3A_261 = arith.extui %sign3A_260 : i1 to i32
        %sign3A_262 = arith.constant 0 : i32
        %sign3A_263 = arith.cmpi slt, %scan3A_157, %sign3A_262 : i32
        %sign3A_264 = arith.extui %sign3A_263 : i1 to i32
        %sign3A_265 = arith.subi %sign3A_261, %sign3A_264 : i32
        %sign3A_266 = arith.constant 0 : i32
        %sign3A_267 = arith.cmpi sgt, %jit3A_257, %sign3A_266 : i32
        %sign3A_268 = arith.extui %sign3A_267 : i1 to i32
        %sign3A_269 = arith.constant 0 : i32
        %sign3A_270 = arith.cmpi slt, %jit3A_257, %sign3A_269 : i32
        %sign3A_271 = arith.extui %sign3A_270 : i1 to i32
        %sign3A_272 = arith.subi %sign3A_268, %sign3A_271 : i32
        %ne3A_273 = arith.cmpi ne, %sign3A_265, %sign3A_272 : i32
        %rem3A_274 = arith.remsi %scan3A_157, %jit3A_257 : i32
        %ne3A_275 = arith.constant 0 : i32
        %ne3A_276 = arith.cmpi ne, %rem3A_274, %ne3A_275 : i32
        %and3A_277 = arith.andi %ne3A_273, %ne3A_276 : i1
        %sub3A_278 = arith.constant 1 : i32
        %sub3A_279 = arith.subi %div3A_258, %sub3A_278 : i32
        %select_n3A_280 = arith.select %and3A_277, %sub3A_279, %div3A_258 : i32
        %jit3A_281 = arith.constant 8 : i32
        %eq3A_282 = arith.constant 0 : i32
        %eq3A_283 = arith.cmpi eq, %jit3A_281, %eq3A_282 : i32
        %jit3A_284 = arith.constant 1 : i32
        %select_n3A_285 = arith.select %eq3A_283, %jit3A_284, %jit3A_281 : i32
        %rem3A_286 = arith.remsi %scan3A_157, %select_n3A_285 : i32
        %ne3A_287 = arith.constant 0 : i32
        %ne3A_288 = arith.cmpi ne, %rem3A_286, %ne3A_287 : i32
        %lt3A_289 = arith.constant 0 : i32
        %lt3A_290 = arith.cmpi slt, %rem3A_286, %lt3A_289 : i32
        %lt3A_291 = arith.constant 0 : i32
        %lt3A_292 = arith.cmpi slt, %select_n3A_285, %lt3A_291 : i32
        %ne3A_293 = arith.xori %lt3A_290, %lt3A_292 : i1
        %and3A_294 = arith.andi %ne3A_293, %ne3A_288 : i1
        %add3A_295 = arith.addi %rem3A_286, %select_n3A_285 : i32
        %select_n3A_296 = arith.select %and3A_294, %add3A_295, %rem3A_286 : i32
        %mul3A_297 = arith.constant 16 : i32
        %mul3A_298 = arith.muli %select_n3A_296, %mul3A_297 : i32
        %swap3A_299 = arith.index_cast %select_n3A_280 : i32 to index
        %swap3A_300 = arith.index_cast %mul3A_298 : i32 to index
        %swap3A_301 = tpu.vector_load %arg17[%swap3A_299, %swap3A_300] {strides = array<i32>} : memref<8x128xi32, #tpu.memory_space<vmem>>, vector<16xi32>,
        tpu.vector_store %arg17[%swap3A_299, %swap3A_300], %select_n3A_256 {strides = array<i32>} : memref<8x128xi32, #tpu.memory_space<vmem>>, vector<16xi32>,
        %mul3A_302 = arith.constant 16 : i32
        %mul3A_303 = arith.muli %mul3A_302, %scan3A_157 : i32
        %add3A_304 = arith.addi %mul3A_0, %mul3A_303 : i32
        %add3A_305 = vector.broadcast %add3A_304 : i32 to vector<16xi32>
        %add3A_306 = arith.addi %iota3A, %add3A_305 : vector<16xi32>
        %mul3A_307 = arith.constant 16 : i32
        %mul3A_308 = arith.muli %mul3A_307, %scan3A_157 : i32
        %swap3A_309 = arith.index_cast %mul3A_308 : i32 to index
        %swap3A_310 = tpu.vector_load %arg19[%swap3A_309] {strides = array<i32>} : memref<1024xi32, #tpu.memory_space<vmem>>, vector<16xi32>,
        tpu.vector_store %arg19[%swap3A_309], %add3A_306 {strides = array<i32>} : memref<1024xi32, #tpu.memory_space<vmem>>, vector<16xi32>,
        %scan3A_311 = arith.constant 0 : i32
        scf.yield %scan3A_311 : i32
      }
      %scan3A_56 = arith.constant 64 : i32
      %scan3A_57 = arith.constant 0 : i32
      %scan3A_58 = arith.constant 0 : i32
      %scan3A_59 = arith.constant 8 : i32
      %scan3A_60 = arith.addi %scan3A_58, %scan3A_59 : i32
      %scan3A_61 = arith.constant 1 : i32
      %scan3A_62 = scf.for %scan3A_157 = %scan3A_58 to %scan3A_60 step %scan3A_61 iter_args(%scan3A_158 = %scan3A_57) -> (i32)  : i32 {
        %mul3A_159 = arith.constant 128 : i32
        %mul3A_160 = arith.muli %scan3A_157, %mul3A_159 : i32
        "tpu.region"() ({
          %run_scoped3A = tpu.sem_alloc : memref<!tpu.dma_semaphore, #tpu.memory_space<semaphore_mem>>
          %dma_start3A = tpu.memref_slice %arg19[%mul3A_160] : memref<1024xi32, #tpu.memory_space<vmem>> -> memref<128xi32, #tpu.memory_space<vmem>>
          %dma_start3A_164 = arith.constant 0 : i32
          %dma_start3A_165 = tpu.memref_slice %arg16[%scan3A_157, %dma_start3A_164] : memref<8x128xi32, #tpu.memory_space<vmem>> -> memref<1x128xi32, #tpu.memory_space<vmem>>
          %dma_start3A_166 = tpu.memref_squeeze %dma_start3A_165 : memref<1x128xi32, #tpu.memory_space<vmem>> -> memref<128xi32, #tpu.memory_space<vmem>>
          %dma_start3A_167 = arith.constant 0 : i32
          %dma_start3A_168 = tpu.memref_slice %arg12[%dma_start3A_167] : memref<500008xi32, #tpu.memory_space<vmem_shared>> -> memref<500008xi32, #tpu.memory_space<vmem_shared>>
          tpu.enqueue_indirect_dma source(%dma_start3A : memref<128xi32, #tpu.memory_space<vmem>>) target(%dma_start3A_168 : memref<500008xi32, #tpu.memory_space<vmem_shared>>) offsets(%dma_start3A_166 : memref<128xi32, #tpu.memory_space<vmem>>) semaphore(%run_scoped3A : memref<!tpu.dma_semaphore, #tpu.memory_space<semaphore_mem>>)
          %dma_wait3A = tpu.memref_slice %arg19[%mul3A_160] : memref<1024xi32, #tpu.memory_space<vmem>> -> memref<128xi32, #tpu.memory_space<vmem>>
          %dma_wait3A_169 = arith.constant 0 : i32
          %dma_wait3A_170 = tpu.memref_slice %arg16[%scan3A_157, %dma_wait3A_169] : memref<8x128xi32, #tpu.memory_space<vmem>> -> memref<1x128xi32, #tpu.memory_space<vmem>>
          %dma_wait3A_171 = tpu.memref_squeeze %dma_wait3A_170 : memref<1x128xi32, #tpu.memory_space<vmem>> -> memref<128xi32, #tpu.memory_space<vmem>>
          %dma_wait3A_172 = arith.constant 0 : i32
          %dma_wait3A_173 = tpu.memref_slice %arg12[%dma_wait3A_172] : memref<500008xi32, #tpu.memory_space<vmem_shared>> -> memref<500008xi32, #tpu.memory_space<vmem_shared>>
          tpu.wait_indirect_dma semaphore(%run_scoped3A : memref<!tpu.dma_semaphore, #tpu.memory_space<semaphore_mem>>) src(%dma_wait3A : memref<128xi32, #tpu.memory_space<vmem>>) dst(%dma_wait3A_173 : memref<500008xi32, #tpu.memory_space<vmem_shared>>)
          tpu.yield
        }) : () -> ()
        %mul3A_161 = arith.constant 128 : i32
        %mul3A_162 = arith.muli %scan3A_157, %mul3A_161 : i32
        %add3A = arith.addi %mul3A_0, %mul3A_162 : i32
        "tpu.region"() ({
          %run_scoped3A = tpu.sem_alloc : memref<!tpu.dma_semaphore, #tpu.memory_space<semaphore_mem>>
          %dma_start3A = tpu.memref_slice %arg14[%add3A] : memref<16384xf32, #tpu.memory_space<vmem_shared>> -> memref<128xf32, #tpu.memory_space<vmem_shared>>
          %dma_start3A_164 = tpu.memref_slice %arg14[%add3A] : memref<16384xf32, #tpu.memory_space<vmem_shared>> -> memref<128xf32, #tpu.memory_space<vmem_shared>>
          tpu.enqueue_dma source(%arg27 : memref<128xf32, #tpu.memory_space<vmem>>) target(%dma_start3A_164 : memref<128xf32, #tpu.memory_space<vmem_shared>>) target_semaphore(%run_scoped3A : memref<!tpu.dma_semaphore, #tpu.memory_space<semaphore_mem>>)
          %dma_wait3A = tpu.memref_slice %arg14[%add3A] : memref<16384xf32, #tpu.memory_space<vmem_shared>> -> memref<128xf32, #tpu.memory_space<vmem_shared>>
          %dma_wait3A_165 = tpu.memref_slice %arg14[%add3A] : memref<16384xf32, #tpu.memory_space<vmem_shared>> -> memref<128xf32, #tpu.memory_space<vmem_shared>>
          tpu.wait_dma2 semaphore(%run_scoped3A : memref<!tpu.dma_semaphore, #tpu.memory_space<semaphore_mem>>) src(%arg27 : memref<128xf32, #tpu.memory_space<vmem>>) dst(%dma_wait3A_165 : memref<128xf32, #tpu.memory_space<vmem_shared>>)
          tpu.yield
        }) : () -> ()
        %scan3A_163 = arith.constant 0 : i32
        scf.yield %scan3A_163 : i32
      }
      %scan3A_63 = arith.constant 8 : i32
      %barrier3A = arith.constant 0 : index
      tpu.barrier barrier_id(%barrier3A)
      %scan3A_64 = arith.constant 0 : i32
      %scan3A_65 = arith.constant 0 : i32
      %scan3A_66 = arith.constant 8 : i32
      %scan3A_67 = arith.addi %scan3A_65, %scan3A_66 : i32
      %scan3A_68 = arith.constant 1 : i32
      %scan3A_69 = scf.for %scan3A_157 = %scan3A_65 to %scan3A_67 step %scan3A_68 iter_args(%scan3A_158 = %scan3A_64) -> (i32)  : i32 {
        "tpu.region"() ({
          %run_scoped3A = tpu.sem_alloc : memref<!tpu.dma_semaphore, #tpu.memory_space<semaphore_mem>>
          %dma_start3A = arith.constant 0 : i32
          %dma_start3A_162 = tpu.memref_slice %arg18[%scan3A_157, %dma_start3A] : memref<8x128xi32, #tpu.memory_space<vmem>> -> memref<1x128xi32, #tpu.memory_space<vmem>>
          %dma_start3A_163 = tpu.memref_squeeze %dma_start3A_162 : memref<1x128xi32, #tpu.memory_space<vmem>> -> memref<128xi32, #tpu.memory_space<vmem>>
          %dma_start3A_164 = arith.constant 0 : i32
          %dma_start3A_165 = tpu.memref_slice %arg16[%scan3A_157, %dma_start3A_164] : memref<8x128xi32, #tpu.memory_space<vmem>> -> memref<1x128xi32, #tpu.memory_space<vmem>>
          %dma_start3A_166 = tpu.memref_squeeze %dma_start3A_165 : memref<1x128xi32, #tpu.memory_space<vmem>> -> memref<128xi32, #tpu.memory_space<vmem>>
          %dma_start3A_167 = arith.constant 0 : i32
          %dma_start3A_168 = tpu.memref_slice %arg12[%dma_start3A_167] : memref<500008xi32, #tpu.memory_space<vmem_shared>> -> memref<500008xi32, #tpu.memory_space<vmem_shared>>
          tpu.enqueue_indirect_dma source(%dma_start3A_168 : memref<500008xi32, #tpu.memory_space<vmem_shared>>) target(%dma_start3A_163 : memref<128xi32, #tpu.memory_space<vmem>>) offsets(%dma_start3A_166 : memref<128xi32, #tpu.memory_space<vmem>>) semaphore(%run_scoped3A : memref<!tpu.dma_semaphore, #tpu.memory_space<semaphore_mem>>)
          %dma_wait3A = arith.constant 0 : i32
          %dma_wait3A_169 = tpu.memref_slice %arg18[%scan3A_157, %dma_wait3A] : memref<8x128xi32, #tpu.memory_space<vmem>> -> memref<1x128xi32, #tpu.memory_space<vmem>>
          %dma_wait3A_170 = tpu.memref_squeeze %dma_wait3A_169 : memref<1x128xi32, #tpu.memory_space<vmem>> -> memref<128xi32, #tpu.memory_space<vmem>>
          %dma_wait3A_171 = arith.constant 0 : i32
          %dma_wait3A_172 = tpu.memref_slice %arg16[%scan3A_157, %dma_wait3A_171] : memref<8x128xi32, #tpu.memory_space<vmem>> -> memref<1x128xi32, #tpu.memory_space<vmem>>
          %dma_wait3A_173 = tpu.memref_squeeze %dma_wait3A_172 : memref<1x128xi32, #tpu.memory_space<vmem>> -> memref<128xi32, #tpu.memory_space<vmem>>
          %dma_wait3A_174 = arith.constant 0 : i32
          %dma_wait3A_175 = tpu.memref_slice %arg12[%dma_wait3A_174] : memref<500008xi32, #tpu.memory_space<vmem_shared>> -> memref<500008xi32, #tpu.memory_space<vmem_shared>>
          tpu.wait_indirect_dma semaphore(%run_scoped3A : memref<!tpu.dma_semaphore, #tpu.memory_space<semaphore_mem>>) src(%dma_wait3A_175 : memref<500008xi32, #tpu.memory_space<vmem_shared>>) dst(%dma_wait3A_170 : memref<128xi32, #tpu.memory_space<vmem>>)
          tpu.yield
        }) : () -> ()
        "tpu.region"() ({
          %run_scoped3A = tpu.sem_alloc : memref<!tpu.dma_semaphore, #tpu.memory_space<semaphore_mem>>
          %dma_start3A = arith.constant 0 : i32
          %dma_start3A_162 = tpu.memref_slice %arg18[%scan3A_157, %dma_start3A] : memref<8x128xi32, #tpu.memory_space<vmem>> -> memref<1x128xi32, #tpu.memory_space<vmem>>
          %dma_start3A_163 = tpu.memref_squeeze %dma_start3A_162 : memref<1x128xi32, #tpu.memory_space<vmem>> -> memref<128xi32, #tpu.memory_space<vmem>>
          %dma_start3A_164 = arith.constant 0 : i32
          %dma_start3A_165 = tpu.memref_slice %arg14[%dma_start3A_164] : memref<16384xf32, #tpu.memory_space<vmem_shared>> -> memref<16384xf32, #tpu.memory_space<vmem_shared>>
          tpu.enqueue_indirect_dma source(%arg28 : memref<128xf32, #tpu.memory_space<vmem>>) target(%dma_start3A_165 : memref<16384xf32, #tpu.memory_space<vmem_shared>>) offsets(%dma_start3A_163 : memref<128xi32, #tpu.memory_space<vmem>>) semaphore(%run_scoped3A : memref<!tpu.dma_semaphore, #tpu.memory_space<semaphore_mem>>) {add = true}
          %dma_wait3A = arith.constant 0 : i32
          %dma_wait3A_166 = tpu.memref_slice %arg18[%scan3A_157, %dma_wait3A] : memref<8x128xi32, #tpu.memory_space<vmem>> -> memref<1x128xi32, #tpu.memory_space<vmem>>
          %dma_wait3A_167 = tpu.memref_squeeze %dma_wait3A_166 : memref<1x128xi32, #tpu.memory_space<vmem>> -> memref<128xi32, #tpu.memory_space<vmem>>
          %dma_wait3A_168 = arith.constant 0 : i32
          %dma_wait3A_169 = tpu.memref_slice %arg14[%dma_wait3A_168] : memref<16384xf32, #tpu.memory_space<vmem_shared>> -> memref<16384xf32, #tpu.memory_space<vmem_shared>>
          tpu.wait_indirect_dma semaphore(%run_scoped3A : memref<!tpu.dma_semaphore, #tpu.memory_space<semaphore_mem>>) src(%arg28 : memref<128xf32, #tpu.memory_space<vmem>>) dst(%dma_wait3A_169 : memref<16384xf32, #tpu.memory_space<vmem_shared>>)
          tpu.yield
        }) : () -> ()
        %mul3A_159 = arith.constant 128 : i32
        %mul3A_160 = arith.muli %scan3A_157, %mul3A_159 : i32
        %add3A = arith.addi %mul3A_0, %mul3A_160 : i32
        "tpu.region"() ({
          %run_scoped3A = tpu.sem_alloc : memref<!tpu.dma_semaphore, #tpu.memory_space<semaphore_mem>>
          %dma_start3A = arith.constant 0 : i32
          %dma_start3A_162 = tpu.memref_slice %arg13[%add3A, %dma_start3A] : memref<16384x32xf32, #tpu.memory_space<vmem_shared>> -> memref<128x32xf32, #tpu.memory_space<vmem_shared>>
          %dma_start3A_163 = arith.constant 0 : i32
          %dma_start3A_164 = tpu.memref_slice %arg13[%add3A, %dma_start3A_163] : memref<16384x32xf32, #tpu.memory_space<vmem_shared>> -> memref<128x32xf32, #tpu.memory_space<vmem_shared>>
          tpu.enqueue_dma source(%arg26 : memref<128x32xf32, #tpu.memory_space<vmem>>) target(%dma_start3A_164 : memref<128x32xf32, #tpu.memory_space<vmem_shared>>) target_semaphore(%run_scoped3A : memref<!tpu.dma_semaphore, #tpu.memory_space<semaphore_mem>>)
          %dma_wait3A = arith.constant 0 : i32
          %dma_wait3A_165 = tpu.memref_slice %arg13[%add3A, %dma_wait3A] : memref<16384x32xf32, #tpu.memory_space<vmem_shared>> -> memref<128x32xf32, #tpu.memory_space<vmem_shared>>
          %dma_wait3A_166 = arith.constant 0 : i32
          %dma_wait3A_167 = tpu.memref_slice %arg13[%add3A, %dma_wait3A_166] : memref<16384x32xf32, #tpu.memory_space<vmem_shared>> -> memref<128x32xf32, #tpu.memory_space<vmem_shared>>
          tpu.wait_dma2 semaphore(%run_scoped3A : memref<!tpu.dma_semaphore, #tpu.memory_space<semaphore_mem>>) src(%arg26 : memref<128x32xf32, #tpu.memory_space<vmem>>) dst(%dma_wait3A_167 : memref<128x32xf32, #tpu.memory_space<vmem_shared>>)
          tpu.yield
        }) : () -> ()
        %scan3A_161 = arith.constant 0 : i32
        scf.yield %scan3A_161 : i32
      }
      %scan3A_70 = arith.constant 8 : i32
      %barrier3A_71 = arith.constant 0 : index
      tpu.barrier barrier_id(%barrier3A_71)
      %scan3A_72 = arith.constant 0 : i32
      %scan3A_73 = arith.constant 0 : i32
      %scan3A_74 = arith.constant 8 : i32
      %scan3A_75 = arith.addi %scan3A_73, %scan3A_74 : i32
      %scan3A_76 = arith.constant 1 : i32
      %scan3A_77 = scf.for %scan3A_157 = %scan3A_73 to %scan3A_75 step %scan3A_76 iter_args(%scan3A_158 = %scan3A_72) -> (i32)  : i32 {
        %mul3A_159 = arith.constant 128 : i32
        %mul3A_160 = arith.muli %scan3A_157, %mul3A_159 : i32
        "tpu.region"() ({
          %run_scoped3A = tpu.sem_alloc : memref<!tpu.dma_semaphore, #tpu.memory_space<semaphore_mem>>
          %dma_start3A = tpu.memref_slice %arg20[%mul3A_160] : memref<1024xf32, #tpu.memory_space<vmem>> -> memref<128xf32, #tpu.memory_space<vmem>>
          %dma_start3A_162 = arith.constant 0 : i32
          %dma_start3A_163 = tpu.memref_slice %arg18[%scan3A_157, %dma_start3A_162] : memref<8x128xi32, #tpu.memory_space<vmem>> -> memref<1x128xi32, #tpu.memory_space<vmem>>
          %dma_start3A_164 = tpu.memref_squeeze %dma_start3A_163 : memref<1x128xi32, #tpu.memory_space<vmem>> -> memref<128xi32, #tpu.memory_space<vmem>>
          %dma_start3A_165 = arith.constant 0 : i32
          %dma_start3A_166 = tpu.memref_slice %arg14[%dma_start3A_165] : memref<16384xf32, #tpu.memory_space<vmem_shared>> -> memref<16384xf32, #tpu.memory_space<vmem_shared>>
          tpu.enqueue_indirect_dma source(%dma_start3A_166 : memref<16384xf32, #tpu.memory_space<vmem_shared>>) target(%dma_start3A : memref<128xf32, #tpu.memory_space<vmem>>) offsets(%dma_start3A_164 : memref<128xi32, #tpu.memory_space<vmem>>) semaphore(%run_scoped3A : memref<!tpu.dma_semaphore, #tpu.memory_space<semaphore_mem>>)
          %dma_wait3A = tpu.memref_slice %arg20[%mul3A_160] : memref<1024xf32, #tpu.memory_space<vmem>> -> memref<128xf32, #tpu.memory_space<vmem>>
          %dma_wait3A_167 = arith.constant 0 : i32
          %dma_wait3A_168 = tpu.memref_slice %arg18[%scan3A_157, %dma_wait3A_167] : memref<8x128xi32, #tpu.memory_space<vmem>> -> memref<1x128xi32, #tpu.memory_space<vmem>>
          %dma_wait3A_169 = tpu.memref_squeeze %dma_wait3A_168 : memref<1x128xi32, #tpu.memory_space<vmem>> -> memref<128xi32, #tpu.memory_space<vmem>>
          %dma_wait3A_170 = arith.constant 0 : i32
          %dma_wait3A_171 = tpu.memref_slice %arg14[%dma_wait3A_170] : memref<16384xf32, #tpu.memory_space<vmem_shared>> -> memref<16384xf32, #tpu.memory_space<vmem_shared>>
          tpu.wait_indirect_dma semaphore(%run_scoped3A : memref<!tpu.dma_semaphore, #tpu.memory_space<semaphore_mem>>) src(%dma_wait3A_171 : memref<16384xf32, #tpu.memory_space<vmem_shared>>) dst(%dma_wait3A : memref<128xf32, #tpu.memory_space<vmem>>)
          tpu.yield
        }) : () -> ()
        %scan3A_161 = arith.constant 0 : i32
        scf.yield %scan3A_161 : i32
      }
      %scan3A_78 = arith.constant 8 : i32
      %scan3A_79 = arith.constant 0 : i32
      %scan3A_80 = arith.constant 0 : i32
      %scan3A_81 = arith.constant 64 : i32
      %scan3A_82 = arith.addi %scan3A_80, %scan3A_81 : i32
      %scan3A_83 = arith.constant 1 : i32
      %scan3A_84 = scf.for %scan3A_157 = %scan3A_80 to %scan3A_82 step %scan3A_83 iter_args(%scan3A_158 = %scan3A_79) -> (i32)  : i32 {
        %mul3A_159 = arith.constant 16 : i32
        %mul3A_160 = arith.muli %mul3A_159, %scan3A_157 : i32
        %jit3A = arith.constant 8 : i32
        %div3A = arith.divsi %scan3A_157, %jit3A : i32
        %sign3A = arith.constant 0 : i32
        %sign3A_161 = arith.cmpi sgt, %scan3A_157, %sign3A : i32
        %sign3A_162 = arith.extui %sign3A_161 : i1 to i32
        %sign3A_163 = arith.constant 0 : i32
        %sign3A_164 = arith.cmpi slt, %scan3A_157, %sign3A_163 : i32
        %sign3A_165 = arith.extui %sign3A_164 : i1 to i32
        %sign3A_166 = arith.subi %sign3A_162, %sign3A_165 : i32
        %sign3A_167 = arith.constant 0 : i32
        %sign3A_168 = arith.cmpi sgt, %jit3A, %sign3A_167 : i32
        %sign3A_169 = arith.extui %sign3A_168 : i1 to i32
        %sign3A_170 = arith.constant 0 : i32
        %sign3A_171 = arith.cmpi slt, %jit3A, %sign3A_170 : i32
        %sign3A_172 = arith.extui %sign3A_171 : i1 to i32
        %sign3A_173 = arith.subi %sign3A_169, %sign3A_172 : i32
        %ne3A = arith.cmpi ne, %sign3A_166, %sign3A_173 : i32
        %rem3A = arith.remsi %scan3A_157, %jit3A : i32
        %ne3A_174 = arith.constant 0 : i32
        %ne3A_175 = arith.cmpi ne, %rem3A, %ne3A_174 : i32
        %and3A = arith.andi %ne3A, %ne3A_175 : i1
        %sub3A = arith.constant 1 : i32
        %sub3A_176 = arith.subi %div3A, %sub3A : i32
        %select_n3A = arith.select %and3A, %sub3A_176, %div3A : i32
        %jit3A_177 = arith.constant 8 : i32
        %eq3A_178 = arith.constant 0 : i32
        %eq3A_179 = arith.cmpi eq, %jit3A_177, %eq3A_178 : i32
        %jit3A_180 = arith.constant 1 : i32
        %select_n3A_181 = arith.select %eq3A_179, %jit3A_180, %jit3A_177 : i32
        %rem3A_182 = arith.remsi %scan3A_157, %select_n3A_181 : i32
        %ne3A_183 = arith.constant 0 : i32
        %ne3A_184 = arith.cmpi ne, %rem3A_182, %ne3A_183 : i32
        %lt3A = arith.constant 0 : i32
        %lt3A_185 = arith.cmpi slt, %rem3A_182, %lt3A : i32
        %lt3A_186 = arith.constant 0 : i32
        %lt3A_187 = arith.cmpi slt, %select_n3A_181, %lt3A_186 : i32
        %ne3A_188 = arith.xori %lt3A_185, %lt3A_187 : i1
        %and3A_189 = arith.andi %ne3A_188, %ne3A_184 : i1
        %add3A = arith.addi %rem3A_182, %select_n3A_181 : i32
        %select_n3A_190 = arith.select %and3A_189, %add3A, %rem3A_182 : i32
        %mul3A_191 = arith.constant 16 : i32
        %mul3A_192 = arith.muli %select_n3A_190, %mul3A_191 : i32
        %get3A = arith.index_cast %select_n3A : i32 to index
        %get3A_193 = arith.index_cast %mul3A_192 : i32 to index
        %get3A_194 = tpu.vector_load %arg15[%get3A, %get3A_193] {strides = array<i32>} : memref<8x128xi32, #tpu.memory_space<vmem>>, vector<16xi32>,
        %ge3A = arith.constant 0 : i32
        %ge3A_195 = vector.broadcast %ge3A : i32 to vector<16xi32>
        %ge3A_196 = arith.cmpi sge, %get3A_194, %ge3A_195 : vector<16xi32>
        %lt3A_197 = arith.constant 500000 : i32
        %lt3A_198 = vector.broadcast %lt3A_197 : i32 to vector<16xi32>
        %lt3A_199 = arith.cmpi slt, %get3A_194, %lt3A_198 : vector<16xi32>
        %and3A_200 = arith.andi %ge3A_196, %lt3A_199 : vector<16xi1>
        %get3A_201 = arith.index_cast %mul3A_160 : i32 to index
        %get3A_202 = tpu.vector_load %arg20[%get3A_201] {strides = array<i32>} : memref<1024xf32, #tpu.memory_space<vmem>>, vector<16xf32>,
        %div3A_203 = arith.constant 0.00999999977 : f32
        %div3A_204 = vector.broadcast %div3A_203 : f32 to vector<16xf32>
        %div3A_205 = arith.divf %div3A_204, %get3A_202 : vector<16xf32>
        %select_n3A_206 = arith.select %and3A_200, %div3A_205, %broadcast_in_dim3A_1 : vector<16xi1>, vector<16xf32>
        %swap3A_207 = arith.index_cast %mul3A_160 : i32 to index
        %swap3A_208 = tpu.vector_load %arg21[%swap3A_207] {strides = array<i32>} : memref<1024xf32, #tpu.memory_space<vmem>>, vector<16xf32>,
        tpu.vector_store %arg21[%swap3A_207], %select_n3A_206 {strides = array<i32>} : memref<1024xf32, #tpu.memory_space<vmem>>, vector<16xf32>,
        %scan3A_209 = arith.constant 0 : i32
        scf.yield %scan3A_209 : i32
      }
      %scan3A_85 = arith.constant 64 : i32
      %scan3A_86 = arith.constant 0 : i32
      %scan3A_87 = arith.constant 0 : i32
      %scan3A_88 = arith.constant 8 : i32
      %scan3A_89 = arith.addi %scan3A_87, %scan3A_88 : i32
      %scan3A_90 = arith.constant 1 : i32
      %scan3A_91 = scf.for %scan3A_157 = %scan3A_87 to %scan3A_89 step %scan3A_90 iter_args(%scan3A_158 = %scan3A_86) -> (i32)  : i32 {
        %mul3A_159 = arith.constant 128 : i32
        %mul3A_160 = arith.muli %scan3A_157, %mul3A_159 : i32
        %add3A = arith.addi %mul3A_0, %mul3A_160 : i32
        "tpu.region"() ({
          %run_scoped3A = tpu.sem_alloc : memref<!tpu.dma_semaphore, #tpu.memory_space<semaphore_mem>>
          %dma_start3A = arith.constant 0 : i32
          %dma_start3A_162 = tpu.memref_slice %arg6[%add3A, %dma_start3A] : memref<16384x32xf32, #tpu.memory_space<hbm>> -> memref<128x32xf32, #tpu.memory_space<hbm>>
          %dma_start3A_163 = arith.constant 0 : i32
          %dma_start3A_164 = tpu.memref_slice %arg6[%add3A, %dma_start3A_163] : memref<16384x32xf32, #tpu.memory_space<hbm>> -> memref<128x32xf32, #tpu.memory_space<hbm>>
          tpu.enqueue_dma source(%dma_start3A_164 : memref<128x32xf32, #tpu.memory_space<hbm>>) target(%arg22 : memref<128x32xf32, #tpu.memory_space<vmem>>) target_semaphore(%run_scoped3A : memref<!tpu.dma_semaphore, #tpu.memory_space<semaphore_mem>>)
          %dma_wait3A = arith.constant 0 : i32
          %dma_wait3A_165 = tpu.memref_slice %arg6[%add3A, %dma_wait3A] : memref<16384x32xf32, #tpu.memory_space<hbm>> -> memref<128x32xf32, #tpu.memory_space<hbm>>
          %dma_wait3A_166 = arith.constant 0 : i32
          %dma_wait3A_167 = tpu.memref_slice %arg6[%add3A, %dma_wait3A_166] : memref<16384x32xf32, #tpu.memory_space<hbm>> -> memref<128x32xf32, #tpu.memory_space<hbm>>
          tpu.wait_dma2 semaphore(%run_scoped3A : memref<!tpu.dma_semaphore, #tpu.memory_space<semaphore_mem>>) src(%dma_wait3A_167 : memref<128x32xf32, #tpu.memory_space<hbm>>) dst(%arg22 : memref<128x32xf32, #tpu.memory_space<vmem>>)
          tpu.yield
        }) : () -> ()
        "tpu.region"() ({
          %run_scoped3A = tpu.sem_alloc : memref<!tpu.dma_semaphore, #tpu.memory_space<semaphore_mem>>
          %dma_start3A = arith.constant 0 : i32
          %dma_start3A_162 = tpu.memref_slice %arg18[%scan3A_157, %dma_start3A] : memref<8x128xi32, #tpu.memory_space<vmem>> -> memref<1x128xi32, #tpu.memory_space<vmem>>
          %dma_start3A_163 = tpu.memref_squeeze %dma_start3A_162 : memref<1x128xi32, #tpu.memory_space<vmem>> -> memref<128xi32, #tpu.memory_space<vmem>>
          %dma_start3A_164 = arith.constant 0 : i32
          %dma_start3A_165 = arith.constant 0 : i32
          %dma_start3A_166 = tpu.memref_slice %arg13[%dma_start3A_164, %dma_start3A_165] : memref<16384x32xf32, #tpu.memory_space<vmem_shared>> -> memref<16384x32xf32, #tpu.memory_space<vmem_shared>>
          tpu.enqueue_indirect_dma source(%arg22 : memref<128x32xf32, #tpu.memory_space<vmem>>) target(%dma_start3A_166 : memref<16384x32xf32, #tpu.memory_space<vmem_shared>>) offsets(%dma_start3A_163 : memref<128xi32, #tpu.memory_space<vmem>>) semaphore(%run_scoped3A : memref<!tpu.dma_semaphore, #tpu.memory_space<semaphore_mem>>) {add = true}
          %dma_wait3A = arith.constant 0 : i32
          %dma_wait3A_167 = tpu.memref_slice %arg18[%scan3A_157, %dma_wait3A] : memref<8x128xi32, #tpu.memory_space<vmem>> -> memref<1x128xi32, #tpu.memory_space<vmem>>
          %dma_wait3A_168 = tpu.memref_squeeze %dma_wait3A_167 : memref<1x128xi32, #tpu.memory_space<vmem>> -> memref<128xi32, #tpu.memory_space<vmem>>
          %dma_wait3A_169 = arith.constant 0 : i32
          %dma_wait3A_170 = arith.constant 0 : i32
          %dma_wait3A_171 = tpu.memref_slice %arg13[%dma_wait3A_169, %dma_wait3A_170] : memref<16384x32xf32, #tpu.memory_space<vmem_shared>> -> memref<16384x32xf32, #tpu.memory_space<vmem_shared>>
          tpu.wait_indirect_dma semaphore(%run_scoped3A : memref<!tpu.dma_semaphore, #tpu.memory_space<semaphore_mem>>) src(%arg22 : memref<128x32xf32, #tpu.memory_space<vmem>>) dst(%dma_wait3A_171 : memref<16384x32xf32, #tpu.memory_space<vmem_shared>>)
          tpu.yield
        }) : () -> ()
        %scan3A_161 = arith.constant 0 : i32
        scf.yield %scan3A_161 : i32
      }
      %scan3A_92 = arith.constant 8 : i32
      %barrier3A_93 = arith.constant 0 : index
      tpu.barrier barrier_id(%barrier3A_93)
      %scan3A_94 = arith.constant 0 : i32
      %scan3A_95 = arith.constant 0 : i32
      %scan3A_96 = arith.constant 8 : i32
      %scan3A_97 = arith.addi %scan3A_95, %scan3A_96 : i32
      %scan3A_98 = arith.constant 1 : i32
      %scan3A_99 = scf.for %scan3A_157 = %scan3A_95 to %scan3A_97 step %scan3A_98 iter_args(%scan3A_158 = %scan3A_94) -> (i32)  : i32 {
        "tpu.region"() ({
          %run_scoped3A = tpu.sem_alloc : memref<!tpu.dma_semaphore, #tpu.memory_space<semaphore_mem>>
          %dma_start3A = arith.constant 0 : i32
          %dma_start3A_167 = tpu.memref_slice %arg15[%scan3A_157, %dma_start3A] : memref<8x128xi32, #tpu.memory_space<vmem>> -> memref<1x128xi32, #tpu.memory_space<vmem>>
          %dma_start3A_168 = tpu.memref_squeeze %dma_start3A_167 : memref<1x128xi32, #tpu.memory_space<vmem>> -> memref<128xi32, #tpu.memory_space<vmem>>
          %dma_start3A_169 = arith.constant 0 : i32
          %dma_start3A_170 = arith.constant 0 : i32
          %dma_start3A_171 = tpu.memref_slice %arg4[%dma_start3A_169, %dma_start3A_170] : memref<1000000x32xf32, #tpu.memory_space<hbm>> -> memref<1000000x32xf32, #tpu.memory_space<hbm>>
          tpu.enqueue_indirect_dma source(%dma_start3A_171 : memref<1000000x32xf32, #tpu.memory_space<hbm>>) target(%arg23 : memref<128x32xf32, #tpu.memory_space<vmem>>) offsets(%dma_start3A_168 : memref<128xi32, #tpu.memory_space<vmem>>) semaphore(%run_scoped3A : memref<!tpu.dma_semaphore, #tpu.memory_space<semaphore_mem>>)
          %dma_wait3A = arith.constant 0 : i32
          %dma_wait3A_172 = tpu.memref_slice %arg15[%scan3A_157, %dma_wait3A] : memref<8x128xi32, #tpu.memory_space<vmem>> -> memref<1x128xi32, #tpu.memory_space<vmem>>
          %dma_wait3A_173 = tpu.memref_squeeze %dma_wait3A_172 : memref<1x128xi32, #tpu.memory_space<vmem>> -> memref<128xi32, #tpu.memory_space<vmem>>
          %dma_wait3A_174 = arith.constant 0 : i32
          %dma_wait3A_175 = arith.constant 0 : i32
          %dma_wait3A_176 = tpu.memref_slice %arg4[%dma_wait3A_174, %dma_wait3A_175] : memref<1000000x32xf32, #tpu.memory_space<hbm>> -> memref<1000000x32xf32, #tpu.memory_space<hbm>>
          tpu.wait_indirect_dma semaphore(%run_scoped3A : memref<!tpu.dma_semaphore, #tpu.memory_space<semaphore_mem>>) src(%dma_wait3A_176 : memref<1000000x32xf32, #tpu.memory_space<hbm>>) dst(%arg23 : memref<128x32xf32, #tpu.memory_space<vmem>>)
          tpu.yield
        }) : () -> ()
        "tpu.region"() ({
          %run_scoped3A = tpu.sem_alloc : memref<!tpu.dma_semaphore, #tpu.memory_space<semaphore_mem>>
          %dma_start3A = arith.constant 0 : i32
          %dma_start3A_167 = tpu.memref_slice %arg18[%scan3A_157, %dma_start3A] : memref<8x128xi32, #tpu.memory_space<vmem>> -> memref<1x128xi32, #tpu.memory_space<vmem>>
          %dma_start3A_168 = tpu.memref_squeeze %dma_start3A_167 : memref<1x128xi32, #tpu.memory_space<vmem>> -> memref<128xi32, #tpu.memory_space<vmem>>
          %dma_start3A_169 = arith.constant 0 : i32
          %dma_start3A_170 = arith.constant 0 : i32
          %dma_start3A_171 = tpu.memref_slice %arg13[%dma_start3A_169, %dma_start3A_170] : memref<16384x32xf32, #tpu.memory_space<vmem_shared>> -> memref<16384x32xf32, #tpu.memory_space<vmem_shared>>
          tpu.enqueue_indirect_dma source(%dma_start3A_171 : memref<16384x32xf32, #tpu.memory_space<vmem_shared>>) target(%arg24 : memref<128x32xf32, #tpu.memory_space<vmem>>) offsets(%dma_start3A_168 : memref<128xi32, #tpu.memory_space<vmem>>) semaphore(%run_scoped3A : memref<!tpu.dma_semaphore, #tpu.memory_space<semaphore_mem>>)
          %dma_wait3A = arith.constant 0 : i32
          %dma_wait3A_172 = tpu.memref_slice %arg18[%scan3A_157, %dma_wait3A] : memref<8x128xi32, #tpu.memory_space<vmem>> -> memref<1x128xi32, #tpu.memory_space<vmem>>
          %dma_wait3A_173 = tpu.memref_squeeze %dma_wait3A_172 : memref<1x128xi32, #tpu.memory_space<vmem>> -> memref<128xi32, #tpu.memory_space<vmem>>
          %dma_wait3A_174 = arith.constant 0 : i32
          %dma_wait3A_175 = arith.constant 0 : i32
          %dma_wait3A_176 = tpu.memref_slice %arg13[%dma_wait3A_174, %dma_wait3A_175] : memref<16384x32xf32, #tpu.memory_space<vmem_shared>> -> memref<16384x32xf32, #tpu.memory_space<vmem_shared>>
          tpu.wait_indirect_dma semaphore(%run_scoped3A : memref<!tpu.dma_semaphore, #tpu.memory_space<semaphore_mem>>) src(%dma_wait3A_176 : memref<16384x32xf32, #tpu.memory_space<vmem_shared>>) dst(%arg24 : memref<128x32xf32, #tpu.memory_space<vmem>>)
          tpu.yield
        }) : () -> ()
        %scan3A_159 = arith.constant 0 : i32
        %scan3A_160 = arith.constant 0 : i32
        %scan3A_161 = arith.constant 128 : i32
        %scan3A_162 = arith.addi %scan3A_160, %scan3A_161 : i32
        %scan3A_163 = arith.constant 1 : i32
        %scan3A_164 = scf.for %scan3A_167 = %scan3A_160 to %scan3A_162 step %scan3A_163 iter_args(%scan3A_168 = %scan3A_159) -> (i32)  : i32 {
          %broadcast_in_dim3A_169 = arith.constant 0 : i32
          %broadcast_in_dim3A_170 = vector.broadcast %broadcast_in_dim3A_169 : i32 to vector<16xi32>
          %mul3A_171 = arith.constant 128 : i32
          %mul3A_172 = arith.muli %scan3A_157, %mul3A_171 : i32
          %add3A = arith.addi %mul3A_172, %scan3A_167 : i32
          %add3A_173 = vector.broadcast %add3A : i32 to vector<16xi32>
          %add3A_174 = arith.addi %broadcast_in_dim3A_170, %add3A_173 : vector<16xi32>
          %gather3A = tpu.vector_load_idx %arg21[%add3A_174] : memref<1024xf32, #tpu.memory_space<vmem>>[vector<16xi32>], vector<16xf32>,
          %get3A = arith.index_cast %scan3A_167 : i32 to index
          %get3A_175 = arith.constant 0 : index
          %get3A_176 = tpu.vector_load %arg23[%get3A, %get3A_175] {strides = array<i32>} : memref<128x32xf32, #tpu.memory_space<vmem>>, vector<16xf32>,
          %mul3A_177 = arith.constant 0.999899983 : f32
          %mul3A_178 = vector.broadcast %mul3A_177 : f32 to vector<16xf32>
          %mul3A_179 = arith.mulf %get3A_176, %mul3A_178 : vector<16xf32>
          %get3A_180 = arith.index_cast %scan3A_167 : i32 to index
          %get3A_181 = arith.constant 0 : index
          %get3A_182 = tpu.vector_load %arg24[%get3A_180, %get3A_181] {strides = array<i32>} : memref<128x32xf32, #tpu.memory_space<vmem>>, vector<16xf32>,
          %mul3A_183 = arith.mulf %gather3A, %get3A_182 : vector<16xf32>
          %sub3A = arith.subf %mul3A_179, %mul3A_183 : vector<16xf32>
          %swap3A_184 = arith.index_cast %scan3A_167 : i32 to index
          %swap3A_185 = arith.constant 0 : index
          %swap3A_186 = tpu.vector_load %arg25[%swap3A_184, %swap3A_185] {strides = array<i32>} : memref<128x32xf32, #tpu.memory_space<vmem>>, vector<16xf32>,
          tpu.vector_store %arg25[%swap3A_184, %swap3A_185], %sub3A {strides = array<i32>} : memref<128x32xf32, #tpu.memory_space<vmem>>, vector<16xf32>,
          %get3A_187 = arith.index_cast %scan3A_167 : i32 to index
          %get3A_188 = arith.constant 16 : index
          %get3A_189 = tpu.vector_load %arg23[%get3A_187, %get3A_188] {strides = array<i32>} : memref<128x32xf32, #tpu.memory_space<vmem>>, vector<16xf32>,
          %mul3A_190 = arith.constant 0.999899983 : f32
          %mul3A_191 = vector.broadcast %mul3A_190 : f32 to vector<16xf32>
          %mul3A_192 = arith.mulf %get3A_189, %mul3A_191 : vector<16xf32>
          %get3A_193 = arith.index_cast %scan3A_167 : i32 to index
          %get3A_194 = arith.constant 16 : index
          %get3A_195 = tpu.vector_load %arg24[%get3A_193, %get3A_194] {strides = array<i32>} : memref<128x32xf32, #tpu.memory_space<vmem>>, vector<16xf32>,
          %mul3A_196 = arith.mulf %gather3A, %get3A_195 : vector<16xf32>
          %sub3A_197 = arith.subf %mul3A_192, %mul3A_196 : vector<16xf32>
          %swap3A_198 = arith.index_cast %scan3A_167 : i32 to index
          %swap3A_199 = arith.constant 16 : index
          %swap3A_200 = tpu.vector_load %arg25[%swap3A_198, %swap3A_199] {strides = array<i32>} : memref<128x32xf32, #tpu.memory_space<vmem>>, vector<16xf32>,
          tpu.vector_store %arg25[%swap3A_198, %swap3A_199], %sub3A_197 {strides = array<i32>} : memref<128x32xf32, #tpu.memory_space<vmem>>, vector<16xf32>,
          %scan3A_201 = arith.constant 0 : i32
          scf.yield %scan3A_201 : i32
        }
        %scan3A_165 = arith.constant 128 : i32
        "tpu.region"() ({
          %run_scoped3A = tpu.sem_alloc : memref<!tpu.dma_semaphore, #tpu.memory_space<semaphore_mem>>
          %dma_start3A = arith.constant 0 : i32
          %dma_start3A_167 = tpu.memref_slice %arg17[%scan3A_157, %dma_start3A] : memref<8x128xi32, #tpu.memory_space<vmem>> -> memref<1x128xi32, #tpu.memory_space<vmem>>
          %dma_start3A_168 = tpu.memref_squeeze %dma_start3A_167 : memref<1x128xi32, #tpu.memory_space<vmem>> -> memref<128xi32, #tpu.memory_space<vmem>>
          %dma_start3A_169 = arith.constant 0 : i32
          %dma_start3A_170 = arith.constant 0 : i32
          %dma_start3A_171 = tpu.memref_slice %arg2[%dma_start3A_169, %dma_start3A_170] : memref<1000008x32xf32, #tpu.memory_space<hbm>> -> memref<1000008x32xf32, #tpu.memory_space<hbm>>
          tpu.enqueue_indirect_dma source(%arg25 : memref<128x32xf32, #tpu.memory_space<vmem>>) target(%dma_start3A_171 : memref<1000008x32xf32, #tpu.memory_space<hbm>>) offsets(%dma_start3A_168 : memref<128xi32, #tpu.memory_space<vmem>>) semaphore(%run_scoped3A : memref<!tpu.dma_semaphore, #tpu.memory_space<semaphore_mem>>)
          %dma_wait3A = arith.constant 0 : i32
          %dma_wait3A_172 = tpu.memref_slice %arg17[%scan3A_157, %dma_wait3A] : memref<8x128xi32, #tpu.memory_space<vmem>> -> memref<1x128xi32, #tpu.memory_space<vmem>>
          %dma_wait3A_173 = tpu.memref_squeeze %dma_wait3A_172 : memref<1x128xi32, #tpu.memory_space<vmem>> -> memref<128xi32, #tpu.memory_space<vmem>>
          %dma_wait3A_174 = arith.constant 0 : i32
          %dma_wait3A_175 = arith.constant 0 : i32
          %dma_wait3A_176 = tpu.memref_slice %arg2[%dma_wait3A_174, %dma_wait3A_175] : memref<1000008x32xf32, #tpu.memory_space<hbm>> -> memref<1000008x32xf32, #tpu.memory_space<hbm>>
          tpu.wait_indirect_dma semaphore(%run_scoped3A : memref<!tpu.dma_semaphore, #tpu.memory_space<semaphore_mem>>) src(%arg25 : memref<128x32xf32, #tpu.memory_space<vmem>>) dst(%dma_wait3A_176 : memref<1000008x32xf32, #tpu.memory_space<hbm>>)
          tpu.yield
        }) : () -> ()
        %scan3A_166 = arith.constant 0 : i32
        scf.yield %scan3A_166 : i32
      }
      %scan3A_100 = arith.constant 8 : i32
      %barrier3A_101 = arith.constant 0 : index
      tpu.barrier barrier_id(%barrier3A_101)
      %mul3A_102 = arith.constant 8 : i32
      %mul3A_103 = arith.muli %arg1, %mul3A_102 : i32
      "tpu.region"() ({
        %run_scoped3A = tpu.sem_alloc : memref<!tpu.dma_semaphore, #tpu.memory_space<semaphore_mem>>
        %dma_start3A = arith.constant 0 : i32
        %dma_start3A_157 = tpu.memref_slice %arg8[%mul3A_103, %dma_start3A] : memref<128x128xi32, #tpu.memory_space<hbm>> -> memref<8x128xi32, #tpu.memory_space<hbm>>
        %dma_start3A_158 = arith.constant 0 : i32
        %dma_start3A_159 = tpu.memref_slice %arg8[%mul3A_103, %dma_start3A_158] : memref<128x128xi32, #tpu.memory_space<hbm>> -> memref<8x128xi32, #tpu.memory_space<hbm>>
        tpu.enqueue_dma source(%dma_start3A_159 : memref<8x128xi32, #tpu.memory_space<hbm>>) target(%arg15 : memref<8x128xi32, #tpu.memory_space<vmem>>) target_semaphore(%run_scoped3A : memref<!tpu.dma_semaphore, #tpu.memory_space<semaphore_mem>>)
        %dma_wait3A = arith.constant 0 : i32
        %dma_wait3A_160 = tpu.memref_slice %arg8[%mul3A_103, %dma_wait3A] : memref<128x128xi32, #tpu.memory_space<hbm>> -> memref<8x128xi32, #tpu.memory_space<hbm>>
        %dma_wait3A_161 = arith.constant 0 : i32
        %dma_wait3A_162 = tpu.memref_slice %arg8[%mul3A_103, %dma_wait3A_161] : memref<128x128xi32, #tpu.memory_space<hbm>> -> memref<8x128xi32, #tpu.memory_space<hbm>>
        tpu.wait_dma2 semaphore(%run_scoped3A : memref<!tpu.dma_semaphore, #tpu.memory_space<semaphore_mem>>) src(%dma_wait3A_162 : memref<8x128xi32, #tpu.memory_space<hbm>>) dst(%arg15 : memref<8x128xi32, #tpu.memory_space<vmem>>)
        tpu.yield
      }) : () -> ()
      %scan3A_104 = arith.constant 0 : i32
      %scan3A_105 = arith.constant 0 : i32
      %scan3A_106 = arith.constant 64 : i32
      %scan3A_107 = arith.addi %scan3A_105, %scan3A_106 : i32
      %scan3A_108 = arith.constant 1 : i32
      %scan3A_109 = scf.for %scan3A_157 = %scan3A_105 to %scan3A_107 step %scan3A_108 iter_args(%scan3A_158 = %scan3A_104) -> (i32)  : i32 {
        %jit3A = arith.constant 8 : i32
        %div3A = arith.divsi %scan3A_157, %jit3A : i32
        %sign3A = arith.constant 0 : i32
        %sign3A_159 = arith.cmpi sgt, %scan3A_157, %sign3A : i32
        %sign3A_160 = arith.extui %sign3A_159 : i1 to i32
        %sign3A_161 = arith.constant 0 : i32
        %sign3A_162 = arith.cmpi slt, %scan3A_157, %sign3A_161 : i32
        %sign3A_163 = arith.extui %sign3A_162 : i1 to i32
        %sign3A_164 = arith.subi %sign3A_160, %sign3A_163 : i32
        %sign3A_165 = arith.constant 0 : i32
        %sign3A_166 = arith.cmpi sgt, %jit3A, %sign3A_165 : i32
        %sign3A_167 = arith.extui %sign3A_166 : i1 to i32
        %sign3A_168 = arith.constant 0 : i32
        %sign3A_169 = arith.cmpi slt, %jit3A, %sign3A_168 : i32
        %sign3A_170 = arith.extui %sign3A_169 : i1 to i32
        %sign3A_171 = arith.subi %sign3A_167, %sign3A_170 : i32
        %ne3A = arith.cmpi ne, %sign3A_164, %sign3A_171 : i32
        %rem3A = arith.remsi %scan3A_157, %jit3A : i32
        %ne3A_172 = arith.constant 0 : i32
        %ne3A_173 = arith.cmpi ne, %rem3A, %ne3A_172 : i32
        %and3A = arith.andi %ne3A, %ne3A_173 : i1
        %sub3A = arith.constant 1 : i32
        %sub3A_174 = arith.subi %div3A, %sub3A : i32
        %select_n3A = arith.select %and3A, %sub3A_174, %div3A : i32
        %jit3A_175 = arith.constant 8 : i32
        %eq3A_176 = arith.constant 0 : i32
        %eq3A_177 = arith.cmpi eq, %jit3A_175, %eq3A_176 : i32
        %jit3A_178 = arith.constant 1 : i32
        %select_n3A_179 = arith.select %eq3A_177, %jit3A_178, %jit3A_175 : i32
        %rem3A_180 = arith.remsi %scan3A_157, %select_n3A_179 : i32
        %ne3A_181 = arith.constant 0 : i32
        %ne3A_182 = arith.cmpi ne, %rem3A_180, %ne3A_181 : i32
        %lt3A = arith.constant 0 : i32
        %lt3A_183 = arith.cmpi slt, %rem3A_180, %lt3A : i32
        %lt3A_184 = arith.constant 0 : i32
        %lt3A_185 = arith.cmpi slt, %select_n3A_179, %lt3A_184 : i32
        %ne3A_186 = arith.xori %lt3A_183, %lt3A_185 : i1
        %and3A_187 = arith.andi %ne3A_186, %ne3A_182 : i1
        %add3A = arith.addi %rem3A_180, %select_n3A_179 : i32
        %select_n3A_188 = arith.select %and3A_187, %add3A, %rem3A_180 : i32
        %mul3A_189 = arith.constant 16 : i32
        %mul3A_190 = arith.muli %select_n3A_188, %mul3A_189 : i32
        %get3A = arith.index_cast %select_n3A : i32 to index
        %get3A_191 = arith.index_cast %mul3A_190 : i32 to index
        %get3A_192 = tpu.vector_load %arg15[%get3A, %get3A_191] {strides = array<i32>} : memref<8x128xi32, #tpu.memory_space<vmem>>, vector<16xi32>,
        %ge3A = arith.constant 500000 : i32
        %ge3A_193 = vector.broadcast %ge3A : i32 to vector<16xi32>
        %ge3A_194 = arith.cmpi sge, %get3A_192, %ge3A_193 : vector<16xi32>
        %lt3A_195 = arith.constant 1000000 : i32
        %lt3A_196 = vector.broadcast %lt3A_195 : i32 to vector<16xi32>
        %lt3A_197 = arith.cmpi slt, %get3A_192, %lt3A_196 : vector<16xi32>
        %and3A_198 = arith.andi %ge3A_194, %lt3A_197 : vector<16xi1>
        %sub3A_199 = arith.constant 500000 : i32
        %sub3A_200 = vector.broadcast %sub3A_199 : i32 to vector<16xi32>
        %sub3A_201 = arith.subi %get3A_192, %sub3A_200 : vector<16xi32>
        %broadcast_in_dim3A_202 = arith.constant 500000 : i32
        %broadcast_in_dim3A_203 = vector.broadcast %broadcast_in_dim3A_202 : i32 to vector<16xi32>
        %select_n3A_204 = arith.select %and3A_198, %sub3A_201, %broadcast_in_dim3A_203 : vector<16xi1>, vector<16xi32>
        %jit3A_205 = arith.constant 8 : i32
        %div3A_206 = arith.divsi %scan3A_157, %jit3A_205 : i32
        %sign3A_207 = arith.constant 0 : i32
        %sign3A_208 = arith.cmpi sgt, %scan3A_157, %sign3A_207 : i32
        %sign3A_209 = arith.extui %sign3A_208 : i1 to i32
        %sign3A_210 = arith.constant 0 : i32
        %sign3A_211 = arith.cmpi slt, %scan3A_157, %sign3A_210 : i32
        %sign3A_212 = arith.extui %sign3A_211 : i1 to i32
        %sign3A_213 = arith.subi %sign3A_209, %sign3A_212 : i32
        %sign3A_214 = arith.constant 0 : i32
        %sign3A_215 = arith.cmpi sgt, %jit3A_205, %sign3A_214 : i32
        %sign3A_216 = arith.extui %sign3A_215 : i1 to i32
        %sign3A_217 = arith.constant 0 : i32
        %sign3A_218 = arith.cmpi slt, %jit3A_205, %sign3A_217 : i32
        %sign3A_219 = arith.extui %sign3A_218 : i1 to i32
        %sign3A_220 = arith.subi %sign3A_216, %sign3A_219 : i32
        %ne3A_221 = arith.cmpi ne, %sign3A_213, %sign3A_220 : i32
        %rem3A_222 = arith.remsi %scan3A_157, %jit3A_205 : i32
        %ne3A_223 = arith.constant 0 : i32
        %ne3A_224 = arith.cmpi ne, %rem3A_222, %ne3A_223 : i32
        %and3A_225 = arith.andi %ne3A_221, %ne3A_224 : i1
        %sub3A_226 = arith.constant 1 : i32
        %sub3A_227 = arith.subi %div3A_206, %sub3A_226 : i32
        %select_n3A_228 = arith.select %and3A_225, %sub3A_227, %div3A_206 : i32
        %jit3A_229 = arith.constant 8 : i32
        %eq3A_230 = arith.constant 0 : i32
        %eq3A_231 = arith.cmpi eq, %jit3A_229, %eq3A_230 : i32
        %jit3A_232 = arith.constant 1 : i32
        %select_n3A_233 = arith.select %eq3A_231, %jit3A_232, %jit3A_229 : i32
        %rem3A_234 = arith.remsi %scan3A_157, %select_n3A_233 : i32
        %ne3A_235 = arith.constant 0 : i32
        %ne3A_236 = arith.cmpi ne, %rem3A_234, %ne3A_235 : i32
        %lt3A_237 = arith.constant 0 : i32
        %lt3A_238 = arith.cmpi slt, %rem3A_234, %lt3A_237 : i32
        %lt3A_239 = arith.constant 0 : i32
        %lt3A_240 = arith.cmpi slt, %select_n3A_233, %lt3A_239 : i32
        %ne3A_241 = arith.xori %lt3A_238, %lt3A_240 : i1
        %and3A_242 = arith.andi %ne3A_241, %ne3A_236 : i1
        %add3A_243 = arith.addi %rem3A_234, %select_n3A_233 : i32
        %select_n3A_244 = arith.select %and3A_242, %add3A_243, %rem3A_234 : i32
        %mul3A_245 = arith.constant 16 : i32
        %mul3A_246 = arith.muli %select_n3A_244, %mul3A_245 : i32
        %swap3A_247 = arith.index_cast %select_n3A_228 : i32 to index
        %swap3A_248 = arith.index_cast %mul3A_246 : i32 to index
        %swap3A_249 = tpu.vector_load %arg16[%swap3A_247, %swap3A_248] {strides = array<i32>} : memref<8x128xi32, #tpu.memory_space<vmem>>, vector<16xi32>,
        tpu.vector_store %arg16[%swap3A_247, %swap3A_248], %select_n3A_204 {strides = array<i32>} : memref<8x128xi32, #tpu.memory_space<vmem>>, vector<16xi32>,
        %and3A_250 = arith.constant 7 : i32
        %and3A_251 = vector.broadcast %and3A_250 : i32 to vector<16xi32>
        %and3A_252 = arith.andi %iota3A, %and3A_251 : vector<16xi32>
        %add3A_253 = arith.constant 1000000 : i32
        %add3A_254 = vector.broadcast %add3A_253 : i32 to vector<16xi32>
        %add3A_255 = arith.addi %add3A_254, %and3A_252 : vector<16xi32>
        %select_n3A_256 = arith.select %and3A_198, %get3A_192, %add3A_255 : vector<16xi1>, vector<16xi32>
        %jit3A_257 = arith.constant 8 : i32
        %div3A_258 = arith.divsi %scan3A_157, %jit3A_257 : i32
        %sign3A_259 = arith.constant 0 : i32
        %sign3A_260 = arith.cmpi sgt, %scan3A_157, %sign3A_259 : i32
        %sign3A_261 = arith.extui %sign3A_260 : i1 to i32
        %sign3A_262 = arith.constant 0 : i32
        %sign3A_263 = arith.cmpi slt, %scan3A_157, %sign3A_262 : i32
        %sign3A_264 = arith.extui %sign3A_263 : i1 to i32
        %sign3A_265 = arith.subi %sign3A_261, %sign3A_264 : i32
        %sign3A_266 = arith.constant 0 : i32
        %sign3A_267 = arith.cmpi sgt, %jit3A_257, %sign3A_266 : i32
        %sign3A_268 = arith.extui %sign3A_267 : i1 to i32
        %sign3A_269 = arith.constant 0 : i32
        %sign3A_270 = arith.cmpi slt, %jit3A_257, %sign3A_269 : i32
        %sign3A_271 = arith.extui %sign3A_270 : i1 to i32
        %sign3A_272 = arith.subi %sign3A_268, %sign3A_271 : i32
        %ne3A_273 = arith.cmpi ne, %sign3A_265, %sign3A_272 : i32
        %rem3A_274 = arith.remsi %scan3A_157, %jit3A_257 : i32
        %ne3A_275 = arith.constant 0 : i32
        %ne3A_276 = arith.cmpi ne, %rem3A_274, %ne3A_275 : i32
        %and3A_277 = arith.andi %ne3A_273, %ne3A_276 : i1
        %sub3A_278 = arith.constant 1 : i32
        %sub3A_279 = arith.subi %div3A_258, %sub3A_278 : i32
        %select_n3A_280 = arith.select %and3A_277, %sub3A_279, %div3A_258 : i32
        %jit3A_281 = arith.constant 8 : i32
        %eq3A_282 = arith.constant 0 : i32
        %eq3A_283 = arith.cmpi eq, %jit3A_281, %eq3A_282 : i32
        %jit3A_284 = arith.constant 1 : i32
        %select_n3A_285 = arith.select %eq3A_283, %jit3A_284, %jit3A_281 : i32
        %rem3A_286 = arith.remsi %scan3A_157, %select_n3A_285 : i32
        %ne3A_287 = arith.constant 0 : i32
        %ne3A_288 = arith.cmpi ne, %rem3A_286, %ne3A_287 : i32
        %lt3A_289 = arith.constant 0 : i32
        %lt3A_290 = arith.cmpi slt, %rem3A_286, %lt3A_289 : i32
        %lt3A_291 = arith.constant 0 : i32
        %lt3A_292 = arith.cmpi slt, %select_n3A_285, %lt3A_291 : i32
        %ne3A_293 = arith.xori %lt3A_290, %lt3A_292 : i1
        %and3A_294 = arith.andi %ne3A_293, %ne3A_288 : i1
        %add3A_295 = arith.addi %rem3A_286, %select_n3A_285 : i32
        %select_n3A_296 = arith.select %and3A_294, %add3A_295, %rem3A_286 : i32
        %mul3A_297 = arith.constant 16 : i32
        %mul3A_298 = arith.muli %select_n3A_296, %mul3A_297 : i32
        %swap3A_299 = arith.index_cast %select_n3A_280 : i32 to index
        %swap3A_300 = arith.index_cast %mul3A_298 : i32 to index
        %swap3A_301 = tpu.vector_load %arg17[%swap3A_299, %swap3A_300] {strides = array<i32>} : memref<8x128xi32, #tpu.memory_space<vmem>>, vector<16xi32>,
        tpu.vector_store %arg17[%swap3A_299, %swap3A_300], %select_n3A_256 {strides = array<i32>} : memref<8x128xi32, #tpu.memory_space<vmem>>, vector<16xi32>,
        %mul3A_302 = arith.constant 16 : i32
        %mul3A_303 = arith.muli %mul3A_302, %scan3A_157 : i32
        %add3A_304 = arith.addi %mul3A_0, %mul3A_303 : i32
        %add3A_305 = vector.broadcast %add3A_304 : i32 to vector<16xi32>
        %add3A_306 = arith.addi %iota3A, %add3A_305 : vector<16xi32>
        %mul3A_307 = arith.constant 16 : i32
        %mul3A_308 = arith.muli %mul3A_307, %scan3A_157 : i32
        %swap3A_309 = arith.index_cast %mul3A_308 : i32 to index
        %swap3A_310 = tpu.vector_load %arg19[%swap3A_309] {strides = array<i32>} : memref<1024xi32, #tpu.memory_space<vmem>>, vector<16xi32>,
        tpu.vector_store %arg19[%swap3A_309], %add3A_306 {strides = array<i32>} : memref<1024xi32, #tpu.memory_space<vmem>>, vector<16xi32>,
        %scan3A_311 = arith.constant 0 : i32
        scf.yield %scan3A_311 : i32
      }
      %scan3A_110 = arith.constant 64 : i32
      %scan3A_111 = arith.constant 0 : i32
      %scan3A_112 = arith.constant 0 : i32
      %scan3A_113 = arith.constant 8 : i32
      %scan3A_114 = arith.addi %scan3A_112, %scan3A_113 : i32
      %scan3A_115 = arith.constant 1 : i32
      %scan3A_116 = scf.for %scan3A_157 = %scan3A_112 to %scan3A_114 step %scan3A_115 iter_args(%scan3A_158 = %scan3A_111) -> (i32)  : i32 {
        %mul3A_159 = arith.constant 128 : i32
        %mul3A_160 = arith.muli %scan3A_157, %mul3A_159 : i32
        "tpu.region"() ({
          %run_scoped3A = tpu.sem_alloc : memref<!tpu.dma_semaphore, #tpu.memory_space<semaphore_mem>>
          %dma_start3A = tpu.memref_slice %arg19[%mul3A_160] : memref<1024xi32, #tpu.memory_space<vmem>> -> memref<128xi32, #tpu.memory_space<vmem>>
          %dma_start3A_164 = arith.constant 0 : i32
          %dma_start3A_165 = tpu.memref_slice %arg16[%scan3A_157, %dma_start3A_164] : memref<8x128xi32, #tpu.memory_space<vmem>> -> memref<1x128xi32, #tpu.memory_space<vmem>>
          %dma_start3A_166 = tpu.memref_squeeze %dma_start3A_165 : memref<1x128xi32, #tpu.memory_space<vmem>> -> memref<128xi32, #tpu.memory_space<vmem>>
          %dma_start3A_167 = arith.constant 0 : i32
          %dma_start3A_168 = tpu.memref_slice %arg12[%dma_start3A_167] : memref<500008xi32, #tpu.memory_space<vmem_shared>> -> memref<500008xi32, #tpu.memory_space<vmem_shared>>
          tpu.enqueue_indirect_dma source(%dma_start3A : memref<128xi32, #tpu.memory_space<vmem>>) target(%dma_start3A_168 : memref<500008xi32, #tpu.memory_space<vmem_shared>>) offsets(%dma_start3A_166 : memref<128xi32, #tpu.memory_space<vmem>>) semaphore(%run_scoped3A : memref<!tpu.dma_semaphore, #tpu.memory_space<semaphore_mem>>)
          %dma_wait3A = tpu.memref_slice %arg19[%mul3A_160] : memref<1024xi32, #tpu.memory_space<vmem>> -> memref<128xi32, #tpu.memory_space<vmem>>
          %dma_wait3A_169 = arith.constant 0 : i32
          %dma_wait3A_170 = tpu.memref_slice %arg16[%scan3A_157, %dma_wait3A_169] : memref<8x128xi32, #tpu.memory_space<vmem>> -> memref<1x128xi32, #tpu.memory_space<vmem>>
          %dma_wait3A_171 = tpu.memref_squeeze %dma_wait3A_170 : memref<1x128xi32, #tpu.memory_space<vmem>> -> memref<128xi32, #tpu.memory_space<vmem>>
          %dma_wait3A_172 = arith.constant 0 : i32
          %dma_wait3A_173 = tpu.memref_slice %arg12[%dma_wait3A_172] : memref<500008xi32, #tpu.memory_space<vmem_shared>> -> memref<500008xi32, #tpu.memory_space<vmem_shared>>
          tpu.wait_indirect_dma semaphore(%run_scoped3A : memref<!tpu.dma_semaphore, #tpu.memory_space<semaphore_mem>>) src(%dma_wait3A : memref<128xi32, #tpu.memory_space<vmem>>) dst(%dma_wait3A_173 : memref<500008xi32, #tpu.memory_space<vmem_shared>>)
          tpu.yield
        }) : () -> ()
        %mul3A_161 = arith.constant 128 : i32
        %mul3A_162 = arith.muli %scan3A_157, %mul3A_161 : i32
        %add3A = arith.addi %mul3A_0, %mul3A_162 : i32
        "tpu.region"() ({
          %run_scoped3A = tpu.sem_alloc : memref<!tpu.dma_semaphore, #tpu.memory_space<semaphore_mem>>
          %dma_start3A = tpu.memref_slice %arg14[%add3A] : memref<16384xf32, #tpu.memory_space<vmem_shared>> -> memref<128xf32, #tpu.memory_space<vmem_shared>>
          %dma_start3A_164 = tpu.memref_slice %arg14[%add3A] : memref<16384xf32, #tpu.memory_space<vmem_shared>> -> memref<128xf32, #tpu.memory_space<vmem_shared>>
          tpu.enqueue_dma source(%arg27 : memref<128xf32, #tpu.memory_space<vmem>>) target(%dma_start3A_164 : memref<128xf32, #tpu.memory_space<vmem_shared>>) target_semaphore(%run_scoped3A : memref<!tpu.dma_semaphore, #tpu.memory_space<semaphore_mem>>)
          %dma_wait3A = tpu.memref_slice %arg14[%add3A] : memref<16384xf32, #tpu.memory_space<vmem_shared>> -> memref<128xf32, #tpu.memory_space<vmem_shared>>
          %dma_wait3A_165 = tpu.memref_slice %arg14[%add3A] : memref<16384xf32, #tpu.memory_space<vmem_shared>> -> memref<128xf32, #tpu.memory_space<vmem_shared>>
          tpu.wait_dma2 semaphore(%run_scoped3A : memref<!tpu.dma_semaphore, #tpu.memory_space<semaphore_mem>>) src(%arg27 : memref<128xf32, #tpu.memory_space<vmem>>) dst(%dma_wait3A_165 : memref<128xf32, #tpu.memory_space<vmem_shared>>)
          tpu.yield
        }) : () -> ()
        %scan3A_163 = arith.constant 0 : i32
        scf.yield %scan3A_163 : i32
      }
      %scan3A_117 = arith.constant 8 : i32
      %barrier3A_118 = arith.constant 0 : index
      tpu.barrier barrier_id(%barrier3A_118)
      %scan3A_119 = arith.constant 0 : i32
      %scan3A_120 = arith.constant 0 : i32
      %scan3A_121 = arith.constant 8 : i32
      %scan3A_122 = arith.addi %scan3A_120, %scan3A_121 : i32
      %scan3A_123 = arith.constant 1 : i32
      %scan3A_124 = scf.for %scan3A_157 = %scan3A_120 to %scan3A_122 step %scan3A_123 iter_args(%scan3A_158 = %scan3A_119) -> (i32)  : i32 {
        "tpu.region"() ({
          %run_scoped3A = tpu.sem_alloc : memref<!tpu.dma_semaphore, #tpu.memory_space<semaphore_mem>>
          %dma_start3A = arith.constant 0 : i32
          %dma_start3A_162 = tpu.memref_slice %arg18[%scan3A_157, %dma_start3A] : memref<8x128xi32, #tpu.memory_space<vmem>> -> memref<1x128xi32, #tpu.memory_space<vmem>>
          %dma_start3A_163 = tpu.memref_squeeze %dma_start3A_162 : memref<1x128xi32, #tpu.memory_space<vmem>> -> memref<128xi32, #tpu.memory_space<vmem>>
          %dma_start3A_164 = arith.constant 0 : i32
          %dma_start3A_165 = tpu.memref_slice %arg16[%scan3A_157, %dma_start3A_164] : memref<8x128xi32, #tpu.memory_space<vmem>> -> memref<1x128xi32, #tpu.memory_space<vmem>>
          %dma_start3A_166 = tpu.memref_squeeze %dma_start3A_165 : memref<1x128xi32, #tpu.memory_space<vmem>> -> memref<128xi32, #tpu.memory_space<vmem>>
          %dma_start3A_167 = arith.constant 0 : i32
          %dma_start3A_168 = tpu.memref_slice %arg12[%dma_start3A_167] : memref<500008xi32, #tpu.memory_space<vmem_shared>> -> memref<500008xi32, #tpu.memory_space<vmem_shared>>
          tpu.enqueue_indirect_dma source(%dma_start3A_168 : memref<500008xi32, #tpu.memory_space<vmem_shared>>) target(%dma_start3A_163 : memref<128xi32, #tpu.memory_space<vmem>>) offsets(%dma_start3A_166 : memref<128xi32, #tpu.memory_space<vmem>>) semaphore(%run_scoped3A : memref<!tpu.dma_semaphore, #tpu.memory_space<semaphore_mem>>)
          %dma_wait3A = arith.constant 0 : i32
          %dma_wait3A_169 = tpu.memref_slice %arg18[%scan3A_157, %dma_wait3A] : memref<8x128xi32, #tpu.memory_space<vmem>> -> memref<1x128xi32, #tpu.memory_space<vmem>>
          %dma_wait3A_170 = tpu.memref_squeeze %dma_wait3A_169 : memref<1x128xi32, #tpu.memory_space<vmem>> -> memref<128xi32, #tpu.memory_space<vmem>>
          %dma_wait3A_171 = arith.constant 0 : i32
          %dma_wait3A_172 = tpu.memref_slice %arg16[%scan3A_157, %dma_wait3A_171] : memref<8x128xi32, #tpu.memory_space<vmem>> -> memref<1x128xi32, #tpu.memory_space<vmem>>
          %dma_wait3A_173 = tpu.memref_squeeze %dma_wait3A_172 : memref<1x128xi32, #tpu.memory_space<vmem>> -> memref<128xi32, #tpu.memory_space<vmem>>
          %dma_wait3A_174 = arith.constant 0 : i32
          %dma_wait3A_175 = tpu.memref_slice %arg12[%dma_wait3A_174] : memref<500008xi32, #tpu.memory_space<vmem_shared>> -> memref<500008xi32, #tpu.memory_space<vmem_shared>>
          tpu.wait_indirect_dma semaphore(%run_scoped3A : memref<!tpu.dma_semaphore, #tpu.memory_space<semaphore_mem>>) src(%dma_wait3A_175 : memref<500008xi32, #tpu.memory_space<vmem_shared>>) dst(%dma_wait3A_170 : memref<128xi32, #tpu.memory_space<vmem>>)
          tpu.yield
        }) : () -> ()
        "tpu.region"() ({
          %run_scoped3A = tpu.sem_alloc : memref<!tpu.dma_semaphore, #tpu.memory_space<semaphore_mem>>
          %dma_start3A = arith.constant 0 : i32
          %dma_start3A_162 = tpu.memref_slice %arg18[%scan3A_157, %dma_start3A] : memref<8x128xi32, #tpu.memory_space<vmem>> -> memref<1x128xi32, #tpu.memory_space<vmem>>
          %dma_start3A_163 = tpu.memref_squeeze %dma_start3A_162 : memref<1x128xi32, #tpu.memory_space<vmem>> -> memref<128xi32, #tpu.memory_space<vmem>>
          %dma_start3A_164 = arith.constant 0 : i32
          %dma_start3A_165 = tpu.memref_slice %arg14[%dma_start3A_164] : memref<16384xf32, #tpu.memory_space<vmem_shared>> -> memref<16384xf32, #tpu.memory_space<vmem_shared>>
          tpu.enqueue_indirect_dma source(%arg28 : memref<128xf32, #tpu.memory_space<vmem>>) target(%dma_start3A_165 : memref<16384xf32, #tpu.memory_space<vmem_shared>>) offsets(%dma_start3A_163 : memref<128xi32, #tpu.memory_space<vmem>>) semaphore(%run_scoped3A : memref<!tpu.dma_semaphore, #tpu.memory_space<semaphore_mem>>) {add = true}
          %dma_wait3A = arith.constant 0 : i32
          %dma_wait3A_166 = tpu.memref_slice %arg18[%scan3A_157, %dma_wait3A] : memref<8x128xi32, #tpu.memory_space<vmem>> -> memref<1x128xi32, #tpu.memory_space<vmem>>
          %dma_wait3A_167 = tpu.memref_squeeze %dma_wait3A_166 : memref<1x128xi32, #tpu.memory_space<vmem>> -> memref<128xi32, #tpu.memory_space<vmem>>
          %dma_wait3A_168 = arith.constant 0 : i32
          %dma_wait3A_169 = tpu.memref_slice %arg14[%dma_wait3A_168] : memref<16384xf32, #tpu.memory_space<vmem_shared>> -> memref<16384xf32, #tpu.memory_space<vmem_shared>>
          tpu.wait_indirect_dma semaphore(%run_scoped3A : memref<!tpu.dma_semaphore, #tpu.memory_space<semaphore_mem>>) src(%arg28 : memref<128xf32, #tpu.memory_space<vmem>>) dst(%dma_wait3A_169 : memref<16384xf32, #tpu.memory_space<vmem_shared>>)
          tpu.yield
        }) : () -> ()
        %mul3A_159 = arith.constant 128 : i32
        %mul3A_160 = arith.muli %scan3A_157, %mul3A_159 : i32
        %add3A = arith.addi %mul3A_0, %mul3A_160 : i32
        "tpu.region"() ({
          %run_scoped3A = tpu.sem_alloc : memref<!tpu.dma_semaphore, #tpu.memory_space<semaphore_mem>>
          %dma_start3A = arith.constant 0 : i32
          %dma_start3A_162 = tpu.memref_slice %arg13[%add3A, %dma_start3A] : memref<16384x32xf32, #tpu.memory_space<vmem_shared>> -> memref<128x32xf32, #tpu.memory_space<vmem_shared>>
          %dma_start3A_163 = arith.constant 0 : i32
          %dma_start3A_164 = tpu.memref_slice %arg13[%add3A, %dma_start3A_163] : memref<16384x32xf32, #tpu.memory_space<vmem_shared>> -> memref<128x32xf32, #tpu.memory_space<vmem_shared>>
          tpu.enqueue_dma source(%arg26 : memref<128x32xf32, #tpu.memory_space<vmem>>) target(%dma_start3A_164 : memref<128x32xf32, #tpu.memory_space<vmem_shared>>) target_semaphore(%run_scoped3A : memref<!tpu.dma_semaphore, #tpu.memory_space<semaphore_mem>>)
          %dma_wait3A = arith.constant 0 : i32
          %dma_wait3A_165 = tpu.memref_slice %arg13[%add3A, %dma_wait3A] : memref<16384x32xf32, #tpu.memory_space<vmem_shared>> -> memref<128x32xf32, #tpu.memory_space<vmem_shared>>
          %dma_wait3A_166 = arith.constant 0 : i32
          %dma_wait3A_167 = tpu.memref_slice %arg13[%add3A, %dma_wait3A_166] : memref<16384x32xf32, #tpu.memory_space<vmem_shared>> -> memref<128x32xf32, #tpu.memory_space<vmem_shared>>
          tpu.wait_dma2 semaphore(%run_scoped3A : memref<!tpu.dma_semaphore, #tpu.memory_space<semaphore_mem>>) src(%arg26 : memref<128x32xf32, #tpu.memory_space<vmem>>) dst(%dma_wait3A_167 : memref<128x32xf32, #tpu.memory_space<vmem_shared>>)
          tpu.yield
        }) : () -> ()
        %scan3A_161 = arith.constant 0 : i32
        scf.yield %scan3A_161 : i32
      }
      %scan3A_125 = arith.constant 8 : i32
      %barrier3A_126 = arith.constant 0 : index
      tpu.barrier barrier_id(%barrier3A_126)
      %scan3A_127 = arith.constant 0 : i32
      %scan3A_128 = arith.constant 0 : i32
      %scan3A_129 = arith.constant 8 : i32
      %scan3A_130 = arith.addi %scan3A_128, %scan3A_129 : i32
      %scan3A_131 = arith.constant 1 : i32
      %scan3A_132 = scf.for %scan3A_157 = %scan3A_128 to %scan3A_130 step %scan3A_131 iter_args(%scan3A_158 = %scan3A_127) -> (i32)  : i32 {
        %mul3A_159 = arith.constant 128 : i32
        %mul3A_160 = arith.muli %scan3A_157, %mul3A_159 : i32
        "tpu.region"() ({
          %run_scoped3A = tpu.sem_alloc : memref<!tpu.dma_semaphore, #tpu.memory_space<semaphore_mem>>
          %dma_start3A = tpu.memref_slice %arg20[%mul3A_160] : memref<1024xf32, #tpu.memory_space<vmem>> -> memref<128xf32, #tpu.memory_space<vmem>>
          %dma_start3A_162 = arith.constant 0 : i32
          %dma_start3A_163 = tpu.memref_slice %arg18[%scan3A_157, %dma_start3A_162] : memref<8x128xi32, #tpu.memory_space<vmem>> -> memref<1x128xi32, #tpu.memory_space<vmem>>
          %dma_start3A_164 = tpu.memref_squeeze %dma_start3A_163 : memref<1x128xi32, #tpu.memory_space<vmem>> -> memref<128xi32, #tpu.memory_space<vmem>>
          %dma_start3A_165 = arith.constant 0 : i32
          %dma_start3A_166 = tpu.memref_slice %arg14[%dma_start3A_165] : memref<16384xf32, #tpu.memory_space<vmem_shared>> -> memref<16384xf32, #tpu.memory_space<vmem_shared>>
          tpu.enqueue_indirect_dma source(%dma_start3A_166 : memref<16384xf32, #tpu.memory_space<vmem_shared>>) target(%dma_start3A : memref<128xf32, #tpu.memory_space<vmem>>) offsets(%dma_start3A_164 : memref<128xi32, #tpu.memory_space<vmem>>) semaphore(%run_scoped3A : memref<!tpu.dma_semaphore, #tpu.memory_space<semaphore_mem>>)
          %dma_wait3A = tpu.memref_slice %arg20[%mul3A_160] : memref<1024xf32, #tpu.memory_space<vmem>> -> memref<128xf32, #tpu.memory_space<vmem>>
          %dma_wait3A_167 = arith.constant 0 : i32
          %dma_wait3A_168 = tpu.memref_slice %arg18[%scan3A_157, %dma_wait3A_167] : memref<8x128xi32, #tpu.memory_space<vmem>> -> memref<1x128xi32, #tpu.memory_space<vmem>>
          %dma_wait3A_169 = tpu.memref_squeeze %dma_wait3A_168 : memref<1x128xi32, #tpu.memory_space<vmem>> -> memref<128xi32, #tpu.memory_space<vmem>>
          %dma_wait3A_170 = arith.constant 0 : i32
          %dma_wait3A_171 = tpu.memref_slice %arg14[%dma_wait3A_170] : memref<16384xf32, #tpu.memory_space<vmem_shared>> -> memref<16384xf32, #tpu.memory_space<vmem_shared>>
          tpu.wait_indirect_dma semaphore(%run_scoped3A : memref<!tpu.dma_semaphore, #tpu.memory_space<semaphore_mem>>) src(%dma_wait3A_171 : memref<16384xf32, #tpu.memory_space<vmem_shared>>) dst(%dma_wait3A : memref<128xf32, #tpu.memory_space<vmem>>)
          tpu.yield
        }) : () -> ()
        %scan3A_161 = arith.constant 0 : i32
        scf.yield %scan3A_161 : i32
      }
      %scan3A_133 = arith.constant 8 : i32
      %scan3A_134 = arith.constant 0 : i32
      %scan3A_135 = arith.constant 0 : i32
      %scan3A_136 = arith.constant 64 : i32
      %scan3A_137 = arith.addi %scan3A_135, %scan3A_136 : i32
      %scan3A_138 = arith.constant 1 : i32
      %scan3A_139 = scf.for %scan3A_157 = %scan3A_135 to %scan3A_137 step %scan3A_138 iter_args(%scan3A_158 = %scan3A_134) -> (i32)  : i32 {
        %mul3A_159 = arith.constant 16 : i32
        %mul3A_160 = arith.muli %mul3A_159, %scan3A_157 : i32
        %jit3A = arith.constant 8 : i32
        %div3A = arith.divsi %scan3A_157, %jit3A : i32
        %sign3A = arith.constant 0 : i32
        %sign3A_161 = arith.cmpi sgt, %scan3A_157, %sign3A : i32
        %sign3A_162 = arith.extui %sign3A_161 : i1 to i32
        %sign3A_163 = arith.constant 0 : i32
        %sign3A_164 = arith.cmpi slt, %scan3A_157, %sign3A_163 : i32
        %sign3A_165 = arith.extui %sign3A_164 : i1 to i32
        %sign3A_166 = arith.subi %sign3A_162, %sign3A_165 : i32
        %sign3A_167 = arith.constant 0 : i32
        %sign3A_168 = arith.cmpi sgt, %jit3A, %sign3A_167 : i32
        %sign3A_169 = arith.extui %sign3A_168 : i1 to i32
        %sign3A_170 = arith.constant 0 : i32
        %sign3A_171 = arith.cmpi slt, %jit3A, %sign3A_170 : i32
        %sign3A_172 = arith.extui %sign3A_171 : i1 to i32
        %sign3A_173 = arith.subi %sign3A_169, %sign3A_172 : i32
        %ne3A = arith.cmpi ne, %sign3A_166, %sign3A_173 : i32
        %rem3A = arith.remsi %scan3A_157, %jit3A : i32
        %ne3A_174 = arith.constant 0 : i32
        %ne3A_175 = arith.cmpi ne, %rem3A, %ne3A_174 : i32
        %and3A = arith.andi %ne3A, %ne3A_175 : i1
        %sub3A = arith.constant 1 : i32
        %sub3A_176 = arith.subi %div3A, %sub3A : i32
        %select_n3A = arith.select %and3A, %sub3A_176, %div3A : i32
        %jit3A_177 = arith.constant 8 : i32
        %eq3A_178 = arith.constant 0 : i32
        %eq3A_179 = arith.cmpi eq, %jit3A_177, %eq3A_178 : i32
        %jit3A_180 = arith.constant 1 : i32
        %select_n3A_181 = arith.select %eq3A_179, %jit3A_180, %jit3A_177 : i32
        %rem3A_182 = arith.remsi %scan3A_157, %select_n3A_181 : i32
        %ne3A_183 = arith.constant 0 : i32
        %ne3A_184 = arith.cmpi ne, %rem3A_182, %ne3A_183 : i32
        %lt3A = arith.constant 0 : i32
        %lt3A_185 = arith.cmpi slt, %rem3A_182, %lt3A : i32
        %lt3A_186 = arith.constant 0 : i32
        %lt3A_187 = arith.cmpi slt, %select_n3A_181, %lt3A_186 : i32
        %ne3A_188 = arith.xori %lt3A_185, %lt3A_187 : i1
        %and3A_189 = arith.andi %ne3A_188, %ne3A_184 : i1
        %add3A = arith.addi %rem3A_182, %select_n3A_181 : i32
        %select_n3A_190 = arith.select %and3A_189, %add3A, %rem3A_182 : i32
        %mul3A_191 = arith.constant 16 : i32
        %mul3A_192 = arith.muli %select_n3A_190, %mul3A_191 : i32
        %get3A = arith.index_cast %select_n3A : i32 to index
        %get3A_193 = arith.index_cast %mul3A_192 : i32 to index
        %get3A_194 = tpu.vector_load %arg15[%get3A, %get3A_193] {strides = array<i32>} : memref<8x128xi32, #tpu.memory_space<vmem>>, vector<16xi32>,
        %ge3A = arith.constant 500000 : i32
        %ge3A_195 = vector.broadcast %ge3A : i32 to vector<16xi32>
        %ge3A_196 = arith.cmpi sge, %get3A_194, %ge3A_195 : vector<16xi32>
        %lt3A_197 = arith.constant 1000000 : i32
        %lt3A_198 = vector.broadcast %lt3A_197 : i32 to vector<16xi32>
        %lt3A_199 = arith.cmpi slt, %get3A_194, %lt3A_198 : vector<16xi32>
        %and3A_200 = arith.andi %ge3A_196, %lt3A_199 : vector<16xi1>
        %get3A_201 = arith.index_cast %mul3A_160 : i32 to index
        %get3A_202 = tpu.vector_load %arg20[%get3A_201] {strides = array<i32>} : memref<1024xf32, #tpu.memory_space<vmem>>, vector<16xf32>,
        %div3A_203 = arith.constant 0.00999999977 : f32
        %div3A_204 = vector.broadcast %div3A_203 : f32 to vector<16xf32>
        %div3A_205 = arith.divf %div3A_204, %get3A_202 : vector<16xf32>
        %select_n3A_206 = arith.select %and3A_200, %div3A_205, %broadcast_in_dim3A_1 : vector<16xi1>, vector<16xf32>
        %swap3A_207 = arith.index_cast %mul3A_160 : i32 to index
        %swap3A_208 = tpu.vector_load %arg21[%swap3A_207] {strides = array<i32>} : memref<1024xf32, #tpu.memory_space<vmem>>, vector<16xf32>,
        tpu.vector_store %arg21[%swap3A_207], %select_n3A_206 {strides = array<i32>} : memref<1024xf32, #tpu.memory_space<vmem>>, vector<16xf32>,
        %scan3A_209 = arith.constant 0 : i32
        scf.yield %scan3A_209 : i32
      }
      %scan3A_140 = arith.constant 64 : i32
      %scan3A_141 = arith.constant 0 : i32
      %scan3A_142 = arith.constant 0 : i32
      %scan3A_143 = arith.constant 8 : i32
      %scan3A_144 = arith.addi %scan3A_142, %scan3A_143 : i32
      %scan3A_145 = arith.constant 1 : i32
      %scan3A_146 = scf.for %scan3A_157 = %scan3A_142 to %scan3A_144 step %scan3A_145 iter_args(%scan3A_158 = %scan3A_141) -> (i32)  : i32 {
        %mul3A_159 = arith.constant 128 : i32
        %mul3A_160 = arith.muli %scan3A_157, %mul3A_159 : i32
        %add3A = arith.addi %mul3A_0, %mul3A_160 : i32
        "tpu.region"() ({
          %run_scoped3A = tpu.sem_alloc : memref<!tpu.dma_semaphore, #tpu.memory_space<semaphore_mem>>
          %dma_start3A = arith.constant 0 : i32
          %dma_start3A_162 = tpu.memref_slice %arg6[%add3A, %dma_start3A] : memref<16384x32xf32, #tpu.memory_space<hbm>> -> memref<128x32xf32, #tpu.memory_space<hbm>>
          %dma_start3A_163 = arith.constant 0 : i32
          %dma_start3A_164 = tpu.memref_slice %arg6[%add3A, %dma_start3A_163] : memref<16384x32xf32, #tpu.memory_space<hbm>> -> memref<128x32xf32, #tpu.memory_space<hbm>>
          tpu.enqueue_dma source(%dma_start3A_164 : memref<128x32xf32, #tpu.memory_space<hbm>>) target(%arg22 : memref<128x32xf32, #tpu.memory_space<vmem>>) target_semaphore(%run_scoped3A : memref<!tpu.dma_semaphore, #tpu.memory_space<semaphore_mem>>)
          %dma_wait3A = arith.constant 0 : i32
          %dma_wait3A_165 = tpu.memref_slice %arg6[%add3A, %dma_wait3A] : memref<16384x32xf32, #tpu.memory_space<hbm>> -> memref<128x32xf32, #tpu.memory_space<hbm>>
          %dma_wait3A_166 = arith.constant 0 : i32
          %dma_wait3A_167 = tpu.memref_slice %arg6[%add3A, %dma_wait3A_166] : memref<16384x32xf32, #tpu.memory_space<hbm>> -> memref<128x32xf32, #tpu.memory_space<hbm>>
          tpu.wait_dma2 semaphore(%run_scoped3A : memref<!tpu.dma_semaphore, #tpu.memory_space<semaphore_mem>>) src(%dma_wait3A_167 : memref<128x32xf32, #tpu.memory_space<hbm>>) dst(%arg22 : memref<128x32xf32, #tpu.memory_space<vmem>>)
          tpu.yield
        }) : () -> ()
        "tpu.region"() ({
          %run_scoped3A = tpu.sem_alloc : memref<!tpu.dma_semaphore, #tpu.memory_space<semaphore_mem>>
          %dma_start3A = arith.constant 0 : i32
          %dma_start3A_162 = tpu.memref_slice %arg18[%scan3A_157, %dma_start3A] : memref<8x128xi32, #tpu.memory_space<vmem>> -> memref<1x128xi32, #tpu.memory_space<vmem>>
          %dma_start3A_163 = tpu.memref_squeeze %dma_start3A_162 : memref<1x128xi32, #tpu.memory_space<vmem>> -> memref<128xi32, #tpu.memory_space<vmem>>
          %dma_start3A_164 = arith.constant 0 : i32
          %dma_start3A_165 = arith.constant 0 : i32
          %dma_start3A_166 = tpu.memref_slice %arg13[%dma_start3A_164, %dma_start3A_165] : memref<16384x32xf32, #tpu.memory_space<vmem_shared>> -> memref<16384x32xf32, #tpu.memory_space<vmem_shared>>
          tpu.enqueue_indirect_dma source(%arg22 : memref<128x32xf32, #tpu.memory_space<vmem>>) target(%dma_start3A_166 : memref<16384x32xf32, #tpu.memory_space<vmem_shared>>) offsets(%dma_start3A_163 : memref<128xi32, #tpu.memory_space<vmem>>) semaphore(%run_scoped3A : memref<!tpu.dma_semaphore, #tpu.memory_space<semaphore_mem>>) {add = true}
          %dma_wait3A = arith.constant 0 : i32
          %dma_wait3A_167 = tpu.memref_slice %arg18[%scan3A_157, %dma_wait3A] : memref<8x128xi32, #tpu.memory_space<vmem>> -> memref<1x128xi32, #tpu.memory_space<vmem>>
          %dma_wait3A_168 = tpu.memref_squeeze %dma_wait3A_167 : memref<1x128xi32, #tpu.memory_space<vmem>> -> memref<128xi32, #tpu.memory_space<vmem>>
          %dma_wait3A_169 = arith.constant 0 : i32
          %dma_wait3A_170 = arith.constant 0 : i32
          %dma_wait3A_171 = tpu.memref_slice %arg13[%dma_wait3A_169, %dma_wait3A_170] : memref<16384x32xf32, #tpu.memory_space<vmem_shared>> -> memref<16384x32xf32, #tpu.memory_space<vmem_shared>>
          tpu.wait_indirect_dma semaphore(%run_scoped3A : memref<!tpu.dma_semaphore, #tpu.memory_space<semaphore_mem>>) src(%arg22 : memref<128x32xf32, #tpu.memory_space<vmem>>) dst(%dma_wait3A_171 : memref<16384x32xf32, #tpu.memory_space<vmem_shared>>)
          tpu.yield
        }) : () -> ()
        %scan3A_161 = arith.constant 0 : i32
        scf.yield %scan3A_161 : i32
      }
      %scan3A_147 = arith.constant 8 : i32
      %barrier3A_148 = arith.constant 0 : index
      tpu.barrier barrier_id(%barrier3A_148)
      %scan3A_149 = arith.constant 0 : i32
      %scan3A_150 = arith.constant 0 : i32
      %scan3A_151 = arith.constant 8 : i32
      %scan3A_152 = arith.addi %scan3A_150, %scan3A_151 : i32
      %scan3A_153 = arith.constant 1 : i32
      %scan3A_154 = scf.for %scan3A_157 = %scan3A_150 to %scan3A_152 step %scan3A_153 iter_args(%scan3A_158 = %scan3A_149) -> (i32)  : i32 {
        "tpu.region"() ({
          %run_scoped3A = tpu.sem_alloc : memref<!tpu.dma_semaphore, #tpu.memory_space<semaphore_mem>>
          %dma_start3A = arith.constant 0 : i32
          %dma_start3A_167 = tpu.memref_slice %arg15[%scan3A_157, %dma_start3A] : memref<8x128xi32, #tpu.memory_space<vmem>> -> memref<1x128xi32, #tpu.memory_space<vmem>>
          %dma_start3A_168 = tpu.memref_squeeze %dma_start3A_167 : memref<1x128xi32, #tpu.memory_space<vmem>> -> memref<128xi32, #tpu.memory_space<vmem>>
          %dma_start3A_169 = arith.constant 0 : i32
          %dma_start3A_170 = arith.constant 0 : i32
          %dma_start3A_171 = tpu.memref_slice %arg4[%dma_start3A_169, %dma_start3A_170] : memref<1000000x32xf32, #tpu.memory_space<hbm>> -> memref<1000000x32xf32, #tpu.memory_space<hbm>>
          tpu.enqueue_indirect_dma source(%dma_start3A_171 : memref<1000000x32xf32, #tpu.memory_space<hbm>>) target(%arg23 : memref<128x32xf32, #tpu.memory_space<vmem>>) offsets(%dma_start3A_168 : memref<128xi32, #tpu.memory_space<vmem>>) semaphore(%run_scoped3A : memref<!tpu.dma_semaphore, #tpu.memory_space<semaphore_mem>>)
          %dma_wait3A = arith.constant 0 : i32
          %dma_wait3A_172 = tpu.memref_slice %arg15[%scan3A_157, %dma_wait3A] : memref<8x128xi32, #tpu.memory_space<vmem>> -> memref<1x128xi32, #tpu.memory_space<vmem>>
          %dma_wait3A_173 = tpu.memref_squeeze %dma_wait3A_172 : memref<1x128xi32, #tpu.memory_space<vmem>> -> memref<128xi32, #tpu.memory_space<vmem>>
          %dma_wait3A_174 = arith.constant 0 : i32
          %dma_wait3A_175 = arith.constant 0 : i32
          %dma_wait3A_176 = tpu.memref_slice %arg4[%dma_wait3A_174, %dma_wait3A_175] : memref<1000000x32xf32, #tpu.memory_space<hbm>> -> memref<1000000x32xf32, #tpu.memory_space<hbm>>
          tpu.wait_indirect_dma semaphore(%run_scoped3A : memref<!tpu.dma_semaphore, #tpu.memory_space<semaphore_mem>>) src(%dma_wait3A_176 : memref<1000000x32xf32, #tpu.memory_space<hbm>>) dst(%arg23 : memref<128x32xf32, #tpu.memory_space<vmem>>)
          tpu.yield
        }) : () -> ()
        "tpu.region"() ({
          %run_scoped3A = tpu.sem_alloc : memref<!tpu.dma_semaphore, #tpu.memory_space<semaphore_mem>>
          %dma_start3A = arith.constant 0 : i32
          %dma_start3A_167 = tpu.memref_slice %arg18[%scan3A_157, %dma_start3A] : memref<8x128xi32, #tpu.memory_space<vmem>> -> memref<1x128xi32, #tpu.memory_space<vmem>>
          %dma_start3A_168 = tpu.memref_squeeze %dma_start3A_167 : memref<1x128xi32, #tpu.memory_space<vmem>> -> memref<128xi32, #tpu.memory_space<vmem>>
          %dma_start3A_169 = arith.constant 0 : i32
          %dma_start3A_170 = arith.constant 0 : i32
          %dma_start3A_171 = tpu.memref_slice %arg13[%dma_start3A_169, %dma_start3A_170] : memref<16384x32xf32, #tpu.memory_space<vmem_shared>> -> memref<16384x32xf32, #tpu.memory_space<vmem_shared>>
          tpu.enqueue_indirect_dma source(%dma_start3A_171 : memref<16384x32xf32, #tpu.memory_space<vmem_shared>>) target(%arg24 : memref<128x32xf32, #tpu.memory_space<vmem>>) offsets(%dma_start3A_168 : memref<128xi32, #tpu.memory_space<vmem>>) semaphore(%run_scoped3A : memref<!tpu.dma_semaphore, #tpu.memory_space<semaphore_mem>>)
          %dma_wait3A = arith.constant 0 : i32
          %dma_wait3A_172 = tpu.memref_slice %arg18[%scan3A_157, %dma_wait3A] : memref<8x128xi32, #tpu.memory_space<vmem>> -> memref<1x128xi32, #tpu.memory_space<vmem>>
          %dma_wait3A_173 = tpu.memref_squeeze %dma_wait3A_172 : memref<1x128xi32, #tpu.memory_space<vmem>> -> memref<128xi32, #tpu.memory_space<vmem>>
          %dma_wait3A_174 = arith.constant 0 : i32
          %dma_wait3A_175 = arith.constant 0 : i32
          %dma_wait3A_176 = tpu.memref_slice %arg13[%dma_wait3A_174, %dma_wait3A_175] : memref<16384x32xf32, #tpu.memory_space<vmem_shared>> -> memref<16384x32xf32, #tpu.memory_space<vmem_shared>>
          tpu.wait_indirect_dma semaphore(%run_scoped3A : memref<!tpu.dma_semaphore, #tpu.memory_space<semaphore_mem>>) src(%dma_wait3A_176 : memref<16384x32xf32, #tpu.memory_space<vmem_shared>>) dst(%arg24 : memref<128x32xf32, #tpu.memory_space<vmem>>)
          tpu.yield
        }) : () -> ()
        %scan3A_159 = arith.constant 0 : i32
        %scan3A_160 = arith.constant 0 : i32
        %scan3A_161 = arith.constant 128 : i32
        %scan3A_162 = arith.addi %scan3A_160, %scan3A_161 : i32
        %scan3A_163 = arith.constant 1 : i32
        %scan3A_164 = scf.for %scan3A_167 = %scan3A_160 to %scan3A_162 step %scan3A_163 iter_args(%scan3A_168 = %scan3A_159) -> (i32)  : i32 {
          %broadcast_in_dim3A_169 = arith.constant 0 : i32
          %broadcast_in_dim3A_170 = vector.broadcast %broadcast_in_dim3A_169 : i32 to vector<16xi32>
          %mul3A_171 = arith.constant 128 : i32
          %mul3A_172 = arith.muli %scan3A_157, %mul3A_171 : i32
          %add3A = arith.addi %mul3A_172, %scan3A_167 : i32
          %add3A_173 = vector.broadcast %add3A : i32 to vector<16xi32>
          %add3A_174 = arith.addi %broadcast_in_dim3A_170, %add3A_173 : vector<16xi32>
          %gather3A = tpu.vector_load_idx %arg21[%add3A_174] : memref<1024xf32, #tpu.memory_space<vmem>>[vector<16xi32>], vector<16xf32>,
          %get3A = arith.index_cast %scan3A_167 : i32 to index
          %get3A_175 = arith.constant 0 : index
          %get3A_176 = tpu.vector_load %arg23[%get3A, %get3A_175] {strides = array<i32>} : memref<128x32xf32, #tpu.memory_space<vmem>>, vector<16xf32>,
          %mul3A_177 = arith.constant 0.999899983 : f32
          %mul3A_178 = vector.broadcast %mul3A_177 : f32 to vector<16xf32>
          %mul3A_179 = arith.mulf %get3A_176, %mul3A_178 : vector<16xf32>
          %get3A_180 = arith.index_cast %scan3A_167 : i32 to index
          %get3A_181 = arith.constant 0 : index
          %get3A_182 = tpu.vector_load %arg24[%get3A_180, %get3A_181] {strides = array<i32>} : memref<128x32xf32, #tpu.memory_space<vmem>>, vector<16xf32>,
          %mul3A_183 = arith.mulf %gather3A, %get3A_182 : vector<16xf32>
          %sub3A = arith.subf %mul3A_179, %mul3A_183 : vector<16xf32>
          %swap3A_184 = arith.index_cast %scan3A_167 : i32 to index
          %swap3A_185 = arith.constant 0 : index
          %swap3A_186 = tpu.vector_load %arg25[%swap3A_184, %swap3A_185] {strides = array<i32>} : memref<128x32xf32, #tpu.memory_space<vmem>>, vector<16xf32>,
          tpu.vector_store %arg25[%swap3A_184, %swap3A_185], %sub3A {strides = array<i32>} : memref<128x32xf32, #tpu.memory_space<vmem>>, vector<16xf32>,
          %get3A_187 = arith.index_cast %scan3A_167 : i32 to index
          %get3A_188 = arith.constant 16 : index
          %get3A_189 = tpu.vector_load %arg23[%get3A_187, %get3A_188] {strides = array<i32>} : memref<128x32xf32, #tpu.memory_space<vmem>>, vector<16xf32>,
          %mul3A_190 = arith.constant 0.999899983 : f32
          %mul3A_191 = vector.broadcast %mul3A_190 : f32 to vector<16xf32>
          %mul3A_192 = arith.mulf %get3A_189, %mul3A_191 : vector<16xf32>
          %get3A_193 = arith.index_cast %scan3A_167 : i32 to index
          %get3A_194 = arith.constant 16 : index
          %get3A_195 = tpu.vector_load %arg24[%get3A_193, %get3A_194] {strides = array<i32>} : memref<128x32xf32, #tpu.memory_space<vmem>>, vector<16xf32>,
          %mul3A_196 = arith.mulf %gather3A, %get3A_195 : vector<16xf32>
          %sub3A_197 = arith.subf %mul3A_192, %mul3A_196 : vector<16xf32>
          %swap3A_198 = arith.index_cast %scan3A_167 : i32 to index
          %swap3A_199 = arith.constant 16 : index
          %swap3A_200 = tpu.vector_load %arg25[%swap3A_198, %swap3A_199] {strides = array<i32>} : memref<128x32xf32, #tpu.memory_space<vmem>>, vector<16xf32>,
          tpu.vector_store %arg25[%swap3A_198, %swap3A_199], %sub3A_197 {strides = array<i32>} : memref<128x32xf32, #tpu.memory_space<vmem>>, vector<16xf32>,
          %scan3A_201 = arith.constant 0 : i32
          scf.yield %scan3A_201 : i32
        }
        %scan3A_165 = arith.constant 128 : i32
        "tpu.region"() ({
          %run_scoped3A = tpu.sem_alloc : memref<!tpu.dma_semaphore, #tpu.memory_space<semaphore_mem>>
          %dma_start3A = arith.constant 0 : i32
          %dma_start3A_167 = tpu.memref_slice %arg17[%scan3A_157, %dma_start3A] : memref<8x128xi32, #tpu.memory_space<vmem>> -> memref<1x128xi32, #tpu.memory_space<vmem>>
          %dma_start3A_168 = tpu.memref_squeeze %dma_start3A_167 : memref<1x128xi32, #tpu.memory_space<vmem>> -> memref<128xi32, #tpu.memory_space<vmem>>
          %dma_start3A_169 = arith.constant 0 : i32
          %dma_start3A_170 = arith.constant 0 : i32
          %dma_start3A_171 = tpu.memref_slice %arg2[%dma_start3A_169, %dma_start3A_170] : memref<1000008x32xf32, #tpu.memory_space<hbm>> -> memref<1000008x32xf32, #tpu.memory_space<hbm>>
          tpu.enqueue_indirect_dma source(%arg25 : memref<128x32xf32, #tpu.memory_space<vmem>>) target(%dma_start3A_171 : memref<1000008x32xf32, #tpu.memory_space<hbm>>) offsets(%dma_start3A_168 : memref<128xi32, #tpu.memory_space<vmem>>) semaphore(%run_scoped3A : memref<!tpu.dma_semaphore, #tpu.memory_space<semaphore_mem>>)
          %dma_wait3A = arith.constant 0 : i32
          %dma_wait3A_172 = tpu.memref_slice %arg17[%scan3A_157, %dma_wait3A] : memref<8x128xi32, #tpu.memory_space<vmem>> -> memref<1x128xi32, #tpu.memory_space<vmem>>
          %dma_wait3A_173 = tpu.memref_squeeze %dma_wait3A_172 : memref<1x128xi32, #tpu.memory_space<vmem>> -> memref<128xi32, #tpu.memory_space<vmem>>
          %dma_wait3A_174 = arith.constant 0 : i32
          %dma_wait3A_175 = arith.constant 0 : i32
          %dma_wait3A_176 = tpu.memref_slice %arg2[%dma_wait3A_174, %dma_wait3A_175] : memref<1000008x32xf32, #tpu.memory_space<hbm>> -> memref<1000008x32xf32, #tpu.memory_space<hbm>>
          tpu.wait_indirect_dma semaphore(%run_scoped3A : memref<!tpu.dma_semaphore, #tpu.memory_space<semaphore_mem>>) src(%arg25 : memref<128x32xf32, #tpu.memory_space<vmem>>) dst(%dma_wait3A_176 : memref<1000008x32xf32, #tpu.memory_space<hbm>>)
          tpu.yield
        }) : () -> ()
        %scan3A_166 = arith.constant 0 : i32
        scf.yield %scan3A_166 : i32
      }
      %scan3A_155 = arith.constant 8 : i32
      %barrier3A_156 = arith.constant 0 : index
      tpu.barrier barrier_id(%barrier3A_156)
    } else {
    }
    %eq3A_43 = arith.constant 1 : i32
    %eq3A_44 = arith.cmpi eq, %arg0, %eq3A_43 : i32
    %convert_element_type3A_45 = arith.extui %eq3A_44 : i1 to i32
    %cond3A_46 = arith.constant 0 : i32
    %cond3A_47 = arith.cmpi ne, %convert_element_type3A_45, %cond3A_46 : i32
    scf.if %cond3A_47 {
      %mul3A_48 = arith.constant 8 : i32
      %mul3A_49 = arith.muli %arg1, %mul3A_48 : i32
      "tpu.region"() ({
        %run_scoped3A = tpu.sem_alloc : memref<!tpu.dma_semaphore, #tpu.memory_space<semaphore_mem>>
        %dma_start3A = arith.constant 0 : i32
        %dma_start3A_102 = tpu.memref_slice %arg9[%mul3A_49, %dma_start3A] : memref<128x128xi32, #tpu.memory_space<hbm>> -> memref<8x128xi32, #tpu.memory_space<hbm>>
        %dma_start3A_103 = arith.constant 0 : i32
        %dma_start3A_104 = tpu.memref_slice %arg9[%mul3A_49, %dma_start3A_103] : memref<128x128xi32, #tpu.memory_space<hbm>> -> memref<8x128xi32, #tpu.memory_space<hbm>>
        tpu.enqueue_dma source(%dma_start3A_104 : memref<8x128xi32, #tpu.memory_space<hbm>>) target(%arg15 : memref<8x128xi32, #tpu.memory_space<vmem>>) target_semaphore(%run_scoped3A : memref<!tpu.dma_semaphore, #tpu.memory_space<semaphore_mem>>)
        %dma_wait3A = arith.constant 0 : i32
        %dma_wait3A_105 = tpu.memref_slice %arg9[%mul3A_49, %dma_wait3A] : memref<128x128xi32, #tpu.memory_space<hbm>> -> memref<8x128xi32, #tpu.memory_space<hbm>>
        %dma_wait3A_106 = arith.constant 0 : i32
        %dma_wait3A_107 = tpu.memref_slice %arg9[%mul3A_49, %dma_wait3A_106] : memref<128x128xi32, #tpu.memory_space<hbm>> -> memref<8x128xi32, #tpu.memory_space<hbm>>
        tpu.wait_dma2 semaphore(%run_scoped3A : memref<!tpu.dma_semaphore, #tpu.memory_space<semaphore_mem>>) src(%dma_wait3A_107 : memref<8x128xi32, #tpu.memory_space<hbm>>) dst(%arg15 : memref<8x128xi32, #tpu.memory_space<vmem>>)
        tpu.yield
      }) : () -> ()
      %scan3A_50 = arith.constant 0 : i32
      %scan3A_51 = arith.constant 0 : i32
      %scan3A_52 = arith.constant 64 : i32
      %scan3A_53 = arith.addi %scan3A_51, %scan3A_52 : i32
      %scan3A_54 = arith.constant 1 : i32
      %scan3A_55 = scf.for %scan3A_102 = %scan3A_51 to %scan3A_53 step %scan3A_54 iter_args(%scan3A_103 = %scan3A_50) -> (i32)  : i32 {
        %jit3A = arith.constant 8 : i32
        %div3A = arith.divsi %scan3A_102, %jit3A : i32
        %sign3A = arith.constant 0 : i32
        %sign3A_104 = arith.cmpi sgt, %scan3A_102, %sign3A : i32
        %sign3A_105 = arith.extui %sign3A_104 : i1 to i32
        %sign3A_106 = arith.constant 0 : i32
        %sign3A_107 = arith.cmpi slt, %scan3A_102, %sign3A_106 : i32
        %sign3A_108 = arith.extui %sign3A_107 : i1 to i32
        %sign3A_109 = arith.subi %sign3A_105, %sign3A_108 : i32
        %sign3A_110 = arith.constant 0 : i32
        %sign3A_111 = arith.cmpi sgt, %jit3A, %sign3A_110 : i32
        %sign3A_112 = arith.extui %sign3A_111 : i1 to i32
        %sign3A_113 = arith.constant 0 : i32
        %sign3A_114 = arith.cmpi slt, %jit3A, %sign3A_113 : i32
        %sign3A_115 = arith.extui %sign3A_114 : i1 to i32
        %sign3A_116 = arith.subi %sign3A_112, %sign3A_115 : i32
        %ne3A = arith.cmpi ne, %sign3A_109, %sign3A_116 : i32
        %rem3A = arith.remsi %scan3A_102, %jit3A : i32
        %ne3A_117 = arith.constant 0 : i32
        %ne3A_118 = arith.cmpi ne, %rem3A, %ne3A_117 : i32
        %and3A = arith.andi %ne3A, %ne3A_118 : i1
        %sub3A = arith.constant 1 : i32
        %sub3A_119 = arith.subi %div3A, %sub3A : i32
        %select_n3A = arith.select %and3A, %sub3A_119, %div3A : i32
        %jit3A_120 = arith.constant 8 : i32
        %eq3A_121 = arith.constant 0 : i32
        %eq3A_122 = arith.cmpi eq, %jit3A_120, %eq3A_121 : i32
        %jit3A_123 = arith.constant 1 : i32
        %select_n3A_124 = arith.select %eq3A_122, %jit3A_123, %jit3A_120 : i32
        %rem3A_125 = arith.remsi %scan3A_102, %select_n3A_124 : i32
        %ne3A_126 = arith.constant 0 : i32
        %ne3A_127 = arith.cmpi ne, %rem3A_125, %ne3A_126 : i32
        %lt3A = arith.constant 0 : i32
        %lt3A_128 = arith.cmpi slt, %rem3A_125, %lt3A : i32
        %lt3A_129 = arith.constant 0 : i32
        %lt3A_130 = arith.cmpi slt, %select_n3A_124, %lt3A_129 : i32
        %ne3A_131 = arith.xori %lt3A_128, %lt3A_130 : i1
        %and3A_132 = arith.andi %ne3A_131, %ne3A_127 : i1
        %add3A = arith.addi %rem3A_125, %select_n3A_124 : i32
        %select_n3A_133 = arith.select %and3A_132, %add3A, %rem3A_125 : i32
        %mul3A_134 = arith.constant 16 : i32
        %mul3A_135 = arith.muli %select_n3A_133, %mul3A_134 : i32
        %get3A = arith.index_cast %select_n3A : i32 to index
        %get3A_136 = arith.index_cast %mul3A_135 : i32 to index
        %get3A_137 = tpu.vector_load %arg15[%get3A, %get3A_136] {strides = array<i32>} : memref<8x128xi32, #tpu.memory_space<vmem>>, vector<16xi32>,
        %ge3A = arith.constant 0 : i32
        %ge3A_138 = vector.broadcast %ge3A : i32 to vector<16xi32>
        %ge3A_139 = arith.cmpi sge, %get3A_137, %ge3A_138 : vector<16xi32>
        %lt3A_140 = arith.constant 100000 : i32
        %lt3A_141 = vector.broadcast %lt3A_140 : i32 to vector<16xi32>
        %lt3A_142 = arith.cmpi slt, %get3A_137, %lt3A_141 : vector<16xi32>
        %and3A_143 = arith.andi %ge3A_139, %lt3A_142 : vector<16xi1>
        %sub3A_144 = arith.constant 0 : i32
        %sub3A_145 = vector.broadcast %sub3A_144 : i32 to vector<16xi32>
        %sub3A_146 = arith.subi %get3A_137, %sub3A_145 : vector<16xi32>
        %broadcast_in_dim3A_147 = arith.constant 500000 : i32
        %broadcast_in_dim3A_148 = vector.broadcast %broadcast_in_dim3A_147 : i32 to vector<16xi32>
        %select_n3A_149 = arith.select %and3A_143, %sub3A_146, %broadcast_in_dim3A_148 : vector<16xi1>, vector<16xi32>
        %jit3A_150 = arith.constant 8 : i32
        %div3A_151 = arith.divsi %scan3A_102, %jit3A_150 : i32
        %sign3A_152 = arith.constant 0 : i32
        %sign3A_153 = arith.cmpi sgt, %scan3A_102, %sign3A_152 : i32
        %sign3A_154 = arith.extui %sign3A_153 : i1 to i32
        %sign3A_155 = arith.constant 0 : i32
        %sign3A_156 = arith.cmpi slt, %scan3A_102, %sign3A_155 : i32
        %sign3A_157 = arith.extui %sign3A_156 : i1 to i32
        %sign3A_158 = arith.subi %sign3A_154, %sign3A_157 : i32
        %sign3A_159 = arith.constant 0 : i32
        %sign3A_160 = arith.cmpi sgt, %jit3A_150, %sign3A_159 : i32
        %sign3A_161 = arith.extui %sign3A_160 : i1 to i32
        %sign3A_162 = arith.constant 0 : i32
        %sign3A_163 = arith.cmpi slt, %jit3A_150, %sign3A_162 : i32
        %sign3A_164 = arith.extui %sign3A_163 : i1 to i32
        %sign3A_165 = arith.subi %sign3A_161, %sign3A_164 : i32
        %ne3A_166 = arith.cmpi ne, %sign3A_158, %sign3A_165 : i32
        %rem3A_167 = arith.remsi %scan3A_102, %jit3A_150 : i32
        %ne3A_168 = arith.constant 0 : i32
        %ne3A_169 = arith.cmpi ne, %rem3A_167, %ne3A_168 : i32
        %and3A_170 = arith.andi %ne3A_166, %ne3A_169 : i1
        %sub3A_171 = arith.constant 1 : i32
        %sub3A_172 = arith.subi %div3A_151, %sub3A_171 : i32
        %select_n3A_173 = arith.select %and3A_170, %sub3A_172, %div3A_151 : i32
        %jit3A_174 = arith.constant 8 : i32
        %eq3A_175 = arith.constant 0 : i32
        %eq3A_176 = arith.cmpi eq, %jit3A_174, %eq3A_175 : i32
        %jit3A_177 = arith.constant 1 : i32
        %select_n3A_178 = arith.select %eq3A_176, %jit3A_177, %jit3A_174 : i32
        %rem3A_179 = arith.remsi %scan3A_102, %select_n3A_178 : i32
        %ne3A_180 = arith.constant 0 : i32
        %ne3A_181 = arith.cmpi ne, %rem3A_179, %ne3A_180 : i32
        %lt3A_182 = arith.constant 0 : i32
        %lt3A_183 = arith.cmpi slt, %rem3A_179, %lt3A_182 : i32
        %lt3A_184 = arith.constant 0 : i32
        %lt3A_185 = arith.cmpi slt, %select_n3A_178, %lt3A_184 : i32
        %ne3A_186 = arith.xori %lt3A_183, %lt3A_185 : i1
        %and3A_187 = arith.andi %ne3A_186, %ne3A_181 : i1
        %add3A_188 = arith.addi %rem3A_179, %select_n3A_178 : i32
        %select_n3A_189 = arith.select %and3A_187, %add3A_188, %rem3A_179 : i32
        %mul3A_190 = arith.constant 16 : i32
        %mul3A_191 = arith.muli %select_n3A_189, %mul3A_190 : i32
        %swap3A_192 = arith.index_cast %select_n3A_173 : i32 to index
        %swap3A_193 = arith.index_cast %mul3A_191 : i32 to index
        %swap3A_194 = tpu.vector_load %arg16[%swap3A_192, %swap3A_193] {strides = array<i32>} : memref<8x128xi32, #tpu.memory_space<vmem>>, vector<16xi32>,
        tpu.vector_store %arg16[%swap3A_192, %swap3A_193], %select_n3A_149 {strides = array<i32>} : memref<8x128xi32, #tpu.memory_space<vmem>>, vector<16xi32>,
        %and3A_195 = arith.constant 7 : i32
        %and3A_196 = vector.broadcast %and3A_195 : i32 to vector<16xi32>
        %and3A_197 = arith.andi %iota3A, %and3A_196 : vector<16xi32>
        %add3A_198 = arith.constant 100000 : i32
        %add3A_199 = vector.broadcast %add3A_198 : i32 to vector<16xi32>
        %add3A_200 = arith.addi %add3A_199, %and3A_197 : vector<16xi32>
        %select_n3A_201 = arith.select %and3A_143, %get3A_137, %add3A_200 : vector<16xi1>, vector<16xi32>
        %jit3A_202 = arith.constant 8 : i32
        %div3A_203 = arith.divsi %scan3A_102, %jit3A_202 : i32
        %sign3A_204 = arith.constant 0 : i32
        %sign3A_205 = arith.cmpi sgt, %scan3A_102, %sign3A_204 : i32
        %sign3A_206 = arith.extui %sign3A_205 : i1 to i32
        %sign3A_207 = arith.constant 0 : i32
        %sign3A_208 = arith.cmpi slt, %scan3A_102, %sign3A_207 : i32
        %sign3A_209 = arith.extui %sign3A_208 : i1 to i32
        %sign3A_210 = arith.subi %sign3A_206, %sign3A_209 : i32
        %sign3A_211 = arith.constant 0 : i32
        %sign3A_212 = arith.cmpi sgt, %jit3A_202, %sign3A_211 : i32
        %sign3A_213 = arith.extui %sign3A_212 : i1 to i32
        %sign3A_214 = arith.constant 0 : i32
        %sign3A_215 = arith.cmpi slt, %jit3A_202, %sign3A_214 : i32
        %sign3A_216 = arith.extui %sign3A_215 : i1 to i32
        %sign3A_217 = arith.subi %sign3A_213, %sign3A_216 : i32
        %ne3A_218 = arith.cmpi ne, %sign3A_210, %sign3A_217 : i32
        %rem3A_219 = arith.remsi %scan3A_102, %jit3A_202 : i32
        %ne3A_220 = arith.constant 0 : i32
        %ne3A_221 = arith.cmpi ne, %rem3A_219, %ne3A_220 : i32
        %and3A_222 = arith.andi %ne3A_218, %ne3A_221 : i1
        %sub3A_223 = arith.constant 1 : i32
        %sub3A_224 = arith.subi %div3A_203, %sub3A_223 : i32
        %select_n3A_225 = arith.select %and3A_222, %sub3A_224, %div3A_203 : i32
        %jit3A_226 = arith.constant 8 : i32
        %eq3A_227 = arith.constant 0 : i32
        %eq3A_228 = arith.cmpi eq, %jit3A_226, %eq3A_227 : i32
        %jit3A_229 = arith.constant 1 : i32
        %select_n3A_230 = arith.select %eq3A_228, %jit3A_229, %jit3A_226 : i32
        %rem3A_231 = arith.remsi %scan3A_102, %select_n3A_230 : i32
        %ne3A_232 = arith.constant 0 : i32
        %ne3A_233 = arith.cmpi ne, %rem3A_231, %ne3A_232 : i32
        %lt3A_234 = arith.constant 0 : i32
        %lt3A_235 = arith.cmpi slt, %rem3A_231, %lt3A_234 : i32
        %lt3A_236 = arith.constant 0 : i32
        %lt3A_237 = arith.cmpi slt, %select_n3A_230, %lt3A_236 : i32
        %ne3A_238 = arith.xori %lt3A_235, %lt3A_237 : i1
        %and3A_239 = arith.andi %ne3A_238, %ne3A_233 : i1
        %add3A_240 = arith.addi %rem3A_231, %select_n3A_230 : i32
        %select_n3A_241 = arith.select %and3A_239, %add3A_240, %rem3A_231 : i32
        %mul3A_242 = arith.constant 16 : i32
        %mul3A_243 = arith.muli %select_n3A_241, %mul3A_242 : i32
        %swap3A_244 = arith.index_cast %select_n3A_225 : i32 to index
        %swap3A_245 = arith.index_cast %mul3A_243 : i32 to index
        %swap3A_246 = tpu.vector_load %arg17[%swap3A_244, %swap3A_245] {strides = array<i32>} : memref<8x128xi32, #tpu.memory_space<vmem>>, vector<16xi32>,
        tpu.vector_store %arg17[%swap3A_244, %swap3A_245], %select_n3A_201 {strides = array<i32>} : memref<8x128xi32, #tpu.memory_space<vmem>>, vector<16xi32>,
        %mul3A_247 = arith.constant 16 : i32
        %mul3A_248 = arith.muli %mul3A_247, %scan3A_102 : i32
        %add3A_249 = arith.addi %mul3A_0, %mul3A_248 : i32
        %add3A_250 = vector.broadcast %add3A_249 : i32 to vector<16xi32>
        %add3A_251 = arith.addi %iota3A, %add3A_250 : vector<16xi32>
        %mul3A_252 = arith.constant 16 : i32
        %mul3A_253 = arith.muli %mul3A_252, %scan3A_102 : i32
        %swap3A_254 = arith.index_cast %mul3A_253 : i32 to index
        %swap3A_255 = tpu.vector_load %arg19[%swap3A_254] {strides = array<i32>} : memref<1024xi32, #tpu.memory_space<vmem>>, vector<16xi32>,
        tpu.vector_store %arg19[%swap3A_254], %add3A_251 {strides = array<i32>} : memref<1024xi32, #tpu.memory_space<vmem>>, vector<16xi32>,
        %scan3A_256 = arith.constant 0 : i32
        scf.yield %scan3A_256 : i32
      }
      %scan3A_56 = arith.constant 64 : i32
      %scan3A_57 = arith.constant 0 : i32
      %scan3A_58 = arith.constant 0 : i32
      %scan3A_59 = arith.constant 8 : i32
      %scan3A_60 = arith.addi %scan3A_58, %scan3A_59 : i32
      %scan3A_61 = arith.constant 1 : i32
      %scan3A_62 = scf.for %scan3A_102 = %scan3A_58 to %scan3A_60 step %scan3A_61 iter_args(%scan3A_103 = %scan3A_57) -> (i32)  : i32 {
        %mul3A_104 = arith.constant 128 : i32
        %mul3A_105 = arith.muli %scan3A_102, %mul3A_104 : i32
        "tpu.region"() ({
          %run_scoped3A = tpu.sem_alloc : memref<!tpu.dma_semaphore, #tpu.memory_space<semaphore_mem>>
          %dma_start3A = tpu.memref_slice %arg19[%mul3A_105] : memref<1024xi32, #tpu.memory_space<vmem>> -> memref<128xi32, #tpu.memory_space<vmem>>
          %dma_start3A_109 = arith.constant 0 : i32
          %dma_start3A_110 = tpu.memref_slice %arg16[%scan3A_102, %dma_start3A_109] : memref<8x128xi32, #tpu.memory_space<vmem>> -> memref<1x128xi32, #tpu.memory_space<vmem>>
          %dma_start3A_111 = tpu.memref_squeeze %dma_start3A_110 : memref<1x128xi32, #tpu.memory_space<vmem>> -> memref<128xi32, #tpu.memory_space<vmem>>
          %dma_start3A_112 = arith.constant 0 : i32
          %dma_start3A_113 = tpu.memref_slice %arg12[%dma_start3A_112] : memref<500008xi32, #tpu.memory_space<vmem_shared>> -> memref<500008xi32, #tpu.memory_space<vmem_shared>>
          tpu.enqueue_indirect_dma source(%dma_start3A : memref<128xi32, #tpu.memory_space<vmem>>) target(%dma_start3A_113 : memref<500008xi32, #tpu.memory_space<vmem_shared>>) offsets(%dma_start3A_111 : memref<128xi32, #tpu.memory_space<vmem>>) semaphore(%run_scoped3A : memref<!tpu.dma_semaphore, #tpu.memory_space<semaphore_mem>>)
          %dma_wait3A = tpu.memref_slice %arg19[%mul3A_105] : memref<1024xi32, #tpu.memory_space<vmem>> -> memref<128xi32, #tpu.memory_space<vmem>>
          %dma_wait3A_114 = arith.constant 0 : i32
          %dma_wait3A_115 = tpu.memref_slice %arg16[%scan3A_102, %dma_wait3A_114] : memref<8x128xi32, #tpu.memory_space<vmem>> -> memref<1x128xi32, #tpu.memory_space<vmem>>
          %dma_wait3A_116 = tpu.memref_squeeze %dma_wait3A_115 : memref<1x128xi32, #tpu.memory_space<vmem>> -> memref<128xi32, #tpu.memory_space<vmem>>
          %dma_wait3A_117 = arith.constant 0 : i32
          %dma_wait3A_118 = tpu.memref_slice %arg12[%dma_wait3A_117] : memref<500008xi32, #tpu.memory_space<vmem_shared>> -> memref<500008xi32, #tpu.memory_space<vmem_shared>>
          tpu.wait_indirect_dma semaphore(%run_scoped3A : memref<!tpu.dma_semaphore, #tpu.memory_space<semaphore_mem>>) src(%dma_wait3A : memref<128xi32, #tpu.memory_space<vmem>>) dst(%dma_wait3A_118 : memref<500008xi32, #tpu.memory_space<vmem_shared>>)
          tpu.yield
        }) : () -> ()
        %mul3A_106 = arith.constant 128 : i32
        %mul3A_107 = arith.muli %scan3A_102, %mul3A_106 : i32
        %add3A = arith.addi %mul3A_0, %mul3A_107 : i32
        "tpu.region"() ({
          %run_scoped3A = tpu.sem_alloc : memref<!tpu.dma_semaphore, #tpu.memory_space<semaphore_mem>>
          %dma_start3A = tpu.memref_slice %arg14[%add3A] : memref<16384xf32, #tpu.memory_space<vmem_shared>> -> memref<128xf32, #tpu.memory_space<vmem_shared>>
          %dma_start3A_109 = tpu.memref_slice %arg14[%add3A] : memref<16384xf32, #tpu.memory_space<vmem_shared>> -> memref<128xf32, #tpu.memory_space<vmem_shared>>
          tpu.enqueue_dma source(%arg27 : memref<128xf32, #tpu.memory_space<vmem>>) target(%dma_start3A_109 : memref<128xf32, #tpu.memory_space<vmem_shared>>) target_semaphore(%run_scoped3A : memref<!tpu.dma_semaphore, #tpu.memory_space<semaphore_mem>>)
          %dma_wait3A = tpu.memref_slice %arg14[%add3A] : memref<16384xf32, #tpu.memory_space<vmem_shared>> -> memref<128xf32, #tpu.memory_space<vmem_shared>>
          %dma_wait3A_110 = tpu.memref_slice %arg14[%add3A] : memref<16384xf32, #tpu.memory_space<vmem_shared>> -> memref<128xf32, #tpu.memory_space<vmem_shared>>
          tpu.wait_dma2 semaphore(%run_scoped3A : memref<!tpu.dma_semaphore, #tpu.memory_space<semaphore_mem>>) src(%arg27 : memref<128xf32, #tpu.memory_space<vmem>>) dst(%dma_wait3A_110 : memref<128xf32, #tpu.memory_space<vmem_shared>>)
          tpu.yield
        }) : () -> ()
        %scan3A_108 = arith.constant 0 : i32
        scf.yield %scan3A_108 : i32
      }
      %scan3A_63 = arith.constant 8 : i32
      %barrier3A = arith.constant 0 : index
      tpu.barrier barrier_id(%barrier3A)
      %scan3A_64 = arith.constant 0 : i32
      %scan3A_65 = arith.constant 0 : i32
      %scan3A_66 = arith.constant 8 : i32
      %scan3A_67 = arith.addi %scan3A_65, %scan3A_66 : i32
      %scan3A_68 = arith.constant 1 : i32
      %scan3A_69 = scf.for %scan3A_102 = %scan3A_65 to %scan3A_67 step %scan3A_68 iter_args(%scan3A_103 = %scan3A_64) -> (i32)  : i32 {
        "tpu.region"() ({
          %run_scoped3A = tpu.sem_alloc : memref<!tpu.dma_semaphore, #tpu.memory_space<semaphore_mem>>
          %dma_start3A = arith.constant 0 : i32
          %dma_start3A_107 = tpu.memref_slice %arg18[%scan3A_102, %dma_start3A] : memref<8x128xi32, #tpu.memory_space<vmem>> -> memref<1x128xi32, #tpu.memory_space<vmem>>
          %dma_start3A_108 = tpu.memref_squeeze %dma_start3A_107 : memref<1x128xi32, #tpu.memory_space<vmem>> -> memref<128xi32, #tpu.memory_space<vmem>>
          %dma_start3A_109 = arith.constant 0 : i32
          %dma_start3A_110 = tpu.memref_slice %arg16[%scan3A_102, %dma_start3A_109] : memref<8x128xi32, #tpu.memory_space<vmem>> -> memref<1x128xi32, #tpu.memory_space<vmem>>
          %dma_start3A_111 = tpu.memref_squeeze %dma_start3A_110 : memref<1x128xi32, #tpu.memory_space<vmem>> -> memref<128xi32, #tpu.memory_space<vmem>>
          %dma_start3A_112 = arith.constant 0 : i32
          %dma_start3A_113 = tpu.memref_slice %arg12[%dma_start3A_112] : memref<500008xi32, #tpu.memory_space<vmem_shared>> -> memref<500008xi32, #tpu.memory_space<vmem_shared>>
          tpu.enqueue_indirect_dma source(%dma_start3A_113 : memref<500008xi32, #tpu.memory_space<vmem_shared>>) target(%dma_start3A_108 : memref<128xi32, #tpu.memory_space<vmem>>) offsets(%dma_start3A_111 : memref<128xi32, #tpu.memory_space<vmem>>) semaphore(%run_scoped3A : memref<!tpu.dma_semaphore, #tpu.memory_space<semaphore_mem>>)
          %dma_wait3A = arith.constant 0 : i32
          %dma_wait3A_114 = tpu.memref_slice %arg18[%scan3A_102, %dma_wait3A] : memref<8x128xi32, #tpu.memory_space<vmem>> -> memref<1x128xi32, #tpu.memory_space<vmem>>
          %dma_wait3A_115 = tpu.memref_squeeze %dma_wait3A_114 : memref<1x128xi32, #tpu.memory_space<vmem>> -> memref<128xi32, #tpu.memory_space<vmem>>
          %dma_wait3A_116 = arith.constant 0 : i32
          %dma_wait3A_117 = tpu.memref_slice %arg16[%scan3A_102, %dma_wait3A_116] : memref<8x128xi32, #tpu.memory_space<vmem>> -> memref<1x128xi32, #tpu.memory_space<vmem>>
          %dma_wait3A_118 = tpu.memref_squeeze %dma_wait3A_117 : memref<1x128xi32, #tpu.memory_space<vmem>> -> memref<128xi32, #tpu.memory_space<vmem>>
          %dma_wait3A_119 = arith.constant 0 : i32
          %dma_wait3A_120 = tpu.memref_slice %arg12[%dma_wait3A_119] : memref<500008xi32, #tpu.memory_space<vmem_shared>> -> memref<500008xi32, #tpu.memory_space<vmem_shared>>
          tpu.wait_indirect_dma semaphore(%run_scoped3A : memref<!tpu.dma_semaphore, #tpu.memory_space<semaphore_mem>>) src(%dma_wait3A_120 : memref<500008xi32, #tpu.memory_space<vmem_shared>>) dst(%dma_wait3A_115 : memref<128xi32, #tpu.memory_space<vmem>>)
          tpu.yield
        }) : () -> ()
        "tpu.region"() ({
          %run_scoped3A = tpu.sem_alloc : memref<!tpu.dma_semaphore, #tpu.memory_space<semaphore_mem>>
          %dma_start3A = arith.constant 0 : i32
          %dma_start3A_107 = tpu.memref_slice %arg18[%scan3A_102, %dma_start3A] : memref<8x128xi32, #tpu.memory_space<vmem>> -> memref<1x128xi32, #tpu.memory_space<vmem>>
          %dma_start3A_108 = tpu.memref_squeeze %dma_start3A_107 : memref<1x128xi32, #tpu.memory_space<vmem>> -> memref<128xi32, #tpu.memory_space<vmem>>
          %dma_start3A_109 = arith.constant 0 : i32
          %dma_start3A_110 = tpu.memref_slice %arg14[%dma_start3A_109] : memref<16384xf32, #tpu.memory_space<vmem_shared>> -> memref<16384xf32, #tpu.memory_space<vmem_shared>>
          tpu.enqueue_indirect_dma source(%arg28 : memref<128xf32, #tpu.memory_space<vmem>>) target(%dma_start3A_110 : memref<16384xf32, #tpu.memory_space<vmem_shared>>) offsets(%dma_start3A_108 : memref<128xi32, #tpu.memory_space<vmem>>) semaphore(%run_scoped3A : memref<!tpu.dma_semaphore, #tpu.memory_space<semaphore_mem>>) {add = true}
          %dma_wait3A = arith.constant 0 : i32
          %dma_wait3A_111 = tpu.memref_slice %arg18[%scan3A_102, %dma_wait3A] : memref<8x128xi32, #tpu.memory_space<vmem>> -> memref<1x128xi32, #tpu.memory_space<vmem>>
          %dma_wait3A_112 = tpu.memref_squeeze %dma_wait3A_111 : memref<1x128xi32, #tpu.memory_space<vmem>> -> memref<128xi32, #tpu.memory_space<vmem>>
          %dma_wait3A_113 = arith.constant 0 : i32
          %dma_wait3A_114 = tpu.memref_slice %arg14[%dma_wait3A_113] : memref<16384xf32, #tpu.memory_space<vmem_shared>> -> memref<16384xf32, #tpu.memory_space<vmem_shared>>
          tpu.wait_indirect_dma semaphore(%run_scoped3A : memref<!tpu.dma_semaphore, #tpu.memory_space<semaphore_mem>>) src(%arg28 : memref<128xf32, #tpu.memory_space<vmem>>) dst(%dma_wait3A_114 : memref<16384xf32, #tpu.memory_space<vmem_shared>>)
          tpu.yield
        }) : () -> ()
        %mul3A_104 = arith.constant 128 : i32
        %mul3A_105 = arith.muli %scan3A_102, %mul3A_104 : i32
        %add3A = arith.addi %mul3A_0, %mul3A_105 : i32
        "tpu.region"() ({
          %run_scoped3A = tpu.sem_alloc : memref<!tpu.dma_semaphore, #tpu.memory_space<semaphore_mem>>
          %dma_start3A = arith.constant 0 : i32
          %dma_start3A_107 = tpu.memref_slice %arg13[%add3A, %dma_start3A] : memref<16384x32xf32, #tpu.memory_space<vmem_shared>> -> memref<128x32xf32, #tpu.memory_space<vmem_shared>>
          %dma_start3A_108 = arith.constant 0 : i32
          %dma_start3A_109 = tpu.memref_slice %arg13[%add3A, %dma_start3A_108] : memref<16384x32xf32, #tpu.memory_space<vmem_shared>> -> memref<128x32xf32, #tpu.memory_space<vmem_shared>>
          tpu.enqueue_dma source(%arg26 : memref<128x32xf32, #tpu.memory_space<vmem>>) target(%dma_start3A_109 : memref<128x32xf32, #tpu.memory_space<vmem_shared>>) target_semaphore(%run_scoped3A : memref<!tpu.dma_semaphore, #tpu.memory_space<semaphore_mem>>)
          %dma_wait3A = arith.constant 0 : i32
          %dma_wait3A_110 = tpu.memref_slice %arg13[%add3A, %dma_wait3A] : memref<16384x32xf32, #tpu.memory_space<vmem_shared>> -> memref<128x32xf32, #tpu.memory_space<vmem_shared>>
          %dma_wait3A_111 = arith.constant 0 : i32
          %dma_wait3A_112 = tpu.memref_slice %arg13[%add3A, %dma_wait3A_111] : memref<16384x32xf32, #tpu.memory_space<vmem_shared>> -> memref<128x32xf32, #tpu.memory_space<vmem_shared>>
          tpu.wait_dma2 semaphore(%run_scoped3A : memref<!tpu.dma_semaphore, #tpu.memory_space<semaphore_mem>>) src(%arg26 : memref<128x32xf32, #tpu.memory_space<vmem>>) dst(%dma_wait3A_112 : memref<128x32xf32, #tpu.memory_space<vmem_shared>>)
          tpu.yield
        }) : () -> ()
        %scan3A_106 = arith.constant 0 : i32
        scf.yield %scan3A_106 : i32
      }
      %scan3A_70 = arith.constant 8 : i32
      %barrier3A_71 = arith.constant 0 : index
      tpu.barrier barrier_id(%barrier3A_71)
      %scan3A_72 = arith.constant 0 : i32
      %scan3A_73 = arith.constant 0 : i32
      %scan3A_74 = arith.constant 8 : i32
      %scan3A_75 = arith.addi %scan3A_73, %scan3A_74 : i32
      %scan3A_76 = arith.constant 1 : i32
      %scan3A_77 = scf.for %scan3A_102 = %scan3A_73 to %scan3A_75 step %scan3A_76 iter_args(%scan3A_103 = %scan3A_72) -> (i32)  : i32 {
        %mul3A_104 = arith.constant 128 : i32
        %mul3A_105 = arith.muli %scan3A_102, %mul3A_104 : i32
        "tpu.region"() ({
          %run_scoped3A = tpu.sem_alloc : memref<!tpu.dma_semaphore, #tpu.memory_space<semaphore_mem>>
          %dma_start3A = tpu.memref_slice %arg20[%mul3A_105] : memref<1024xf32, #tpu.memory_space<vmem>> -> memref<128xf32, #tpu.memory_space<vmem>>
          %dma_start3A_107 = arith.constant 0 : i32
          %dma_start3A_108 = tpu.memref_slice %arg18[%scan3A_102, %dma_start3A_107] : memref<8x128xi32, #tpu.memory_space<vmem>> -> memref<1x128xi32, #tpu.memory_space<vmem>>
          %dma_start3A_109 = tpu.memref_squeeze %dma_start3A_108 : memref<1x128xi32, #tpu.memory_space<vmem>> -> memref<128xi32, #tpu.memory_space<vmem>>
          %dma_start3A_110 = arith.constant 0 : i32
          %dma_start3A_111 = tpu.memref_slice %arg14[%dma_start3A_110] : memref<16384xf32, #tpu.memory_space<vmem_shared>> -> memref<16384xf32, #tpu.memory_space<vmem_shared>>
          tpu.enqueue_indirect_dma source(%dma_start3A_111 : memref<16384xf32, #tpu.memory_space<vmem_shared>>) target(%dma_start3A : memref<128xf32, #tpu.memory_space<vmem>>) offsets(%dma_start3A_109 : memref<128xi32, #tpu.memory_space<vmem>>) semaphore(%run_scoped3A : memref<!tpu.dma_semaphore, #tpu.memory_space<semaphore_mem>>)
          %dma_wait3A = tpu.memref_slice %arg20[%mul3A_105] : memref<1024xf32, #tpu.memory_space<vmem>> -> memref<128xf32, #tpu.memory_space<vmem>>
          %dma_wait3A_112 = arith.constant 0 : i32
          %dma_wait3A_113 = tpu.memref_slice %arg18[%scan3A_102, %dma_wait3A_112] : memref<8x128xi32, #tpu.memory_space<vmem>> -> memref<1x128xi32, #tpu.memory_space<vmem>>
          %dma_wait3A_114 = tpu.memref_squeeze %dma_wait3A_113 : memref<1x128xi32, #tpu.memory_space<vmem>> -> memref<128xi32, #tpu.memory_space<vmem>>
          %dma_wait3A_115 = arith.constant 0 : i32
          %dma_wait3A_116 = tpu.memref_slice %arg14[%dma_wait3A_115] : memref<16384xf32, #tpu.memory_space<vmem_shared>> -> memref<16384xf32, #tpu.memory_space<vmem_shared>>
          tpu.wait_indirect_dma semaphore(%run_scoped3A : memref<!tpu.dma_semaphore, #tpu.memory_space<semaphore_mem>>) src(%dma_wait3A_116 : memref<16384xf32, #tpu.memory_space<vmem_shared>>) dst(%dma_wait3A : memref<128xf32, #tpu.memory_space<vmem>>)
          tpu.yield
        }) : () -> ()
        %scan3A_106 = arith.constant 0 : i32
        scf.yield %scan3A_106 : i32
      }
      %scan3A_78 = arith.constant 8 : i32
      %scan3A_79 = arith.constant 0 : i32
      %scan3A_80 = arith.constant 0 : i32
      %scan3A_81 = arith.constant 64 : i32
      %scan3A_82 = arith.addi %scan3A_80, %scan3A_81 : i32
      %scan3A_83 = arith.constant 1 : i32
      %scan3A_84 = scf.for %scan3A_102 = %scan3A_80 to %scan3A_82 step %scan3A_83 iter_args(%scan3A_103 = %scan3A_79) -> (i32)  : i32 {
        %mul3A_104 = arith.constant 16 : i32
        %mul3A_105 = arith.muli %mul3A_104, %scan3A_102 : i32
        %jit3A = arith.constant 8 : i32
        %div3A = arith.divsi %scan3A_102, %jit3A : i32
        %sign3A = arith.constant 0 : i32
        %sign3A_106 = arith.cmpi sgt, %scan3A_102, %sign3A : i32
        %sign3A_107 = arith.extui %sign3A_106 : i1 to i32
        %sign3A_108 = arith.constant 0 : i32
        %sign3A_109 = arith.cmpi slt, %scan3A_102, %sign3A_108 : i32
        %sign3A_110 = arith.extui %sign3A_109 : i1 to i32
        %sign3A_111 = arith.subi %sign3A_107, %sign3A_110 : i32
        %sign3A_112 = arith.constant 0 : i32
        %sign3A_113 = arith.cmpi sgt, %jit3A, %sign3A_112 : i32
        %sign3A_114 = arith.extui %sign3A_113 : i1 to i32
        %sign3A_115 = arith.constant 0 : i32
        %sign3A_116 = arith.cmpi slt, %jit3A, %sign3A_115 : i32
        %sign3A_117 = arith.extui %sign3A_116 : i1 to i32
        %sign3A_118 = arith.subi %sign3A_114, %sign3A_117 : i32
        %ne3A = arith.cmpi ne, %sign3A_111, %sign3A_118 : i32
        %rem3A = arith.remsi %scan3A_102, %jit3A : i32
        %ne3A_119 = arith.constant 0 : i32
        %ne3A_120 = arith.cmpi ne, %rem3A, %ne3A_119 : i32
        %and3A = arith.andi %ne3A, %ne3A_120 : i1
        %sub3A = arith.constant 1 : i32
        %sub3A_121 = arith.subi %div3A, %sub3A : i32
        %select_n3A = arith.select %and3A, %sub3A_121, %div3A : i32
        %jit3A_122 = arith.constant 8 : i32
        %eq3A_123 = arith.constant 0 : i32
        %eq3A_124 = arith.cmpi eq, %jit3A_122, %eq3A_123 : i32
        %jit3A_125 = arith.constant 1 : i32
        %select_n3A_126 = arith.select %eq3A_124, %jit3A_125, %jit3A_122 : i32
        %rem3A_127 = arith.remsi %scan3A_102, %select_n3A_126 : i32
        %ne3A_128 = arith.constant 0 : i32
        %ne3A_129 = arith.cmpi ne, %rem3A_127, %ne3A_128 : i32
        %lt3A = arith.constant 0 : i32
        %lt3A_130 = arith.cmpi slt, %rem3A_127, %lt3A : i32
        %lt3A_131 = arith.constant 0 : i32
        %lt3A_132 = arith.cmpi slt, %select_n3A_126, %lt3A_131 : i32
        %ne3A_133 = arith.xori %lt3A_130, %lt3A_132 : i1
        %and3A_134 = arith.andi %ne3A_133, %ne3A_129 : i1
        %add3A = arith.addi %rem3A_127, %select_n3A_126 : i32
        %select_n3A_135 = arith.select %and3A_134, %add3A, %rem3A_127 : i32
        %mul3A_136 = arith.constant 16 : i32
        %mul3A_137 = arith.muli %select_n3A_135, %mul3A_136 : i32
        %get3A = arith.index_cast %select_n3A : i32 to index
        %get3A_138 = arith.index_cast %mul3A_137 : i32 to index
        %get3A_139 = tpu.vector_load %arg15[%get3A, %get3A_138] {strides = array<i32>} : memref<8x128xi32, #tpu.memory_space<vmem>>, vector<16xi32>,
        %ge3A = arith.constant 0 : i32
        %ge3A_140 = vector.broadcast %ge3A : i32 to vector<16xi32>
        %ge3A_141 = arith.cmpi sge, %get3A_139, %ge3A_140 : vector<16xi32>
        %lt3A_142 = arith.constant 100000 : i32
        %lt3A_143 = vector.broadcast %lt3A_142 : i32 to vector<16xi32>
        %lt3A_144 = arith.cmpi slt, %get3A_139, %lt3A_143 : vector<16xi32>
        %and3A_145 = arith.andi %ge3A_141, %lt3A_144 : vector<16xi1>
        %get3A_146 = arith.index_cast %mul3A_105 : i32 to index
        %get3A_147 = tpu.vector_load %arg20[%get3A_146] {strides = array<i32>} : memref<1024xf32, #tpu.memory_space<vmem>>, vector<16xf32>,
        %div3A_148 = arith.constant 0.00999999977 : f32
        %div3A_149 = vector.broadcast %div3A_148 : f32 to vector<16xf32>
        %div3A_150 = arith.divf %div3A_149, %get3A_147 : vector<16xf32>
        %select_n3A_151 = arith.select %and3A_145, %div3A_150, %broadcast_in_dim3A_1 : vector<16xi1>, vector<16xf32>
        %swap3A_152 = arith.index_cast %mul3A_105 : i32 to index
        %swap3A_153 = tpu.vector_load %arg21[%swap3A_152] {strides = array<i32>} : memref<1024xf32, #tpu.memory_space<vmem>>, vector<16xf32>,
        tpu.vector_store %arg21[%swap3A_152], %select_n3A_151 {strides = array<i32>} : memref<1024xf32, #tpu.memory_space<vmem>>, vector<16xf32>,
        %scan3A_154 = arith.constant 0 : i32
        scf.yield %scan3A_154 : i32
      }
      %scan3A_85 = arith.constant 64 : i32
      %scan3A_86 = arith.constant 0 : i32
      %scan3A_87 = arith.constant 0 : i32
      %scan3A_88 = arith.constant 8 : i32
      %scan3A_89 = arith.addi %scan3A_87, %scan3A_88 : i32
      %scan3A_90 = arith.constant 1 : i32
      %scan3A_91 = scf.for %scan3A_102 = %scan3A_87 to %scan3A_89 step %scan3A_90 iter_args(%scan3A_103 = %scan3A_86) -> (i32)  : i32 {
        %mul3A_104 = arith.constant 128 : i32
        %mul3A_105 = arith.muli %scan3A_102, %mul3A_104 : i32
        %add3A = arith.addi %mul3A_0, %mul3A_105 : i32
        "tpu.region"() ({
          %run_scoped3A = tpu.sem_alloc : memref<!tpu.dma_semaphore, #tpu.memory_space<semaphore_mem>>
          %dma_start3A = arith.constant 0 : i32
          %dma_start3A_107 = tpu.memref_slice %arg7[%add3A, %dma_start3A] : memref<16384x32xf32, #tpu.memory_space<hbm>> -> memref<128x32xf32, #tpu.memory_space<hbm>>
          %dma_start3A_108 = arith.constant 0 : i32
          %dma_start3A_109 = tpu.memref_slice %arg7[%add3A, %dma_start3A_108] : memref<16384x32xf32, #tpu.memory_space<hbm>> -> memref<128x32xf32, #tpu.memory_space<hbm>>
          tpu.enqueue_dma source(%dma_start3A_109 : memref<128x32xf32, #tpu.memory_space<hbm>>) target(%arg22 : memref<128x32xf32, #tpu.memory_space<vmem>>) target_semaphore(%run_scoped3A : memref<!tpu.dma_semaphore, #tpu.memory_space<semaphore_mem>>)
          %dma_wait3A = arith.constant 0 : i32
          %dma_wait3A_110 = tpu.memref_slice %arg7[%add3A, %dma_wait3A] : memref<16384x32xf32, #tpu.memory_space<hbm>> -> memref<128x32xf32, #tpu.memory_space<hbm>>
          %dma_wait3A_111 = arith.constant 0 : i32
          %dma_wait3A_112 = tpu.memref_slice %arg7[%add3A, %dma_wait3A_111] : memref<16384x32xf32, #tpu.memory_space<hbm>> -> memref<128x32xf32, #tpu.memory_space<hbm>>
          tpu.wait_dma2 semaphore(%run_scoped3A : memref<!tpu.dma_semaphore, #tpu.memory_space<semaphore_mem>>) src(%dma_wait3A_112 : memref<128x32xf32, #tpu.memory_space<hbm>>) dst(%arg22 : memref<128x32xf32, #tpu.memory_space<vmem>>)
          tpu.yield
        }) : () -> ()
        "tpu.region"() ({
          %run_scoped3A = tpu.sem_alloc : memref<!tpu.dma_semaphore, #tpu.memory_space<semaphore_mem>>
          %dma_start3A = arith.constant 0 : i32
          %dma_start3A_107 = tpu.memref_slice %arg18[%scan3A_102, %dma_start3A] : memref<8x128xi32, #tpu.memory_space<vmem>> -> memref<1x128xi32, #tpu.memory_space<vmem>>
          %dma_start3A_108 = tpu.memref_squeeze %dma_start3A_107 : memref<1x128xi32, #tpu.memory_space<vmem>> -> memref<128xi32, #tpu.memory_space<vmem>>
          %dma_start3A_109 = arith.constant 0 : i32
          %dma_start3A_110 = arith.constant 0 : i32
          %dma_start3A_111 = tpu.memref_slice %arg13[%dma_start3A_109, %dma_start3A_110] : memref<16384x32xf32, #tpu.memory_space<vmem_shared>> -> memref<16384x32xf32, #tpu.memory_space<vmem_shared>>
          tpu.enqueue_indirect_dma source(%arg22 : memref<128x32xf32, #tpu.memory_space<vmem>>) target(%dma_start3A_111 : memref<16384x32xf32, #tpu.memory_space<vmem_shared>>) offsets(%dma_start3A_108 : memref<128xi32, #tpu.memory_space<vmem>>) semaphore(%run_scoped3A : memref<!tpu.dma_semaphore, #tpu.memory_space<semaphore_mem>>) {add = true}
          %dma_wait3A = arith.constant 0 : i32
          %dma_wait3A_112 = tpu.memref_slice %arg18[%scan3A_102, %dma_wait3A] : memref<8x128xi32, #tpu.memory_space<vmem>> -> memref<1x128xi32, #tpu.memory_space<vmem>>
          %dma_wait3A_113 = tpu.memref_squeeze %dma_wait3A_112 : memref<1x128xi32, #tpu.memory_space<vmem>> -> memref<128xi32, #tpu.memory_space<vmem>>
          %dma_wait3A_114 = arith.constant 0 : i32
          %dma_wait3A_115 = arith.constant 0 : i32
          %dma_wait3A_116 = tpu.memref_slice %arg13[%dma_wait3A_114, %dma_wait3A_115] : memref<16384x32xf32, #tpu.memory_space<vmem_shared>> -> memref<16384x32xf32, #tpu.memory_space<vmem_shared>>
          tpu.wait_indirect_dma semaphore(%run_scoped3A : memref<!tpu.dma_semaphore, #tpu.memory_space<semaphore_mem>>) src(%arg22 : memref<128x32xf32, #tpu.memory_space<vmem>>) dst(%dma_wait3A_116 : memref<16384x32xf32, #tpu.memory_space<vmem_shared>>)
          tpu.yield
        }) : () -> ()
        %scan3A_106 = arith.constant 0 : i32
        scf.yield %scan3A_106 : i32
      }
      %scan3A_92 = arith.constant 8 : i32
      %barrier3A_93 = arith.constant 0 : index
      tpu.barrier barrier_id(%barrier3A_93)
      %scan3A_94 = arith.constant 0 : i32
      %scan3A_95 = arith.constant 0 : i32
      %scan3A_96 = arith.constant 8 : i32
      %scan3A_97 = arith.addi %scan3A_95, %scan3A_96 : i32
      %scan3A_98 = arith.constant 1 : i32
      %scan3A_99 = scf.for %scan3A_102 = %scan3A_95 to %scan3A_97 step %scan3A_98 iter_args(%scan3A_103 = %scan3A_94) -> (i32)  : i32 {
        "tpu.region"() ({
          %run_scoped3A = tpu.sem_alloc : memref<!tpu.dma_semaphore, #tpu.memory_space<semaphore_mem>>
          %dma_start3A = arith.constant 0 : i32
          %dma_start3A_112 = tpu.memref_slice %arg15[%scan3A_102, %dma_start3A] : memref<8x128xi32, #tpu.memory_space<vmem>> -> memref<1x128xi32, #tpu.memory_space<vmem>>
          %dma_start3A_113 = tpu.memref_squeeze %dma_start3A_112 : memref<1x128xi32, #tpu.memory_space<vmem>> -> memref<128xi32, #tpu.memory_space<vmem>>
          %dma_start3A_114 = arith.constant 0 : i32
          %dma_start3A_115 = arith.constant 0 : i32
          %dma_start3A_116 = tpu.memref_slice %arg5[%dma_start3A_114, %dma_start3A_115] : memref<100000x32xf32, #tpu.memory_space<hbm>> -> memref<100000x32xf32, #tpu.memory_space<hbm>>
          tpu.enqueue_indirect_dma source(%dma_start3A_116 : memref<100000x32xf32, #tpu.memory_space<hbm>>) target(%arg23 : memref<128x32xf32, #tpu.memory_space<vmem>>) offsets(%dma_start3A_113 : memref<128xi32, #tpu.memory_space<vmem>>) semaphore(%run_scoped3A : memref<!tpu.dma_semaphore, #tpu.memory_space<semaphore_mem>>)
          %dma_wait3A = arith.constant 0 : i32
          %dma_wait3A_117 = tpu.memref_slice %arg15[%scan3A_102, %dma_wait3A] : memref<8x128xi32, #tpu.memory_space<vmem>> -> memref<1x128xi32, #tpu.memory_space<vmem>>
          %dma_wait3A_118 = tpu.memref_squeeze %dma_wait3A_117 : memref<1x128xi32, #tpu.memory_space<vmem>> -> memref<128xi32, #tpu.memory_space<vmem>>
          %dma_wait3A_119 = arith.constant 0 : i32
          %dma_wait3A_120 = arith.constant 0 : i32
          %dma_wait3A_121 = tpu.memref_slice %arg5[%dma_wait3A_119, %dma_wait3A_120] : memref<100000x32xf32, #tpu.memory_space<hbm>> -> memref<100000x32xf32, #tpu.memory_space<hbm>>
          tpu.wait_indirect_dma semaphore(%run_scoped3A : memref<!tpu.dma_semaphore, #tpu.memory_space<semaphore_mem>>) src(%dma_wait3A_121 : memref<100000x32xf32, #tpu.memory_space<hbm>>) dst(%arg23 : memref<128x32xf32, #tpu.memory_space<vmem>>)
          tpu.yield
        }) : () -> ()
        "tpu.region"() ({
          %run_scoped3A = tpu.sem_alloc : memref<!tpu.dma_semaphore, #tpu.memory_space<semaphore_mem>>
          %dma_start3A = arith.constant 0 : i32
          %dma_start3A_112 = tpu.memref_slice %arg18[%scan3A_102, %dma_start3A] : memref<8x128xi32, #tpu.memory_space<vmem>> -> memref<1x128xi32, #tpu.memory_space<vmem>>
          %dma_start3A_113 = tpu.memref_squeeze %dma_start3A_112 : memref<1x128xi32, #tpu.memory_space<vmem>> -> memref<128xi32, #tpu.memory_space<vmem>>
          %dma_start3A_114 = arith.constant 0 : i32
          %dma_start3A_115 = arith.constant 0 : i32
          %dma_start3A_116 = tpu.memref_slice %arg13[%dma_start3A_114, %dma_start3A_115] : memref<16384x32xf32, #tpu.memory_space<vmem_shared>> -> memref<16384x32xf32, #tpu.memory_space<vmem_shared>>
          tpu.enqueue_indirect_dma source(%dma_start3A_116 : memref<16384x32xf32, #tpu.memory_space<vmem_shared>>) target(%arg24 : memref<128x32xf32, #tpu.memory_space<vmem>>) offsets(%dma_start3A_113 : memref<128xi32, #tpu.memory_space<vmem>>) semaphore(%run_scoped3A : memref<!tpu.dma_semaphore, #tpu.memory_space<semaphore_mem>>)
          %dma_wait3A = arith.constant 0 : i32
          %dma_wait3A_117 = tpu.memref_slice %arg18[%scan3A_102, %dma_wait3A] : memref<8x128xi32, #tpu.memory_space<vmem>> -> memref<1x128xi32, #tpu.memory_space<vmem>>
          %dma_wait3A_118 = tpu.memref_squeeze %dma_wait3A_117 : memref<1x128xi32, #tpu.memory_space<vmem>> -> memref<128xi32, #tpu.memory_space<vmem>>
          %dma_wait3A_119 = arith.constant 0 : i32
          %dma_wait3A_120 = arith.constant 0 : i32
          %dma_wait3A_121 = tpu.memref_slice %arg13[%dma_wait3A_119, %dma_wait3A_120] : memref<16384x32xf32, #tpu.memory_space<vmem_shared>> -> memref<16384x32xf32, #tpu.memory_space<vmem_shared>>
          tpu.wait_indirect_dma semaphore(%run_scoped3A : memref<!tpu.dma_semaphore, #tpu.memory_space<semaphore_mem>>) src(%dma_wait3A_121 : memref<16384x32xf32, #tpu.memory_space<vmem_shared>>) dst(%arg24 : memref<128x32xf32, #tpu.memory_space<vmem>>)
          tpu.yield
        }) : () -> ()
        %scan3A_104 = arith.constant 0 : i32
        %scan3A_105 = arith.constant 0 : i32
        %scan3A_106 = arith.constant 128 : i32
        %scan3A_107 = arith.addi %scan3A_105, %scan3A_106 : i32
        %scan3A_108 = arith.constant 1 : i32
        %scan3A_109 = scf.for %scan3A_112 = %scan3A_105 to %scan3A_107 step %scan3A_108 iter_args(%scan3A_113 = %scan3A_104) -> (i32)  : i32 {
          %broadcast_in_dim3A_114 = arith.constant 0 : i32
          %broadcast_in_dim3A_115 = vector.broadcast %broadcast_in_dim3A_114 : i32 to vector<16xi32>
          %mul3A_116 = arith.constant 128 : i32
          %mul3A_117 = arith.muli %scan3A_102, %mul3A_116 : i32
          %add3A = arith.addi %mul3A_117, %scan3A_112 : i32
          %add3A_118 = vector.broadcast %add3A : i32 to vector<16xi32>
          %add3A_119 = arith.addi %broadcast_in_dim3A_115, %add3A_118 : vector<16xi32>
          %gather3A = tpu.vector_load_idx %arg21[%add3A_119] : memref<1024xf32, #tpu.memory_space<vmem>>[vector<16xi32>], vector<16xf32>,
          %get3A = arith.index_cast %scan3A_112 : i32 to index
          %get3A_120 = arith.constant 0 : index
          %get3A_121 = tpu.vector_load %arg23[%get3A, %get3A_120] {strides = array<i32>} : memref<128x32xf32, #tpu.memory_space<vmem>>, vector<16xf32>,
          %mul3A_122 = arith.constant 0.999899983 : f32
          %mul3A_123 = vector.broadcast %mul3A_122 : f32 to vector<16xf32>
          %mul3A_124 = arith.mulf %get3A_121, %mul3A_123 : vector<16xf32>
          %get3A_125 = arith.index_cast %scan3A_112 : i32 to index
          %get3A_126 = arith.constant 0 : index
          %get3A_127 = tpu.vector_load %arg24[%get3A_125, %get3A_126] {strides = array<i32>} : memref<128x32xf32, #tpu.memory_space<vmem>>, vector<16xf32>,
          %mul3A_128 = arith.mulf %gather3A, %get3A_127 : vector<16xf32>
          %sub3A = arith.subf %mul3A_124, %mul3A_128 : vector<16xf32>
          %swap3A_129 = arith.index_cast %scan3A_112 : i32 to index
          %swap3A_130 = arith.constant 0 : index
          %swap3A_131 = tpu.vector_load %arg25[%swap3A_129, %swap3A_130] {strides = array<i32>} : memref<128x32xf32, #tpu.memory_space<vmem>>, vector<16xf32>,
          tpu.vector_store %arg25[%swap3A_129, %swap3A_130], %sub3A {strides = array<i32>} : memref<128x32xf32, #tpu.memory_space<vmem>>, vector<16xf32>,
          %get3A_132 = arith.index_cast %scan3A_112 : i32 to index
          %get3A_133 = arith.constant 16 : index
          %get3A_134 = tpu.vector_load %arg23[%get3A_132, %get3A_133] {strides = array<i32>} : memref<128x32xf32, #tpu.memory_space<vmem>>, vector<16xf32>,
          %mul3A_135 = arith.constant 0.999899983 : f32
          %mul3A_136 = vector.broadcast %mul3A_135 : f32 to vector<16xf32>
          %mul3A_137 = arith.mulf %get3A_134, %mul3A_136 : vector<16xf32>
          %get3A_138 = arith.index_cast %scan3A_112 : i32 to index
          %get3A_139 = arith.constant 16 : index
          %get3A_140 = tpu.vector_load %arg24[%get3A_138, %get3A_139] {strides = array<i32>} : memref<128x32xf32, #tpu.memory_space<vmem>>, vector<16xf32>,
          %mul3A_141 = arith.mulf %gather3A, %get3A_140 : vector<16xf32>
          %sub3A_142 = arith.subf %mul3A_137, %mul3A_141 : vector<16xf32>
          %swap3A_143 = arith.index_cast %scan3A_112 : i32 to index
          %swap3A_144 = arith.constant 16 : index
          %swap3A_145 = tpu.vector_load %arg25[%swap3A_143, %swap3A_144] {strides = array<i32>} : memref<128x32xf32, #tpu.memory_space<vmem>>, vector<16xf32>,
          tpu.vector_store %arg25[%swap3A_143, %swap3A_144], %sub3A_142 {strides = array<i32>} : memref<128x32xf32, #tpu.memory_space<vmem>>, vector<16xf32>,
          %scan3A_146 = arith.constant 0 : i32
          scf.yield %scan3A_146 : i32
        }
        %scan3A_110 = arith.constant 128 : i32
        "tpu.region"() ({
          %run_scoped3A = tpu.sem_alloc : memref<!tpu.dma_semaphore, #tpu.memory_space<semaphore_mem>>
          %dma_start3A = arith.constant 0 : i32
          %dma_start3A_112 = tpu.memref_slice %arg17[%scan3A_102, %dma_start3A] : memref<8x128xi32, #tpu.memory_space<vmem>> -> memref<1x128xi32, #tpu.memory_space<vmem>>
          %dma_start3A_113 = tpu.memref_squeeze %dma_start3A_112 : memref<1x128xi32, #tpu.memory_space<vmem>> -> memref<128xi32, #tpu.memory_space<vmem>>
          %dma_start3A_114 = arith.constant 0 : i32
          %dma_start3A_115 = arith.constant 0 : i32
          %dma_start3A_116 = tpu.memref_slice %arg3[%dma_start3A_114, %dma_start3A_115] : memref<100008x32xf32, #tpu.memory_space<hbm>> -> memref<100008x32xf32, #tpu.memory_space<hbm>>
          tpu.enqueue_indirect_dma source(%arg25 : memref<128x32xf32, #tpu.memory_space<vmem>>) target(%dma_start3A_116 : memref<100008x32xf32, #tpu.memory_space<hbm>>) offsets(%dma_start3A_113 : memref<128xi32, #tpu.memory_space<vmem>>) semaphore(%run_scoped3A : memref<!tpu.dma_semaphore, #tpu.memory_space<semaphore_mem>>)
          %dma_wait3A = arith.constant 0 : i32
          %dma_wait3A_117 = tpu.memref_slice %arg17[%scan3A_102, %dma_wait3A] : memref<8x128xi32, #tpu.memory_space<vmem>> -> memref<1x128xi32, #tpu.memory_space<vmem>>
          %dma_wait3A_118 = tpu.memref_squeeze %dma_wait3A_117 : memref<1x128xi32, #tpu.memory_space<vmem>> -> memref<128xi32, #tpu.memory_space<vmem>>
          %dma_wait3A_119 = arith.constant 0 : i32
          %dma_wait3A_120 = arith.constant 0 : i32
          %dma_wait3A_121 = tpu.memref_slice %arg3[%dma_wait3A_119, %dma_wait3A_120] : memref<100008x32xf32, #tpu.memory_space<hbm>> -> memref<100008x32xf32, #tpu.memory_space<hbm>>
          tpu.wait_indirect_dma semaphore(%run_scoped3A : memref<!tpu.dma_semaphore, #tpu.memory_space<semaphore_mem>>) src(%arg25 : memref<128x32xf32, #tpu.memory_space<vmem>>) dst(%dma_wait3A_121 : memref<100008x32xf32, #tpu.memory_space<hbm>>)
          tpu.yield
        }) : () -> ()
        %scan3A_111 = arith.constant 0 : i32
        scf.yield %scan3A_111 : i32
      }
      %scan3A_100 = arith.constant 8 : i32
      %barrier3A_101 = arith.constant 0 : index
      tpu.barrier barrier_id(%barrier3A_101)
    } else {
    }
    return
  }
}

</mosaic_0001>

<sc_bundles>
// kernel: kernel.4.cloned.1.call-start
scs
__scs_entry_jumppad:
0x0: {  	(pc) =	sbr.rel $0x88, $3  }
0x1: {  	(tag) =	ssettag $0x0;
	lr =	simm.s32 $0x1  }
0x2: {  	[smem:$0x3F9B] =	sst lr;
	_ =	strace $0xD0000000  }
0x3: {  	_ = 	snop  }
0x4: {  	_ = 	snop  }
0x5: {  	_ = 	snop  }
0x6: {  	_ = 	snop  }
0x7: {  	_ = 	snop  }
__scs_overlays_trampoline_lowered:
0x8: {  	[smem:$0x3FAA] =	sst s0  }
0x9: {  	[smem:$0x3FAB] =	sst s1  }
0xa: {  	[smem:$0x3FAC] =	sst s2  }
0xb: {  	[smem:$0x3FAD] =	sst s3  }
0xc: {  	[smem:$0x3FAE] =	sst s4  }
0xd: {  	[smem:$0x3FAF] =	sst s5  }
0xe: {  	[smem:$0x3FB0] =	sst s6  }
0xf: {  	[smem:$0x3FB1] =	sst s7  }
0x10: {  	[smem:$0x3FB2] =	sst s8  }
0x11: {  	[smem:$0x3FB3] =	sst s9;
	s0 =	simm.s32 @!p0 $0x0  }
0x12: {  	s1 =	sld [smem:$0x3F99];
	s0 =	simm.s32 @p0 $0x1  }
0x13: {  	[smem:$0x3FB4] =	sst s0;
	s0 =	simm.s32 @!p1 $0x0  }
0x14: {  	s2 =	sld [smem:$0x3F98];
	s0 =	simm.s32 @p1 $0x1  }
0x15: {  	[smem:$0x3FB5] =	sst s0;
	s0 =	simm.s32 @!p2 $0x0  }
0x16: {  	s3 =	sld [smem:$0x3FDB];
	s0 =	simm.s32 @p2 $0x1  }
0x17: {  	s4 =	simm.s32 $0x1BF5;
	[smem:$0x3FB7] =	sst s0  }
0x18: {  	s0 =	sld [smem:$0x3F9A];
	_ =	swait.ge [sflag:s4], $0x0  }
0x19: {  	s7 =	sld [smem:$0x3F9B]  }
0x1a: {  	s8 =	sadd.s32 $0xFFFFE003, lr  }
0x1b: {  	s9 =	sadd.s32 $0xFFFFFEF7, lr;
	s5 =	simm.s32 $0xFFFFFFFF;
	p2 =	slt.u32 s8, $0xFFFFF086  }
0x1c: {  	p1 =	slt.u32 s9, $0xF7A;
	s5 =	simm.s32 @!p2 $0x0  }
0x1d: {  	s5 =	simm.s32 @p1 $0x1;
	p0 =	seq.s32 s7, s2  }
0x1e: {  	s7 =	smul.u32 @!p0 $0xF7A, s2;
	p2 =	seq.s32 @!p0 s5, $0x0  }
0x1f: {  	s9 =	smul.u32 $0xF7A, s1;
	s8 =	simm.s32 @!p0 $0x1BF5;
	p2 =	por !p2, p0  }
0x20: {  	[sflag:s8] =	ssyncset.s32 @!p0 $0xFFFFF086;
	s6 =	sadd.s32 @!p0 s3, s7;
	s7 =	simm.s32 @!p0 $0x108  }
0x21: {  	s3 =	sadd.s32 s3, s9;
	s6 =	sadd.s32 @!p0 $0x88, s6;
	s7 =	simm.s32 @p2 $0x1082  }
0x22: {  	[simem:s7], [sflag:s8] =	dma.local @!p0 [hbm:s6], $0xF7A  }
0x23: {  	s9 =	sor.u32 $0xD0000000, s2;
	s6 =	simm.s32 $0x108;
	_ =	swait.ge @!p0 [sflag:s8], $0x0  }
0x24: {  	s3 =	sadd.s32 $0x88, s3;
	s6 =	simm.s32 @!p1 $0x1082;
	[sflag:s4] =	ssyncset.s32 $0xFFFFF086  }
0x25: {  	[simem:s6], [sflag:s4] =	dma.local [hbm:s3], $0xF7A  }
0x26: {  	[smem:$0x3F9B] =	sst s1;
	(tag) =	ssettag s2;
	_ =	strace s9  }
0x27: {  	s1 =	sld [smem:$0x3FAB]  }
0x28: {  	s2 =	sld [smem:$0x3FAC]  }
0x29: {  	s4 =	sld [smem:$0x3FAE]  }
0x2a: {  	p0 =	seq.s32 s5, $0x0;
	s5 =	sld [smem:$0x3FAF]  }
0x2b: {  	s6 =	sld [smem:$0x3FB0]  }
0x2c: {  	s7 =	sld [smem:$0x3FB1]  }
0x2d: {  	s3 =	simm.s32 $0x108;
	s8 =	sld [smem:$0x3FB2]  }
0x2e: {  	s3 =	simm.s32 @!p0 $0x1082;
	s9 =	sld [smem:$0x3FB3]  }
0x2f: {  	lr =	sadd.s32 s0, s3;
	s0 =	sld [smem:$0x3FAA]  }
0x30: {  	s3 =	sld [smem:$0x3FAD]  }
0x31: {  	[smem:$0x3FB6] =	sst s10  }
0x32: {  	s10 =	sld [smem:$0x3FB4];
	_ =	sdelay $0x3  }
0x33: {  	p0 =	seq.s32 s10, $0x1;
	s10 =	sld [smem:$0x3FB6];
	_ =	sdelay $0x3  }
0x34: {  	[smem:$0x3FB6] =	sst s10  }
0x35: {  	s10 =	sld [smem:$0x3FB5];
	_ =	sdelay $0x3  }
0x36: {  	p1 =	seq.s32 s10, $0x1;
	s10 =	sld [smem:$0x3FB6];
	_ =	sdelay $0x3  }
0x37: {  	[smem:$0x3FB6] =	sst s10  }
0x38: {  	s10 =	sld [smem:$0x3FB7]  }
0x39: {  	_ = 	snop;
	(pc) =	sbr.ind lr, $3  }
0x3a: {  	_ = 	snop  }
0x3b: {  	_ = 	snop  }
0x3c: {  	p2 =	seq.s32 s10, $0x1;
	s10 =	sld [smem:$0x3FB6]  }
0x3d: {  	_ =	shalt  }
0x3e: {  	_ =	shalt  }
0x3f: {  	_ =	shalt  }
0x40: {  	_ =	shalt  }
0x41: {  	_ =	shalt  }
0x42: {  	_ =	shalt  }
0x43: {  	_ =	shalt  }
0x44: {  	_ =	shalt  }
0x45: {  	_ =	shalt  }
0x46: {  	_ =	shalt  }
0x47: {  	_ =	shalt  }
0x48: {  	_ =	shalt  }
0x49: {  	_ =	shalt  }
0x4a: {  	_ =	shalt  }
0x4b: {  	_ =	shalt  }
0x4c: {  	_ =	shalt  }
0x4d: {  	_ =	shalt  }
0x4e: {  	_ =	shalt  }
0x4f: {  	_ =	shalt  }
0x50: {  	_ =	shalt  }
0x51: {  	_ =	shalt  }
0x52: {  	_ =	shalt  }
0x53: {  	_ =	shalt  }
0x54: {  	_ =	shalt  }
0x55: {  	_ =	shalt  }
0x56: {  	_ =	shalt  }
0x57: {  	_ =	shalt  }
0x58: {  	_ =	shalt  }
0x59: {  	_ =	shalt  }
0x5a: {  	_ =	shalt  }
0x5b: {  	_ =	shalt  }
0x5c: {  	_ =	shalt  }
0x5d: {  	_ =	shalt  }
0x5e: {  	_ =	shalt  }
0x5f: {  	_ =	shalt  }
0x60: {  	_ =	shalt  }
0x61: {  	_ =	shalt  }
0x62: {  	_ =	shalt  }
0x63: {  	_ =	shalt  }
0x64: {  	_ =	shalt  }
0x65: {  	_ =	shalt  }
0x66: {  	_ =	shalt  }
0x67: {  	_ =	shalt  }
0x68: {  	_ =	shalt  }
0x69: {  	_ =	shalt  }
0x6a: {  	_ =	shalt  }
0x6b: {  	_ =	shalt  }
0x6c: {  	_ =	shalt  }
0x6d: {  	_ =	shalt  }
0x6e: {  	_ =	shalt  }
0x6f: {  	_ =	shalt  }
0x70: {  	_ =	shalt  }
0x71: {  	_ =	shalt  }
0x72: {  	_ =	shalt  }
0x73: {  	_ =	shalt  }
0x74: {  	_ =	shalt  }
0x75: {  	_ =	shalt  }
0x76: {  	_ =	shalt  }
0x77: {  	_ =	shalt  }
0x78: {  	_ =	shalt  }
0x79: {  	_ =	shalt  }
0x7a: {  	_ =	shalt  }
0x7b: {  	_ =	shalt  }
0x7c: {  	_ =	shalt  }
0x7d: {  	_ =	shalt  }
0x7e: {  	_ =	shalt  }
0x7f: {  	_ =	shalt  }
0x80: {  	_ =	shalt  }
0x81: {  	_ =	shalt  }
0x82: {  	_ =	shalt  }
0x83: {  	_ =	shalt  }
0x84: {  	_ =	shalt  }
0x85: {  	_ =	shalt  }
0x86: {  	_ =	shalt  }
0x87: {  	_ =	shalt  }
.Lfunc_end0:
.L_simem_size_0:
called_computation.1_lowered:
.L_overlay_start_0:
0x88: {  	s2 =	sld [smem:$0x3FD9]  }
0x89: {  	s3 =	sld [smem:$0x3FFE];
	_ =	sdelay $0x1  }
0x8a: {  	s1 =	srdreg.scid  }
0x8b: {  	s0 =	sand.u32 $0x1, s1  }
0x8c: {  	s14 =	sshll.u32 s0, $0xA;
	s2 =	sadd.s32 s3, s2  }
0x8d: {  	s2 =	sadd.s32 s2, s14  }
0x8e: {  	[smem:$0x3FC2] =	sst s2  }
0x8f: {  	_ = 	snop  }
0x90: {  	s2 =	sld [smem:$0x3FD0];
	_ =	sdelay $0x2  }
0x91: {  	s15 =	simm.s32 $0xA;
	s4 =	simm.s32 $0x10  }
0x92: {  	[smem:s4], [sflag:s15] =	dma.local [hbm:s2], $0x1  }
0x93: {  	_ =	swait.eq [sflag:s15], $0x1  }
0x94: {  	[sflag:s15] =	ssyncset.done $0x0  }
0x95: {  	s16 =	sld [smem:$0x10];
	[sflag:s15] =	ssyncadd.s32 $0xFFFFFFFF  }
0x96: {  	s17 =	sld [smem:$0x11];
	(tm) =	ssettm $0x1  }
0x97: {  	s18 =	sld [smem:$0x3FFB];
	_ =	sdelay $0x3  }
0x98: {  	_ =	strace s18  }
0x99: {  	s4 =	sld [smem:$0x3FFC];
	_ =	sdelay $0x3  }
0x9a: {  	_ =	strace s4  }
0x9b: {  	s4 =	sld [smem:$0x3FFD];
	_ =	sdelay $0x3  }
0x9c: {  	_ =	strace s4  }
0x9d: {  	_ =	strace $0x8FFFFFFF  }
0x9e: {  	s19 =	sld [smem:$0x3FDB];
	_ =	sdelay $0x1  }
0x9f: {  	s5 =	simm.s32 $_scs_section_size  }
0xa0: {  	s6 =	simm.s32 $_size__tile_overlayer_lowered;
	s7 =	simm.s32 $_tile_overlayer_lowered  }
0xa1: {  	s22 =	simm.s32 $0x1BFF;
	s21 =	sshll.u32 s7, $0x1;
	s4 =	sadd.s32 s5, s19  }
0xa2: {  	s8 =	simm.s32 $0x0;
	s20 =	sshll.u32 s6, $0x1;
	s6 =	sadd.s32 s21, s4  }
0xa3: {  	[timem:s8], [sflag:s22] =	dma.local [hbm:s6], s20  }
0xa4: {  	_ =	swait.ge [sflag:s22], s20  }
0xa5: {  	s5 =	ssub.s32 $0x0, s20;
	[sflag:s22] =	ssyncset.done $0x0  }
0xa6: {  	[sflag:s22] =	ssyncadd.s32 s5;
	_ =	sdelay $0x1  }
0xa7: {  	s23 =	simm.s32 $0x1B8B  }
0xa8: {  	_ =	swait.ge [sflag:s23], $0x1  }
0xa9: {  	[sflag:s23] =	ssyncset.done $0x0  }
0xaa: {  	s25 =	simm.s32 $0x1B8E;
	s24 =	sld [smem:$0x3FFE];
	[sflag:s23] =	ssyncadd.s32 $0xFFFFFFFF  }
0xab: {  	s26 =	simm.s32 $execute0_lowered;
	[smem:$0x3FD2] =	sst s25  }
0xac: {  	s6 =	sshll.u32 s26, $0x1;
	_ =	strace $0x80000046;
	[dreg:$0x1] =	wrdreg $0xFFFFFFFF  }
0xad: {  	s28 =	simm.s32 $_size_execute0_lowered;
	s4 =	sadd.s32 s4, s6;
	[dreg:$0x0] =	wrdreg $0x0  }
0xae: {  	s6 =	sshll.u32 s28, $0x1;
	[dreg:$0x2] =	wrdreg s4  }
0xaf: {  	[dreg:$0x3] =	wrdreg s6  }
0xb0: {  	[dreg:$0x4] =	wrdreg $0xC0  }
0xb1: {  	_ =	task [dreg:s8], $0x5FFFF  }
0xb2: {  	[dreg:$0x1] =	wrdreg $0xFFFFFFFF  }
0xb3: {  	[dreg:$0x0] =	wrdreg $0x60  }
0xb4: {  	[dreg:$0x2] =	wrdreg s24  }
0xb5: {  	[dreg:$0x3] =	wrdreg s16  }
0xb6: {  	[dreg:$0x4] =	wrdreg s17  }
0xb7: {  	[dreg:$0x5] =	wrdreg $0x9  }
0xb8: {  	_ =	task.clear_ibuf [dreg:s8], $0x6FFFF;
	_ =	strace $0x90000046  }
0xb9: {  	s29 =	simm.s32 $0x9;
	_ =	strace $0x80000048  }
0xba: {  	_ =	swait.ge [sflag:s29], $0x1  }
0xbb: {  	[sflag:s29] =	ssyncadd.s32 $0xFFFFFFFF  }
0xbc: {  	_ =	strace $0x90000048  }
0xbd: {  	_ =	sfence  }
0xbe: {  	s30 =	sld [smem:$0x0];
	_ =	sdelay $0x2  }
0xbf: {  	s31 =	sshll.u32 s1, $0xD;
	s1 =	sshrl.u32 s1, $0x2  }
0xc0: {  	s3 =	sand.u32 $0x4000, s31;
	s1 =	sadd.s32 s1, s30  }
0xc1: {  	s0 =	sor.u32 s3, s0;
	s1 =	sshll.u32 s1, $0x11  }
0xc2: {  	s0 =	sor.u32 s1, s0  }
0xc3: {  	s0 =	sadd.s32 $0x8F2B, s0  }
0xc4: {  	[sflag:s0] =	ssyncadd.remote.s32 $0x1  }
0xc5: {  	_ =	sfence.sel $0xFFFF  }
0xc6: {  	[dreg:$0x0] =	wrdreg $0xFFFFFFFF;
	(pc) =	sbr.abs _section_cstart, $3  }
0xc7: {  	[dreg:$0x1] =	wrdreg $0xFFFFFFFF  }
0xc8: {  	_ =	task.clear_ibuf [dreg:s8], $0x2FFFF;
	_ =	strace $0x9FFFFFFF  }
0xc9: {  	(tm) =	ssettm $0x7FFFFFFF  }
tec
execute0_lowered:
.L_overlay_start_1:
0x0: {  	(tag) =	ssettag $0x1  }
0x1: {  	s7 =	rddreg [dreg:$0x0]  }
0x2: {  	s1 =	rddreg [dreg:$0x1]  }
0x3: {  	s3 =	rddreg [dreg:$0x2]  }
0x4: {  	s0 =	rddreg [dreg:$0x3]  }
0x5: {  	s4 =	simm.s32 $0x0;
	s5 =	srdreg.scid;
	s2 =	stileid.u32  }
0x6: {  	s11 =	simm.s32 $0x0;
	[smem:$0x7FF] =	sst s4;
	s5 =	sand.u32 $0x1, s5  }
0x7: {  	s6 =	sshll.u32 s2, $0x1;
	_ =	strace $0x80000047;
	s8 =	ssub.s32 $0x2, s5  }
0x8: {  	s9 =	sor.u32 s5, s6;
	s5 =	sadd.s32 $0xF44000, s7;
	s10 =	sshrl.u32 s8, $0x1  }
0x9: {  	s7 =	sadd.s32 $0x1C00, s7;
	s6 =	smul.u32 $0x7A12, s9;
	s10 =	ssub.s32 s8, s10  }
0xa: {  	s8 =	smul.u32 $0xC35, s9;
	s9 =	smax.u32 s10, $0x1;
	s10 =	simm.s32 $0x1  }
.LBB2_1:
0xb: {  	s13 =	simm.s32 $0x0  }
.LBB2_2:
0xc: {  	s12 =	smul.u32 $0x4E2, s13;
	_ =	sdelay $0x1  }
0xd: {  	s12 =	sadd.s32 s6, s12  }
0xe: {  	s12 =	sshll.u32 s12, $0x2  }
0xf: {  	s14 =	sadd.s32 s5, s12  }
0x10: {  	[tilespmem:s4], [sflag:$0x1] =	stream.linear.gather [hbm4b:s14+s4], $0x9C40, $0x38;
	[tilespmem:$0x9C40] =	vst v63  }
0x11: {  	_ =	swait.ge [sflag:s10], $0x9C40  }
0x12: {  	[sflag:s10] =	ssyncset.done $0x0  }
0x13: {  	s14 =	simm.s32 $0x40;
	[sflag:s10] =	ssyncadd.s32 $0xFFFF63C0  }
0x14: {  	v1 =	vld [tilespmem:s14+$0xFFFFFFC0];
	_ =	sdelay $0x1  }
0x15: {  	v4 =	vld [tilespmem:s14+$0xFFFFFFD0]  }
0x16: {  	v6 =	vld [tilespmem:s14+$0xFFFFFFE0]  }
0x17: {  	v2 =	vld [tilespmem:s14+$0x0]  }
0x18: {  	v0 =	vld [tilespmem:s14+$0x10];
	v5 =	vmul.f32 $9.998999830e-01, v1  }
0x19: {  	v3 =	vld [tilespmem:s14+$0x20]  }
0x1a: {  	v1 =	vld [tilespmem:s14+$0x30];
	[tilespmem:s14+$0xFFFFFFC0] =	vst v5;
	v5 =	vmul.f32 $9.998999830e-01, v4  }
0x1b: {  	s15 =	simm.s32 $0x0;
	s16 =	simm.s32 $0xC0;
	v6 =	vmul.f32 $9.998999830e-01, v6;
	v4 =	vld [tilespmem:s14+$0xFFFFFFF0]  }
.LBB2_3:
0x1c: {  	v7 =	vld [tilespmem:s16+$0xFFFFFFC0];
	[tilespmem:s14+$0xFFFFFFD0] =	vst v5;
	v2 =	vmul.f32 $9.998999830e-01, v2  }
0x1d: {  	s15 =	sadd.s32 $0x8, s15;
	v5 =	vld [tilespmem:s16+$0xFFFFFFD0];
	[tilespmem:s14+$0xFFFFFFE0] =	vst v6;
	v0 =	vmul.f32 $9.998999830e-01, v0  }
0x1e: {  	p0 =	slt.u32 s15, $0x9B8;
	v6 =	vld [tilespmem:s16+$0xFFFFFFE0];
	[tilespmem:s14+$0x0] =	vst v2;
	v3 =	vmul.f32 $9.998999830e-01, v3  }
.Ltmp0:
0x1f: {  	v2 =	vld [tilespmem:s16+$0x0];
	[tilespmem:s14+$0x10] =	vst v0;
	v1 =	vmul.f32 $9.998999830e-01, v1;
	(pc) =	sbr.rel @p0 .LBB2_3-.Ltmp0, $4  }
0x20: {  	v0 =	vld [tilespmem:s16+$0x10];
	v4 =	vmul.f32 $9.998999830e-01, v4;
	[tilespmem:s14+$0x20] =	vst v3  }
0x21: {  	v7 =	vmul.f32 $9.998999830e-01, v7;
	v3 =	vld [tilespmem:s16+$0x20];
	[tilespmem:s14+$0x30] =	vst v1  }
0x22: {  	v5 =	vmul.f32 $9.998999830e-01, v5;
	v1 =	vld [tilespmem:s16+$0x30];
	[tilespmem:s14+$0xFFFFFFF0] =	vst v4;
	s14 =	smov.u32 s16  }
0x23: {  	s16 =	sadd.s32 $0x80, s16;
	[tilespmem:s14+$0xFFFFFFC0] =	vst v7;
	v6 =	vmul.f32 $9.998999830e-01, v6;
	v4 =	vld [tilespmem:s14+$0xFFFFFFF0]  }
0x24: {  	[tilespmem:s14+$0xFFFFFFD0] =	vst v5;
	v2 =	vmul.f32 $9.998999830e-01, v2  }
0x25: {  	[tilespmem:s14+$0xFFFFFFE0] =	vst v6;
	v0 =	vmul.f32 $9.998999830e-01, v0  }
0x26: {  	[tilespmem:s14+$0x0] =	vst v2;
	v58 =	vmul.f32 $9.998999830e-01, v3  }
0x27: {  	[tilespmem:s14+$0x10] =	vst v0;
	v59 =	vmul.f32 $9.998999830e-01, v1  }
0x28: {  	v60 =	vmul.f32 $9.998999830e-01, v4;
	[tilespmem:s14+$0x20] =	vst v58  }
0x29: {  	[tilespmem:s14+$0x30] =	vst v59  }
0x2a: {  	[tilespmem:s14+$0xFFFFFFF0] =	vst v60  }
0x2b: {  	v0 =	vld [tilespmem:$0x9C00]  }
0x2c: {  	v1 =	vld [tilespmem:$0x9C10]  }
0x2d: {  	v2 =	vld [tilespmem:$0x9C20]  }
0x2e: {  	v61 =	vld [tilespmem:$0x9C30];
	_ =	sdelay $0x1  }
0x2f: {  	v0 =	vmul.f32 $9.998999830e-01, v0  }
0x30: {  	v1 =	vmul.f32 $9.998999830e-01, v1  }
0x31: {  	v62 =	vmul.f32 $9.998999830e-01, v2;
	[tilespmem:$0x9C00] =	vst v0  }
0x32: {  	s13 =	sadd.s32 $0x1, s13;
	v63 =	vmul.f32 $9.998999830e-01, v61;
	[tilespmem:$0x9C10] =	vst v1  }
0x33: {  	p0 =	sne.s32 s13, $0x19;
	[tilespmem:$0x9C20] =	vst v62  }
.Ltmp1:
0x34: {  	s31 =	sadd.s32 s1, s12;
	s12 =	simm.s32 $0x0;
	[tilespmem:$0x9C30] =	vst v63;
	(pc) =	sbr.rel @p0 .LBB2_2-.Ltmp1, $4  }
0x35: {  	[hbm4b:s31+s12] =	stream.linear.scatter [tilespmem:s12], [sflag:$0x1], $0x9C40, $0x38;
	[tilespmem:$0x9C40] =	vst v63  }
0x36: {  	_ =	swait.ge [sflag:s10], $0x9C40  }
0x37: {  	[sflag:s10] =	ssyncset.done $0x0  }
0x38: {  	[sflag:s10] =	ssyncadd.s32 $0xFFFF63C0  }
.LBB2_5:
0x39: {  	s13 =	smul.u32 $0x271, s12;
	_ =	sdelay $0x1  }
0x3a: {  	s13 =	sadd.s32 s8, s13  }
0x3b: {  	s13 =	sshll.u32 s13, $0x2  }
0x3c: {  	s14 =	sadd.s32 s7, s13  }
0x3d: {  	[tilespmem:s4], [sflag:$0x1] =	stream.linear.gather [hbm4b:s14+s4], $0x4E20, $0x38;
	[tilespmem:$0x9C40] =	vst v63  }
0x3e: {  	_ =	swait.ge [sflag:s10], $0x4E20  }
0x3f: {  	[sflag:s10] =	ssyncset.done $0x0  }
0x40: {  	s14 =	simm.s32 $0x40;
	[sflag:s10] =	ssyncadd.s32 $0xFFFFB1E0  }
0x41: {  	v1 =	vld [tilespmem:s14+$0xFFFFFFC0];
	_ =	sdelay $0x1  }
0x42: {  	v4 =	vld [tilespmem:s14+$0xFFFFFFD0]  }
0x43: {  	v6 =	vld [tilespmem:s14+$0xFFFFFFE0]  }
0x44: {  	v2 =	vld [tilespmem:s14+$0x0]  }
0x45: {  	v0 =	vld [tilespmem:s14+$0x10];
	v5 =	vmul.f32 $9.998999830e-01, v1  }
0x46: {  	v3 =	vld [tilespmem:s14+$0x20]  }
0x47: {  	v1 =	vld [tilespmem:s14+$0x30];
	[tilespmem:s14+$0xFFFFFFC0] =	vst v5;
	v5 =	vmul.f32 $9.998999830e-01, v4  }
0x48: {  	s15 =	simm.s32 $0x0;
	s16 =	simm.s32 $0xC0;
	v6 =	vmul.f32 $9.998999830e-01, v6;
	v4 =	vld [tilespmem:s14+$0xFFFFFFF0]  }
.LBB2_6:
0x49: {  	v7 =	vld [tilespmem:s16+$0xFFFFFFC0];
	[tilespmem:s14+$0xFFFFFFD0] =	vst v5;
	v2 =	vmul.f32 $9.998999830e-01, v2  }
0x4a: {  	s15 =	sadd.s32 $0x8, s15;
	v5 =	vld [tilespmem:s16+$0xFFFFFFD0];
	[tilespmem:s14+$0xFFFFFFE0] =	vst v6;
	v0 =	vmul.f32 $9.998999830e-01, v0  }
0x4b: {  	p0 =	slt.u32 s15, $0x4D8;
	v6 =	vld [tilespmem:s16+$0xFFFFFFE0];
	[tilespmem:s14+$0x0] =	vst v2;
	v3 =	vmul.f32 $9.998999830e-01, v3  }
.Ltmp2:
0x4c: {  	v2 =	vld [tilespmem:s16+$0x0];
	[tilespmem:s14+$0x10] =	vst v0;
	v1 =	vmul.f32 $9.998999830e-01, v1;
	(pc) =	sbr.rel @p0 .LBB2_6-.Ltmp2, $4  }
0x4d: {  	v0 =	vld [tilespmem:s16+$0x10];
	v4 =	vmul.f32 $9.998999830e-01, v4;
	[tilespmem:s14+$0x20] =	vst v3  }
0x4e: {  	v7 =	vmul.f32 $9.998999830e-01, v7;
	v3 =	vld [tilespmem:s16+$0x20];
	[tilespmem:s14+$0x30] =	vst v1  }
0x4f: {  	v5 =	vmul.f32 $9.998999830e-01, v5;
	v1 =	vld [tilespmem:s16+$0x30];
	[tilespmem:s14+$0xFFFFFFF0] =	vst v4;
	s14 =	smov.u32 s16  }
0x50: {  	s16 =	sadd.s32 $0x80, s16;
	[tilespmem:s14+$0xFFFFFFC0] =	vst v7;
	v6 =	vmul.f32 $9.998999830e-01, v6;
	v4 =	vld [tilespmem:s14+$0xFFFFFFF0]  }
0x51: {  	[tilespmem:s14+$0xFFFFFFD0] =	vst v5;
	v2 =	vmul.f32 $9.998999830e-01, v2  }
0x52: {  	[tilespmem:s14+$0xFFFFFFE0] =	vst v6;
	v0 =	vmul.f32 $9.998999830e-01, v0  }
0x53: {  	[tilespmem:s14+$0x0] =	vst v2;
	v61 =	vmul.f32 $9.998999830e-01, v3  }
0x54: {  	[tilespmem:s14+$0x10] =	vst v0;
	v62 =	vmul.f32 $9.998999830e-01, v1  }
0x55: {  	v63 =	vmul.f32 $9.998999830e-01, v4;
	[tilespmem:s14+$0x20] =	vst v61  }
0x56: {  	[tilespmem:s14+$0x30] =	vst v62  }
0x57: {  	[tilespmem:s14+$0xFFFFFFF0] =	vst v63  }
0x58: {  	v0 =	vld [tilespmem:$0x4E00]  }
0x59: {  	v1 =	vld [tilespmem:$0x4E10];
	_ =	sdelay $0x3  }
0x5a: {  	v0 =	vmul.f32 $9.998999830e-01, v0  }
0x5b: {  	s12 =	sadd.s32 $0x1, s12;
	v1 =	vmul.f32 $9.998999830e-01, v1  }
0x5c: {  	p0 =	sne.s32 s12, $0x5;
	[tilespmem:$0x4E00] =	vst v0  }
.Ltmp3:
0x5d: {  	s13 =	sadd.s32 s3, s13;
	[tilespmem:$0x4E10] =	vst v1;
	(pc) =	sbr.rel @p0 .LBB2_5-.Ltmp3, $4  }
0x5e: {  	[hbm4b:s13+s4] =	stream.linear.scatter [tilespmem:s4], [sflag:$0x1], $0x4E20, $0x38;
	[tilespmem:$0x9C40] =	vst v63  }
0x5f: {  	_ =	swait.ge [sflag:s10], $0x4E20  }
0x60: {  	[sflag:s10] =	ssyncset.done $0x0  }
0x61: {  	[sflag:s10] =	ssyncadd.s32 $0xFFFFB1E0  }
0x62: {  	s11 =	sadd.s32 $0x1, s11  }
0x63: {  	p0 =	sne.s32 s11, s9  }
.Ltmp4:
0x64: {  	_ = 	snop;
	(pc) =	sbr.rel @p0 .LBB2_1-.Ltmp4, $1  }
0x65: {  	_ =	sdelay $0x3  }
0x66: {  	_ =	sfence.sel $0x180000  }
0x67: {  	[bflag:$0x0] =	sbarrier.arrive $0xFFFF  }
0x68: {  	p0 =	sne.s32 s2, $0x0;
	_ =	strace $0x90000047  }
0x69: {  	s0 =	sadd.s32 @!p0 $0x100000, s0;
	[bflag:$0x2] =	sbarrier.arrive $0xFFFF  }
0x6a: {  	[sflag:s0] =	ssyncadd.tile.s32 @!p0 $0x1;
	_ =	shalt  }
.Lfunc_end2:
_tile_overlayer_lowered:
.L_overlay_start_2:
0x6b: {  	(tag) =	ssettag $0x2  }
0x6c: {  	s0 =	rddreg [dreg:$0x0];
	s2 =	stileid.u32  }
0x6d: {  	s1 =	rddreg [dreg:$0x1];
	p0 =	sne.s32 s2, $0x0  }
0x6e: {  	s3 =	rddreg [dreg:$0x2];
	[bflag:$0x3] =	sbarrier.arrive $0xFFFF;
	s2 =	simm.s32 @!p0 $0x1C01  }
0x6f: {  	[timem:s3], [sflag:s2] =	dma.local @!p0 [hbm:s0], s1  }
0x70: {  	s0 =	simm.s32 @!p0 $0x1  }
0x71: {  	_ =	swait.ge @!p0 [sflag:s0], s1  }
0x72: {  	s1 =	ssub.s32 @!p0 $0x0, s1;
	[sflag:s0] =	ssyncset.done @!p0 $0x0  }
0x73: {  	[sflag:s0] =	ssyncadd.s32 @!p0 s1  }
0x74: {  	[bflag:$0x3] =	sbarrier.arrive $0xFFFF  }
0x75: {  	_ =	shalt  }

// kernel: kernel.7.cloned.1.call-start
scs
__scs_entry_jumppad:
0x0: {  	(pc) =	sbr.rel $0x88, $3  }
0x1: {  	(tag) =	ssettag $0x0;
	lr =	simm.s32 $0x1  }
0x2: {  	[smem:$0x3F9B] =	sst lr;
	_ =	strace $0xD0000000  }
0x3: {  	_ = 	snop  }
0x4: {  	_ = 	snop  }
0x5: {  	_ = 	snop  }
0x6: {  	_ = 	snop  }
0x7: {  	_ = 	snop  }
__scs_overlays_trampoline_lowered:
0x8: {  	[smem:$0x3FAA] =	sst s0  }
0x9: {  	[smem:$0x3FAB] =	sst s1  }
0xa: {  	[smem:$0x3FAC] =	sst s2  }
0xb: {  	[smem:$0x3FAD] =	sst s3  }
0xc: {  	[smem:$0x3FAE] =	sst s4  }
0xd: {  	[smem:$0x3FAF] =	sst s5  }
0xe: {  	[smem:$0x3FB0] =	sst s6  }
0xf: {  	[smem:$0x3FB1] =	sst s7  }
0x10: {  	[smem:$0x3FB2] =	sst s8  }
0x11: {  	[smem:$0x3FB3] =	sst s9;
	s0 =	simm.s32 @!p0 $0x0  }
0x12: {  	s1 =	sld [smem:$0x3F99];
	s0 =	simm.s32 @p0 $0x1  }
0x13: {  	[smem:$0x3FB4] =	sst s0;
	s0 =	simm.s32 @!p1 $0x0  }
0x14: {  	s2 =	sld [smem:$0x3F98];
	s0 =	simm.s32 @p1 $0x1  }
0x15: {  	[smem:$0x3FB5] =	sst s0;
	s0 =	simm.s32 @!p2 $0x0  }
0x16: {  	s3 =	sld [smem:$0x3FDB];
	s0 =	simm.s32 @p2 $0x1  }
0x17: {  	s4 =	simm.s32 $0x1BF5;
	[smem:$0x3FB7] =	sst s0  }
0x18: {  	s0 =	sld [smem:$0x3F9A];
	_ =	swait.ge [sflag:s4], $0x0  }
0x19: {  	s7 =	sld [smem:$0x3F9B]  }
0x1a: {  	s8 =	sadd.s32 $0xFFFFE003, lr  }
0x1b: {  	s9 =	sadd.s32 $0xFFFFFEF7, lr;
	s5 =	simm.s32 $0xFFFFFFFF;
	p2 =	slt.u32 s8, $0xFFFFF086  }
0x1c: {  	p1 =	slt.u32 s9, $0xF7A;
	s5 =	simm.s32 @!p2 $0x0  }
0x1d: {  	s5 =	simm.s32 @p1 $0x1;
	p0 =	seq.s32 s7, s2  }
0x1e: {  	s7 =	smul.u32 @!p0 $0xF7A, s2;
	p2 =	seq.s32 @!p0 s5, $0x0  }
0x1f: {  	s9 =	smul.u32 $0xF7A, s1;
	s8 =	simm.s32 @!p0 $0x1BF5;
	p2 =	por !p2, p0  }
0x20: {  	[sflag:s8] =	ssyncset.s32 @!p0 $0xFFFFF086;
	s6 =	sadd.s32 @!p0 s3, s7;
	s7 =	simm.s32 @!p0 $0x108  }
0x21: {  	s3 =	sadd.s32 s3, s9;
	s6 =	sadd.s32 @!p0 $0x88, s6;
	s7 =	simm.s32 @p2 $0x1082  }
0x22: {  	[simem:s7], [sflag:s8] =	dma.local @!p0 [hbm:s6], $0xF7A  }
0x23: {  	s9 =	sor.u32 $0xD0000000, s2;
	s6 =	simm.s32 $0x108;
	_ =	swait.ge @!p0 [sflag:s8], $0x0  }
0x24: {  	s3 =	sadd.s32 $0x88, s3;
	s6 =	simm.s32 @!p1 $0x1082;
	[sflag:s4] =	ssyncset.s32 $0xFFFFF086  }
0x25: {  	[simem:s6], [sflag:s4] =	dma.local [hbm:s3], $0xF7A  }
0x26: {  	[smem:$0x3F9B] =	sst s1;
	(tag) =	ssettag s2;
	_ =	strace s9  }
0x27: {  	s1 =	sld [smem:$0x3FAB]  }
0x28: {  	s2 =	sld [smem:$0x3FAC]  }
0x29: {  	s4 =	sld [smem:$0x3FAE]  }
0x2a: {  	p0 =	seq.s32 s5, $0x0;
	s5 =	sld [smem:$0x3FAF]  }
0x2b: {  	s6 =	sld [smem:$0x3FB0]  }
0x2c: {  	s7 =	sld [smem:$0x3FB1]  }
0x2d: {  	s3 =	simm.s32 $0x108;
	s8 =	sld [smem:$0x3FB2]  }
0x2e: {  	s3 =	simm.s32 @!p0 $0x1082;
	s9 =	sld [smem:$0x3FB3]  }
0x2f: {  	lr =	sadd.s32 s0, s3;
	s0 =	sld [smem:$0x3FAA]  }
0x30: {  	s3 =	sld [smem:$0x3FAD]  }
0x31: {  	[smem:$0x3FB6] =	sst s10  }
0x32: {  	s10 =	sld [smem:$0x3FB4];
	_ =	sdelay $0x3  }
0x33: {  	p0 =	seq.s32 s10, $0x1;
	s10 =	sld [smem:$0x3FB6];
	_ =	sdelay $0x3  }
0x34: {  	[smem:$0x3FB6] =	sst s10  }
0x35: {  	s10 =	sld [smem:$0x3FB5];
	_ =	sdelay $0x3  }
0x36: {  	p1 =	seq.s32 s10, $0x1;
	s10 =	sld [smem:$0x3FB6];
	_ =	sdelay $0x3  }
0x37: {  	[smem:$0x3FB6] =	sst s10  }
0x38: {  	s10 =	sld [smem:$0x3FB7]  }
0x39: {  	_ = 	snop;
	(pc) =	sbr.ind lr, $3  }
0x3a: {  	_ = 	snop  }
0x3b: {  	_ = 	snop  }
0x3c: {  	p2 =	seq.s32 s10, $0x1;
	s10 =	sld [smem:$0x3FB6]  }
0x3d: {  	_ =	shalt  }
0x3e: {  	_ =	shalt  }
0x3f: {  	_ =	shalt  }
0x40: {  	_ =	shalt  }
0x41: {  	_ =	shalt  }
0x42: {  	_ =	shalt  }
0x43: {  	_ =	shalt  }
0x44: {  	_ =	shalt  }
0x45: {  	_ =	shalt  }
0x46: {  	_ =	shalt  }
0x47: {  	_ =	shalt  }
0x48: {  	_ =	shalt  }
0x49: {  	_ =	shalt  }
0x4a: {  	_ =	shalt  }
0x4b: {  	_ =	shalt  }
0x4c: {  	_ =	shalt  }
0x4d: {  	_ =	shalt  }
0x4e: {  	_ =	shalt  }
0x4f: {  	_ =	shalt  }
0x50: {  	_ =	shalt  }
0x51: {  	_ =	shalt  }
0x52: {  	_ =	shalt  }
0x53: {  	_ =	shalt  }
0x54: {  	_ =	shalt  }
0x55: {  	_ =	shalt  }
0x56: {  	_ =	shalt  }
0x57: {  	_ =	shalt  }
0x58: {  	_ =	shalt  }
0x59: {  	_ =	shalt  }
0x5a: {  	_ =	shalt  }
0x5b: {  	_ =	shalt  }
0x5c: {  	_ =	shalt  }
0x5d: {  	_ =	shalt  }
0x5e: {  	_ =	shalt  }
0x5f: {  	_ =	shalt  }
0x60: {  	_ =	shalt  }
0x61: {  	_ =	shalt  }
0x62: {  	_ =	shalt  }
0x63: {  	_ =	shalt  }
0x64: {  	_ =	shalt  }
0x65: {  	_ =	shalt  }
0x66: {  	_ =	shalt  }
0x67: {  	_ =	shalt  }
0x68: {  	_ =	shalt  }
0x69: {  	_ =	shalt  }
0x6a: {  	_ =	shalt  }
0x6b: {  	_ =	shalt  }
0x6c: {  	_ =	shalt  }
0x6d: {  	_ =	shalt  }
0x6e: {  	_ =	shalt  }
0x6f: {  	_ =	shalt  }
0x70: {  	_ =	shalt  }
0x71: {  	_ =	shalt  }
0x72: {  	_ =	shalt  }
0x73: {  	_ =	shalt  }
0x74: {  	_ =	shalt  }
0x75: {  	_ =	shalt  }
0x76: {  	_ =	shalt  }
0x77: {  	_ =	shalt  }
0x78: {  	_ =	shalt  }
0x79: {  	_ =	shalt  }
0x7a: {  	_ =	shalt  }
0x7b: {  	_ =	shalt  }
0x7c: {  	_ =	shalt  }
0x7d: {  	_ =	shalt  }
0x7e: {  	_ =	shalt  }
0x7f: {  	_ =	shalt  }
0x80: {  	_ =	shalt  }
0x81: {  	_ =	shalt  }
0x82: {  	_ =	shalt  }
0x83: {  	_ =	shalt  }
0x84: {  	_ =	shalt  }
0x85: {  	_ =	shalt  }
0x86: {  	_ =	shalt  }
0x87: {  	_ =	shalt  }
.Lfunc_end0:
.L_simem_size_0:
called_computation.2_lowered:
.L_overlay_start_0:
0x88: {  	s2 =	sld [smem:$0x3FD9]  }
0x89: {  	s3 =	sld [smem:$0x3FFE];
	_ =	sdelay $0x1  }
0x8a: {  	s1 =	srdreg.scid  }
0x8b: {  	s0 =	sand.u32 $0x1, s1  }
0x8c: {  	s14 =	sshll.u32 s0, $0xA;
	s2 =	sadd.s32 s3, s2  }
0x8d: {  	s2 =	sadd.s32 s2, s14  }
0x8e: {  	[smem:$0x3FC2] =	sst s2  }
0x8f: {  	_ = 	snop  }
0x90: {  	s2 =	sld [smem:$0x3FD0];
	_ =	sdelay $0x1  }
0x91: {  	s15 =	sld [smem:$0x3FC5]  }
0x92: {  	s5 =	simm.s32 $0xA;
	s6 =	simm.s32 $0x10;
	s4 =	sld [smem:$0x3FC4]  }
0x93: {  	[smem:s6], [sflag:s5] =	dma.local [hbm:s2], $0x1  }
0x94: {  	_ =	swait.eq [sflag:s5], $0x1  }
0x95: {  	[sflag:s5] =	ssyncset.done $0x0  }
0x96: {  	s16 =	sld [smem:$0x10];
	[sflag:s5] =	ssyncadd.s32 $0xFFFFFFFF  }
0x97: {  	s17 =	sld [smem:$0x11];
	(tm) =	ssettm $0x1  }
0x98: {  	s18 =	sld [smem:$0x3FFB];
	_ =	sdelay $0x3  }
0x99: {  	_ =	strace s18  }
0x9a: {  	s6 =	sld [smem:$0x3FFC];
	_ =	sdelay $0x3  }
0x9b: {  	_ =	strace s6  }
0x9c: {  	s6 =	sld [smem:$0x3FFD];
	_ =	sdelay $0x3  }
0x9d: {  	_ =	strace s6  }
0x9e: {  	_ =	strace $0x8FFFFFFF  }
0x9f: {  	s19 =	sld [smem:$0x3FDB];
	_ =	sdelay $0x1  }
0xa0: {  	s7 =	simm.s32 $_scs_section_size  }
0xa1: {  	s8 =	simm.s32 $_size__tile_overlayer_lowered;
	s9 =	simm.s32 $_tile_overlayer_lowered  }
0xa2: {  	s22 =	simm.s32 $0x1BFF;
	s21 =	sshll.u32 s9, $0x1;
	s6 =	sadd.s32 s7, s19  }
0xa3: {  	s10 =	simm.s32 $0x0;
	s20 =	sshll.u32 s8, $0x1;
	s8 =	sadd.s32 s21, s6  }
0xa4: {  	[timem:s10], [sflag:s22] =	dma.local [hbm:s8], s20  }
0xa5: {  	_ =	swait.ge [sflag:s22], s20  }
0xa6: {  	s7 =	ssub.s32 $0x0, s20;
	[sflag:s22] =	ssyncset.done $0x0  }
0xa7: {  	[sflag:s22] =	ssyncadd.s32 s7;
	_ =	sdelay $0x1  }
0xa8: {  	s23 =	simm.s32 $0x1B8B  }
0xa9: {  	_ =	swait.ge [sflag:s23], $0x1  }
0xaa: {  	[sflag:s23] =	ssyncset.done $0x0  }
0xab: {  	s25 =	simm.s32 $0x1B8E;
	s24 =	sld [smem:$0x3FFE];
	[sflag:s23] =	ssyncadd.s32 $0xFFFFFFFF  }
0xac: {  	s26 =	simm.s32 $execute0_lowered;
	[smem:$0x3FD2] =	sst s25  }
0xad: {  	s8 =	sshll.u32 s26, $0x1;
	_ =	strace $0x80000049;
	[dreg:$0x1] =	wrdreg $0xFFFFFFFF  }
0xae: {  	s28 =	simm.s32 $_size_execute0_lowered;
	s6 =	sadd.s32 s6, s8;
	[dreg:$0x0] =	wrdreg $0x0  }
0xaf: {  	s8 =	sshll.u32 s28, $0x1;
	[dreg:$0x2] =	wrdreg s6  }
0xb0: {  	[dreg:$0x3] =	wrdreg s8  }
0xb1: {  	[dreg:$0x4] =	wrdreg $0xC0  }
0xb2: {  	_ =	task [dreg:s10], $0x5FFFF  }
0xb3: {  	[dreg:$0x1] =	wrdreg $0xFFFFFFFF  }
0xb4: {  	[dreg:$0x0] =	wrdreg $0x60  }
0xb5: {  	[dreg:$0x2] =	wrdreg s16  }
0xb6: {  	[dreg:$0x3] =	wrdreg s17  }
0xb7: {  	[dreg:$0x4] =	wrdreg s24  }
0xb8: {  	[dreg:$0x5] =	wrdreg s15  }
0xb9: {  	[dreg:$0x6] =	wrdreg s4  }
0xba: {  	[dreg:$0x7] =	wrdreg $0x0  }
0xbb: {  	[dreg:$0x8] =	wrdreg $0xFA180  }
0xbc: {  	[dreg:$0x9] =	wrdreg $0x7A180  }
0xbd: {  	[dreg:$0xa] =	wrdreg $0x9  }
0xbe: {  	_ =	task.clear_ibuf [dreg:s10], $0xBFFFF;
	_ =	strace $0x90000049  }
0xbf: {  	s29 =	simm.s32 $0x9;
	_ =	strace $0x8000004B  }
0xc0: {  	_ =	swait.ge [sflag:s29], $0x1  }
0xc1: {  	[sflag:s29] =	ssyncadd.s32 $0xFFFFFFFF  }
0xc2: {  	_ =	strace $0x9000004B  }
0xc3: {  	_ =	sfence  }
0xc4: {  	s30 =	sld [smem:$0x0];
	_ =	sdelay $0x2  }
0xc5: {  	s31 =	sshll.u32 s1, $0xD;
	s1 =	sshrl.u32 s1, $0x2  }
0xc6: {  	s3 =	sand.u32 $0x4000, s31;
	s1 =	sadd.s32 s1, s30  }
0xc7: {  	s0 =	sor.u32 s3, s0;
	s1 =	sshll.u32 s1, $0x11  }
0xc8: {  	s0 =	sor.u32 s1, s0  }
0xc9: {  	s0 =	sadd.s32 $0x8F2B, s0  }
0xca: {  	[sflag:s0] =	ssyncadd.remote.s32 $0x1  }
0xcb: {  	_ =	sfence.sel $0xFFFF  }
0xcc: {  	[dreg:$0x0] =	wrdreg $0xFFFFFFFF;
	(pc) =	sbr.abs _section_cstart, $3  }
0xcd: {  	[dreg:$0x1] =	wrdreg $0xFFFFFFFF  }
0xce: {  	_ =	task.clear_ibuf [dreg:s10], $0x2FFFF;
	_ =	strace $0x9FFFFFFF  }
0xcf: {  	(tm) =	ssettm $0x7FFFFFFF  }
tec
execute0_lowered:
.L_overlay_start_1:
0x0: {  	(tag) =	ssettag $0x1  }
0x1: {  	s0 =	rddreg [dreg:$0x0]  }
0x2: {  	s1 =	rddreg [dreg:$0x2]  }
0x3: {  	s3 =	rddreg [dreg:$0x3]  }
0x4: {  	s2 =	srdreg.scid;
	s4 =	rddreg [dreg:$0x4];
	s6 =	simm.s32 $0x0  }
0x5: {  	s22 =	stileid.u32;
	s2 =	sand.u32 $0x1, s2;
	[smem:$0x7FF] =	sst s6  }
0x6: {  	s7 =	sadd.s32 $0x73800, s1;
	s23 =	sshll.u32 s22, $0xA;
	s16 =	sshll.u32 s22, $0x7  }
0x7: {  	s10 =	sshll.u32 s22, $0xC;
	s30 =	sadd.s32 $0x63800, s1;
	s5 =	ssub.s32 $0x2, s2  }
0x8: {  	p0 =	seq.s32 s2, $0x1;
	s3 =	sadd.s32 s3, s16;
	s2 =	sadd.s32 s4, s16  }
0x9: {  	s6 =	sor.u32 $0x200, s23;
	s8 =	sor.u32 $0x280, s23;
	[dreg:$0xa] =	wrdreg s3  }
0xa: {  	s9 =	sor.u32 $0x300, s23;
	s12 =	sadd.s32 s7, s10;
	[dreg:$0xb] =	wrdreg s2  }
0xb: {  	s10 =	sadd.s32 s30, s10;
	[dreg:$0xc] =	wrdreg s12;
	s16 =	sshll.u32 s6, $0x2  }
0xc: {  	s18 =	sshll.u32 s8, $0x2;
	[dreg:$0x14] =	wrdreg s10;
	s24 =	sadd.s32 s7, s16  }
0xd: {  	s19 =	sshll.u32 s9, $0x2;
	s25 =	sadd.s32 s7, s18;
	[dreg:$0x10] =	wrdreg s24  }
0xe: {  	s2 =	sor.u32 $0x80, s23;
	s26 =	sadd.s32 s7, s19;
	[dreg:$0x11] =	wrdreg s25  }
0xf: {  	s17 =	sshll.u32 s2, $0x2;
	s16 =	sadd.s32 s30, s16;
	[dreg:$0x12] =	wrdreg s26  }
0x10: {  	s13 =	sadd.s32 s7, s17;
	s12 =	sadd.s32 s30, s17;
	s17 =	rddreg [dreg:$0x5]  }
0x11: {  	s18 =	sadd.s32 s30, s18;
	[dreg:$0x18] =	wrdreg s16  }
0x12: {  	s4 =	sor.u32 $0x180, s23;
	[dreg:$0x19] =	wrdreg s18  }
0x13: {  	s15 =	sshrl.u32 s5, $0x1;
	s19 =	sadd.s32 s30, s19;
	s24 =	rddreg [dreg:$0x7]  }
0x14: {  	s5 =	ssub.s32 s5, s15;
	s15 =	sshll.u32 s4, $0x2;
	[dreg:$0x1a] =	wrdreg s19  }
0x15: {  	s21 =	sadd.s32 s7, s15;
	[dreg:$0xd] =	wrdreg s13  }
0x16: {  	[dreg:$0xf] =	wrdreg s21  }
0x17: {  	s3 =	sor.u32 $0x100, s23;
	s15 =	sadd.s32 s30, s15;
	[dreg:$0x15] =	wrdreg s12  }
0x18: {  	s11 =	sor.u32 $0x380, s23;
	s13 =	sshll.u32 s3, $0x2;
	[dreg:$0x17] =	wrdreg s15  }
0x19: {  	s20 =	sshll.u32 s11, $0x2;
	s21 =	rddreg [dreg:$0x6];
	s14 =	sadd.s32 s7, s13  }
0x1a: {  	s7 =	sadd.s32 s7, s20;
	[dreg:$0xe] =	wrdreg s14  }
0x1b: {  	s28 =	sadd.s32 $0xF44000, s1;
	[dreg:$0x13] =	wrdreg s7  }
0x1c: {  	s29 =	sadd.s32 $0x1C00, s1;
	s13 =	sadd.s32 s30, s13;
	s14 =	rddreg [dreg:$0x1]  }
0x1d: {  	s25 =	smax.u32 s5, $0x1;
	[dreg:$0x16] =	wrdreg s13;
	s7 =	sadd.s32 s30, s20  }
0x1e: {  	s26 =	sshll.u32 s2, $0x5;
	s30 =	sshll.u32 s22, $0xF;
	[dreg:$0x1b] =	wrdreg s7  }
0x1f: {  	s2 =	sadd.s32 s30, s24;
	_ =	strace $0x8000004A;
	[dreg:$0x1c] =	wrdreg s25  }
0x20: {  	s10 =	sshll.u32 s6, $0x5;
	s1 =	sadd.s32 s26, s24;
	[dreg:$0x1d] =	wrdreg s2  }
0x21: {  	s16 =	sshll.u32 s11, $0x5;
	s12 =	sadd.s32 s10, s24;
	[dreg:$0x1e] =	wrdreg s1  }
0x22: {  	s31 =	simm.s32 $0x13A18;
	s18 =	sadd.s32 s16, s24;
	[smem:$0x7F2] =	sst s12  }
0x23: {  	s6 =	simm.s32 $0x14A18;
	s19 =	sadd.s32 s23, s21;
	[smem:$0x7F5] =	sst s18  }
0x24: {  	s5 =	sshll.u32 s3, $0x5;
	s20 =	sadd.s32 $0x80, s19;
	[dreg:$0x9] =	wrdreg s23  }
0x25: {  	s11 =	simm.s32 $0x16A18;
	s22 =	sadd.s32 $0x100, s19;
	[smem:$0x7F6] =	sst s20  }
0x26: {  	s15 =	sshll.u32 s9, $0x5;
	s26 =	sadd.s32 $0x280, s19;
	[smem:$0x7F7] =	sst s22  }
0x27: {  	s9 =	simm.s32 $0x80;
	s30 =	sadd.s32 $0x300, s19;
	[smem:$0x7FA] =	sst s26  }
0x28: {  	s16 =	simm.s32 $0x16A98;
	s10 =	simm.s32 $0x15A18;
	[smem:$0x7FB] =	sst s30  }
0x29: {  	s13 =	sshll.u32 s8, $0x5;
	s1 =	sadd.s32 s5, s24;
	[smem:$0x7FC] =	sst s19  }
0x2a: {  	s8 =	simm.s32 $0x1;
	s23 =	sadd.s32 $0x180, s19;
	[dreg:$0x1f] =	wrdreg s1  }
0x2b: {  	s7 =	sshll.u32 s4, $0x5;
	s25 =	sadd.s32 $0x200, s19;
	[smem:$0x7F8] =	sst s23  }
.Ltmp0:
0x2c: {  	s1 =	sadd.s32 s7, s24;
	[smem:$0x7F9] =	sst s25;
	(pc) =	sbr.rel .LBB2_1-.Ltmp0, $4  }
0x2d: {  	s4 =	simm.s32 $0x11618;
	[smem:$0x7F1] =	sst s1;
	s1 =	sadd.s32 s13, s24  }
0x2e: {  	v0 =	vlaneseq.u32;
	s26 =	simm.s32 $0x11A18;
	[smem:$0x7F3] =	sst s1;
	s1 =	sadd.s32 s15, s24  }
0x2f: {  	v1 =	vimm.f32 $0.0e+00;
	v4 =	vand.u32 $0x7, v0;
	s20 =	simm.s32 $0x0;
	[smem:$0x7F4] =	sst s1;
	s1 =	sadd.s32 $0x380, s19  }
0x30: {  	v2 =	vimm.f32 $1.000000000e+00;
	v3 =	vor.u32 $0x186A0, v4;
	v4 =	vor.u32 $0xF4240, v4;
	s23 =	simm.s32 $0x10A98;
	[smem:$0x7FD] =	sst s1;
	s1 =	simm.s32 $0x12A18  }
.LBB2_28:
0x31: {  	s20 =	sadd.s32 $0x1, s20;
	s2 =	rddreg [dreg:$0x1c]  }
0x32: {  	p1 =	sne.s32 s20, s2  }
.Ltmp1:
0x33: {  	_ = 	snop;
	(pc) =	sbr.rel @!p1 .LBB2_29-.Ltmp1, $2  }
0x34: {  	_ =	sdelay $0x1  }
0x35: {  	[bflag:$0x0] =	sbarrier.arrive $0xFFFF;
	_ =	sdelay $0x1  }
.LBB2_1:
0x36: {  	[tilespmem:$0x16A18] =	vst v1  }
0x37: {  	[tilespmem:$0x16A98] =	vst v2  }
0x38: {  	[tilespmem:$0x16A28] =	vst v1  }
0x39: {  	[tilespmem:$0x16AA8] =	vst v2  }
0x3a: {  	[tilespmem:$0x16A38] =	vst v1  }
0x3b: {  	[tilespmem:$0x16AB8] =	vst v2  }
0x3c: {  	[tilespmem:$0x16A48] =	vst v1  }
0x3d: {  	[tilespmem:$0x16AC8] =	vst v2  }
0x3e: {  	[tilespmem:$0x16A58] =	vst v1  }
0x3f: {  	[tilespmem:$0x16AD8] =	vst v2  }
0x40: {  	[tilespmem:$0x16A68] =	vst v1  }
0x41: {  	[tilespmem:$0x16AE8] =	vst v2  }
0x42: {  	[tilespmem:$0x16A78] =	vst v1;
	s3 =	simm.s32 $0x0  }
0x43: {  	[tilespmem:$0x16AF8] =	vst v2;
	s2 =	sand.u32 $0x3F80, s3  }
0x44: {  	[tilespmem:$0x16A88] =	vst v1;
	s3 =	sand.u32 $0x10, s3;
	s5 =	sshrl.u32 s2, $0x2  }
0x45: {  	[tilespmem:$0x16B08] =	vst v2;
	s2 =	simm.s32 $0x40;
	s5 =	sor.u32 s3, s5;
	s3 =	simm.s32 $0x0  }
.LBB2_2:
0x46: {  	p1 =	sne.s32 s2, $0x3FC0  }
0x47: {  	[tilespmem:s5+$0x15A18] =	vst v1;
	s3 =	sadd.s32 $0x10, s3;
	s5 =	smov.u32 s2;
	s2 =	sadd.s32 $0x40, s2  }
.Ltmp2:
0x48: {  	(pc) =	sbr.rel @p1 .LBB2_2-.Ltmp2, $4  }
0x49: {  	_ = 	snop  }
0x4a: {  	s5 =	sand.u32 $0x3F80, s5  }
0x4b: {  	s7 =	sand.u32 $0x10, s3;
	s5 =	sshrl.u32 s5, $0x2  }
0x4c: {  	s5 =	sor.u32 s7, s5  }
.Ltmp3:
0x4d: {  	(pc) =	sbr.rel @!p0 .LBB2_4-.Ltmp3, $2  }
0x4e: {  	_ =	sdelay $0x2  }
0x4f: {  	[tilespmem:s5+$0x15A18] =	vst v1;
	s2 =	simm.s32 $0x0  }
0x50: {  	s3 =	rddreg [dreg:$0xb];
	s5 =	simm.s32 $0xFE18  }
0x51: {  	[tilespmem:s5], [sflag:$0x1] =	stream.linear.gather [hbm4b:s3+s2], $0x400, $0x38;
	[tilespmem:$0x16B18] =	vst v63  }
0x52: {  	_ =	swait.ge [sflag:s8], $0x400  }
0x53: {  	[sflag:s8] =	ssyncset.done $0x0  }
0x54: {  	s2 =	simm.s32 $0x0;
	[sflag:s8] =	ssyncadd.s32 $0xFFFFFC00  }
0x55: {  	v5 =	vld [tilespmem:s2+$0xFE18];
	_ =	sdelay $0x1  }
0x56: {  	s30 =	rddreg [dreg:$0x9]  }
0x57: {  	v6 =	vor.u32 s30, v0  }
0x58: {  	s3 =	simm.s32 $0x40;
	s5 =	sadd.s32 $0x10, s30;
	[tilespmem:s2+$0x10E18] =	vst v6  }
.LBB2_21:
0x59: {  	s7 =	sshra.s32 s3, $0x2;
	v6 =	vor.u32 s5, v0;
	p1 =	sne.s32 s3, $0xFC0;
	s3 =	sadd.s32 $0x40, s3;
	vm0 =	vlt.u32 v5, $0x186A0  }
.Ltmp4:
0x5a: {  	[tilespmem:s7+$0x10E18] =	vst v6;
	v6 =	vnsel vm0, $0x7A120, v5;
	v7 =	vsel vm0, v5, v3;
	v5 =	vld [tilespmem:s7+$0xFE18];
	(pc) =	sbr.rel @p1 .LBB2_21-.Ltmp4, $3  }
0x5b: {  	[tilespmem:s2+$0x10618] =	vst v7  }
0x5c: {  	[tilespmem:s2+$0x10218] =	vst v6;
	s2 =	smov.u32 s7;
	_ =	sdelay $0x1  }
0x5d: {  	s5 =	sadd.s32 $0x10, s5  }
0x5e: {  	vm0 =	vlt.u32 v5, $0x186A0  }
0x5f: {  	v6 =	vsel vm0, v5, v3  }
0x60: {  	v5 =	vnsel vm0, $0x7A120, v5;
	[tilespmem:s2+$0x10618] =	vst v6  }
0x61: {  	s3 =	simm.s32 $0x10218;
	s12 =	simm.s32 $0x10E18;
	[tilespmem:s2+$0x10218] =	vst v5  }
0x62: {  	[spmem:s17] =	stream.indirect.scatter [tilespmem:s12], [sflag:$0x1], $0x1, s3, s9, $0xb8;
	[tilespmem:$0x16B18] =	vst v63  }
0x63: {  	_ =	swait.ge [sflag:s8], $0x80  }
0x64: {  	s13 =	sld [smem:$0x7FC]  }
0x65: {  	[sflag:s8] =	ssyncset.done $0x0  }
0x66: {  	[sflag:s8] =	ssyncadd.s32 $0xFFFFFF80  }
0x67: {  	[spmem:s13] =	stream.linear.scatter [tilespmem:s11], [sflag:$0x1], $0x80, $0x38;
	[tilespmem:$0x16B18] =	vst v63  }
0x68: {  	_ =	swait.ge [sflag:s8], $0x80  }
0x69: {  	[sflag:s8] =	ssyncset.done $0x0  }
0x6a: {  	s5 =	simm.s32 $0x10298;
	s15 =	simm.s32 $0x10E98;
	[sflag:s8] =	ssyncadd.s32 $0xFFFFFF80  }
0x6b: {  	[spmem:s17] =	stream.indirect.scatter [tilespmem:s15], [sflag:$0x1], $0x1, s5, s9, $0xb8;
	[tilespmem:$0x16B18] =	vst v63  }
0x6c: {  	_ =	swait.ge [sflag:s8], $0x80  }
0x6d: {  	s18 =	sld [smem:$0x7F6]  }
0x6e: {  	[sflag:s8] =	ssyncset.done $0x0  }
0x6f: {  	[sflag:s8] =	ssyncadd.s32 $0xFFFFFF80  }
0x70: {  	[spmem:s18] =	stream.linear.scatter [tilespmem:s11], [sflag:$0x1], $0x80, $0x38;
	[tilespmem:$0x16B18] =	vst v63  }
0x71: {  	_ =	swait.ge [sflag:s8], $0x80  }
0x72: {  	[sflag:s8] =	ssyncset.done $0x0  }
0x73: {  	s7 =	simm.s32 $0x10318;
	s19 =	simm.s32 $0x10F18;
	[sflag:s8] =	ssyncadd.s32 $0xFFFFFF80  }
0x74: {  	[spmem:s17] =	stream.indirect.scatter [tilespmem:s19], [sflag:$0x1], $0x1, s7, s9, $0xb8;
	[tilespmem:$0x16B18] =	vst v63  }
0x75: {  	_ =	swait.ge [sflag:s8], $0x80  }
0x76: {  	s22 =	sld [smem:$0x7F7]  }
0x77: {  	[sflag:s8] =	ssyncset.done $0x0  }
0x78: {  	[sflag:s8] =	ssyncadd.s32 $0xFFFFFF80  }
0x79: {  	[spmem:s22] =	stream.linear.scatter [tilespmem:s11], [sflag:$0x1], $0x80, $0x38;
	[tilespmem:$0x16B18] =	vst v63  }
0x7a: {  	_ =	swait.ge [sflag:s8], $0x80  }
0x7b: {  	[sflag:s8] =	ssyncset.done $0x0  }
0x7c: {  	s25 =	simm.s32 $0x10F98;
	s12 =	simm.s32 $0x10398;
	[sflag:s8] =	ssyncadd.s32 $0xFFFFFF80  }
0x7d: {  	[spmem:s17] =	stream.indirect.scatter [tilespmem:s25], [sflag:$0x1], $0x1, s12, s9, $0xb8;
	[tilespmem:$0x16B18] =	vst v63  }
0x7e: {  	_ =	swait.ge [sflag:s8], $0x80  }
0x7f: {  	s13 =	sld [smem:$0x7F8]  }
0x80: {  	[sflag:s8] =	ssyncset.done $0x0  }
0x81: {  	[sflag:s8] =	ssyncadd.s32 $0xFFFFFF80  }
0x82: {  	[spmem:s13] =	stream.linear.scatter [tilespmem:s11], [sflag:$0x1], $0x80, $0x38;
	[tilespmem:$0x16B18] =	vst v63  }
0x83: {  	_ =	swait.ge [sflag:s8], $0x80  }
0x84: {  	[sflag:s8] =	ssyncset.done $0x0  }
0x85: {  	s15 =	simm.s32 $0x11018;
	s13 =	simm.s32 $0x10418;
	[sflag:s8] =	ssyncadd.s32 $0xFFFFFF80  }
0x86: {  	[spmem:s17] =	stream.indirect.scatter [tilespmem:s15], [sflag:$0x1], $0x1, s13, s9, $0xb8;
	[tilespmem:$0x16B18] =	vst v63  }
0x87: {  	_ =	swait.ge [sflag:s8], $0x80  }
0x88: {  	s18 =	sld [smem:$0x7F9]  }
0x89: {  	[sflag:s8] =	ssyncset.done $0x0  }
0x8a: {  	[sflag:s8] =	ssyncadd.s32 $0xFFFFFF80  }
0x8b: {  	[spmem:s18] =	stream.linear.scatter [tilespmem:s11], [sflag:$0x1], $0x80, $0x38;
	[tilespmem:$0x16B18] =	vst v63  }
0x8c: {  	_ =	swait.ge [sflag:s8], $0x80  }
0x8d: {  	[sflag:s8] =	ssyncset.done $0x0  }
0x8e: {  	s19 =	simm.s32 $0x11098;
	s15 =	simm.s32 $0x10498;
	[sflag:s8] =	ssyncadd.s32 $0xFFFFFF80  }
0x8f: {  	[spmem:s17] =	stream.indirect.scatter [tilespmem:s19], [sflag:$0x1], $0x1, s15, s9, $0xb8;
	[tilespmem:$0x16B18] =	vst v63  }
0x90: {  	_ =	swait.ge [sflag:s8], $0x80  }
0x91: {  	s22 =	sld [smem:$0x7FA]  }
0x92: {  	[sflag:s8] =	ssyncset.done $0x0  }
0x93: {  	[sflag:s8] =	ssyncadd.s32 $0xFFFFFF80  }
0x94: {  	[spmem:s22] =	stream.linear.scatter [tilespmem:s11], [sflag:$0x1], $0x80, $0x38;
	[tilespmem:$0x16B18] =	vst v63  }
0x95: {  	_ =	swait.ge [sflag:s8], $0x80  }
0x96: {  	[sflag:s8] =	ssyncset.done $0x0  }
0x97: {  	s25 =	simm.s32 $0x11118;
	s18 =	simm.s32 $0x10518;
	[sflag:s8] =	ssyncadd.s32 $0xFFFFFF80  }
0x98: {  	[spmem:s17] =	stream.indirect.scatter [tilespmem:s25], [sflag:$0x1], $0x1, s18, s9, $0xb8;
	[tilespmem:$0x16B18] =	vst v63  }
0x99: {  	_ =	swait.ge [sflag:s8], $0x80  }
0x9a: {  	s19 =	sld [smem:$0x7FB]  }
0x9b: {  	[sflag:s8] =	ssyncset.done $0x0  }
0x9c: {  	[sflag:s8] =	ssyncadd.s32 $0xFFFFFF80  }
0x9d: {  	[spmem:s19] =	stream.linear.scatter [tilespmem:s11], [sflag:$0x1], $0x80, $0x38;
	[tilespmem:$0x16B18] =	vst v63  }
0x9e: {  	_ =	swait.ge [sflag:s8], $0x80  }
0x9f: {  	[sflag:s8] =	ssyncset.done $0x0  }
0xa0: {  	s22 =	simm.s32 $0x11198;
	s19 =	simm.s32 $0x10598;
	[sflag:s8] =	ssyncadd.s32 $0xFFFFFF80  }
0xa1: {  	[spmem:s17] =	stream.indirect.scatter [tilespmem:s22], [sflag:$0x1], $0x1, s19, s9, $0xb8;
	[tilespmem:$0x16B18] =	vst v63  }
0xa2: {  	_ =	swait.ge [sflag:s8], $0x80  }
0xa3: {  	s25 =	sld [smem:$0x7FD]  }
0xa4: {  	[sflag:s8] =	ssyncset.done $0x0  }
0xa5: {  	[sflag:s8] =	ssyncadd.s32 $0xFFFFFF80  }
0xa6: {  	[spmem:s25] =	stream.linear.scatter [tilespmem:s11], [sflag:$0x1], $0x80, $0x38;
	[tilespmem:$0x16B18] =	vst v63  }
0xa7: {  	_ =	swait.ge [sflag:s8], $0x80  }
0xa8: {  	[sflag:s8] =	ssyncset.done $0x0  }
0xa9: {  	[sflag:s8] =	ssyncadd.s32 $0xFFFFFF80  }
0xaa: {  	s22 =	simm.s32 $0x10A18;
	[bflag:$0x0] =	sbarrier.arrive $0xFFFF  }
0xab: {  	[tilespmem:s22], [sflag:$0x1] =	stream.indirect.gather [spmem:s17], $0x1, s3, s9, $0xb8;
	[tilespmem:$0x16B18] =	vst v63  }
0xac: {  	_ =	swait.ge [sflag:s8], $0x80  }
0xad: {  	[sflag:s8] =	ssyncset.done $0x0  }
0xae: {  	[sflag:s8] =	ssyncadd.s32 $0xFFFFFF80  }
0xaf: {  	[spmem:s21] =	stream.indirect.scatter.add.f32 [tilespmem:s16], [sflag:$0x1], $0x1, s22, s9, $0xb8;
	[tilespmem:$0x16B18] =	vst v63  }
0xb0: {  	_ =	swait.ge [sflag:s8], $0x80  }
0xb1: {  	[sflag:s8] =	ssyncset.done $0x0  }
0xb2: {  	s3 =	rddreg [dreg:$0x1d];
	[sflag:s8] =	ssyncadd.s32 $0xFFFFFF80  }
0xb3: {  	[spmem:s3] =	stream.linear.scatter [tilespmem:s10], [sflag:$0x1], $0x1000, $0x38;
	[tilespmem:$0x16B18] =	vst v63  }
0xb4: {  	_ =	swait.ge [sflag:s8], $0x1000  }
0xb5: {  	[sflag:s8] =	ssyncset.done $0x0  }
0xb6: {  	[sflag:s8] =	ssyncadd.s32 $0xFFFFF000  }
0xb7: {  	[tilespmem:s23], [sflag:$0x1] =	stream.indirect.gather [spmem:s17], $0x1, s5, s9, $0xb8;
	[tilespmem:$0x16B18] =	vst v63  }
0xb8: {  	_ =	swait.ge [sflag:s8], $0x80  }
0xb9: {  	[sflag:s8] =	ssyncset.done $0x0  }
0xba: {  	[sflag:s8] =	ssyncadd.s32 $0xFFFFFF80  }
0xbb: {  	[spmem:s21] =	stream.indirect.scatter.add.f32 [tilespmem:s16], [sflag:$0x1], $0x1, s23, s9, $0xb8;
	[tilespmem:$0x16B18] =	vst v63  }
0xbc: {  	_ =	swait.ge [sflag:s8], $0x80  }
0xbd: {  	[sflag:s8] =	ssyncset.done $0x0  }
0xbe: {  	s5 =	rddreg [dreg:$0x1e];
	[sflag:s8] =	ssyncadd.s32 $0xFFFFFF80  }
0xbf: {  	[spmem:s5] =	stream.linear.scatter [tilespmem:s10], [sflag:$0x1], $0x1000, $0x38;
	[tilespmem:$0x16B18] =	vst v63  }
0xc0: {  	_ =	swait.ge [sflag:s8], $0x1000  }
0xc1: {  	[sflag:s8] =	ssyncset.done $0x0  }
0xc2: {  	s3 =	simm.s32 $0x10B18;
	[sflag:s8] =	ssyncadd.s32 $0xFFFFF000  }
0xc3: {  	[tilespmem:s3], [sflag:$0x1] =	stream.indirect.gather [spmem:s17], $0x1, s7, s9, $0xb8;
	[tilespmem:$0x16B18] =	vst v63  }
0xc4: {  	_ =	swait.ge [sflag:s8], $0x80  }
0xc5: {  	[sflag:s8] =	ssyncset.done $0x0  }
0xc6: {  	[sflag:s8] =	ssyncadd.s32 $0xFFFFFF80  }
0xc7: {  	[spmem:s21] =	stream.indirect.scatter.add.f32 [tilespmem:s16], [sflag:$0x1], $0x1, s3, s9, $0xb8;
	[tilespmem:$0x16B18] =	vst v63  }
0xc8: {  	_ =	swait.ge [sflag:s8], $0x80  }
0xc9: {  	[sflag:s8] =	ssyncset.done $0x0  }
0xca: {  	s7 =	rddreg [dreg:$0x1f];
	[sflag:s8] =	ssyncadd.s32 $0xFFFFFF80  }
0xcb: {  	[spmem:s7] =	stream.linear.scatter [tilespmem:s10], [sflag:$0x1], $0x1000, $0x38;
	[tilespmem:$0x16B18] =	vst v63  }
0xcc: {  	_ =	swait.ge [sflag:s8], $0x1000  }
0xcd: {  	[sflag:s8] =	ssyncset.done $0x0  }
0xce: {  	s5 =	simm.s32 $0x10B98;
	[sflag:s8] =	ssyncadd.s32 $0xFFFFF000  }
0xcf: {  	[tilespmem:s5], [sflag:$0x1] =	stream.indirect.gather [spmem:s17], $0x1, s12, s9, $0xb8;
	[tilespmem:$0x16B18] =	vst v63  }
0xd0: {  	_ =	swait.ge [sflag:s8], $0x80  }
0xd1: {  	[sflag:s8] =	ssyncset.done $0x0  }
0xd2: {  	[sflag:s8] =	ssyncadd.s32 $0xFFFFFF80  }
0xd3: {  	[spmem:s21] =	stream.indirect.scatter.add.f32 [tilespmem:s16], [sflag:$0x1], $0x1, s5, s9, $0xb8;
	[tilespmem:$0x16B18] =	vst v63  }
0xd4: {  	_ =	swait.ge [sflag:s8], $0x80  }
0xd5: {  	s12 =	sld [smem:$0x7F1]  }
0xd6: {  	[sflag:s8] =	ssyncset.done $0x0  }
0xd7: {  	[sflag:s8] =	ssyncadd.s32 $0xFFFFFF80  }
0xd8: {  	[spmem:s12] =	stream.linear.scatter [tilespmem:s10], [sflag:$0x1], $0x1000, $0x38;
	[tilespmem:$0x16B18] =	vst v63  }
0xd9: {  	_ =	swait.ge [sflag:s8], $0x1000  }
0xda: {  	[sflag:s8] =	ssyncset.done $0x0  }
0xdb: {  	s7 =	simm.s32 $0x10C18;
	[sflag:s8] =	ssyncadd.s32 $0xFFFFF000  }
0xdc: {  	[tilespmem:s7], [sflag:$0x1] =	stream.indirect.gather [spmem:s17], $0x1, s13, s9, $0xb8;
	[tilespmem:$0x16B18] =	vst v63  }
0xdd: {  	_ =	swait.ge [sflag:s8], $0x80  }
0xde: {  	[sflag:s8] =	ssyncset.done $0x0  }
0xdf: {  	[sflag:s8] =	ssyncadd.s32 $0xFFFFFF80  }
0xe0: {  	[spmem:s21] =	stream.indirect.scatter.add.f32 [tilespmem:s16], [sflag:$0x1], $0x1, s7, s9, $0xb8;
	[tilespmem:$0x16B18] =	vst v63  }
0xe1: {  	_ =	swait.ge [sflag:s8], $0x80  }
0xe2: {  	s13 =	sld [smem:$0x7F2]  }
0xe3: {  	[sflag:s8] =	ssyncset.done $0x0  }
0xe4: {  	[sflag:s8] =	ssyncadd.s32 $0xFFFFFF80  }
0xe5: {  	[spmem:s13] =	stream.linear.scatter [tilespmem:s10], [sflag:$0x1], $0x1000, $0x38;
	[tilespmem:$0x16B18] =	vst v63  }
0xe6: {  	_ =	swait.ge [sflag:s8], $0x1000  }
0xe7: {  	[sflag:s8] =	ssyncset.done $0x0  }
0xe8: {  	s12 =	simm.s32 $0x10C98;
	[sflag:s8] =	ssyncadd.s32 $0xFFFFF000  }
0xe9: {  	[tilespmem:s12], [sflag:$0x1] =	stream.indirect.gather [spmem:s17], $0x1, s15, s9, $0xb8;
	[tilespmem:$0x16B18] =	vst v63  }
0xea: {  	_ =	swait.ge [sflag:s8], $0x80  }
0xeb: {  	[sflag:s8] =	ssyncset.done $0x0  }
0xec: {  	[sflag:s8] =	ssyncadd.s32 $0xFFFFFF80  }
0xed: {  	[spmem:s21] =	stream.indirect.scatter.add.f32 [tilespmem:s16], [sflag:$0x1], $0x1, s12, s9, $0xb8;
	[tilespmem:$0x16B18] =	vst v63  }
0xee: {  	_ =	swait.ge [sflag:s8], $0x80  }
0xef: {  	s15 =	sld [smem:$0x7F3]  }
0xf0: {  	[sflag:s8] =	ssyncset.done $0x0  }
0xf1: {  	[sflag:s8] =	ssyncadd.s32 $0xFFFFFF80  }
0xf2: {  	[spmem:s15] =	stream.linear.scatter [tilespmem:s10], [sflag:$0x1], $0x1000, $0x38;
	[tilespmem:$0x16B18] =	vst v63  }
0xf3: {  	_ =	swait.ge [sflag:s8], $0x1000  }
0xf4: {  	[sflag:s8] =	ssyncset.done $0x0  }
0xf5: {  	s13 =	simm.s32 $0x10D18;
	[sflag:s8] =	ssyncadd.s32 $0xFFFFF000  }
0xf6: {  	[tilespmem:s13], [sflag:$0x1] =	stream.indirect.gather [spmem:s17], $0x1, s18, s9, $0xb8;
	[tilespmem:$0x16B18] =	vst v63  }
0xf7: {  	_ =	swait.ge [sflag:s8], $0x80  }
0xf8: {  	[sflag:s8] =	ssyncset.done $0x0  }
0xf9: {  	[sflag:s8] =	ssyncadd.s32 $0xFFFFFF80  }
0xfa: {  	[spmem:s21] =	stream.indirect.scatter.add.f32 [tilespmem:s16], [sflag:$0x1], $0x1, s13, s9, $0xb8;
	[tilespmem:$0x16B18] =	vst v63  }
0xfb: {  	_ =	swait.ge [sflag:s8], $0x80  }
0xfc: {  	s18 =	sld [smem:$0x7F4]  }
0xfd: {  	[sflag:s8] =	ssyncset.done $0x0  }
0xfe: {  	[sflag:s8] =	ssyncadd.s32 $0xFFFFFF80  }
0xff: {  	[spmem:s18] =	stream.linear.scatter [tilespmem:s10], [sflag:$0x1], $0x1000, $0x38;
	[tilespmem:$0x16B18] =	vst v63  }
0x100: {  	_ =	swait.ge [sflag:s8], $0x1000  }
0x101: {  	[sflag:s8] =	ssyncset.done $0x0  }
0x102: {  	s15 =	simm.s32 $0x10D98;
	[sflag:s8] =	ssyncadd.s32 $0xFFFFF000  }
0x103: {  	[tilespmem:s15], [sflag:$0x1] =	stream.indirect.gather [spmem:s17], $0x1, s19, s9, $0xb8;
	[tilespmem:$0x16B18] =	vst v63  }
0x104: {  	_ =	swait.ge [sflag:s8], $0x80  }
0x105: {  	[sflag:s8] =	ssyncset.done $0x0  }
0x106: {  	[sflag:s8] =	ssyncadd.s32 $0xFFFFFF80  }
0x107: {  	[spmem:s21] =	stream.indirect.scatter.add.f32 [tilespmem:s16], [sflag:$0x1], $0x1, s15, s9, $0xb8;
	[tilespmem:$0x16B18] =	vst v63  }
0x108: {  	_ =	swait.ge [sflag:s8], $0x80  }
0x109: {  	s23 =	sld [smem:$0x7F5]  }
0x10a: {  	[sflag:s8] =	ssyncset.done $0x0  }
0x10b: {  	[sflag:s8] =	ssyncadd.s32 $0xFFFFFF80  }
0x10c: {  	[spmem:s23] =	stream.linear.scatter [tilespmem:s10], [sflag:$0x1], $0x1000, $0x38;
	[tilespmem:$0x16B18] =	vst v63  }
0x10d: {  	_ =	swait.ge [sflag:s8], $0x1000  }
0x10e: {  	[sflag:s8] =	ssyncset.done $0x0  }
0x10f: {  	[sflag:s8] =	ssyncadd.s32 $0xFFFFF000  }
0x110: {  	s25 =	simm.s32 $0x11218;
	[bflag:$0x0] =	sbarrier.arrive $0xFFFF  }
0x111: {  	[tilespmem:s25], [sflag:$0x1] =	stream.indirect.gather [spmem:s21], $0x1, s22, s9, $0xb8;
	[tilespmem:$0x16B18] =	vst v63  }
0x112: {  	_ =	swait.ge [sflag:s8], $0x80  }
0x113: {  	[sflag:s8] =	ssyncset.done $0x0  }
0x114: {  	s2 =	simm.s32 $0x10A98;
	s19 =	simm.s32 $0x11298;
	[sflag:s8] =	ssyncadd.s32 $0xFFFFFF80  }
0x115: {  	[tilespmem:s19], [sflag:$0x1] =	stream.indirect.gather [spmem:s21], $0x1, s2, s9, $0xb8;
	[tilespmem:$0x16B18] =	vst v63  }
0x116: {  	_ =	swait.ge [sflag:s8], $0x80  }
0x117: {  	[sflag:s8] =	ssyncset.done $0x0  }
0x118: {  	s22 =	simm.s32 $0x11318;
	[sflag:s8] =	ssyncadd.s32 $0xFFFFFF80  }
0x119: {  	[tilespmem:s22], [sflag:$0x1] =	stream.indirect.gather [spmem:s21], $0x1, s3, s9, $0xb8;
	[tilespmem:$0x16B18] =	vst v63  }
0x11a: {  	_ =	swait.ge [sflag:s8], $0x80  }
0x11b: {  	[sflag:s8] =	ssyncset.done $0x0  }
0x11c: {  	s3 =	simm.s32 $0x11398;
	[sflag:s8] =	ssyncadd.s32 $0xFFFFFF80  }
0x11d: {  	[tilespmem:s3], [sflag:$0x1] =	stream.indirect.gather [spmem:s21], $0x1, s5, s9, $0xb8;
	[tilespmem:$0x16B18] =	vst v63  }
0x11e: {  	_ =	swait.ge [sflag:s8], $0x80  }
0x11f: {  	[sflag:s8] =	ssyncset.done $0x0  }
0x120: {  	s5 =	simm.s32 $0x11418;
	[sflag:s8] =	ssyncadd.s32 $0xFFFFFF80  }
0x121: {  	[tilespmem:s5], [sflag:$0x1] =	stream.indirect.gather [spmem:s21], $0x1, s7, s9, $0xb8;
	[tilespmem:$0x16B18] =	vst v63  }
0x122: {  	_ =	swait.ge [sflag:s8], $0x80  }
0x123: {  	[sflag:s8] =	ssyncset.done $0x0  }
0x124: {  	s7 =	simm.s32 $0x11498;
	[sflag:s8] =	ssyncadd.s32 $0xFFFFFF80  }
0x125: {  	[tilespmem:s7], [sflag:$0x1] =	stream.indirect.gather [spmem:s21], $0x1, s12, s9, $0xb8;
	[tilespmem:$0x16B18] =	vst v63  }
0x126: {  	_ =	swait.ge [sflag:s8], $0x80  }
0x127: {  	[sflag:s8] =	ssyncset.done $0x0  }
0x128: {  	s12 =	simm.s32 $0x11518;
	[sflag:s8] =	ssyncadd.s32 $0xFFFFFF80  }
0x129: {  	[tilespmem:s12], [sflag:$0x1] =	stream.indirect.gather [spmem:s21], $0x1, s13, s9, $0xb8;
	[tilespmem:$0x16B18] =	vst v63  }
0x12a: {  	_ =	swait.ge [sflag:s8], $0x80  }
0x12b: {  	[sflag:s8] =	ssyncset.done $0x0  }
0x12c: {  	s13 =	simm.s32 $0x11598;
	[sflag:s8] =	ssyncadd.s32 $0xFFFFFF80  }
0x12d: {  	[tilespmem:s13], [sflag:$0x1] =	stream.indirect.gather [spmem:s21], $0x1, s15, s9, $0xb8;
	[tilespmem:$0x16B18] =	vst v63  }
0x12e: {  	_ =	swait.ge [sflag:s8], $0x80  }
0x12f: {  	[sflag:s8] =	ssyncset.done $0x0  }
0x130: {  	s5 =	simm.s32 $0x0;
	[sflag:s8] =	ssyncadd.s32 $0xFFFFFF80  }
0x131: {  	v5 =	vld [tilespmem:s5+$0x11218];
	_ =	sdelay $0x4  }
0x132: {  	(erf) = vrcp.f32 v5;
	_ =	sdelay $0x2  }
0x133: {  	s2 =	simm.s32 $0x10  }
0x134: {  	v5 =	vld [tilespmem:s2+$0x11218]  }
0x135: {  	s18 =	simm.s32 $0x0  }
0x136: {  	s19 =	sand.u32 $0xE00, s18  }
0x137: {  	s22 =	sand.u32 $0x70, s18;
	s7 =	sshrl.u32 s19, $0x2  }
0x138: {  	s7 =	sor.u32 s22, s7  }
0x139: {  	v6 =	vpop (erf);
	(erf) = vrcp.f32 v5;
	v5 =	vld [tilespmem:s7+$0xFE18];
	_ =	sdelay $0x1  }
0x13a: {  	s30 =	simm.s32 $0x10B98;
	s23 =	simm.s32 $0x10A18;
	s25 =	simm.s32 $0x10B18  }
0x13b: {  	s18 =	simm.s32 $0x40;
	s3 =	simm.s32 $0x20;
	s22 =	simm.s32 $0x80  }
0x13c: {  	s12 =	simm.s32 $0x30;
	s15 =	simm.s32 $0x10;
	s7 =	simm.s32 $0x20;
	v6 =	vmul.f32 $9.999999770e-03, v6  }
.LBB2_23:
0x13d: {  	p1 =	sne.s32 s12, $0x3F0;
	v7 =	vld [tilespmem:s7+$0x11218];
	s13 =	sand.u32 $0xE00, s18;
	vm0 =	vlt.u32 v5, $0x186A0;
	s18 =	smov.u32 s22  }
0x13e: {  	s19 =	sand.u32 $0x70, s15;
	s15 =	smov.u32 s3;
	s13 =	sshrl.u32 s13, $0x2;
	v5 =	vnsel vm0, $0x0, v6  }
0x13f: {  	s3 =	sor.u32 s19, s13;
	[tilespmem:s5+$0x11618] =	vst v5;
	s5 =	smov.u32 s2;
	s2 =	smov.u32 s7  }
.Ltmp5:
0x140: {  	v5 =	vld [tilespmem:s3+$0xFE18];
	s3 =	smov.u32 s12;
	(pc) =	sbr.rel @p1 .LBB2_23-.Ltmp5, $4  }
0x141: {  	_ = 	snop  }
0x142: {  	(erf) = vrcp.f32 v7  }
0x143: {  	s22 =	sadd.s32 $0x40, s22;
	v6 =	vpop (erf)  }
0x144: {  	s7 =	sshra.s32 s22, $0x2;
	s12 =	sadd.s32 $0x10, s12;
	v6 =	vmul.f32 $9.999999770e-03, v6  }
0x145: {  	v7 =	vld [tilespmem:s7+$0x11218];
	s12 =	sand.u32 $0xE00, s18;
	vm0 =	vlt.u32 v5, $0x186A0  }
0x146: {  	s13 =	sand.u32 $0x70, s15;
	s12 =	sshrl.u32 s12, $0x2;
	v5 =	vnsel vm0, $0x0, v6  }
0x147: {  	s12 =	sor.u32 s13, s12;
	[tilespmem:s5+$0x11618] =	vst v5  }
0x148: {  	v5 =	vld [tilespmem:s12+$0xFE18];
	_ =	sdelay $0x1  }
0x149: {  	(erf) = vrcp.f32 v7  }
0x14a: {  	v6 =	vpop (erf)  }
0x14b: {  	v6 =	vmul.f32 $9.999999770e-03, v6  }
0x14c: {  	s19 =	sand.u32 $0xE00, s22;
	vm14 =	vlt.u32 v5, $0x186A0  }
0x14d: {  	s3 =	sand.u32 $0x70, s3;
	s5 =	sshrl.u32 s19, $0x2;
	v5 =	vnsel vm14, $0x0, v6  }
0x14e: {  	s3 =	sor.u32 s3, s5;
	[tilespmem:s2+$0x11618] =	vst v5  }
0x14f: {  	v5 =	vld [tilespmem:s3+$0xFE18];
	_ =	sdelay $0x2  }
0x150: {  	v6 =	vpop (erf)  }
0x151: {  	v6 =	vmul.f32 $9.999999770e-03, v6  }
0x152: {  	vm15 =	vlt.u32 v5, $0x186A0  }
0x153: {  	v5 =	vnsel vm15, $0x0, v6  }
0x154: {  	s22 =	rddreg [dreg:$0x14];
	[tilespmem:s7+$0x11618] =	vst v5;
	s7 =	simm.s32 $0x0  }
0x155: {  	[tilespmem:s26], [sflag:$0x1] =	stream.linear.gather [hbm4b:s22+s7], $0x1000, $0x38;
	[tilespmem:$0x16B18] =	vst v63  }
0x156: {  	_ =	swait.ge [sflag:s8], $0x1000  }
0x157: {  	[sflag:s8] =	ssyncset.done $0x0  }
0x158: {  	[sflag:s8] =	ssyncadd.s32 $0xFFFFF000  }
0x159: {  	[spmem:s24] =	stream.indirect.scatter.add.f32 [tilespmem:s26], [sflag:$0x1], $0x20, s23, s9, $0xb8;
	[tilespmem:$0x16B18] =	vst v63  }
0x15a: {  	_ =	swait.ge [sflag:s8], $0x1000  }
0x15b: {  	[sflag:s8] =	ssyncset.done $0x0  }
0x15c: {  	s23 =	rddreg [dreg:$0x15];
	[sflag:s8] =	ssyncadd.s32 $0xFFFFF000  }
0x15d: {  	[tilespmem:s26], [sflag:$0x1] =	stream.linear.gather [hbm4b:s23+s7], $0x1000, $0x38;
	[tilespmem:$0x16B18] =	vst v63  }
0x15e: {  	_ =	swait.ge [sflag:s8], $0x1000  }
0x15f: {  	[sflag:s8] =	ssyncset.done $0x0  }
0x160: {  	s23 =	simm.s32 $0x10A98;
	[sflag:s8] =	ssyncadd.s32 $0xFFFFF000  }
0x161: {  	[spmem:s24] =	stream.indirect.scatter.add.f32 [tilespmem:s26], [sflag:$0x1], $0x20, s23, s9, $0xb8;
	[tilespmem:$0x16B18] =	vst v63  }
0x162: {  	_ =	swait.ge [sflag:s8], $0x1000  }
0x163: {  	[sflag:s8] =	ssyncset.done $0x0  }
0x164: {  	s3 =	rddreg [dreg:$0x16];
	[sflag:s8] =	ssyncadd.s32 $0xFFFFF000  }
0x165: {  	[tilespmem:s26], [sflag:$0x1] =	stream.linear.gather [hbm4b:s3+s7], $0x1000, $0x38;
	[tilespmem:$0x16B18] =	vst v63  }
0x166: {  	_ =	swait.ge [sflag:s8], $0x1000  }
0x167: {  	[sflag:s8] =	ssyncset.done $0x0  }
0x168: {  	[sflag:s8] =	ssyncadd.s32 $0xFFFFF000  }
0x169: {  	[spmem:s24] =	stream.indirect.scatter.add.f32 [tilespmem:s26], [sflag:$0x1], $0x20, s25, s9, $0xb8;
	[tilespmem:$0x16B18] =	vst v63  }
0x16a: {  	_ =	swait.ge [sflag:s8], $0x1000  }
0x16b: {  	[sflag:s8] =	ssyncset.done $0x0  }
0x16c: {  	s5 =	rddreg [dreg:$0x17];
	[sflag:s8] =	ssyncadd.s32 $0xFFFFF000  }
0x16d: {  	[tilespmem:s26], [sflag:$0x1] =	stream.linear.gather [hbm4b:s5+s7], $0x1000, $0x38;
	[tilespmem:$0x16B18] =	vst v63  }
0x16e: {  	_ =	swait.ge [sflag:s8], $0x1000  }
0x16f: {  	[sflag:s8] =	ssyncset.done $0x0  }
0x170: {  	[sflag:s8] =	ssyncadd.s32 $0xFFFFF000  }
0x171: {  	[spmem:s24] =	stream.indirect.scatter.add.f32 [tilespmem:s26], [sflag:$0x1], $0x20, s30, s9, $0xb8;
	[tilespmem:$0x16B18] =	vst v63  }
0x172: {  	_ =	swait.ge [sflag:s8], $0x1000  }
0x173: {  	[sflag:s8] =	ssyncset.done $0x0  }
0x174: {  	s12 =	rddreg [dreg:$0x18];
	[sflag:s8] =	ssyncadd.s32 $0xFFFFF000  }
0x175: {  	[tilespmem:s26], [sflag:$0x1] =	stream.linear.gather [hbm4b:s12+s7], $0x1000, $0x38;
	[tilespmem:$0x16B18] =	vst v63  }
0x176: {  	_ =	swait.ge [sflag:s8], $0x1000  }
0x177: {  	[sflag:s8] =	ssyncset.done $0x0  }
0x178: {  	s13 =	simm.s32 $0x10C18;
	[sflag:s8] =	ssyncadd.s32 $0xFFFFF000  }
0x179: {  	[spmem:s24] =	stream.indirect.scatter.add.f32 [tilespmem:s26], [sflag:$0x1], $0x20, s13, s9, $0xb8;
	[tilespmem:$0x16B18] =	vst v63  }
0x17a: {  	_ =	swait.ge [sflag:s8], $0x1000  }
0x17b: {  	[sflag:s8] =	ssyncset.done $0x0  }
0x17c: {  	s15 =	rddreg [dreg:$0x19];
	[sflag:s8] =	ssyncadd.s32 $0xFFFFF000  }
0x17d: {  	[tilespmem:s26], [sflag:$0x1] =	stream.linear.gather [hbm4b:s15+s7], $0x1000, $0x38;
	[tilespmem:$0x16B18] =	vst v63  }
0x17e: {  	_ =	swait.ge [sflag:s8], $0x1000  }
0x17f: {  	[sflag:s8] =	ssyncset.done $0x0  }
0x180: {  	s18 =	simm.s32 $0x10C98;
	[sflag:s8] =	ssyncadd.s32 $0xFFFFF000  }
0x181: {  	[spmem:s24] =	stream.indirect.scatter.add.f32 [tilespmem:s26], [sflag:$0x1], $0x20, s18, s9, $0xb8;
	[tilespmem:$0x16B18] =	vst v63  }
0x182: {  	_ =	swait.ge [sflag:s8], $0x1000  }
0x183: {  	[sflag:s8] =	ssyncset.done $0x0  }
0x184: {  	s19 =	rddreg [dreg:$0x1a];
	[sflag:s8] =	ssyncadd.s32 $0xFFFFF000  }
0x185: {  	[tilespmem:s26], [sflag:$0x1] =	stream.linear.gather [hbm4b:s19+s7], $0x1000, $0x38;
	[tilespmem:$0x16B18] =	vst v63  }
0x186: {  	_ =	swait.ge [sflag:s8], $0x1000  }
0x187: {  	[sflag:s8] =	ssyncset.done $0x0  }
0x188: {  	s22 =	simm.s32 $0x10D18;
	[sflag:s8] =	ssyncadd.s32 $0xFFFFF000  }
0x189: {  	[spmem:s24] =	stream.indirect.scatter.add.f32 [tilespmem:s26], [sflag:$0x1], $0x20, s22, s9, $0xb8;
	[tilespmem:$0x16B18] =	vst v63  }
0x18a: {  	_ =	swait.ge [sflag:s8], $0x1000  }
0x18b: {  	[sflag:s8] =	ssyncset.done $0x0  }
0x18c: {  	s25 =	rddreg [dreg:$0x1b];
	[sflag:s8] =	ssyncadd.s32 $0xFFFFF000  }
0x18d: {  	[tilespmem:s26], [sflag:$0x1] =	stream.linear.gather [hbm4b:s25+s7], $0x1000, $0x38;
	[tilespmem:$0x16B18] =	vst v63  }
0x18e: {  	_ =	swait.ge [sflag:s8], $0x1000  }
0x18f: {  	[sflag:s8] =	ssyncset.done $0x0  }
0x190: {  	s30 =	simm.s32 $0x10D98;
	[sflag:s8] =	ssyncadd.s32 $0xFFFFF000  }
0x191: {  	[spmem:s24] =	stream.indirect.scatter.add.f32 [tilespmem:s26], [sflag:$0x1], $0x20, s30, s9, $0xb8;
	[tilespmem:$0x16B18] =	vst v63  }
0x192: {  	_ =	swait.ge [sflag:s8], $0x1000  }
0x193: {  	[sflag:s8] =	ssyncset.done $0x0  }
0x194: {  	[sflag:s8] =	ssyncadd.s32 $0xFFFFF000  }
0x195: {  	s2 =	simm.s32 $0x0;
	[bflag:$0x0] =	sbarrier.arrive $0xFFFF  }
.LBB2_25:
0x196: {  	s5 =	sshll.u32 s2, $0x7  }
0x197: {  	s3 =	sadd.s32 $0xFE18, s5  }
0x198: {  	[tilespmem:s1], [sflag:$0x1] =	stream.indirect.gather [hbm4b:s29+s9], $0x20, s3, s9, $0xb8;
	[tilespmem:$0x16B18] =	vst v63  }
0x199: {  	_ =	swait.ge [sflag:s8], $0x1000  }
0x19a: {  	[sflag:s8] =	ssyncset.done $0x0  }
0x19b: {  	s30 =	sadd.s32 $0x10A18, s5;
	[sflag:s8] =	ssyncadd.s32 $0xFFFFF000  }
0x19c: {  	[tilespmem:s31], [sflag:$0x1] =	stream.indirect.gather [spmem:s24], $0x20, s30, s9, $0xb8;
	[tilespmem:$0x16B18] =	vst v63  }
0x19d: {  	_ =	swait.ge [sflag:s8], $0x1000  }
0x19e: {  	v5 =	vmov s7;
	[sflag:s8] =	ssyncset.done $0x0  }
0x19f: {  	s22 =	simm.s32 $0x0;
	[sflag:s8] =	ssyncadd.s32 $0xFFFFF000  }
0x1a0: {  	v6 =	vld [tilespmem:s22+$0x12A18]  }
0x1a1: {  	v8 =	vld [tilespmem:s22+$0x13A18]  }
0x1a2: {  	v9 =	vld [tilespmem:s22+$0x12A28]  }
0x1a3: {  	v5 =	vld.idx.msk [tilespmem:v5+s4+$0x0], $0xffff  }
0x1a4: {  	v10 =	vld [tilespmem:s22+$0x13A28];
	_ =	sdelay $0x3  }
0x1a5: {  	v7 =	vmul.f32 $9.998999830e-01, v6;
	v6 =	vmul.f32 $9.998999830e-01, v9  }
0x1a6: {  	s3 =	sadd.s32 $0x1, s7;
	v9 =	vmul.f32 v8, v5;
	v8 =	vmul.f32 v10, v5  }
0x1a7: {  	s15 =	simm.s32 $0x80;
	s18 =	simm.s32 $0x100;
	v5 =	vmov s3  }
.LBB2_26:
0x1a8: {  	p1 =	sne.s32 s18, $0x3F80;
	s12 =	sshra.s32 s15, $0x2;
	v7 =	vsub.f32 v7, v9;
	v6 =	vsub.f32 v6, v8;
	s15 =	smov.u32 s18  }
0x1a9: {  	v8 =	vld [tilespmem:s12+$0x12A18]  }
0x1aa: {  	v9 =	vld [tilespmem:s12+$0x13A18];
	[tilespmem:s22+$0x14A18] =	vst v7  }
0x1ab: {  	v10 =	vld [tilespmem:s12+$0x12A28];
	[tilespmem:s22+$0x14A28] =	vst v6;
	s22 =	smov.u32 s12  }
0x1ac: {  	v5 =	vld.idx.msk [tilespmem:v5+s4+$0x0], $0xffff  }
0x1ad: {  	v11 =	vld [tilespmem:s22+$0x13A28];
	_ =	sdelay $0x1  }
.Ltmp6:
0x1ae: {  	(pc) =	sbr.rel @p1 .LBB2_26-.Ltmp6, $4  }
0x1af: {  	_ = 	snop  }
0x1b0: {  	v7 =	vmul.f32 $9.998999830e-01, v8;
	v6 =	vmul.f32 $9.998999830e-01, v10  }
0x1b1: {  	s3 =	sadd.s32 $0x1, s3;
	v9 =	vmul.f32 v9, v5;
	v8 =	vmul.f32 v11, v5  }
0x1b2: {  	s18 =	sadd.s32 $0x80, s18;
	v5 =	vmov s3  }
0x1b3: {  	s3 =	sshra.s32 s15, $0x2;
	v7 =	vsub.f32 v7, v9  }
0x1b4: {  	v6 =	vsub.f32 v6, v8;
	v61 =	vld [tilespmem:s3+$0x12A18]  }
0x1b5: {  	v10 =	vld [tilespmem:s3+$0x13A18];
	[tilespmem:s22+$0x14A18] =	vst v7  }
0x1b6: {  	v7 =	vld [tilespmem:s3+$0x12A28];
	[tilespmem:s22+$0x14A28] =	vst v6  }
0x1b7: {  	v5 =	vld.idx.msk [tilespmem:v5+s4+$0x0], $0xffff  }
0x1b8: {  	v6 =	vld [tilespmem:s3+$0x13A28];
	_ =	sdelay $0x3  }
0x1b9: {  	v62 =	vmul.f32 $9.998999830e-01, v61;
	v63 =	vmul.f32 v10, v5  }
0x1ba: {  	v7 =	vmul.f32 $9.998999830e-01, v7;
	v5 =	vmul.f32 v6, v5  }
0x1bb: {  	v6 =	vsub.f32 v62, v63  }
0x1bc: {  	v5 =	vsub.f32 v7, v5  }
0x1bd: {  	s2 =	sadd.s32 $0x1, s2;
	[tilespmem:s3+$0x14A18] =	vst v6  }
0x1be: {  	s30 =	sadd.s32 $0x10618, s5;
	p1 =	sne.s32 s2, $0x8;
	[tilespmem:s3+$0x14A28] =	vst v5  }
0x1bf: {  	[hbm4b:s14+s9] =	stream.indirect.scatter [tilespmem:s6], [sflag:$0x1], $0x20, s30, s9, $0xb8;
	[tilespmem:$0x16B18] =	vst v63  }
.Ltmp7:
0x1c0: {  	_ = 	snop;
	(pc) =	sbr.rel @p1 .LBB2_25-.Ltmp7, $4  }
.Ltmp8:
0x1c1: {  	_ = 	snop;
	(pc) =	sbr.rel @!p1 .LBB2_28-.Ltmp8, $4  }
0x1c2: {  	_ =	swait.ge [sflag:s8], $0x1000  }
0x1c3: {  	[sflag:s8] =	ssyncset.done $0x0  }
0x1c4: {  	s7 =	sadd.s32 $0x80, s7;
	[sflag:s8] =	ssyncadd.s32 $0xFFFFF000  }
0x1c5: {  	_ = 	snop  }
.LBB2_4:
0x1c6: {  	s3 =	rddreg [dreg:$0xa];
	s5 =	simm.s32 $0xFE18  }
0x1c7: {  	[tilespmem:s5], [sflag:$0x1] =	stream.linear.gather [hbm4b:s3+s2], $0x400, $0x38;
	[tilespmem:$0x16B18] =	vst v63  }
0x1c8: {  	_ =	swait.ge [sflag:s8], $0x400  }
0x1c9: {  	[sflag:s8] =	ssyncset.done $0x0  }
0x1ca: {  	s2 =	simm.s32 $0x0;
	s5 =	rddreg [dreg:$0x9];
	[sflag:s8] =	ssyncadd.s32 $0xFFFFFC00  }
0x1cb: {  	v5 =	vor.u32 s5, v0;
	v6 =	vld [tilespmem:s2+$0xFE18]  }
0x1cc: {  	s3 =	simm.s32 $0x40;
	[tilespmem:s2+$0x10E18] =	vst v5  }
.LBB2_5:
0x1cd: {  	_ = 	snop  }
0x1ce: {  	p1 =	sne.s32 s3, $0xFC0  }
.Ltmp9:
0x1cf: {  	_ = 	snop;
	(pc) =	sbr.rel @p1 .LBB2_5-.Ltmp9, $4  }
0x1d0: {  	vm0 =	vlt.u32 v6, $0x7A120;
	v7 =	vmin.u32 v6, $0x7A120  }
0x1d1: {  	s7 =	sshra.s32 s3, $0x2;
	s5 =	sadd.s32 $0x10, s5;
	[tilespmem:s2+$0x10218] =	vst v7;
	v7 =	vsel vm0, v6, v4  }
0x1d2: {  	v8 =	vor.u32 s5, v0;
	v6 =	vld [tilespmem:s7+$0xFE18];
	[tilespmem:s2+$0x10618] =	vst v7;
	s2 =	smov.u32 s7  }
0x1d3: {  	s3 =	sadd.s32 $0x40, s3;
	[tilespmem:s2+$0x10E18] =	vst v8  }
0x1d4: {  	_ =	sdelay $0x2  }
0x1d5: {  	vm0 =	vlt.u32 v6, $0x7A120;
	v7 =	vmin.u32 v6, $0x7A120  }
0x1d6: {  	[tilespmem:s2+$0x10218] =	vst v7;
	v6 =	vsel vm0, v6, v4  }
0x1d7: {  	s3 =	simm.s32 $0x10218;
	s12 =	simm.s32 $0x10E18;
	[tilespmem:s2+$0x10618] =	vst v6  }
0x1d8: {  	[spmem:s17] =	stream.indirect.scatter [tilespmem:s12], [sflag:$0x1], $0x1, s3, s9, $0xb8;
	[tilespmem:$0x16B18] =	vst v63  }
0x1d9: {  	_ =	swait.ge [sflag:s8], $0x80  }
0x1da: {  	s13 =	sld [smem:$0x7FC]  }
0x1db: {  	[sflag:s8] =	ssyncset.done $0x0  }
0x1dc: {  	[sflag:s8] =	ssyncadd.s32 $0xFFFFFF80  }
0x1dd: {  	[spmem:s13] =	stream.linear.scatter [tilespmem:s11], [sflag:$0x1], $0x80, $0x38;
	[tilespmem:$0x16B18] =	vst v63  }
0x1de: {  	_ =	swait.ge [sflag:s8], $0x80  }
0x1df: {  	[sflag:s8] =	ssyncset.done $0x0  }
0x1e0: {  	s5 =	simm.s32 $0x10298;
	s15 =	simm.s32 $0x10E98;
	[sflag:s8] =	ssyncadd.s32 $0xFFFFFF80  }
0x1e1: {  	[spmem:s17] =	stream.indirect.scatter [tilespmem:s15], [sflag:$0x1], $0x1, s5, s9, $0xb8;
	[tilespmem:$0x16B18] =	vst v63  }
0x1e2: {  	_ =	swait.ge [sflag:s8], $0x80  }
0x1e3: {  	s18 =	sld [smem:$0x7F6]  }
0x1e4: {  	[sflag:s8] =	ssyncset.done $0x0  }
0x1e5: {  	[sflag:s8] =	ssyncadd.s32 $0xFFFFFF80  }
0x1e6: {  	[spmem:s18] =	stream.linear.scatter [tilespmem:s11], [sflag:$0x1], $0x80, $0x38;
	[tilespmem:$0x16B18] =	vst v63  }
0x1e7: {  	_ =	swait.ge [sflag:s8], $0x80  }
0x1e8: {  	[sflag:s8] =	ssyncset.done $0x0  }
0x1e9: {  	s7 =	simm.s32 $0x10318;
	s19 =	simm.s32 $0x10F18;
	[sflag:s8] =	ssyncadd.s32 $0xFFFFFF80  }
0x1ea: {  	[spmem:s17] =	stream.indirect.scatter [tilespmem:s19], [sflag:$0x1], $0x1, s7, s9, $0xb8;
	[tilespmem:$0x16B18] =	vst v63  }
0x1eb: {  	_ =	swait.ge [sflag:s8], $0x80  }
0x1ec: {  	s22 =	sld [smem:$0x7F7]  }
0x1ed: {  	[sflag:s8] =	ssyncset.done $0x0  }
0x1ee: {  	[sflag:s8] =	ssyncadd.s32 $0xFFFFFF80  }
0x1ef: {  	[spmem:s22] =	stream.linear.scatter [tilespmem:s11], [sflag:$0x1], $0x80, $0x38;
	[tilespmem:$0x16B18] =	vst v63  }
0x1f0: {  	_ =	swait.ge [sflag:s8], $0x80  }
0x1f1: {  	[sflag:s8] =	ssyncset.done $0x0  }
0x1f2: {  	s25 =	simm.s32 $0x10F98;
	s12 =	simm.s32 $0x10398;
	[sflag:s8] =	ssyncadd.s32 $0xFFFFFF80  }
0x1f3: {  	[spmem:s17] =	stream.indirect.scatter [tilespmem:s25], [sflag:$0x1], $0x1, s12, s9, $0xb8;
	[tilespmem:$0x16B18] =	vst v63  }
0x1f4: {  	_ =	swait.ge [sflag:s8], $0x80  }
0x1f5: {  	s13 =	sld [smem:$0x7F8]  }
0x1f6: {  	[sflag:s8] =	ssyncset.done $0x0  }
0x1f7: {  	[sflag:s8] =	ssyncadd.s32 $0xFFFFFF80  }
0x1f8: {  	[spmem:s13] =	stream.linear.scatter [tilespmem:s11], [sflag:$0x1], $0x80, $0x38;
	[tilespmem:$0x16B18] =	vst v63  }
0x1f9: {  	_ =	swait.ge [sflag:s8], $0x80  }
0x1fa: {  	[sflag:s8] =	ssyncset.done $0x0  }
0x1fb: {  	s15 =	simm.s32 $0x11018;
	s13 =	simm.s32 $0x10418;
	[sflag:s8] =	ssyncadd.s32 $0xFFFFFF80  }
0x1fc: {  	[spmem:s17] =	stream.indirect.scatter [tilespmem:s15], [sflag:$0x1], $0x1, s13, s9, $0xb8;
	[tilespmem:$0x16B18] =	vst v63  }
0x1fd: {  	_ =	swait.ge [sflag:s8], $0x80  }
0x1fe: {  	s18 =	sld [smem:$0x7F9]  }
0x1ff: {  	[sflag:s8] =	ssyncset.done $0x0  }
0x200: {  	[sflag:s8] =	ssyncadd.s32 $0xFFFFFF80  }
0x201: {  	[spmem:s18] =	stream.linear.scatter [tilespmem:s11], [sflag:$0x1], $0x80, $0x38;
	[tilespmem:$0x16B18] =	vst v63  }
0x202: {  	_ =	swait.ge [sflag:s8], $0x80  }
0x203: {  	[sflag:s8] =	ssyncset.done $0x0  }
0x204: {  	s19 =	simm.s32 $0x11098;
	s15 =	simm.s32 $0x10498;
	[sflag:s8] =	ssyncadd.s32 $0xFFFFFF80  }
0x205: {  	[spmem:s17] =	stream.indirect.scatter [tilespmem:s19], [sflag:$0x1], $0x1, s15, s9, $0xb8;
	[tilespmem:$0x16B18] =	vst v63  }
0x206: {  	_ =	swait.ge [sflag:s8], $0x80  }
0x207: {  	s22 =	sld [smem:$0x7FA]  }
0x208: {  	[sflag:s8] =	ssyncset.done $0x0  }
0x209: {  	[sflag:s8] =	ssyncadd.s32 $0xFFFFFF80  }
0x20a: {  	[spmem:s22] =	stream.linear.scatter [tilespmem:s11], [sflag:$0x1], $0x80, $0x38;
	[tilespmem:$0x16B18] =	vst v63  }
0x20b: {  	_ =	swait.ge [sflag:s8], $0x80  }
0x20c: {  	[sflag:s8] =	ssyncset.done $0x0  }
0x20d: {  	s25 =	simm.s32 $0x11118;
	s18 =	simm.s32 $0x10518;
	[sflag:s8] =	ssyncadd.s32 $0xFFFFFF80  }
0x20e: {  	[spmem:s17] =	stream.indirect.scatter [tilespmem:s25], [sflag:$0x1], $0x1, s18, s9, $0xb8;
	[tilespmem:$0x16B18] =	vst v63  }
0x20f: {  	_ =	swait.ge [sflag:s8], $0x80  }
0x210: {  	s19 =	sld [smem:$0x7FB]  }
0x211: {  	[sflag:s8] =	ssyncset.done $0x0  }
0x212: {  	[sflag:s8] =	ssyncadd.s32 $0xFFFFFF80  }
0x213: {  	[spmem:s19] =	stream.linear.scatter [tilespmem:s11], [sflag:$0x1], $0x80, $0x38;
	[tilespmem:$0x16B18] =	vst v63  }
0x214: {  	_ =	swait.ge [sflag:s8], $0x80  }
0x215: {  	[sflag:s8] =	ssyncset.done $0x0  }
0x216: {  	s22 =	simm.s32 $0x11198;
	s19 =	simm.s32 $0x10598;
	[sflag:s8] =	ssyncadd.s32 $0xFFFFFF80  }
0x217: {  	[spmem:s17] =	stream.indirect.scatter [tilespmem:s22], [sflag:$0x1], $0x1, s19, s9, $0xb8;
	[tilespmem:$0x16B18] =	vst v63  }
0x218: {  	_ =	swait.ge [sflag:s8], $0x80  }
0x219: {  	s25 =	sld [smem:$0x7FD]  }
0x21a: {  	[sflag:s8] =	ssyncset.done $0x0  }
0x21b: {  	[sflag:s8] =	ssyncadd.s32 $0xFFFFFF80  }
0x21c: {  	[spmem:s25] =	stream.linear.scatter [tilespmem:s11], [sflag:$0x1], $0x80, $0x38;
	[tilespmem:$0x16B18] =	vst v63  }
0x21d: {  	_ =	swait.ge [sflag:s8], $0x80  }
0x21e: {  	[sflag:s8] =	ssyncset.done $0x0  }
0x21f: {  	[sflag:s8] =	ssyncadd.s32 $0xFFFFFF80  }
0x220: {  	s22 =	simm.s32 $0x10A18;
	[bflag:$0x0] =	sbarrier.arrive $0xFFFF  }
0x221: {  	[tilespmem:s22], [sflag:$0x1] =	stream.indirect.gather [spmem:s17], $0x1, s3, s9, $0xb8;
	[tilespmem:$0x16B18] =	vst v63  }
0x222: {  	_ =	swait.ge [sflag:s8], $0x80  }
0x223: {  	[sflag:s8] =	ssyncset.done $0x0  }
0x224: {  	[sflag:s8] =	ssyncadd.s32 $0xFFFFFF80  }
0x225: {  	[spmem:s21] =	stream.indirect.scatter.add.f32 [tilespmem:s16], [sflag:$0x1], $0x1, s22, s9, $0xb8;
	[tilespmem:$0x16B18] =	vst v63  }
0x226: {  	_ =	swait.ge [sflag:s8], $0x80  }
0x227: {  	[sflag:s8] =	ssyncset.done $0x0  }
0x228: {  	s3 =	rddreg [dreg:$0x1d];
	[sflag:s8] =	ssyncadd.s32 $0xFFFFFF80  }
0x229: {  	[spmem:s3] =	stream.linear.scatter [tilespmem:s10], [sflag:$0x1], $0x1000, $0x38;
	[tilespmem:$0x16B18] =	vst v63  }
0x22a: {  	_ =	swait.ge [sflag:s8], $0x1000  }
0x22b: {  	[sflag:s8] =	ssyncset.done $0x0  }
0x22c: {  	[sflag:s8] =	ssyncadd.s32 $0xFFFFF000  }
0x22d: {  	[tilespmem:s23], [sflag:$0x1] =	stream.indirect.gather [spmem:s17], $0x1, s5, s9, $0xb8;
	[tilespmem:$0x16B18] =	vst v63  }
0x22e: {  	_ =	swait.ge [sflag:s8], $0x80  }
0x22f: {  	[sflag:s8] =	ssyncset.done $0x0  }
0x230: {  	[sflag:s8] =	ssyncadd.s32 $0xFFFFFF80  }
0x231: {  	[spmem:s21] =	stream.indirect.scatter.add.f32 [tilespmem:s16], [sflag:$0x1], $0x1, s23, s9, $0xb8;
	[tilespmem:$0x16B18] =	vst v63  }
0x232: {  	_ =	swait.ge [sflag:s8], $0x80  }
0x233: {  	[sflag:s8] =	ssyncset.done $0x0  }
0x234: {  	s5 =	rddreg [dreg:$0x1e];
	[sflag:s8] =	ssyncadd.s32 $0xFFFFFF80  }
0x235: {  	[spmem:s5] =	stream.linear.scatter [tilespmem:s10], [sflag:$0x1], $0x1000, $0x38;
	[tilespmem:$0x16B18] =	vst v63  }
0x236: {  	_ =	swait.ge [sflag:s8], $0x1000  }
0x237: {  	[sflag:s8] =	ssyncset.done $0x0  }
0x238: {  	s3 =	simm.s32 $0x10B18;
	[sflag:s8] =	ssyncadd.s32 $0xFFFFF000  }
0x239: {  	[tilespmem:s3], [sflag:$0x1] =	stream.indirect.gather [spmem:s17], $0x1, s7, s9, $0xb8;
	[tilespmem:$0x16B18] =	vst v63  }
0x23a: {  	_ =	swait.ge [sflag:s8], $0x80  }
0x23b: {  	[sflag:s8] =	ssyncset.done $0x0  }
0x23c: {  	[sflag:s8] =	ssyncadd.s32 $0xFFFFFF80  }
0x23d: {  	[spmem:s21] =	stream.indirect.scatter.add.f32 [tilespmem:s16], [sflag:$0x1], $0x1, s3, s9, $0xb8;
	[tilespmem:$0x16B18] =	vst v63  }
0x23e: {  	_ =	swait.ge [sflag:s8], $0x80  }
0x23f: {  	[sflag:s8] =	ssyncset.done $0x0  }
0x240: {  	s7 =	rddreg [dreg:$0x1f];
	[sflag:s8] =	ssyncadd.s32 $0xFFFFFF80  }
0x241: {  	[spmem:s7] =	stream.linear.scatter [tilespmem:s10], [sflag:$0x1], $0x1000, $0x38;
	[tilespmem:$0x16B18] =	vst v63  }
0x242: {  	_ =	swait.ge [sflag:s8], $0x1000  }
0x243: {  	[sflag:s8] =	ssyncset.done $0x0  }
0x244: {  	s5 =	simm.s32 $0x10B98;
	[sflag:s8] =	ssyncadd.s32 $0xFFFFF000  }
0x245: {  	[tilespmem:s5], [sflag:$0x1] =	stream.indirect.gather [spmem:s17], $0x1, s12, s9, $0xb8;
	[tilespmem:$0x16B18] =	vst v63  }
0x246: {  	_ =	swait.ge [sflag:s8], $0x80  }
0x247: {  	[sflag:s8] =	ssyncset.done $0x0  }
0x248: {  	[sflag:s8] =	ssyncadd.s32 $0xFFFFFF80  }
0x249: {  	[spmem:s21] =	stream.indirect.scatter.add.f32 [tilespmem:s16], [sflag:$0x1], $0x1, s5, s9, $0xb8;
	[tilespmem:$0x16B18] =	vst v63  }
0x24a: {  	_ =	swait.ge [sflag:s8], $0x80  }
0x24b: {  	s12 =	sld [smem:$0x7F1]  }
0x24c: {  	[sflag:s8] =	ssyncset.done $0x0  }
0x24d: {  	[sflag:s8] =	ssyncadd.s32 $0xFFFFFF80  }
0x24e: {  	[spmem:s12] =	stream.linear.scatter [tilespmem:s10], [sflag:$0x1], $0x1000, $0x38;
	[tilespmem:$0x16B18] =	vst v63  }
0x24f: {  	_ =	swait.ge [sflag:s8], $0x1000  }
0x250: {  	[sflag:s8] =	ssyncset.done $0x0  }
0x251: {  	s7 =	simm.s32 $0x10C18;
	[sflag:s8] =	ssyncadd.s32 $0xFFFFF000  }
0x252: {  	[tilespmem:s7], [sflag:$0x1] =	stream.indirect.gather [spmem:s17], $0x1, s13, s9, $0xb8;
	[tilespmem:$0x16B18] =	vst v63  }
0x253: {  	_ =	swait.ge [sflag:s8], $0x80  }
0x254: {  	[sflag:s8] =	ssyncset.done $0x0  }
0x255: {  	[sflag:s8] =	ssyncadd.s32 $0xFFFFFF80  }
0x256: {  	[spmem:s21] =	stream.indirect.scatter.add.f32 [tilespmem:s16], [sflag:$0x1], $0x1, s7, s9, $0xb8;
	[tilespmem:$0x16B18] =	vst v63  }
0x257: {  	_ =	swait.ge [sflag:s8], $0x80  }
0x258: {  	s13 =	sld [smem:$0x7F2]  }
0x259: {  	[sflag:s8] =	ssyncset.done $0x0  }
0x25a: {  	[sflag:s8] =	ssyncadd.s32 $0xFFFFFF80  }
0x25b: {  	[spmem:s13] =	stream.linear.scatter [tilespmem:s10], [sflag:$0x1], $0x1000, $0x38;
	[tilespmem:$0x16B18] =	vst v63  }
0x25c: {  	_ =	swait.ge [sflag:s8], $0x1000  }
0x25d: {  	[sflag:s8] =	ssyncset.done $0x0  }
0x25e: {  	s12 =	simm.s32 $0x10C98;
	[sflag:s8] =	ssyncadd.s32 $0xFFFFF000  }
0x25f: {  	[tilespmem:s12], [sflag:$0x1] =	stream.indirect.gather [spmem:s17], $0x1, s15, s9, $0xb8;
	[tilespmem:$0x16B18] =	vst v63  }
0x260: {  	_ =	swait.ge [sflag:s8], $0x80  }
0x261: {  	[sflag:s8] =	ssyncset.done $0x0  }
0x262: {  	[sflag:s8] =	ssyncadd.s32 $0xFFFFFF80  }
0x263: {  	[spmem:s21] =	stream.indirect.scatter.add.f32 [tilespmem:s16], [sflag:$0x1], $0x1, s12, s9, $0xb8;
	[tilespmem:$0x16B18] =	vst v63  }
0x264: {  	_ =	swait.ge [sflag:s8], $0x80  }
0x265: {  	s15 =	sld [smem:$0x7F3]  }
0x266: {  	[sflag:s8] =	ssyncset.done $0x0  }
0x267: {  	[sflag:s8] =	ssyncadd.s32 $0xFFFFFF80  }
0x268: {  	[spmem:s15] =	stream.linear.scatter [tilespmem:s10], [sflag:$0x1], $0x1000, $0x38;
	[tilespmem:$0x16B18] =	vst v63  }
0x269: {  	_ =	swait.ge [sflag:s8], $0x1000  }
0x26a: {  	[sflag:s8] =	ssyncset.done $0x0  }
0x26b: {  	s13 =	simm.s32 $0x10D18;
	[sflag:s8] =	ssyncadd.s32 $0xFFFFF000  }
0x26c: {  	[tilespmem:s13], [sflag:$0x1] =	stream.indirect.gather [spmem:s17], $0x1, s18, s9, $0xb8;
	[tilespmem:$0x16B18] =	vst v63  }
0x26d: {  	_ =	swait.ge [sflag:s8], $0x80  }
0x26e: {  	[sflag:s8] =	ssyncset.done $0x0  }
0x26f: {  	[sflag:s8] =	ssyncadd.s32 $0xFFFFFF80  }
0x270: {  	[spmem:s21] =	stream.indirect.scatter.add.f32 [tilespmem:s16], [sflag:$0x1], $0x1, s13, s9, $0xb8;
	[tilespmem:$0x16B18] =	vst v63  }
0x271: {  	_ =	swait.ge [sflag:s8], $0x80  }
0x272: {  	s18 =	sld [smem:$0x7F4]  }
0x273: {  	[sflag:s8] =	ssyncset.done $0x0  }
0x274: {  	[sflag:s8] =	ssyncadd.s32 $0xFFFFFF80  }
0x275: {  	[spmem:s18] =	stream.linear.scatter [tilespmem:s10], [sflag:$0x1], $0x1000, $0x38;
	[tilespmem:$0x16B18] =	vst v63  }
0x276: {  	_ =	swait.ge [sflag:s8], $0x1000  }
0x277: {  	[sflag:s8] =	ssyncset.done $0x0  }
0x278: {  	s15 =	simm.s32 $0x10D98;
	[sflag:s8] =	ssyncadd.s32 $0xFFFFF000  }
0x279: {  	[tilespmem:s15], [sflag:$0x1] =	stream.indirect.gather [spmem:s17], $0x1, s19, s9, $0xb8;
	[tilespmem:$0x16B18] =	vst v63  }
0x27a: {  	_ =	swait.ge [sflag:s8], $0x80  }
0x27b: {  	[sflag:s8] =	ssyncset.done $0x0  }
0x27c: {  	[sflag:s8] =	ssyncadd.s32 $0xFFFFFF80  }
0x27d: {  	[spmem:s21] =	stream.indirect.scatter.add.f32 [tilespmem:s16], [sflag:$0x1], $0x1, s15, s9, $0xb8;
	[tilespmem:$0x16B18] =	vst v63  }
0x27e: {  	_ =	swait.ge [sflag:s8], $0x80  }
0x27f: {  	s23 =	sld [smem:$0x7F5]  }
0x280: {  	[sflag:s8] =	ssyncset.done $0x0  }
0x281: {  	[sflag:s8] =	ssyncadd.s32 $0xFFFFFF80  }
0x282: {  	[spmem:s23] =	stream.linear.scatter [tilespmem:s10], [sflag:$0x1], $0x1000, $0x38;
	[tilespmem:$0x16B18] =	vst v63  }
0x283: {  	_ =	swait.ge [sflag:s8], $0x1000  }
0x284: {  	[sflag:s8] =	ssyncset.done $0x0  }
0x285: {  	[sflag:s8] =	ssyncadd.s32 $0xFFFFF000  }
0x286: {  	s25 =	simm.s32 $0x11218;
	[bflag:$0x0] =	sbarrier.arrive $0xFFFF  }
0x287: {  	[tilespmem:s25], [sflag:$0x1] =	stream.indirect.gather [spmem:s21], $0x1, s22, s9, $0xb8;
	[tilespmem:$0x16B18] =	vst v63  }
0x288: {  	_ =	swait.ge [sflag:s8], $0x80  }
0x289: {  	[sflag:s8] =	ssyncset.done $0x0  }
0x28a: {  	s2 =	simm.s32 $0x10A98;
	s19 =	simm.s32 $0x11298;
	[sflag:s8] =	ssyncadd.s32 $0xFFFFFF80  }
0x28b: {  	[tilespmem:s19], [sflag:$0x1] =	stream.indirect.gather [spmem:s21], $0x1, s2, s9, $0xb8;
	[tilespmem:$0x16B18] =	vst v63  }
0x28c: {  	_ =	swait.ge [sflag:s8], $0x80  }
0x28d: {  	[sflag:s8] =	ssyncset.done $0x0  }
0x28e: {  	s22 =	simm.s32 $0x11318;
	[sflag:s8] =	ssyncadd.s32 $0xFFFFFF80  }
0x28f: {  	[tilespmem:s22], [sflag:$0x1] =	stream.indirect.gather [spmem:s21], $0x1, s3, s9, $0xb8;
	[tilespmem:$0x16B18] =	vst v63  }
0x290: {  	_ =	swait.ge [sflag:s8], $0x80  }
0x291: {  	[sflag:s8] =	ssyncset.done $0x0  }
0x292: {  	s3 =	simm.s32 $0x11398;
	[sflag:s8] =	ssyncadd.s32 $0xFFFFFF80  }
0x293: {  	[tilespmem:s3], [sflag:$0x1] =	stream.indirect.gather [spmem:s21], $0x1, s5, s9, $0xb8;
	[tilespmem:$0x16B18] =	vst v63  }
0x294: {  	_ =	swait.ge [sflag:s8], $0x80  }
0x295: {  	[sflag:s8] =	ssyncset.done $0x0  }
0x296: {  	s5 =	simm.s32 $0x11418;
	[sflag:s8] =	ssyncadd.s32 $0xFFFFFF80  }
0x297: {  	[tilespmem:s5], [sflag:$0x1] =	stream.indirect.gather [spmem:s21], $0x1, s7, s9, $0xb8;
	[tilespmem:$0x16B18] =	vst v63  }
0x298: {  	_ =	swait.ge [sflag:s8], $0x80  }
0x299: {  	[sflag:s8] =	ssyncset.done $0x0  }
0x29a: {  	s7 =	simm.s32 $0x11498;
	[sflag:s8] =	ssyncadd.s32 $0xFFFFFF80  }
0x29b: {  	[tilespmem:s7], [sflag:$0x1] =	stream.indirect.gather [spmem:s21], $0x1, s12, s9, $0xb8;
	[tilespmem:$0x16B18] =	vst v63  }
0x29c: {  	_ =	swait.ge [sflag:s8], $0x80  }
0x29d: {  	[sflag:s8] =	ssyncset.done $0x0  }
0x29e: {  	s12 =	simm.s32 $0x11518;
	[sflag:s8] =	ssyncadd.s32 $0xFFFFFF80  }
0x29f: {  	[tilespmem:s12], [sflag:$0x1] =	stream.indirect.gather [spmem:s21], $0x1, s13, s9, $0xb8;
	[tilespmem:$0x16B18] =	vst v63  }
0x2a0: {  	_ =	swait.ge [sflag:s8], $0x80  }
0x2a1: {  	[sflag:s8] =	ssyncset.done $0x0  }
0x2a2: {  	s13 =	simm.s32 $0x11598;
	[sflag:s8] =	ssyncadd.s32 $0xFFFFFF80  }
0x2a3: {  	[tilespmem:s13], [sflag:$0x1] =	stream.indirect.gather [spmem:s21], $0x1, s15, s9, $0xb8;
	[tilespmem:$0x16B18] =	vst v63  }
0x2a4: {  	_ =	swait.ge [sflag:s8], $0x80  }
0x2a5: {  	[sflag:s8] =	ssyncset.done $0x0  }
0x2a6: {  	s5 =	simm.s32 $0x0;
	[sflag:s8] =	ssyncadd.s32 $0xFFFFFF80  }
0x2a7: {  	v6 =	vld [tilespmem:s5+$0x11218];
	_ =	sdelay $0x4  }
0x2a8: {  	(erf) = vrcp.f32 v6;
	_ =	sdelay $0x2  }
0x2a9: {  	s2 =	simm.s32 $0x10  }
0x2aa: {  	v6 =	vld [tilespmem:s2+$0x11218]  }
0x2ab: {  	s18 =	simm.s32 $0x0  }
0x2ac: {  	s19 =	sand.u32 $0xE00, s18  }
0x2ad: {  	s22 =	sand.u32 $0x70, s18;
	s7 =	sshrl.u32 s19, $0x2  }
0x2ae: {  	s7 =	sor.u32 s22, s7  }
0x2af: {  	v7 =	vpop (erf);
	(erf) = vrcp.f32 v6;
	v6 =	vld [tilespmem:s7+$0xFE18];
	_ =	sdelay $0x1  }
0x2b0: {  	s30 =	simm.s32 $0x10B98;
	s23 =	simm.s32 $0x10A18;
	s25 =	simm.s32 $0x10B18  }
0x2b1: {  	s18 =	simm.s32 $0x40;
	s3 =	simm.s32 $0x20;
	s22 =	simm.s32 $0x80  }
0x2b2: {  	s12 =	simm.s32 $0x30;
	s15 =	simm.s32 $0x10;
	s7 =	simm.s32 $0x20;
	v7 =	vmul.f32 $9.999999770e-03, v7  }
.LBB2_7:
0x2b3: {  	p1 =	sne.s32 s12, $0x3F0;
	v8 =	vld [tilespmem:s7+$0x11218];
	s19 =	sand.u32 $0xE00, s18;
	vm0 =	vlt.u32 v6, $0x7A120;
	s18 =	smov.u32 s22  }
0x2b4: {  	s13 =	sand.u32 $0x70, s15;
	s15 =	smov.u32 s3;
	s19 =	sshrl.u32 s19, $0x2;
	v6 =	vnsel vm0, $0x0, v7  }
0x2b5: {  	s3 =	sor.u32 s13, s19;
	[tilespmem:s5+$0x11618] =	vst v6;
	s5 =	smov.u32 s2;
	s2 =	smov.u32 s7  }
.Ltmp10:
0x2b6: {  	v6 =	vld [tilespmem:s3+$0xFE18];
	s3 =	smov.u32 s12;
	(pc) =	sbr.rel @p1 .LBB2_7-.Ltmp10, $4  }
0x2b7: {  	_ = 	snop  }
0x2b8: {  	(erf) = vrcp.f32 v8  }
0x2b9: {  	s22 =	sadd.s32 $0x40, s22;
	v7 =	vpop (erf)  }
0x2ba: {  	s7 =	sshra.s32 s22, $0x2;
	s12 =	sadd.s32 $0x10, s12;
	v7 =	vmul.f32 $9.999999770e-03, v7  }
0x2bb: {  	v8 =	vld [tilespmem:s7+$0x11218];
	s12 =	sand.u32 $0xE00, s18;
	vm0 =	vlt.u32 v6, $0x7A120  }
0x2bc: {  	s13 =	sand.u32 $0x70, s15;
	s12 =	sshrl.u32 s12, $0x2;
	v6 =	vnsel vm0, $0x0, v7  }
0x2bd: {  	s12 =	sor.u32 s13, s12;
	[tilespmem:s5+$0x11618] =	vst v6  }
0x2be: {  	v6 =	vld [tilespmem:s12+$0xFE18];
	_ =	sdelay $0x1  }
0x2bf: {  	(erf) = vrcp.f32 v8  }
0x2c0: {  	v7 =	vpop (erf)  }
0x2c1: {  	v7 =	vmul.f32 $9.999999770e-03, v7  }
0x2c2: {  	s19 =	sand.u32 $0xE00, s22;
	vm14 =	vlt.u32 v6, $0x7A120  }
0x2c3: {  	s3 =	sand.u32 $0x70, s3;
	s5 =	sshrl.u32 s19, $0x2;
	v6 =	vnsel vm14, $0x0, v7  }
0x2c4: {  	s3 =	sor.u32 s3, s5;
	[tilespmem:s2+$0x11618] =	vst v6  }
0x2c5: {  	v6 =	vld [tilespmem:s3+$0xFE18];
	_ =	sdelay $0x2  }
0x2c6: {  	v7 =	vpop (erf)  }
0x2c7: {  	v7 =	vmul.f32 $9.999999770e-03, v7  }
0x2c8: {  	vm15 =	vlt.u32 v6, $0x7A120  }
0x2c9: {  	v6 =	vnsel vm15, $0x0, v7  }
0x2ca: {  	s22 =	rddreg [dreg:$0xc];
	[tilespmem:s7+$0x11618] =	vst v6;
	s7 =	simm.s32 $0x0  }
0x2cb: {  	[tilespmem:s26], [sflag:$0x1] =	stream.linear.gather [hbm4b:s22+s7], $0x1000, $0x38;
	[tilespmem:$0x16B18] =	vst v63  }
0x2cc: {  	_ =	swait.ge [sflag:s8], $0x1000  }
0x2cd: {  	[sflag:s8] =	ssyncset.done $0x0  }
0x2ce: {  	[sflag:s8] =	ssyncadd.s32 $0xFFFFF000  }
0x2cf: {  	[spmem:s24] =	stream.indirect.scatter.add.f32 [tilespmem:s26], [sflag:$0x1], $0x20, s23, s9, $0xb8;
	[tilespmem:$0x16B18] =	vst v63  }
0x2d0: {  	_ =	swait.ge [sflag:s8], $0x1000  }
0x2d1: {  	[sflag:s8] =	ssyncset.done $0x0  }
0x2d2: {  	s23 =	rddreg [dreg:$0xd];
	[sflag:s8] =	ssyncadd.s32 $0xFFFFF000  }
0x2d3: {  	[tilespmem:s26], [sflag:$0x1] =	stream.linear.gather [hbm4b:s23+s7], $0x1000, $0x38;
	[tilespmem:$0x16B18] =	vst v63  }
0x2d4: {  	_ =	swait.ge [sflag:s8], $0x1000  }
0x2d5: {  	[sflag:s8] =	ssyncset.done $0x0  }
0x2d6: {  	s23 =	simm.s32 $0x10A98;
	[sflag:s8] =	ssyncadd.s32 $0xFFFFF000  }
0x2d7: {  	[spmem:s24] =	stream.indirect.scatter.add.f32 [tilespmem:s26], [sflag:$0x1], $0x20, s23, s9, $0xb8;
	[tilespmem:$0x16B18] =	vst v63  }
0x2d8: {  	_ =	swait.ge [sflag:s8], $0x1000  }
0x2d9: {  	[sflag:s8] =	ssyncset.done $0x0  }
0x2da: {  	s3 =	rddreg [dreg:$0xe];
	[sflag:s8] =	ssyncadd.s32 $0xFFFFF000  }
0x2db: {  	[tilespmem:s26], [sflag:$0x1] =	stream.linear.gather [hbm4b:s3+s7], $0x1000, $0x38;
	[tilespmem:$0x16B18] =	vst v63  }
0x2dc: {  	_ =	swait.ge [sflag:s8], $0x1000  }
0x2dd: {  	[sflag:s8] =	ssyncset.done $0x0  }
0x2de: {  	[sflag:s8] =	ssyncadd.s32 $0xFFFFF000  }
0x2df: {  	[spmem:s24] =	stream.indirect.scatter.add.f32 [tilespmem:s26], [sflag:$0x1], $0x20, s25, s9, $0xb8;
	[tilespmem:$0x16B18] =	vst v63  }
0x2e0: {  	_ =	swait.ge [sflag:s8], $0x1000  }
0x2e1: {  	[sflag:s8] =	ssyncset.done $0x0  }
0x2e2: {  	s5 =	rddreg [dreg:$0xf];
	[sflag:s8] =	ssyncadd.s32 $0xFFFFF000  }
0x2e3: {  	[tilespmem:s26], [sflag:$0x1] =	stream.linear.gather [hbm4b:s5+s7], $0x1000, $0x38;
	[tilespmem:$0x16B18] =	vst v63  }
0x2e4: {  	_ =	swait.ge [sflag:s8], $0x1000  }
0x2e5: {  	[sflag:s8] =	ssyncset.done $0x0  }
0x2e6: {  	[sflag:s8] =	ssyncadd.s32 $0xFFFFF000  }
0x2e7: {  	[spmem:s24] =	stream.indirect.scatter.add.f32 [tilespmem:s26], [sflag:$0x1], $0x20, s30, s9, $0xb8;
	[tilespmem:$0x16B18] =	vst v63  }
0x2e8: {  	_ =	swait.ge [sflag:s8], $0x1000  }
0x2e9: {  	[sflag:s8] =	ssyncset.done $0x0  }
0x2ea: {  	s12 =	rddreg [dreg:$0x10];
	[sflag:s8] =	ssyncadd.s32 $0xFFFFF000  }
0x2eb: {  	[tilespmem:s26], [sflag:$0x1] =	stream.linear.gather [hbm4b:s12+s7], $0x1000, $0x38;
	[tilespmem:$0x16B18] =	vst v63  }
0x2ec: {  	_ =	swait.ge [sflag:s8], $0x1000  }
0x2ed: {  	[sflag:s8] =	ssyncset.done $0x0  }
0x2ee: {  	s13 =	simm.s32 $0x10C18;
	[sflag:s8] =	ssyncadd.s32 $0xFFFFF000  }
0x2ef: {  	[spmem:s24] =	stream.indirect.scatter.add.f32 [tilespmem:s26], [sflag:$0x1], $0x20, s13, s9, $0xb8;
	[tilespmem:$0x16B18] =	vst v63  }
0x2f0: {  	_ =	swait.ge [sflag:s8], $0x1000  }
0x2f1: {  	[sflag:s8] =	ssyncset.done $0x0  }
0x2f2: {  	s15 =	rddreg [dreg:$0x11];
	[sflag:s8] =	ssyncadd.s32 $0xFFFFF000  }
0x2f3: {  	[tilespmem:s26], [sflag:$0x1] =	stream.linear.gather [hbm4b:s15+s7], $0x1000, $0x38;
	[tilespmem:$0x16B18] =	vst v63  }
0x2f4: {  	_ =	swait.ge [sflag:s8], $0x1000  }
0x2f5: {  	[sflag:s8] =	ssyncset.done $0x0  }
0x2f6: {  	s18 =	simm.s32 $0x10C98;
	[sflag:s8] =	ssyncadd.s32 $0xFFFFF000  }
0x2f7: {  	[spmem:s24] =	stream.indirect.scatter.add.f32 [tilespmem:s26], [sflag:$0x1], $0x20, s18, s9, $0xb8;
	[tilespmem:$0x16B18] =	vst v63  }
0x2f8: {  	_ =	swait.ge [sflag:s8], $0x1000  }
0x2f9: {  	[sflag:s8] =	ssyncset.done $0x0  }
0x2fa: {  	s19 =	rddreg [dreg:$0x12];
	[sflag:s8] =	ssyncadd.s32 $0xFFFFF000  }
0x2fb: {  	[tilespmem:s26], [sflag:$0x1] =	stream.linear.gather [hbm4b:s19+s7], $0x1000, $0x38;
	[tilespmem:$0x16B18] =	vst v63  }
0x2fc: {  	_ =	swait.ge [sflag:s8], $0x1000  }
0x2fd: {  	[sflag:s8] =	ssyncset.done $0x0  }
0x2fe: {  	s22 =	simm.s32 $0x10D18;
	[sflag:s8] =	ssyncadd.s32 $0xFFFFF000  }
0x2ff: {  	[spmem:s24] =	stream.indirect.scatter.add.f32 [tilespmem:s26], [sflag:$0x1], $0x20, s22, s9, $0xb8;
	[tilespmem:$0x16B18] =	vst v63  }
0x300: {  	_ =	swait.ge [sflag:s8], $0x1000  }
0x301: {  	[sflag:s8] =	ssyncset.done $0x0  }
0x302: {  	s25 =	rddreg [dreg:$0x13];
	[sflag:s8] =	ssyncadd.s32 $0xFFFFF000  }
0x303: {  	[tilespmem:s26], [sflag:$0x1] =	stream.linear.gather [hbm4b:s25+s7], $0x1000, $0x38;
	[tilespmem:$0x16B18] =	vst v63  }
0x304: {  	_ =	swait.ge [sflag:s8], $0x1000  }
0x305: {  	[sflag:s8] =	ssyncset.done $0x0  }
0x306: {  	s30 =	simm.s32 $0x10D98;
	[sflag:s8] =	ssyncadd.s32 $0xFFFFF000  }
0x307: {  	[spmem:s24] =	stream.indirect.scatter.add.f32 [tilespmem:s26], [sflag:$0x1], $0x20, s30, s9, $0xb8;
	[tilespmem:$0x16B18] =	vst v63  }
0x308: {  	_ =	swait.ge [sflag:s8], $0x1000  }
0x309: {  	[sflag:s8] =	ssyncset.done $0x0  }
0x30a: {  	[sflag:s8] =	ssyncadd.s32 $0xFFFFF000  }
0x30b: {  	s2 =	simm.s32 $0x0;
	[bflag:$0x0] =	sbarrier.arrive $0xFFFF  }
.LBB2_9:
0x30c: {  	s5 =	sshll.u32 s2, $0x7  }
0x30d: {  	s3 =	sadd.s32 $0xFE18, s5  }
0x30e: {  	[tilespmem:s1], [sflag:$0x1] =	stream.indirect.gather [hbm4b:s28+s9], $0x20, s3, s9, $0xb8;
	[tilespmem:$0x16B18] =	vst v63  }
0x30f: {  	_ =	swait.ge [sflag:s8], $0x1000  }
0x310: {  	[sflag:s8] =	ssyncset.done $0x0  }
0x311: {  	s30 =	sadd.s32 $0x10A18, s5;
	[sflag:s8] =	ssyncadd.s32 $0xFFFFF000  }
0x312: {  	[tilespmem:s31], [sflag:$0x1] =	stream.indirect.gather [spmem:s24], $0x20, s30, s9, $0xb8;
	[tilespmem:$0x16B18] =	vst v63  }
0x313: {  	_ =	swait.ge [sflag:s8], $0x1000  }
0x314: {  	v6 =	vmov s7;
	[sflag:s8] =	ssyncset.done $0x0  }
0x315: {  	s22 =	simm.s32 $0x0;
	[sflag:s8] =	ssyncadd.s32 $0xFFFFF000  }
0x316: {  	v7 =	vld [tilespmem:s22+$0x12A18]  }
0x317: {  	v9 =	vld [tilespmem:s22+$0x13A18]  }
0x318: {  	v10 =	vld [tilespmem:s22+$0x12A28]  }
0x319: {  	v6 =	vld.idx.msk [tilespmem:v6+s4+$0x0], $0xffff  }
0x31a: {  	v11 =	vld [tilespmem:s22+$0x13A28];
	_ =	sdelay $0x3  }
0x31b: {  	v8 =	vmul.f32 $9.998999830e-01, v7;
	v7 =	vmul.f32 $9.998999830e-01, v10  }
0x31c: {  	s3 =	sadd.s32 $0x1, s7;
	v10 =	vmul.f32 v9, v6;
	v9 =	vmul.f32 v11, v6  }
0x31d: {  	s15 =	simm.s32 $0x80;
	s18 =	simm.s32 $0x100;
	v6 =	vmov s3  }
.LBB2_10:
0x31e: {  	p1 =	sne.s32 s18, $0x3F80;
	s12 =	sshra.s32 s15, $0x2;
	v8 =	vsub.f32 v8, v10;
	v7 =	vsub.f32 v7, v9;
	s15 =	smov.u32 s18  }
0x31f: {  	v9 =	vld [tilespmem:s12+$0x12A18]  }
0x320: {  	v10 =	vld [tilespmem:s12+$0x13A18];
	[tilespmem:s22+$0x14A18] =	vst v8  }
0x321: {  	v11 =	vld [tilespmem:s12+$0x12A28];
	[tilespmem:s22+$0x14A28] =	vst v7;
	s22 =	smov.u32 s12  }
0x322: {  	v6 =	vld.idx.msk [tilespmem:v6+s4+$0x0], $0xffff  }
0x323: {  	v12 =	vld [tilespmem:s22+$0x13A28];
	_ =	sdelay $0x1  }
.Ltmp11:
0x324: {  	(pc) =	sbr.rel @p1 .LBB2_10-.Ltmp11, $4  }
0x325: {  	_ = 	snop  }
0x326: {  	v8 =	vmul.f32 $9.998999830e-01, v9;
	v7 =	vmul.f32 $9.998999830e-01, v11  }
0x327: {  	s3 =	sadd.s32 $0x1, s3;
	v10 =	vmul.f32 v10, v6;
	v9 =	vmul.f32 v12, v6  }
0x328: {  	s18 =	sadd.s32 $0x80, s18;
	v6 =	vmov s3  }
0x329: {  	s3 =	sshra.s32 s15, $0x2;
	v8 =	vsub.f32 v8, v10  }
0x32a: {  	v7 =	vsub.f32 v7, v9;
	v61 =	vld [tilespmem:s3+$0x12A18]  }
0x32b: {  	v11 =	vld [tilespmem:s3+$0x13A18];
	[tilespmem:s22+$0x14A18] =	vst v8  }
0x32c: {  	v8 =	vld [tilespmem:s3+$0x12A28];
	[tilespmem:s22+$0x14A28] =	vst v7  }
0x32d: {  	v6 =	vld.idx.msk [tilespmem:v6+s4+$0x0], $0xffff  }
0x32e: {  	v7 =	vld [tilespmem:s3+$0x13A28];
	_ =	sdelay $0x3  }
0x32f: {  	v62 =	vmul.f32 $9.998999830e-01, v61;
	v63 =	vmul.f32 v11, v6  }
0x330: {  	v8 =	vmul.f32 $9.998999830e-01, v8;
	v6 =	vmul.f32 v7, v6  }
0x331: {  	v7 =	vsub.f32 v62, v63  }
0x332: {  	s2 =	sadd.s32 $0x1, s2;
	v6 =	vsub.f32 v8, v6  }
0x333: {  	p1 =	sne.s32 s2, $0x8;
	[tilespmem:s3+$0x14A18] =	vst v7  }
.Ltmp12:
0x334: {  	s30 =	sadd.s32 $0x10618, s5;
	[tilespmem:s3+$0x14A28] =	vst v6;
	(pc) =	sbr.rel @p1 .LBB2_9-.Ltmp12, $4  }
0x335: {  	[hbm4b:s0+s9] =	stream.indirect.scatter [tilespmem:s6], [sflag:$0x1], $0x20, s30, s9, $0xb8;
	[tilespmem:$0x16B18] =	vst v63  }
0x336: {  	_ =	swait.ge [sflag:s8], $0x1000  }
0x337: {  	[sflag:s8] =	ssyncset.done $0x0  }
0x338: {  	s7 =	sadd.s32 $0x80, s7;
	[sflag:s8] =	ssyncadd.s32 $0xFFFFF000  }
0x339: {  	[bflag:$0x0] =	sbarrier.arrive $0xFFFF  }
0x33a: {  	s2 =	simm.s32 $0x0;
	s5 =	simm.s32 $0xFE18;
	s3 =	rddreg [dreg:$0xa]  }
0x33b: {  	[tilespmem:s5], [sflag:$0x1] =	stream.linear.gather [hbm4b:s3+s2], $0x400, $0x38;
	[tilespmem:$0x16B18] =	vst v63  }
0x33c: {  	_ =	swait.ge [sflag:s8], $0x400  }
0x33d: {  	[sflag:s8] =	ssyncset.done $0x0  }
0x33e: {  	s2 =	simm.s32 $0x0;
	[sflag:s8] =	ssyncadd.s32 $0xFFFFFC00  }
0x33f: {  	v6 =	vld [tilespmem:s2+$0xFE18];
	_ =	sdelay $0x2  }
0x340: {  	s30 =	rddreg [dreg:$0x9]  }
0x341: {  	s3 =	simm.s32 $0x40;
	s5 =	sadd.s32 $0x10, s30;
	[tilespmem:s2+$0x10E18] =	vst v5  }
.LBB2_13:
0x342: {  	s7 =	sshra.s32 s3, $0x2;
	v5 =	vor.u32 s5, v0;
	p1 =	sne.s32 s3, $0xFC0;
	s3 =	sadd.s32 $0x40, s3;
	v7 =	vadd.s32 $0xFFF85EE0, v6;
	v8 =	vmov v6  }
.Ltmp13:
0x343: {  	v6 =	vld [tilespmem:s7+$0xFE18];
	[tilespmem:s7+$0x10E18] =	vst v5;
	vm0 =	vlt.u32 v7, $0x7A120;
	v5 =	vmin.u32 v7, $0x7A120;
	(pc) =	sbr.rel @p1 .LBB2_13-.Ltmp13, $3  }
0x344: {  	[tilespmem:s2+$0x10218] =	vst v5;
	v5 =	vsel vm0, v8, v4  }
0x345: {  	[tilespmem:s2+$0x10618] =	vst v5;
	s2 =	smov.u32 s7;
	_ =	sdelay $0x1  }
0x346: {  	s5 =	sadd.s32 $0x10, s5  }
0x347: {  	v5 =	vadd.s32 $0xFFF85EE0, v6  }
0x348: {  	vm0 =	vlt.u32 v5, $0x7A120;
	v5 =	vmin.u32 v5, $0x7A120  }
0x349: {  	[tilespmem:s2+$0x10218] =	vst v5;
	v5 =	vsel vm0, v6, v4  }
0x34a: {  	s3 =	simm.s32 $0x10218;
	s12 =	simm.s32 $0x10E18;
	[tilespmem:s2+$0x10618] =	vst v5  }
0x34b: {  	[spmem:s17] =	stream.indirect.scatter [tilespmem:s12], [sflag:$0x1], $0x1, s3, s9, $0xb8;
	[tilespmem:$0x16B18] =	vst v63  }
0x34c: {  	_ =	swait.ge [sflag:s8], $0x80  }
0x34d: {  	s13 =	sld [smem:$0x7FC]  }
0x34e: {  	[sflag:s8] =	ssyncset.done $0x0  }
0x34f: {  	[sflag:s8] =	ssyncadd.s32 $0xFFFFFF80  }
0x350: {  	[spmem:s13] =	stream.linear.scatter [tilespmem:s11], [sflag:$0x1], $0x80, $0x38;
	[tilespmem:$0x16B18] =	vst v63  }
0x351: {  	_ =	swait.ge [sflag:s8], $0x80  }
0x352: {  	[sflag:s8] =	ssyncset.done $0x0  }
0x353: {  	s5 =	simm.s32 $0x10298;
	s15 =	simm.s32 $0x10E98;
	[sflag:s8] =	ssyncadd.s32 $0xFFFFFF80  }
0x354: {  	[spmem:s17] =	stream.indirect.scatter [tilespmem:s15], [sflag:$0x1], $0x1, s5, s9, $0xb8;
	[tilespmem:$0x16B18] =	vst v63  }
0x355: {  	_ =	swait.ge [sflag:s8], $0x80  }
0x356: {  	s18 =	sld [smem:$0x7F6]  }
0x357: {  	[sflag:s8] =	ssyncset.done $0x0  }
0x358: {  	[sflag:s8] =	ssyncadd.s32 $0xFFFFFF80  }
0x359: {  	[spmem:s18] =	stream.linear.scatter [tilespmem:s11], [sflag:$0x1], $0x80, $0x38;
	[tilespmem:$0x16B18] =	vst v63  }
0x35a: {  	_ =	swait.ge [sflag:s8], $0x80  }
0x35b: {  	[sflag:s8] =	ssyncset.done $0x0  }
0x35c: {  	s7 =	simm.s32 $0x10318;
	s19 =	simm.s32 $0x10F18;
	[sflag:s8] =	ssyncadd.s32 $0xFFFFFF80  }
0x35d: {  	[spmem:s17] =	stream.indirect.scatter [tilespmem:s19], [sflag:$0x1], $0x1, s7, s9, $0xb8;
	[tilespmem:$0x16B18] =	vst v63  }
0x35e: {  	_ =	swait.ge [sflag:s8], $0x80  }
0x35f: {  	s22 =	sld [smem:$0x7F7]  }
0x360: {  	[sflag:s8] =	ssyncset.done $0x0  }
0x361: {  	[sflag:s8] =	ssyncadd.s32 $0xFFFFFF80  }
0x362: {  	[spmem:s22] =	stream.linear.scatter [tilespmem:s11], [sflag:$0x1], $0x80, $0x38;
	[tilespmem:$0x16B18] =	vst v63  }
0x363: {  	_ =	swait.ge [sflag:s8], $0x80  }
0x364: {  	[sflag:s8] =	ssyncset.done $0x0  }
0x365: {  	s25 =	simm.s32 $0x10F98;
	s12 =	simm.s32 $0x10398;
	[sflag:s8] =	ssyncadd.s32 $0xFFFFFF80  }
0x366: {  	[spmem:s17] =	stream.indirect.scatter [tilespmem:s25], [sflag:$0x1], $0x1, s12, s9, $0xb8;
	[tilespmem:$0x16B18] =	vst v63  }
0x367: {  	_ =	swait.ge [sflag:s8], $0x80  }
0x368: {  	s13 =	sld [smem:$0x7F8]  }
0x369: {  	[sflag:s8] =	ssyncset.done $0x0  }
0x36a: {  	[sflag:s8] =	ssyncadd.s32 $0xFFFFFF80  }
0x36b: {  	[spmem:s13] =	stream.linear.scatter [tilespmem:s11], [sflag:$0x1], $0x80, $0x38;
	[tilespmem:$0x16B18] =	vst v63  }
0x36c: {  	_ =	swait.ge [sflag:s8], $0x80  }
0x36d: {  	[sflag:s8] =	ssyncset.done $0x0  }
0x36e: {  	s15 =	simm.s32 $0x11018;
	s13 =	simm.s32 $0x10418;
	[sflag:s8] =	ssyncadd.s32 $0xFFFFFF80  }
0x36f: {  	[spmem:s17] =	stream.indirect.scatter [tilespmem:s15], [sflag:$0x1], $0x1, s13, s9, $0xb8;
	[tilespmem:$0x16B18] =	vst v63  }
0x370: {  	_ =	swait.ge [sflag:s8], $0x80  }
0x371: {  	s18 =	sld [smem:$0x7F9]  }
0x372: {  	[sflag:s8] =	ssyncset.done $0x0  }
0x373: {  	[sflag:s8] =	ssyncadd.s32 $0xFFFFFF80  }
0x374: {  	[spmem:s18] =	stream.linear.scatter [tilespmem:s11], [sflag:$0x1], $0x80, $0x38;
	[tilespmem:$0x16B18] =	vst v63  }
0x375: {  	_ =	swait.ge [sflag:s8], $0x80  }
0x376: {  	[sflag:s8] =	ssyncset.done $0x0  }
0x377: {  	s19 =	simm.s32 $0x11098;
	s15 =	simm.s32 $0x10498;
	[sflag:s8] =	ssyncadd.s32 $0xFFFFFF80  }
0x378: {  	[spmem:s17] =	stream.indirect.scatter [tilespmem:s19], [sflag:$0x1], $0x1, s15, s9, $0xb8;
	[tilespmem:$0x16B18] =	vst v63  }
0x379: {  	_ =	swait.ge [sflag:s8], $0x80  }
0x37a: {  	s22 =	sld [smem:$0x7FA]  }
0x37b: {  	[sflag:s8] =	ssyncset.done $0x0  }
0x37c: {  	[sflag:s8] =	ssyncadd.s32 $0xFFFFFF80  }
0x37d: {  	[spmem:s22] =	stream.linear.scatter [tilespmem:s11], [sflag:$0x1], $0x80, $0x38;
	[tilespmem:$0x16B18] =	vst v63  }
0x37e: {  	_ =	swait.ge [sflag:s8], $0x80  }
0x37f: {  	[sflag:s8] =	ssyncset.done $0x0  }
0x380: {  	s25 =	simm.s32 $0x11118;
	s18 =	simm.s32 $0x10518;
	[sflag:s8] =	ssyncadd.s32 $0xFFFFFF80  }
0x381: {  	[spmem:s17] =	stream.indirect.scatter [tilespmem:s25], [sflag:$0x1], $0x1, s18, s9, $0xb8;
	[tilespmem:$0x16B18] =	vst v63  }
0x382: {  	_ =	swait.ge [sflag:s8], $0x80  }
0x383: {  	s19 =	sld [smem:$0x7FB]  }
0x384: {  	[sflag:s8] =	ssyncset.done $0x0  }
0x385: {  	[sflag:s8] =	ssyncadd.s32 $0xFFFFFF80  }
0x386: {  	[spmem:s19] =	stream.linear.scatter [tilespmem:s11], [sflag:$0x1], $0x80, $0x38;
	[tilespmem:$0x16B18] =	vst v63  }
0x387: {  	_ =	swait.ge [sflag:s8], $0x80  }
0x388: {  	[sflag:s8] =	ssyncset.done $0x0  }
0x389: {  	s22 =	simm.s32 $0x11198;
	s19 =	simm.s32 $0x10598;
	[sflag:s8] =	ssyncadd.s32 $0xFFFFFF80  }
0x38a: {  	[spmem:s17] =	stream.indirect.scatter [tilespmem:s22], [sflag:$0x1], $0x1, s19, s9, $0xb8;
	[tilespmem:$0x16B18] =	vst v63  }
0x38b: {  	_ =	swait.ge [sflag:s8], $0x80  }
0x38c: {  	s25 =	sld [smem:$0x7FD]  }
0x38d: {  	[sflag:s8] =	ssyncset.done $0x0  }
0x38e: {  	[sflag:s8] =	ssyncadd.s32 $0xFFFFFF80  }
0x38f: {  	[spmem:s25] =	stream.linear.scatter [tilespmem:s11], [sflag:$0x1], $0x80, $0x38;
	[tilespmem:$0x16B18] =	vst v63  }
0x390: {  	_ =	swait.ge [sflag:s8], $0x80  }
0x391: {  	[sflag:s8] =	ssyncset.done $0x0  }
0x392: {  	[sflag:s8] =	ssyncadd.s32 $0xFFFFFF80  }
0x393: {  	s22 =	simm.s32 $0x10A18;
	[bflag:$0x0] =	sbarrier.arrive $0xFFFF  }
0x394: {  	[tilespmem:s22], [sflag:$0x1] =	stream.indirect.gather [spmem:s17], $0x1, s3, s9, $0xb8;
	[tilespmem:$0x16B18] =	vst v63  }
0x395: {  	_ =	swait.ge [sflag:s8], $0x80  }
0x396: {  	[sflag:s8] =	ssyncset.done $0x0  }
0x397: {  	[sflag:s8] =	ssyncadd.s32 $0xFFFFFF80  }
0x398: {  	[spmem:s21] =	stream.indirect.scatter.add.f32 [tilespmem:s16], [sflag:$0x1], $0x1, s22, s9, $0xb8;
	[tilespmem:$0x16B18] =	vst v63  }
0x399: {  	_ =	swait.ge [sflag:s8], $0x80  }
0x39a: {  	[sflag:s8] =	ssyncset.done $0x0  }
0x39b: {  	s3 =	rddreg [dreg:$0x1d];
	[sflag:s8] =	ssyncadd.s32 $0xFFFFFF80  }
0x39c: {  	[spmem:s3] =	stream.linear.scatter [tilespmem:s10], [sflag:$0x1], $0x1000, $0x38;
	[tilespmem:$0x16B18] =	vst v63  }
0x39d: {  	_ =	swait.ge [sflag:s8], $0x1000  }
0x39e: {  	[sflag:s8] =	ssyncset.done $0x0  }
0x39f: {  	[sflag:s8] =	ssyncadd.s32 $0xFFFFF000  }
0x3a0: {  	[tilespmem:s23], [sflag:$0x1] =	stream.indirect.gather [spmem:s17], $0x1, s5, s9, $0xb8;
	[tilespmem:$0x16B18] =	vst v63  }
0x3a1: {  	_ =	swait.ge [sflag:s8], $0x80  }
0x3a2: {  	[sflag:s8] =	ssyncset.done $0x0  }
0x3a3: {  	[sflag:s8] =	ssyncadd.s32 $0xFFFFFF80  }
0x3a4: {  	[spmem:s21] =	stream.indirect.scatter.add.f32 [tilespmem:s16], [sflag:$0x1], $0x1, s23, s9, $0xb8;
	[tilespmem:$0x16B18] =	vst v63  }
0x3a5: {  	_ =	swait.ge [sflag:s8], $0x80  }
0x3a6: {  	[sflag:s8] =	ssyncset.done $0x0  }
0x3a7: {  	s5 =	rddreg [dreg:$0x1e];
	[sflag:s8] =	ssyncadd.s32 $0xFFFFFF80  }
0x3a8: {  	[spmem:s5] =	stream.linear.scatter [tilespmem:s10], [sflag:$0x1], $0x1000, $0x38;
	[tilespmem:$0x16B18] =	vst v63  }
0x3a9: {  	_ =	swait.ge [sflag:s8], $0x1000  }
0x3aa: {  	[sflag:s8] =	ssyncset.done $0x0  }
0x3ab: {  	s3 =	simm.s32 $0x10B18;
	[sflag:s8] =	ssyncadd.s32 $0xFFFFF000  }
0x3ac: {  	[tilespmem:s3], [sflag:$0x1] =	stream.indirect.gather [spmem:s17], $0x1, s7, s9, $0xb8;
	[tilespmem:$0x16B18] =	vst v63  }
0x3ad: {  	_ =	swait.ge [sflag:s8], $0x80  }
0x3ae: {  	[sflag:s8] =	ssyncset.done $0x0  }
0x3af: {  	[sflag:s8] =	ssyncadd.s32 $0xFFFFFF80  }
0x3b0: {  	[spmem:s21] =	stream.indirect.scatter.add.f32 [tilespmem:s16], [sflag:$0x1], $0x1, s3, s9, $0xb8;
	[tilespmem:$0x16B18] =	vst v63  }
0x3b1: {  	_ =	swait.ge [sflag:s8], $0x80  }
0x3b2: {  	[sflag:s8] =	ssyncset.done $0x0  }
0x3b3: {  	s7 =	rddreg [dreg:$0x1f];
	[sflag:s8] =	ssyncadd.s32 $0xFFFFFF80  }
0x3b4: {  	[spmem:s7] =	stream.linear.scatter [tilespmem:s10], [sflag:$0x1], $0x1000, $0x38;
	[tilespmem:$0x16B18] =	vst v63  }
0x3b5: {  	_ =	swait.ge [sflag:s8], $0x1000  }
0x3b6: {  	[sflag:s8] =	ssyncset.done $0x0  }
0x3b7: {  	s5 =	simm.s32 $0x10B98;
	[sflag:s8] =	ssyncadd.s32 $0xFFFFF000  }
0x3b8: {  	[tilespmem:s5], [sflag:$0x1] =	stream.indirect.gather [spmem:s17], $0x1, s12, s9, $0xb8;
	[tilespmem:$0x16B18] =	vst v63  }
0x3b9: {  	_ =	swait.ge [sflag:s8], $0x80  }
0x3ba: {  	[sflag:s8] =	ssyncset.done $0x0  }
0x3bb: {  	[sflag:s8] =	ssyncadd.s32 $0xFFFFFF80  }
0x3bc: {  	[spmem:s21] =	stream.indirect.scatter.add.f32 [tilespmem:s16], [sflag:$0x1], $0x1, s5, s9, $0xb8;
	[tilespmem:$0x16B18] =	vst v63  }
0x3bd: {  	_ =	swait.ge [sflag:s8], $0x80  }
0x3be: {  	s12 =	sld [smem:$0x7F1]  }
0x3bf: {  	[sflag:s8] =	ssyncset.done $0x0  }
0x3c0: {  	[sflag:s8] =	ssyncadd.s32 $0xFFFFFF80  }
0x3c1: {  	[spmem:s12] =	stream.linear.scatter [tilespmem:s10], [sflag:$0x1], $0x1000, $0x38;
	[tilespmem:$0x16B18] =	vst v63  }
0x3c2: {  	_ =	swait.ge [sflag:s8], $0x1000  }
0x3c3: {  	[sflag:s8] =	ssyncset.done $0x0  }
0x3c4: {  	s7 =	simm.s32 $0x10C18;
	[sflag:s8] =	ssyncadd.s32 $0xFFFFF000  }
0x3c5: {  	[tilespmem:s7], [sflag:$0x1] =	stream.indirect.gather [spmem:s17], $0x1, s13, s9, $0xb8;
	[tilespmem:$0x16B18] =	vst v63  }
0x3c6: {  	_ =	swait.ge [sflag:s8], $0x80  }
0x3c7: {  	[sflag:s8] =	ssyncset.done $0x0  }
0x3c8: {  	[sflag:s8] =	ssyncadd.s32 $0xFFFFFF80  }
0x3c9: {  	[spmem:s21] =	stream.indirect.scatter.add.f32 [tilespmem:s16], [sflag:$0x1], $0x1, s7, s9, $0xb8;
	[tilespmem:$0x16B18] =	vst v63  }
0x3ca: {  	_ =	swait.ge [sflag:s8], $0x80  }
0x3cb: {  	s13 =	sld [smem:$0x7F2]  }
0x3cc: {  	[sflag:s8] =	ssyncset.done $0x0  }
0x3cd: {  	[sflag:s8] =	ssyncadd.s32 $0xFFFFFF80  }
0x3ce: {  	[spmem:s13] =	stream.linear.scatter [tilespmem:s10], [sflag:$0x1], $0x1000, $0x38;
	[tilespmem:$0x16B18] =	vst v63  }
0x3cf: {  	_ =	swait.ge [sflag:s8], $0x1000  }
0x3d0: {  	[sflag:s8] =	ssyncset.done $0x0  }
0x3d1: {  	s12 =	simm.s32 $0x10C98;
	[sflag:s8] =	ssyncadd.s32 $0xFFFFF000  }
0x3d2: {  	[tilespmem:s12], [sflag:$0x1] =	stream.indirect.gather [spmem:s17], $0x1, s15, s9, $0xb8;
	[tilespmem:$0x16B18] =	vst v63  }
0x3d3: {  	_ =	swait.ge [sflag:s8], $0x80  }
0x3d4: {  	[sflag:s8] =	ssyncset.done $0x0  }
0x3d5: {  	[sflag:s8] =	ssyncadd.s32 $0xFFFFFF80  }
0x3d6: {  	[spmem:s21] =	stream.indirect.scatter.add.f32 [tilespmem:s16], [sflag:$0x1], $0x1, s12, s9, $0xb8;
	[tilespmem:$0x16B18] =	vst v63  }
0x3d7: {  	_ =	swait.ge [sflag:s8], $0x80  }
0x3d8: {  	s15 =	sld [smem:$0x7F3]  }
0x3d9: {  	[sflag:s8] =	ssyncset.done $0x0  }
0x3da: {  	[sflag:s8] =	ssyncadd.s32 $0xFFFFFF80  }
0x3db: {  	[spmem:s15] =	stream.linear.scatter [tilespmem:s10], [sflag:$0x1], $0x1000, $0x38;
	[tilespmem:$0x16B18] =	vst v63  }
0x3dc: {  	_ =	swait.ge [sflag:s8], $0x1000  }
0x3dd: {  	[sflag:s8] =	ssyncset.done $0x0  }
0x3de: {  	s13 =	simm.s32 $0x10D18;
	[sflag:s8] =	ssyncadd.s32 $0xFFFFF000  }
0x3df: {  	[tilespmem:s13], [sflag:$0x1] =	stream.indirect.gather [spmem:s17], $0x1, s18, s9, $0xb8;
	[tilespmem:$0x16B18] =	vst v63  }
0x3e0: {  	_ =	swait.ge [sflag:s8], $0x80  }
0x3e1: {  	[sflag:s8] =	ssyncset.done $0x0  }
0x3e2: {  	[sflag:s8] =	ssyncadd.s32 $0xFFFFFF80  }
0x3e3: {  	[spmem:s21] =	stream.indirect.scatter.add.f32 [tilespmem:s16], [sflag:$0x1], $0x1, s13, s9, $0xb8;
	[tilespmem:$0x16B18] =	vst v63  }
0x3e4: {  	_ =	swait.ge [sflag:s8], $0x80  }
0x3e5: {  	s18 =	sld [smem:$0x7F4]  }
0x3e6: {  	[sflag:s8] =	ssyncset.done $0x0  }
0x3e7: {  	[sflag:s8] =	ssyncadd.s32 $0xFFFFFF80  }
0x3e8: {  	[spmem:s18] =	stream.linear.scatter [tilespmem:s10], [sflag:$0x1], $0x1000, $0x38;
	[tilespmem:$0x16B18] =	vst v63  }
0x3e9: {  	_ =	swait.ge [sflag:s8], $0x1000  }
0x3ea: {  	[sflag:s8] =	ssyncset.done $0x0  }
0x3eb: {  	s15 =	simm.s32 $0x10D98;
	[sflag:s8] =	ssyncadd.s32 $0xFFFFF000  }
0x3ec: {  	[tilespmem:s15], [sflag:$0x1] =	stream.indirect.gather [spmem:s17], $0x1, s19, s9, $0xb8;
	[tilespmem:$0x16B18] =	vst v63  }
0x3ed: {  	_ =	swait.ge [sflag:s8], $0x80  }
0x3ee: {  	[sflag:s8] =	ssyncset.done $0x0  }
0x3ef: {  	[sflag:s8] =	ssyncadd.s32 $0xFFFFFF80  }
0x3f0: {  	[spmem:s21] =	stream.indirect.scatter.add.f32 [tilespmem:s16], [sflag:$0x1], $0x1, s15, s9, $0xb8;
	[tilespmem:$0x16B18] =	vst v63  }
0x3f1: {  	_ =	swait.ge [sflag:s8], $0x80  }
0x3f2: {  	s25 =	sld [smem:$0x7F5]  }
0x3f3: {  	[sflag:s8] =	ssyncset.done $0x0  }
0x3f4: {  	[sflag:s8] =	ssyncadd.s32 $0xFFFFFF80  }
0x3f5: {  	[spmem:s25] =	stream.linear.scatter [tilespmem:s10], [sflag:$0x1], $0x1000, $0x38;
	[tilespmem:$0x16B18] =	vst v63  }
0x3f6: {  	_ =	swait.ge [sflag:s8], $0x1000  }
0x3f7: {  	[sflag:s8] =	ssyncset.done $0x0  }
0x3f8: {  	[sflag:s8] =	ssyncadd.s32 $0xFFFFF000  }
0x3f9: {  	s18 =	simm.s32 $0x11218;
	[bflag:$0x0] =	sbarrier.arrive $0xFFFF  }
0x3fa: {  	[tilespmem:s18], [sflag:$0x1] =	stream.indirect.gather [spmem:s21], $0x1, s22, s9, $0xb8;
	[tilespmem:$0x16B18] =	vst v63  }
0x3fb: {  	_ =	swait.ge [sflag:s8], $0x80  }
0x3fc: {  	[sflag:s8] =	ssyncset.done $0x0  }
0x3fd: {  	s25 =	simm.s32 $0x11298;
	[sflag:s8] =	ssyncadd.s32 $0xFFFFFF80  }
0x3fe: {  	[tilespmem:s25], [sflag:$0x1] =	stream.indirect.gather [spmem:s21], $0x1, s23, s9, $0xb8;
	[tilespmem:$0x16B18] =	vst v63  }
0x3ff: {  	_ =	swait.ge [sflag:s8], $0x80  }
0x400: {  	[sflag:s8] =	ssyncset.done $0x0  }
0x401: {  	s18 =	simm.s32 $0x11318;
	[sflag:s8] =	ssyncadd.s32 $0xFFFFFF80  }
0x402: {  	[tilespmem:s18], [sflag:$0x1] =	stream.indirect.gather [spmem:s21], $0x1, s3, s9, $0xb8;
	[tilespmem:$0x16B18] =	vst v63  }
0x403: {  	_ =	swait.ge [sflag:s8], $0x80  }
0x404: {  	[sflag:s8] =	ssyncset.done $0x0  }
0x405: {  	s22 =	simm.s32 $0x11398;
	[sflag:s8] =	ssyncadd.s32 $0xFFFFFF80  }
0x406: {  	[tilespmem:s22], [sflag:$0x1] =	stream.indirect.gather [spmem:s21], $0x1, s5, s9, $0xb8;
	[tilespmem:$0x16B18] =	vst v63  }
0x407: {  	_ =	swait.ge [sflag:s8], $0x80  }
0x408: {  	[sflag:s8] =	ssyncset.done $0x0  }
0x409: {  	s3 =	simm.s32 $0x11418;
	[sflag:s8] =	ssyncadd.s32 $0xFFFFFF80  }
0x40a: {  	[tilespmem:s3], [sflag:$0x1] =	stream.indirect.gather [spmem:s21], $0x1, s7, s9, $0xb8;
	[tilespmem:$0x16B18] =	vst v63  }
0x40b: {  	_ =	swait.ge [sflag:s8], $0x80  }
0x40c: {  	[sflag:s8] =	ssyncset.done $0x0  }
0x40d: {  	s5 =	simm.s32 $0x11498;
	[sflag:s8] =	ssyncadd.s32 $0xFFFFFF80  }
0x40e: {  	[tilespmem:s5], [sflag:$0x1] =	stream.indirect.gather [spmem:s21], $0x1, s12, s9, $0xb8;
	[tilespmem:$0x16B18] =	vst v63  }
0x40f: {  	_ =	swait.ge [sflag:s8], $0x80  }
0x410: {  	[sflag:s8] =	ssyncset.done $0x0  }
0x411: {  	s7 =	simm.s32 $0x11518;
	[sflag:s8] =	ssyncadd.s32 $0xFFFFFF80  }
0x412: {  	[tilespmem:s7], [sflag:$0x1] =	stream.indirect.gather [spmem:s21], $0x1, s13, s9, $0xb8;
	[tilespmem:$0x16B18] =	vst v63  }
0x413: {  	_ =	swait.ge [sflag:s8], $0x80  }
0x414: {  	[sflag:s8] =	ssyncset.done $0x0  }
0x415: {  	s12 =	simm.s32 $0x11598;
	[sflag:s8] =	ssyncadd.s32 $0xFFFFFF80  }
0x416: {  	[tilespmem:s12], [sflag:$0x1] =	stream.indirect.gather [spmem:s21], $0x1, s15, s9, $0xb8;
	[tilespmem:$0x16B18] =	vst v63  }
0x417: {  	_ =	swait.ge [sflag:s8], $0x80  }
0x418: {  	[sflag:s8] =	ssyncset.done $0x0  }
0x419: {  	s5 =	simm.s32 $0x0;
	[sflag:s8] =	ssyncadd.s32 $0xFFFFFF80  }
0x41a: {  	v5 =	vld [tilespmem:s5+$0x11218];
	_ =	sdelay $0x3  }
0x41b: {  	s13 =	simm.s32 $0x0  }
0x41c: {  	s15 =	sand.u32 $0xE00, s13;
	(erf) = vrcp.f32 v5  }
0x41d: {  	s2 =	sand.u32 $0x70, s13;
	s3 =	sshrl.u32 s15, $0x2  }
0x41e: {  	s2 =	sor.u32 s2, s3  }
0x41f: {  	v5 =	vld [tilespmem:s2+$0xFE18];
	s2 =	simm.s32 $0x10  }
0x420: {  	v6 =	vld [tilespmem:s2+$0x11218];
	_ =	sdelay $0x4  }
0x421: {  	s30 =	simm.s32 $0x10B98;
	s19 =	simm.s32 $0x10A18;
	s25 =	simm.s32 $0x10B18;
	v7 =	vpop (erf);
	(erf) = vrcp.f32 v6  }
0x422: {  	s18 =	simm.s32 $0x10;
	s22 =	simm.s32 $0x40;
	s7 =	simm.s32 $0x20;
	v5 =	vadd.s32 $0xFFF85EE0, v5;
	v7 =	vmul.f32 $9.999999770e-03, v7  }
0x423: {  	s12 =	sand.u32 $0x70, s18;
	s13 =	sand.u32 $0xE00, s22;
	s18 =	simm.s32 $0x30;
	vm15 =	vlt.u32 v5, $0x7A120  }
0x424: {  	s15 =	simm.s32 $0x20;
	s22 =	sshrl.u32 s13, $0x2;
	s3 =	simm.s32 $0x80;
	v5 =	vnsel vm15, $0x0, v7  }
.LBB2_15:
0x425: {  	p1 =	sne.s32 s18, $0x3F0;
	v6 =	vld [tilespmem:s15+$0x11218];
	s12 =	sor.u32 s12, s22;
	[tilespmem:s5+$0x11618] =	vst v5;
	s5 =	smov.u32 s2  }
0x426: {  	s2 =	smov.u32 s15;
	v5 =	vld [tilespmem:s12+$0xFE18];
	s12 =	smov.u32 s7;
	s7 =	smov.u32 s18  }
0x427: {  	_ =	sdelay $0x1  }
.Ltmp14:
0x428: {  	(pc) =	sbr.rel @p1 .LBB2_15-.Ltmp14, $4  }
0x429: {  	(erf) = vrcp.f32 v6;
	v6 =	vpop (erf)  }
0x42a: {  	v5 =	vadd.s32 $0xFFF85EE0, v5;
	v6 =	vmul.f32 $9.999999770e-03, v6  }
0x42b: {  	s13 =	sand.u32 $0xE00, s3;
	s3 =	sadd.s32 $0x40, s3;
	s12 =	sand.u32 $0x70, s12;
	vm0 =	vlt.u32 v5, $0x7A120  }
0x42c: {  	s15 =	sshra.s32 s3, $0x2;
	s18 =	sadd.s32 $0x10, s18;
	s22 =	sshrl.u32 s13, $0x2;
	v5 =	vnsel vm0, $0x0, v6  }
0x42d: {  	v6 =	vld [tilespmem:s15+$0x11218];
	s12 =	sor.u32 s12, s22;
	[tilespmem:s5+$0x11618] =	vst v5  }
0x42e: {  	v5 =	vld [tilespmem:s12+$0xFE18];
	_ =	sdelay $0x3  }
0x42f: {  	(erf) = vrcp.f32 v6;
	v6 =	vpop (erf)  }
0x430: {  	v5 =	vadd.s32 $0xFFF85EE0, v5;
	v6 =	vmul.f32 $9.999999770e-03, v6  }
0x431: {  	s3 =	sand.u32 $0xE00, s3;
	vm0 =	vlt.u32 v5, $0x7A120  }
0x432: {  	s13 =	sand.u32 $0x70, s7;
	s3 =	sshrl.u32 s3, $0x2;
	v5 =	vnsel vm0, $0x0, v6  }
0x433: {  	s3 =	sor.u32 s13, s3;
	[tilespmem:s2+$0x11618] =	vst v5  }
0x434: {  	v5 =	vld [tilespmem:s3+$0xFE18];
	_ =	sdelay $0x3  }
0x435: {  	v6 =	vpop (erf)  }
0x436: {  	v5 =	vadd.s32 $0xFFF85EE0, v5;
	v6 =	vmul.f32 $9.999999770e-03, v6  }
0x437: {  	vm15 =	vlt.u32 v5, $0x7A120  }
0x438: {  	v5 =	vnsel vm15, $0x0, v6  }
0x439: {  	s7 =	simm.s32 $0x0;
	s18 =	rddreg [dreg:$0xc];
	[tilespmem:s15+$0x11618] =	vst v5  }
0x43a: {  	[tilespmem:s26], [sflag:$0x1] =	stream.linear.gather [hbm4b:s18+s7], $0x1000, $0x38;
	[tilespmem:$0x16B18] =	vst v63  }
0x43b: {  	_ =	swait.ge [sflag:s8], $0x1000  }
0x43c: {  	[sflag:s8] =	ssyncset.done $0x0  }
0x43d: {  	[sflag:s8] =	ssyncadd.s32 $0xFFFFF000  }
0x43e: {  	[spmem:s24] =	stream.indirect.scatter.add.f32 [tilespmem:s26], [sflag:$0x1], $0x20, s19, s9, $0xb8;
	[tilespmem:$0x16B18] =	vst v63  }
0x43f: {  	_ =	swait.ge [sflag:s8], $0x1000  }
0x440: {  	[sflag:s8] =	ssyncset.done $0x0  }
0x441: {  	s22 =	rddreg [dreg:$0xd];
	[sflag:s8] =	ssyncadd.s32 $0xFFFFF000  }
0x442: {  	[tilespmem:s26], [sflag:$0x1] =	stream.linear.gather [hbm4b:s22+s7], $0x1000, $0x38;
	[tilespmem:$0x16B18] =	vst v63  }
0x443: {  	_ =	swait.ge [sflag:s8], $0x1000  }
0x444: {  	[sflag:s8] =	ssyncset.done $0x0  }
0x445: {  	[sflag:s8] =	ssyncadd.s32 $0xFFFFF000  }
0x446: {  	[spmem:s24] =	stream.indirect.scatter.add.f32 [tilespmem:s26], [sflag:$0x1], $0x20, s23, s9, $0xb8;
	[tilespmem:$0x16B18] =	vst v63  }
0x447: {  	_ =	swait.ge [sflag:s8], $0x1000  }
0x448: {  	[sflag:s8] =	ssyncset.done $0x0  }
0x449: {  	s3 =	rddreg [dreg:$0xe];
	[sflag:s8] =	ssyncadd.s32 $0xFFFFF000  }
0x44a: {  	[tilespmem:s26], [sflag:$0x1] =	stream.linear.gather [hbm4b:s3+s7], $0x1000, $0x38;
	[tilespmem:$0x16B18] =	vst v63  }
0x44b: {  	_ =	swait.ge [sflag:s8], $0x1000  }
0x44c: {  	[sflag:s8] =	ssyncset.done $0x0  }
0x44d: {  	[sflag:s8] =	ssyncadd.s32 $0xFFFFF000  }
0x44e: {  	[spmem:s24] =	stream.indirect.scatter.add.f32 [tilespmem:s26], [sflag:$0x1], $0x20, s25, s9, $0xb8;
	[tilespmem:$0x16B18] =	vst v63  }
0x44f: {  	_ =	swait.ge [sflag:s8], $0x1000  }
0x450: {  	[sflag:s8] =	ssyncset.done $0x0  }
0x451: {  	s5 =	rddreg [dreg:$0xf];
	[sflag:s8] =	ssyncadd.s32 $0xFFFFF000  }
0x452: {  	[tilespmem:s26], [sflag:$0x1] =	stream.linear.gather [hbm4b:s5+s7], $0x1000, $0x38;
	[tilespmem:$0x16B18] =	vst v63  }
0x453: {  	_ =	swait.ge [sflag:s8], $0x1000  }
0x454: {  	[sflag:s8] =	ssyncset.done $0x0  }
0x455: {  	[sflag:s8] =	ssyncadd.s32 $0xFFFFF000  }
0x456: {  	[spmem:s24] =	stream.indirect.scatter.add.f32 [tilespmem:s26], [sflag:$0x1], $0x20, s30, s9, $0xb8;
	[tilespmem:$0x16B18] =	vst v63  }
0x457: {  	_ =	swait.ge [sflag:s8], $0x1000  }
0x458: {  	[sflag:s8] =	ssyncset.done $0x0  }
0x459: {  	s12 =	rddreg [dreg:$0x10];
	[sflag:s8] =	ssyncadd.s32 $0xFFFFF000  }
0x45a: {  	[tilespmem:s26], [sflag:$0x1] =	stream.linear.gather [hbm4b:s12+s7], $0x1000, $0x38;
	[tilespmem:$0x16B18] =	vst v63  }
0x45b: {  	_ =	swait.ge [sflag:s8], $0x1000  }
0x45c: {  	[sflag:s8] =	ssyncset.done $0x0  }
0x45d: {  	s13 =	simm.s32 $0x10C18;
	[sflag:s8] =	ssyncadd.s32 $0xFFFFF000  }
0x45e: {  	[spmem:s24] =	stream.indirect.scatter.add.f32 [tilespmem:s26], [sflag:$0x1], $0x20, s13, s9, $0xb8;
	[tilespmem:$0x16B18] =	vst v63  }
0x45f: {  	_ =	swait.ge [sflag:s8], $0x1000  }
0x460: {  	[sflag:s8] =	ssyncset.done $0x0  }
0x461: {  	s15 =	rddreg [dreg:$0x11];
	[sflag:s8] =	ssyncadd.s32 $0xFFFFF000  }
0x462: {  	[tilespmem:s26], [sflag:$0x1] =	stream.linear.gather [hbm4b:s15+s7], $0x1000, $0x38;
	[tilespmem:$0x16B18] =	vst v63  }
0x463: {  	_ =	swait.ge [sflag:s8], $0x1000  }
0x464: {  	[sflag:s8] =	ssyncset.done $0x0  }
0x465: {  	s18 =	simm.s32 $0x10C98;
	[sflag:s8] =	ssyncadd.s32 $0xFFFFF000  }
0x466: {  	[spmem:s24] =	stream.indirect.scatter.add.f32 [tilespmem:s26], [sflag:$0x1], $0x20, s18, s9, $0xb8;
	[tilespmem:$0x16B18] =	vst v63  }
0x467: {  	_ =	swait.ge [sflag:s8], $0x1000  }
0x468: {  	[sflag:s8] =	ssyncset.done $0x0  }
0x469: {  	s19 =	rddreg [dreg:$0x12];
	[sflag:s8] =	ssyncadd.s32 $0xFFFFF000  }
0x46a: {  	[tilespmem:s26], [sflag:$0x1] =	stream.linear.gather [hbm4b:s19+s7], $0x1000, $0x38;
	[tilespmem:$0x16B18] =	vst v63  }
0x46b: {  	_ =	swait.ge [sflag:s8], $0x1000  }
0x46c: {  	[sflag:s8] =	ssyncset.done $0x0  }
0x46d: {  	s22 =	simm.s32 $0x10D18;
	[sflag:s8] =	ssyncadd.s32 $0xFFFFF000  }
0x46e: {  	[spmem:s24] =	stream.indirect.scatter.add.f32 [tilespmem:s26], [sflag:$0x1], $0x20, s22, s9, $0xb8;
	[tilespmem:$0x16B18] =	vst v63  }
0x46f: {  	_ =	swait.ge [sflag:s8], $0x1000  }
0x470: {  	[sflag:s8] =	ssyncset.done $0x0  }
0x471: {  	s25 =	rddreg [dreg:$0x13];
	[sflag:s8] =	ssyncadd.s32 $0xFFFFF000  }
0x472: {  	[tilespmem:s26], [sflag:$0x1] =	stream.linear.gather [hbm4b:s25+s7], $0x1000, $0x38;
	[tilespmem:$0x16B18] =	vst v63  }
0x473: {  	_ =	swait.ge [sflag:s8], $0x1000  }
0x474: {  	[sflag:s8] =	ssyncset.done $0x0  }
0x475: {  	s30 =	simm.s32 $0x10D98;
	[sflag:s8] =	ssyncadd.s32 $0xFFFFF000  }
0x476: {  	[spmem:s24] =	stream.indirect.scatter.add.f32 [tilespmem:s26], [sflag:$0x1], $0x20, s30, s9, $0xb8;
	[tilespmem:$0x16B18] =	vst v63  }
0x477: {  	_ =	swait.ge [sflag:s8], $0x1000  }
0x478: {  	[sflag:s8] =	ssyncset.done $0x0  }
0x479: {  	[sflag:s8] =	ssyncadd.s32 $0xFFFFF000  }
0x47a: {  	s2 =	simm.s32 $0x0;
	[bflag:$0x0] =	sbarrier.arrive $0xFFFF  }
.LBB2_17:
0x47b: {  	s5 =	sshll.u32 s2, $0x7  }
0x47c: {  	s3 =	sadd.s32 $0xFE18, s5  }
0x47d: {  	[tilespmem:s1], [sflag:$0x1] =	stream.indirect.gather [hbm4b:s28+s9], $0x20, s3, s9, $0xb8;
	[tilespmem:$0x16B18] =	vst v63  }
0x47e: {  	_ =	swait.ge [sflag:s8], $0x1000  }
0x47f: {  	[sflag:s8] =	ssyncset.done $0x0  }
0x480: {  	s30 =	sadd.s32 $0x10A18, s5;
	[sflag:s8] =	ssyncadd.s32 $0xFFFFF000  }
0x481: {  	[tilespmem:s31], [sflag:$0x1] =	stream.indirect.gather [spmem:s24], $0x20, s30, s9, $0xb8;
	[tilespmem:$0x16B18] =	vst v63  }
0x482: {  	_ =	swait.ge [sflag:s8], $0x1000  }
0x483: {  	v5 =	vmov s7;
	[sflag:s8] =	ssyncset.done $0x0  }
0x484: {  	s22 =	simm.s32 $0x0;
	[sflag:s8] =	ssyncadd.s32 $0xFFFFF000  }
0x485: {  	v6 =	vld [tilespmem:s22+$0x12A18]  }
0x486: {  	v8 =	vld [tilespmem:s22+$0x13A18]  }
0x487: {  	v9 =	vld [tilespmem:s22+$0x12A28]  }
0x488: {  	v5 =	vld.idx.msk [tilespmem:v5+s4+$0x0], $0xffff  }
0x489: {  	v10 =	vld [tilespmem:s22+$0x13A28];
	_ =	sdelay $0x3  }
0x48a: {  	v7 =	vmul.f32 $9.998999830e-01, v6;
	v6 =	vmul.f32 $9.998999830e-01, v9  }
0x48b: {  	s3 =	sadd.s32 $0x1, s7;
	v9 =	vmul.f32 v8, v5;
	v8 =	vmul.f32 v10, v5  }
0x48c: {  	s15 =	simm.s32 $0x80;
	s18 =	simm.s32 $0x100;
	v5 =	vmov s3  }
.LBB2_18:
0x48d: {  	p1 =	sne.s32 s18, $0x3F80;
	s12 =	sshra.s32 s15, $0x2;
	v7 =	vsub.f32 v7, v9;
	v6 =	vsub.f32 v6, v8;
	s15 =	smov.u32 s18  }
0x48e: {  	v8 =	vld [tilespmem:s12+$0x12A18]  }
0x48f: {  	v9 =	vld [tilespmem:s12+$0x13A18];
	[tilespmem:s22+$0x14A18] =	vst v7  }
0x490: {  	v10 =	vld [tilespmem:s12+$0x12A28];
	[tilespmem:s22+$0x14A28] =	vst v6;
	s22 =	smov.u32 s12  }
0x491: {  	v5 =	vld.idx.msk [tilespmem:v5+s4+$0x0], $0xffff  }
0x492: {  	v11 =	vld [tilespmem:s22+$0x13A28];
	_ =	sdelay $0x1  }
.Ltmp15:
0x493: {  	(pc) =	sbr.rel @p1 .LBB2_18-.Ltmp15, $4  }
0x494: {  	_ = 	snop  }
0x495: {  	v7 =	vmul.f32 $9.998999830e-01, v8;
	v6 =	vmul.f32 $9.998999830e-01, v10  }
0x496: {  	s3 =	sadd.s32 $0x1, s3;
	v9 =	vmul.f32 v9, v5;
	v8 =	vmul.f32 v11, v5  }
0x497: {  	s18 =	sadd.s32 $0x80, s18;
	v5 =	vmov s3  }
0x498: {  	s3 =	sshra.s32 s15, $0x2;
	v7 =	vsub.f32 v7, v9  }
0x499: {  	v6 =	vsub.f32 v6, v8;
	v61 =	vld [tilespmem:s3+$0x12A18]  }
0x49a: {  	v10 =	vld [tilespmem:s3+$0x13A18];
	[tilespmem:s22+$0x14A18] =	vst v7  }
0x49b: {  	v7 =	vld [tilespmem:s3+$0x12A28];
	[tilespmem:s22+$0x14A28] =	vst v6  }
0x49c: {  	v5 =	vld.idx.msk [tilespmem:v5+s4+$0x0], $0xffff  }
0x49d: {  	v6 =	vld [tilespmem:s3+$0x13A28];
	_ =	sdelay $0x3  }
0x49e: {  	v62 =	vmul.f32 $9.998999830e-01, v61;
	v63 =	vmul.f32 v10, v5  }
0x49f: {  	v7 =	vmul.f32 $9.998999830e-01, v7;
	v5 =	vmul.f32 v6, v5  }
0x4a0: {  	v6 =	vsub.f32 v62, v63  }
0x4a1: {  	v5 =	vsub.f32 v7, v5  }
0x4a2: {  	s2 =	sadd.s32 $0x1, s2;
	[tilespmem:s3+$0x14A18] =	vst v6  }
0x4a3: {  	s30 =	sadd.s32 $0x10618, s5;
	p1 =	seq.s32 s2, $0x8;
	[tilespmem:s3+$0x14A28] =	vst v5  }
0x4a4: {  	[hbm4b:s0+s9] =	stream.indirect.scatter [tilespmem:s6], [sflag:$0x1], $0x20, s30, s9, $0xb8;
	[tilespmem:$0x16B18] =	vst v63  }
.Ltmp16:
0x4a5: {  	_ = 	snop;
	(pc) =	sbr.rel @!p1 .LBB2_17-.Ltmp16, $4  }
.Ltmp17:
0x4a6: {  	_ = 	snop;
	(pc) =	sbr.rel @p1 .LBB2_28-.Ltmp17, $4  }
0x4a7: {  	_ =	swait.ge [sflag:s8], $0x1000  }
0x4a8: {  	[sflag:s8] =	ssyncset.done $0x0  }
0x4a9: {  	s7 =	sadd.s32 $0x80, s7;
	[sflag:s8] =	ssyncadd.s32 $0xFFFFF000  }
0x4aa: {  	_ = 	snop  }
.LBB2_29:
0x4ab: {  	_ =	sfence.sel $0x180000  }
0x4ac: {  	[bflag:$0x0] =	sbarrier.arrive $0xFFFF  }
0x4ad: {  	_ =	strace $0x9000004A  }
0x4ae: {  	s0 =	stileid.u32;
	[bflag:$0x2] =	sbarrier.arrive $0xFFFF  }
0x4af: {  	p0 =	sne.s32 s0, $0x0;
	s0 =	rddreg [dreg:$0x8]  }
0x4b0: {  	s0 =	sadd.s32 @!p0 $0x100000, s0  }
0x4b1: {  	[sflag:s0] =	ssyncadd.tile.s32 @!p0 $0x1;
	_ =	shalt  }
.Lfunc_end2:
_tile_overlayer_lowered:
.L_overlay_start_2:
0x4b2: {  	(tag) =	ssettag $0x2  }
0x4b3: {  	s0 =	rddreg [dreg:$0x0];
	s2 =	stileid.u32  }
0x4b4: {  	s1 =	rddreg [dreg:$0x1];
	p0 =	sne.s32 s2, $0x0  }
0x4b5: {  	s3 =	rddreg [dreg:$0x2];
	[bflag:$0x3] =	sbarrier.arrive $0xFFFF;
	s2 =	simm.s32 @!p0 $0x1C01  }
0x4b6: {  	[timem:s3], [sflag:s2] =	dma.local @!p0 [hbm:s0], s1  }
0x4b7: {  	s0 =	simm.s32 @!p0 $0x1  }
0x4b8: {  	_ =	swait.ge @!p0 [sflag:s0], s1  }
0x4b9: {  	s1 =	ssub.s32 @!p0 $0x0, s1;
	[sflag:s0] =	ssyncset.done @!p0 $0x0  }
0x4ba: {  	[sflag:s0] =	ssyncadd.s32 @!p0 s1  }
0x4bb: {  	[bflag:$0x3] =	sbarrier.arrive $0xFFFF  }
0x4bc: {  	_ =	shalt  }

// kernel: sparse-core-data-format-call.cloned.1.call-start
scs
called_computation_lowered:
.L_overlay_start_0:
0x0: {  	s2 =	sld [smem:$0x3FD9]  }
0x1: {  	s3 =	sld [smem:$0x3FFE];
	_ =	sdelay $0x1  }
0x2: {  	s1 =	srdreg.scid  }
0x3: {  	s0 =	sand.u32 $0x1, s1  }
0x4: {  	s15 =	sshll.u32 s0, $0xA;
	s2 =	sadd.s32 s3, s2  }
0x5: {  	s2 =	sadd.s32 s2, s15  }
0x6: {  	[smem:$0x3FC2] =	sst s2  }
0x7: {  	_ = 	snop  }
0x8: {  	s2 =	sld [smem:$0x3FD0];
	_ =	sdelay $0x2  }
0x9: {  	s16 =	simm.s32 $0xA;
	s4 =	simm.s32 $0x10  }
0xa: {  	[smem:s4], [sflag:s16] =	dma.local [hbm:s2], $0x1  }
0xb: {  	_ =	swait.eq [sflag:s16], $0x1  }
0xc: {  	[sflag:s16] =	ssyncset.done $0x0  }
0xd: {  	[sflag:s16] =	ssyncadd.s32 $0xFFFFFFFF  }
0xe: {  	s17 =	sld [smem:$0x10];
	(tm) =	ssettm $0x1  }
0xf: {  	s18 =	sld [smem:$0x3FFB];
	_ =	sdelay $0x3  }
0x10: {  	_ =	strace s18  }
0x11: {  	s3 =	sld [smem:$0x3FFC];
	_ =	sdelay $0x3  }
0x12: {  	_ =	strace s3  }
0x13: {  	s3 =	sld [smem:$0x3FFD];
	_ =	sdelay $0x3  }
0x14: {  	_ =	strace s3  }
0x15: {  	_ =	strace $0x8FFFFFFF  }
0x16: {  	s19 =	sld [smem:$0x3FDB];
	_ =	sdelay $0x1  }
0x17: {  	s20 =	simm.s32 $_scs_section_size  }
0x18: {  	s5 =	simm.s32 $_size__tile_overlayer_lowered;
	s6 =	simm.s32 $_tile_overlayer_lowered  }
0x19: {  	s23 =	simm.s32 $0x1BFF;
	s22 =	sshll.u32 s6, $0x1;
	s3 =	sadd.s32 s20, s19  }
0x1a: {  	s7 =	simm.s32 $0x0;
	s21 =	sshll.u32 s5, $0x1;
	s5 =	sadd.s32 s22, s3  }
0x1b: {  	[timem:s7], [sflag:s23] =	dma.local [hbm:s5], s21  }
0x1c: {  	_ =	swait.ge [sflag:s23], s21  }
0x1d: {  	s4 =	ssub.s32 $0x0, s21;
	[sflag:s23] =	ssyncset.done $0x0  }
0x1e: {  	[sflag:s23] =	ssyncadd.s32 s4;
	_ =	sdelay $0x1  }
0x1f: {  	s24 =	simm.s32 $0x1B8B  }
0x20: {  	_ =	swait.ge [sflag:s24], $0x1  }
0x21: {  	[sflag:s24] =	ssyncset.done $0x0  }
0x22: {  	s26 =	simm.s32 $0x1B8E;
	s25 =	sld [smem:$0x3FFE];
	[sflag:s24] =	ssyncadd.s32 $0xFFFFFFFF  }
0x23: {  	s27 =	simm.s32 $execute0_lowered;
	[smem:$0x3FD2] =	sst s26  }
0x24: {  	s5 =	sshll.u32 s27, $0x1;
	_ =	strace $0x8000004C;
	[dreg:$0x1] =	wrdreg $0xFFFFFFFF  }
0x25: {  	s28 =	simm.s32 $_size_execute0_lowered;
	s3 =	sadd.s32 s3, s5;
	[dreg:$0x0] =	wrdreg $0x0  }
0x26: {  	s5 =	sshll.u32 s28, $0x1;
	[dreg:$0x2] =	wrdreg s3  }
0x27: {  	[dreg:$0x3] =	wrdreg s5  }
0x28: {  	[dreg:$0x4] =	wrdreg $0xC0  }
0x29: {  	_ =	task [dreg:s7], $0x5FFFF  }
0x2a: {  	[dreg:$0x1] =	wrdreg $0xFFFFFFFF  }
0x2b: {  	[dreg:$0x0] =	wrdreg $0x60  }
0x2c: {  	[dreg:$0x2] =	wrdreg s25  }
0x2d: {  	[dreg:$0x3] =	wrdreg s17  }
0x2e: {  	[dreg:$0x4] =	wrdreg $0x9  }
0x2f: {  	_ =	task.clear_ibuf [dreg:s7], $0x5FFFF;
	_ =	strace $0x9000004C  }
0x30: {  	s29 =	simm.s32 $0x9;
	_ =	strace $0x8000004E  }
0x31: {  	_ =	swait.ge [sflag:s29], $0x1  }
0x32: {  	[sflag:s29] =	ssyncadd.s32 $0xFFFFFFFF  }
0x33: {  	_ =	strace $0x9000004E  }
0x34: {  	_ =	sfence  }
0x35: {  	s30 =	sld [smem:$0x0];
	_ =	sdelay $0x2  }
0x36: {  	s31 =	sshll.u32 s1, $0xD;
	s1 =	sshrl.u32 s1, $0x2  }
0x37: {  	s3 =	sand.u32 $0x4000, s31;
	s1 =	sadd.s32 s1, s30  }
0x38: {  	s0 =	sor.u32 s3, s0;
	s1 =	sshll.u32 s1, $0x11  }
0x39: {  	s0 =	sor.u32 s1, s0  }
0x3a: {  	s0 =	sadd.s32 $0x8F2B, s0  }
0x3b: {  	[sflag:s0] =	ssyncadd.remote.s32 $0x1  }
0x3c: {  	_ =	sfence.sel $0xFFFF  }
0x3d: {  	[dreg:$0x0] =	wrdreg $0xFFFFFFFF;
	(pc) =	sbr.abs _section_cstart, $3  }
0x3e: {  	[dreg:$0x1] =	wrdreg $0xFFFFFFFF  }
0x3f: {  	_ =	task.clear_ibuf [dreg:s7], $0x2FFFF;
	_ =	strace $0x9FFFFFFF  }
0x40: {  	(tm) =	ssettm $0x7FFFFFFF  }
0x41: {  	_ =	shalt  }
tec
execute0_lowered:
.L_overlay_start_1:
0x0: {  	(tag) =	ssettag $0x1  }
0x1: {  	s4 =	rddreg [dreg:$0x0]  }
0x2: {  	s0 =	srdreg.scid;
	s2 =	rddreg [dreg:$0x1]  }
0x3: {  	s1 =	stileid.u32;
	s5 =	simm.s32 $0x1;
	s0 =	sshll.u32 s0, $0x4  }
0x4: {  	s7 =	simm.s32 $0x2;
	s11 =	simm.s32 $0x0;
	s3 =	sand.u32 $0x10, s0  }
.Ltmp0:
0x5: {  	p0 =	por $0x0, $0x0;
	s3 =	sor.u32 s1, s3;
	(pc) =	sbr.rel .LBB1_1-.Ltmp0, $4  }
0x6: {  	s8 =	simm.s32 $0x7A1400;
	s10 =	simm.s32 $0x0;
	s3 =	sshll.u32 s3, $0x7  }
0x7: {  	s0 =	rddreg [dreg:$0x2];
	_ =	strace $0x8000004D;
	s6 =	ssub.s32 $0xF4200, s3  }
0x8: {  	s4 =	sadd.s32 $0xF44200, s4;
	[sflag:s5] =	ssyncpa.u1 $0x0;
	s6 =	sshrl.u32 s6, $0xC  }
0x9: {  	[sflag:s7] =	ssyncpa.u1 $0x0;
	s9 =	smov.u32 s3;
	s7 =	sadd.s32 $0x2, s6  }
.LBB1_5:
0xa: {  	s13 =	sadd.s32 $0x1000, s9  }
0xb: {  	p2 =	sgt.s32 s13, $0xF423F  }
0xc: {  	s13 =	smov.u32 @p2 s3;
	p2 =	sne.s32 s10, s7  }
.Ltmp1:
0xd: {  	p1 =	slt.u32 s10, $0x2;
	(pc) =	sbr.rel @!p2 .LBB1_6-.Ltmp1, $4  }
0xe: {  	s12 =	simm.s32 @!p1 $0x2  }
0xf: {  	s14 =	sadd.s32 $0x1, s10;
	_ =	swait.ge @!p1 [sflag:s12], $0x1000  }
0x10: {  	s11 =	smov.u32 s9;
	p0 =	por !p0, !p0;
	[sflag:s12] =	ssyncset.done @!p1 $0x0  }
0x11: {  	s10 =	smov.u32 s14;
	s9 =	smov.u32 s13;
	[sflag:s12] =	ssyncadd.s32 @!p1 $0xFFFFF000  }
.LBB1_1:
0x12: {  	p1 =	sgt.u32 s10, s6  }
0x13: {  	s13 =	smov.u32 s9;
	p2 =	sgt.s32 @!p1 s9, $0xF41C0  }
0x14: {  	s12 =	sand.u32 @!p1 $0x1FFFFFF, s9;
	s14 =	sshra.s32 @!p1 s9, $0x1F;
	p2 =	por !p2, p1  }
0x15: {  	s15 =	smulhi.u32 @!p1 $0x218DEF5, s12;
	s14 =	sand.u32 @!p1 s14, s9;
	s13 =	simm.s32 @p2 $0xF41C0  }
0x16: {  	s13 =	ssub.s32 @!p1 s13, s14  }
0x17: {  	s14 =	sshrl.u32 @!p1 s15, $0xD;
	s13 =	sadd.s32 @!p1 $0xFFF0BE40, s13  }
0x18: {  	s15 =	sxor.u32 @!p1 $0xFFFFFFFF, s10;
	s14 =	smul.u32 @!p1 $0xF4240, s14;
	s16 =	sshll.u32 @!p1 s13, $0x7  }
0x19: {  	s15 =	sshll.u32 @!p1 s15, $0xC;
	p2 =	sgt.s32 @!p1 s13, $0x7F;
	s13 =	ssub.s32 @!p1 $0x4000, s16  }
0x1a: {  	s12 =	ssub.s32 @!p1 s12, s14;
	p2 =	por !p2, p1;
	s14 =	sand.u32 @!p1 $0x1000, s15  }
0x1b: {  	s15 =	simm.s32 @!p1 $0x20;
	s13 =	sshrl.u32 @!p1 s13, $0x2;
	s12 =	sshll.u32 @!p1 s12, $0x4  }
0x1c: {  	s16 =	simm.s32 @!p1 $0x80;
	s13 =	simm.s32 @!p2 $0x0;
	s12 =	sadd.s32 @!p1 s4, s12  }
0x1d: {  	[tilespmem:s14], [sflag:$0x1] =	stream.strided.gather @!p1 [hbm4b:s12+s15], s13, s16, s15, $0x38;
	[tilespmem:$0x4040] =	vst v63  }
0x1e: {  	p1 =	seq.s32 s10, $0x0  }
0x1f: {  	p2 =	sge.u32 @!p1 s10, s7  }
0x20: {  	p1 =	por p1, p2  }
.Ltmp2:
0x21: {  	_ = 	snop;
	(pc) =	sbr.rel @p1 .LBB1_5-.Ltmp2, $1  }
0x22: {  	_ =	sdelay $0x3  }
0x23: {  	p1 =	sgt.s32 s11, $0xF41C0;
	s12 =	smov.u32 s11;
	s13 =	sshra.s32 s11, $0x1F  }
0x24: {  	s12 =	simm.s32 @!p1 $0xF41C0;
	s13 =	sand.u32 s13, s11  }
0x25: {  	s12 =	ssub.s32 s12, s13  }
0x26: {  	s12 =	sadd.s32 $0xFFF0BE40, s12  }
0x27: {  	s28 =	sshll.u32 s12, $0x7  }
0x28: {  	s13 =	ssub.s32 $0x4000, s28  }
0x29: {  	p1 =	sgt.s32 s12, $0x7F;
	s12 =	sshrl.u32 s13, $0x2  }
0x2a: {  	s13 =	simm.s32 $0x1;
	s12 =	simm.s32 @p1 $0x0  }
0x2b: {  	s13 =	simm.s32 @!p0 $0x0;
	_ =	swait.ge [sflag:s5], s12  }
0x2c: {  	s14 =	sshll.u32 s13, $0xC;
	s12 =	ssub.s32 $0x0, s12;
	[sflag:s5] =	ssyncset.done $0x0  }
0x2d: {  	s16 =	sor.u32 $0x10, s14;
	[sflag:s5] =	ssyncadd.s32 s12  }
0x2e: {  	s29 =	smul.u32 $0x4080, s13;
	v1 =	vld [tilespmem:s16+$0x0]  }
0x2f: {  	s30 =	sand.u32 $0x1, s10;
	v0 =	vld [tilespmem:s16+$0xFFFFFFF0]  }
0x30: {  	s13 =	smul.u32 $0x4080, s30;
	s12 =	sshrl.u32 s29, $0x2  }
0x31: {  	s14 =	sor.u32 $0x2000, s12  }
0x32: {  	s31 =	sshrl.u32 s13, $0x2;
	s13 =	sadd.s32 $0x0, s14  }
0x33: {  	s15 =	simm.s32 $0x4;
	s12 =	sor.u32 $0x2000, s31;
	s16 =	sadd.s32 $0x20, s16;
	[tilespmem:s13+$0x810 ss:$0x81] =	vst.msk $0xffff, v1  }
.LBB1_3:
0x34: {  	v1 =	vld [tilespmem:s16+$0x0];
	p1 =	sne.s32 s15, $0x1FC;
	[tilespmem:s13+$0x0 ss:$0x81] =	vst.msk $0xffff, v0;
	s13 =	smov.u32 s15;
	s15 =	sadd.s32 $0x4, s15  }
.Ltmp3:
0x35: {  	v0 =	vld [tilespmem:s16+$0xFFFFFFF0];
	(pc) =	sbr.rel @p1 .LBB1_3-.Ltmp3, $4  }
0x36: {  	_ = 	snop  }
0x37: {  	s13 =	sshra.s32 s13, $0x2  }
0x38: {  	s13 =	sadd.s32 s13, s14  }
0x39: {  	s16 =	sadd.s32 $0x20, s16;
	[tilespmem:s13+$0x810 ss:$0x81] =	vst.msk $0xffff, v1  }
0x3a: {  	s14 =	sshll.u32 s11, $0x3  }
0x3b: {  	s30 =	sand.u32 $0x7F, s11;
	s14 =	sand.u32 $0xFFFFFC00, s14  }
0x3c: {  	s11 =	sor.u32 s30, s14  }
0x3d: {  	s15 =	smulhi.u32 $0x218D6287, s11;
	_ =	sdelay $0x1  }
0x3e: {  	s14 =	smulhi.u32 $0x218D6287, s14;
	s15 =	sshrl.u32 s15, $0x11  }
0x3f: {  	s15 =	smul.u32 $0xF4280, s15  }
0x40: {  	s14 =	sshrl.u32 s14, $0x11  }
.Ltmp4:
0x41: {  	s14 =	sand.u32 $0x1F, s14;
	s11 =	ssub.s32 s11, s15;
	(pc) =	sbr.rel .LBB1_5-.Ltmp4, $4  }
0x42: {  	s14 =	smul.u32 $0x1E850, s14;
	s15 =	sshrl.u32 s11, $0x3;
	s11 =	sand.u32 $0x7, s11  }
0x43: {  	s15 =	sadd.s32 s2, s15;
	s11 =	sshll.u32 s11, $0x12  }
0x44: {  	[tilespmem:s13+$0x0 ss:$0x81] =	vst.msk $0xffff, v0;
	s31 =	sadd.s32 s14, s15;
	s11 =	sor.u32 $0x400, s11  }
0x45: {  	[hbm4b:s31+s11] =	stream.strided.scatter [tilespmem:s12], [sflag:$0x2], $0x1000, s8, s11, $0x20;
	[tilespmem:$0x4040] =	vst v63  }
.LBB1_6:
0x46: {  	_ =	sfence.sel $0x180000  }
0x47: {  	s2 =	simm.s32 $0x1;
	[bflag:$0x0] =	sbarrier.arrive $0xFFFF  }
0x48: {  	s31 =	simm.s32 $0x2;
	[sflag:s2] =	ssyncpa.u1 $0x1  }
0x49: {  	[sflag:s31] =	ssyncpa.u1 $0x1  }
0x4a: {  	p0 =	sne.s32 s1, $0x0;
	_ =	strace $0x9000004D  }
0x4b: {  	s0 =	sadd.s32 @!p0 $0x100000, s0;
	[bflag:$0x2] =	sbarrier.arrive $0xFFFF  }
0x4c: {  	[sflag:s0] =	ssyncadd.tile.s32 @!p0 $0x1;
	_ =	shalt  }
.Lfunc_end1:
_tile_overlayer_lowered:
.L_overlay_start_2:
0x4d: {  	(tag) =	ssettag $0x2  }
0x4e: {  	s0 =	rddreg [dreg:$0x0];
	s2 =	stileid.u32  }
0x4f: {  	s1 =	rddreg [dreg:$0x1];
	p0 =	sne.s32 s2, $0x0  }
0x50: {  	s3 =	rddreg [dreg:$0x2];
	[bflag:$0x3] =	sbarrier.arrive $0xFFFF;
	s2 =	simm.s32 @!p0 $0x1C01  }
0x51: {  	[timem:s3], [sflag:s2] =	dma.local @!p0 [hbm:s0], s1  }
0x52: {  	s0 =	simm.s32 @!p0 $0x1  }
0x53: {  	_ =	swait.ge @!p0 [sflag:s0], s1  }
0x54: {  	s1 =	ssub.s32 @!p0 $0x0, s1;
	[sflag:s0] =	ssyncset.done @!p0 $0x0  }
0x55: {  	[sflag:s0] =	ssyncadd.s32 @!p0 s1  }
0x56: {  	[bflag:$0x3] =	sbarrier.arrive $0xFFFF  }
0x57: {  	_ =	shalt  }

</sc_bundles>
